<compile_context>
chip_gen: v7x
topology: tpu7x:2x2x1
jax: 0.10.2.dev20260603
libtpu: 0.0.44.dev20260713+nightly
codegen_flags: <defaults>
</compile_context>

<pallas_src>
import functools

import jax
import jax.numpy as jnp
from jax import lax
from jax.experimental import pallas as pl
from jax.experimental.pallas import tpu as pltpu
from jax.experimental.pallas import tpu_sc as plsc

N = 10000
E = 320000
D = 128
NC = 2
NS = 16
NW = NC * NS
EPW = E // NW
K = 40
NCHUNK = EPW // K
NBUF = 5
GRP = 25
NGRP = NCHUNK // GRP
RPG = GRP // NBUF
NPAD = 10240
RPT = NPAD // NS
PPT = NPAD // NS

def _deg_body(ei_hbm, out_hbm, idx_v, ones_v, stage_v, acc_sh, dsem):
    cid = lax.axis_index("c")
    sid = lax.axis_index("s")
    wid = cid * NS + sid

    zeros16 = jnp.zeros((16,), jnp.float32)
    for j in range(PPT // 16):
        stage_v[pl.ds(j * 16, 16)] = zeros16
    ones16 = jnp.ones((16,), jnp.float32)
    for off in (0, 16, 24):
        ones_v[pl.ds(off, 16)] = ones16

    pltpu.sync_copy(stage_v, acc_sh.at[pl.ds(sid * PPT, PPT)])
    plsc.subcore_barrier()

    def dgroup(g, carry):
        pltpu.sync_copy(ei_hbm.at[1, wid, g], idx_v)

        def fire(j, c2):
            pltpu.async_copy(ones_v, acc_sh.at[idx_v.at[j]], dsem, add=True)
            return c2

        lax.fori_loop(0, GRP, fire, 0)

        def drain(j, c2):
            pltpu.make_async_copy(ones_v, acc_sh.at[idx_v.at[j]],
                                  dsem).wait()
            return c2

        lax.fori_loop(0, GRP, drain, 0)
        return carry

    lax.fori_loop(0, NGRP, dgroup, 0)
    plsc.subcore_barrier()

    pltpu.sync_copy(acc_sh.at[pl.ds(sid * PPT, PPT)],
                    out_hbm.at[cid, pl.ds(sid * PPT, PPT)])


def _edge_body(g_hbm, ei_hbm, out_hbm,
               src_g, dst_g, r0, r1, r2, r3, r4, zb, acc_sh,
               g0, g1, g2, g3, g4, s0, s1, s2, s3, s4, isem):
    rows = (r0, r1, r2, r3, r4)
    gsem = (g0, g1, g2, g3, g4)
    ssem = (s0, s1, s2, s3, s4)
    cid = lax.axis_index("c")
    sid = lax.axis_index("s")
    wid = cid * NS + sid
    base = sid * RPT

    pltpu.sync_copy(ei_hbm.at[0, wid, 0], src_g.at[0])
    pltpu.sync_copy(ei_hbm.at[1, wid, 0], dst_g.at[0])
    pltpu.async_copy(ei_hbm.at[0, wid, 1], src_g.at[1], isem)
    pltpu.async_copy(ei_hbm.at[1, wid, 1], dst_g.at[1], isem)
    for sl in range(NBUF):
        pltpu.async_copy(g_hbm.at[src_g.at[0, sl]], rows[sl], gsem[sl])

    zeros16 = jnp.zeros((16,), jnp.float32)
    ZR = 32

    def zrow(i, carry):
        for jj in range(D // 16):
            zb[i, pl.ds(jj * 16, 16)] = zeros16
        return carry

    lax.fori_loop(0, ZR, zrow, 0)
    for t in range(RPT // ZR):
        pltpu.sync_copy(zb, acc_sh.at[pl.ds(base + t * ZR, ZR)])
    plsc.subcore_barrier()

    def ground(lr, g):
        p = g % 2
        pn = 1 - p
        last_g = g == NGRP - 1

        @pl.when(jnp.logical_and(lr == 1, jnp.logical_not(last_g)))
        def _():
            pltpu.async_copy(ei_hbm.at[0, wid, g + 1], src_g.at[pn], isem)
            pltpu.async_copy(ei_hbm.at[1, wid, g + 1], dst_g.at[pn], isem)

        @pl.when(jnp.logical_and(lr == RPG - 1, jnp.logical_not(last_g)))
        def _():
            pltpu.make_async_copy(ei_hbm.at[0, wid, g + 1], src_g.at[pn],
                                  isem).wait()
            pltpu.make_async_copy(ei_hbm.at[1, wid, g + 1], dst_g.at[pn],
                                  isem).wait()

        for sl in range(NBUF):
            lc = lr * NBUF + sl
            pltpu.make_async_copy(g_hbm.at[src_g.at[p, lc]], rows[sl],
                                  gsem[sl]).wait()
            pltpu.async_copy(rows[sl], acc_sh.at[dst_g.at[p, lc]],
                             ssem[sl], add=True)

        in_group = lr < RPG - 1
        to_next_group = jnp.logical_and(lr == RPG - 1,
                                        jnp.logical_not(last_g))
        for sl in range(NBUF):
            lc = lr * NBUF + sl

            @pl.when(jnp.logical_or(in_group, to_next_group))
            def _():
                pltpu.make_async_copy(rows[sl], acc_sh.at[dst_g.at[p, lc]],
                                      ssem[sl]).wait()

            @pl.when(in_group)
            def _():
                nlc = (lr + 1) * NBUF + sl
                pltpu.async_copy(g_hbm.at[src_g.at[p, nlc]], rows[sl],
                                 gsem[sl])

            @pl.when(to_next_group)
            def _():
                pltpu.async_copy(g_hbm.at[src_g.at[pn, sl]], rows[sl],
                                 gsem[sl])

    def group(g, carry):
        def rbody(lr, c2):
            ground(lr, g)
            return c2
        lax.fori_loop(0, RPG, rbody, 0)
        return carry

    lax.fori_loop(0, NGRP, group, 0)

    pl_last = (NGRP - 1) % 2
    for sl in range(NBUF):
        lc = (RPG - 1) * NBUF + sl
        pltpu.make_async_copy(rows[sl], acc_sh.at[dst_g.at[pl_last, lc]],
                              ssem[sl]).wait()

    plsc.subcore_barrier()
    sp = pl.ds(base, RPT)
    pltpu.sync_copy(acc_sh.at[sp], out_hbm.at[cid, sp])


@functools.lru_cache(maxsize=None)
def _sc_kernels():
    mesh = plsc.VectorSubcoreMesh(core_axis_name="c", subcore_axis_name="s",
                                  num_cores=NC, num_subcores=NS)
    deg_kernel = pl.kernel(
        _deg_body,
        out_type=jax.ShapeDtypeStruct((NC, NPAD), jnp.float32),
        mesh=mesh,
        scratch_types=[
            pltpu.VMEM((GRP, K), jnp.int32),
            pltpu.VMEM((K,), jnp.float32),
            pltpu.VMEM((PPT,), jnp.float32),
            pltpu.VMEM_SHARED((NPAD,), jnp.float32),
            pltpu.SemaphoreType.DMA,
        ],
    )
    edge_kernel = pl.kernel(
        _edge_body,
        out_type=jax.ShapeDtypeStruct((NC, NPAD, D), jnp.float32),
        mesh=mesh,
        scratch_types=(
            [pltpu.VMEM((2, GRP, K), jnp.int32)] * 2
            + [pltpu.VMEM((K, D), jnp.float32)] * NBUF
            + [pltpu.VMEM((32, D), jnp.float32)]
            + [pltpu.VMEM_SHARED((NPAD, D), jnp.float32)]
            + [pltpu.SemaphoreType.DMA] * (2 * NBUF + 1)
        ),
    )
    return deg_kernel, edge_kernel


def _dis(degp_ref):
    deg = 1.0 + degp_ref[:, 0:1] + degp_ref[:, 1:2]
    return lax.rsqrt(deg)


BR = 2000
NBL = N // BR


def _tc_scale_body(degp_ref, x_ref, w_ref, g_ref):
    h = lax.dot_general(x_ref[...], w_ref[...], (((1,), (0,)), ((), ())),
                        preferred_element_type=jnp.float32)
    g_ref[...] = h * _dis(degp_ref)


_tc_scale = pl.pallas_call(
    _tc_scale_body,
    grid=(NBL,),
    in_specs=[
        pl.BlockSpec((BR, NC), lambda i: (i, 0)),
        pl.BlockSpec((BR, D), lambda i: (i, 0)),
        pl.BlockSpec((D, D), lambda i: (0, 0)),
    ],
    out_specs=pl.BlockSpec((BR, D), lambda i: (i, 0)),
    out_shape=jax.ShapeDtypeStruct((N, D), jnp.float32),
)


def _tc_mid_body(s_ref, g_ref, degp_ref, b_ref, w_ref, g2_ref):
    dis = _dis(degp_ref)
    u = (s_ref[0] + s_ref[1] + g_ref[...]) * dis + b_ref[...]
    r = jnp.maximum(u, 0.0)
    h2 = lax.dot_general(r, w_ref[...], (((1,), (0,)), ((), ())),
                         preferred_element_type=jnp.float32)
    g2_ref[...] = h2 * dis


_tc_mid = pl.pallas_call(
    _tc_mid_body,
    grid=(NBL,),
    in_specs=[
        pl.BlockSpec((NC, BR, D), lambda i: (0, i, 0)),
        pl.BlockSpec((BR, D), lambda i: (i, 0)),
        pl.BlockSpec((BR, NC), lambda i: (i, 0)),
        pl.BlockSpec((1, D), lambda i: (0, 0)),
        pl.BlockSpec((D, D), lambda i: (0, 0)),
    ],
    out_specs=pl.BlockSpec((BR, D), lambda i: (i, 0)),
    out_shape=jax.ShapeDtypeStruct((N, D), jnp.float32),
)


def _tc_out_body(s_ref, g2_ref, degp_ref, b_ref, out_ref):
    out_ref[...] = (s_ref[0] + s_ref[1] + g2_ref[...]) \
        * _dis(degp_ref) + b_ref[...]


_tc_out = pl.pallas_call(
    _tc_out_body,
    grid=(NBL,),
    in_specs=[
        pl.BlockSpec((NC, BR, D), lambda i: (0, i, 0)),
        pl.BlockSpec((BR, D), lambda i: (i, 0)),
        pl.BlockSpec((BR, NC), lambda i: (i, 0)),
        pl.BlockSpec((1, D), lambda i: (0, 0)),
    ],
    out_specs=pl.BlockSpec((BR, D), lambda i: (i, 0)),
    out_shape=jax.ShapeDtypeStruct((N, D), jnp.float32),
)


def kernel(x, edge_index, W1, b1, W2, b2):
    ei = edge_index.astype(jnp.int32).reshape(2, NW, NGRP, GRP, K)
    _deg_kernel, _edge_kernel = _sc_kernels()

    degp = _deg_kernel(ei)
    degp_t = degp[:, :N].T

    g1 = _tc_scale(degp_t, x, W1)
    s1 = _edge_kernel(g1, ei)
    g2 = _tc_mid(s1, g1, degp_t, b1.reshape(1, D), W2)
    s2 = _edge_kernel(g2, ei)
    return _tc_out(s2, g2, degp_t, b2.reshape(1, D))

# --- scband reference (transcript-rebuilt; emitter-appended) ---
"""Pipeline reference for scband-gcnx2-block-66649302499343 (READ-ONLY COPY).

The authoritative reference and input builder live on the scoring server;
editing this copy changes nothing except your own understanding.
"""

import jax, jax.numpy as jnp
import numpy as np

N_NODES = 10000
N_EDGES = 320000
D_IN = 128
D_HID = 128
D_OUT = 128


def setup_inputs(seed: int = 0) -> dict:
    key = jax.random.key(seed)
    k_x, k_ei, k_w1, k_w2 = jax.random.split(key, 4)
    x = jax.random.normal(k_x, (N_NODES, D_IN), dtype=jnp.float32)
    edge_index = jax.random.randint(k_ei, (2, N_EDGES), 0, N_NODES)
    # GCNConv weights (glorot-ish) and biases
    W1 = jax.random.normal(k_w1, (D_IN, D_HID), dtype=jnp.float32) * (1.0 / np.sqrt(D_IN))
    b1 = jnp.zeros((D_HID,), dtype=jnp.float32)
    W2 = jax.random.normal(k_w2, (D_HID, D_OUT), dtype=jnp.float32) * (1.0 / np.sqrt(D_HID))
    b2 = jnp.zeros((D_OUT,), dtype=jnp.float32)
    return {"x": x, "edge_index": edge_index, "W1": W1, "b1": b1, "W2": W2, "b2": b2}


def _gcn_conv(x, src, dst, W, b):
    # x: [N, d_in], src/dst: [E'] (self-loops already appended)
    n = x.shape[0]
    ones = jnp.ones(src.shape[0], dtype=x.dtype)
    deg = jnp.zeros((n,), dtype=x.dtype).at[dst].add(ones)
    deg_inv_sqrt = jnp.where(deg > 0, deg ** -0.5, 0.0)
    norm = deg_inv_sqrt[src] * deg_inv_sqrt[dst]
    h = x @ W
    msg = h[src] * norm[:, None]
    out = jnp.zeros((n, h.shape[1]), dtype=h.dtype).at[dst].add(msg)
    return out + b


def reference(x, edge_index, W1, b1, W2, b2):
    n = x.shape[0]
    loop = jnp.arange(n, dtype=edge_index.dtype)
    src = jnp.concatenate([edge_index[0], loop])
    dst = jnp.concatenate([edge_index[1], loop])
    h = _gcn_conv(x, src, dst, W1, b1)
    h = jax.nn.relu(h)
    out = _gcn_conv(h, src, dst, W2, b2)
    return out

if __name__ == "__main__":
    import jax
    _d = setup_inputs()
    print(jax.jit(kernel)(*tuple(_d.values())))

</pallas_src>

<mosaic_0001>
#map = affine_map<(d0, d1) -> (0, 0)>
#map1 = affine_map<(d0, d1) -> (0, 0, 0, 0, 0)>
#map2 = affine_map<(d0, d1) -> (0, 0, 0)>
module attributes {stable_mosaic.version = 14 : i64} {
  func.func @_edge_body(%arg0: i32, %arg1: i32, %arg2: memref<10000x128xf32, #tpu.memory_space<hbm>>, %arg3: memref<2x32x10x25x40xi32, #tpu.memory_space<hbm>>, %arg4: memref<2x10240x128xf32, #tpu.memory_space<hbm>>, %arg5: memref<2x25x40xi32, #tpu.memory_space<vmem>>, %arg6: memref<2x25x40xi32, #tpu.memory_space<vmem>>, %arg7: memref<40x128xf32, #tpu.memory_space<vmem>>, %arg8: memref<40x128xf32, #tpu.memory_space<vmem>>, %arg9: memref<40x128xf32, #tpu.memory_space<vmem>>, %arg10: memref<40x128xf32, #tpu.memory_space<vmem>>, %arg11: memref<40x128xf32, #tpu.memory_space<vmem>>, %arg12: memref<32x128xf32, #tpu.memory_space<vmem>>, %arg13: memref<10240x128xf32, #tpu.memory_space<vmem_shared>>, %arg14: memref<!tpu.dma_semaphore, #tpu.memory_space<semaphore_mem>>, %arg15: memref<!tpu.dma_semaphore, #tpu.memory_space<semaphore_mem>>, %arg16: memref<!tpu.dma_semaphore, #tpu.memory_space<semaphore_mem>>, %arg17: memref<!tpu.dma_semaphore, #tpu.memory_space<semaphore_mem>>, %arg18: memref<!tpu.dma_semaphore, #tpu.memory_space<semaphore_mem>>, %arg19: memref<!tpu.dma_semaphore, #tpu.memory_space<semaphore_mem>>, %arg20: memref<!tpu.dma_semaphore, #tpu.memory_space<semaphore_mem>>, %arg21: memref<!tpu.dma_semaphore, #tpu.memory_space<semaphore_mem>>, %arg22: memref<!tpu.dma_semaphore, #tpu.memory_space<semaphore_mem>>, %arg23: memref<!tpu.dma_semaphore, #tpu.memory_space<semaphore_mem>>, %arg24: memref<!tpu.dma_semaphore, #tpu.memory_space<semaphore_mem>>) attributes {dimension_semantics = [#tpu.dimension_semantics<core_parallel>, #tpu.dimension_semantics<subcore_parallel>], iteration_bounds = array<i64: 2, 16>, scalar_prefetch = 0 : i64, scratch_operands = 20 : i64, tpu.core_type = #tpu.core_type<sc_vector_subcore>, window_params = [{transform_indices = #map}, {transform_indices = #map1}, {transform_indices = #map2}]} {
    %mul3A = arith.constant 16 : i32
    %mul3A_0 = arith.muli %arg0, %mul3A : i32
    %add3A = arith.addi %mul3A_0, %arg1 : i32
    %mul3A_1 = arith.constant 640 : i32
    %mul3A_2 = arith.muli %arg1, %mul3A_1 : i32
    %run_scoped3A = arith.constant 0 : i32
    %run_scoped3A_3 = arith.constant 0 : i32
    %run_scoped3A_4 = arith.constant 0 : i32
    "tpu.region"() ({
      %run_scoped3A_177 = tpu.sem_alloc : memref<!tpu.dma_semaphore, #tpu.memory_space<semaphore_mem>>
      %dma_start3A_178 = arith.constant 0 : i32
      %dma_start3A_179 = arith.constant 0 : i32
      %dma_start3A_180 = tpu.memref_slice %arg5[%run_scoped3A_4, %dma_start3A_178, %dma_start3A_179] : memref<2x25x40xi32, #tpu.memory_space<vmem>> -> memref<1x25x40xi32, #tpu.memory_space<vmem>>
      %dma_start3A_181 = tpu.memref_squeeze %dma_start3A_180 : memref<1x25x40xi32, #tpu.memory_space<vmem>> -> memref<25x40xi32, #tpu.memory_space<vmem>>
      %dma_start3A_182 = arith.constant 0 : i32
      %dma_start3A_183 = arith.constant 0 : i32
      %dma_start3A_184 = tpu.memref_slice %arg3[%run_scoped3A, %add3A, %run_scoped3A_3, %dma_start3A_182, %dma_start3A_183] : memref<2x32x10x25x40xi32, #tpu.memory_space<hbm>> -> memref<1x1x1x25x40xi32, #tpu.memory_space<hbm>>
      %dma_start3A_185 = tpu.memref_squeeze %dma_start3A_184 : memref<1x1x1x25x40xi32, #tpu.memory_space<hbm>> -> memref<25x40xi32, #tpu.memory_space<hbm>>
      %dma_start3A_186 = arith.constant 0 : i32
      %dma_start3A_187 = arith.constant 0 : i32
      %dma_start3A_188 = tpu.memref_slice %arg5[%run_scoped3A_4, %dma_start3A_186, %dma_start3A_187] : memref<2x25x40xi32, #tpu.memory_space<vmem>> -> memref<1x25x40xi32, #tpu.memory_space<vmem>>
      %dma_start3A_189 = tpu.memref_squeeze %dma_start3A_188 : memref<1x25x40xi32, #tpu.memory_space<vmem>> -> memref<25x40xi32, #tpu.memory_space<vmem>>
      %dma_start3A_190 = arith.constant 0 : i32
      %dma_start3A_191 = arith.constant 0 : i32
      %dma_start3A_192 = tpu.memref_slice %arg3[%run_scoped3A, %add3A, %run_scoped3A_3, %dma_start3A_190, %dma_start3A_191] : memref<2x32x10x25x40xi32, #tpu.memory_space<hbm>> -> memref<1x1x1x25x40xi32, #tpu.memory_space<hbm>>
      %dma_start3A_193 = tpu.memref_squeeze %dma_start3A_192 : memref<1x1x1x25x40xi32, #tpu.memory_space<hbm>> -> memref<25x40xi32, #tpu.memory_space<hbm>>
      tpu.enqueue_dma source(%dma_start3A_193 : memref<25x40xi32, #tpu.memory_space<hbm>>) target(%dma_start3A_189 : memref<25x40xi32, #tpu.memory_space<vmem>>) target_semaphore(%run_scoped3A_177 : memref<!tpu.dma_semaphore, #tpu.memory_space<semaphore_mem>>)
      %dma_wait3A_194 = arith.constant 0 : i32
      %dma_wait3A_195 = arith.constant 0 : i32
      %dma_wait3A_196 = tpu.memref_slice %arg5[%run_scoped3A_4, %dma_wait3A_194, %dma_wait3A_195] : memref<2x25x40xi32, #tpu.memory_space<vmem>> -> memref<1x25x40xi32, #tpu.memory_space<vmem>>
      %dma_wait3A_197 = tpu.memref_squeeze %dma_wait3A_196 : memref<1x25x40xi32, #tpu.memory_space<vmem>> -> memref<25x40xi32, #tpu.memory_space<vmem>>
      %dma_wait3A_198 = arith.constant 0 : i32
      %dma_wait3A_199 = arith.constant 0 : i32
      %dma_wait3A_200 = tpu.memref_slice %arg3[%run_scoped3A, %add3A, %run_scoped3A_3, %dma_wait3A_198, %dma_wait3A_199] : memref<2x32x10x25x40xi32, #tpu.memory_space<hbm>> -> memref<1x1x1x25x40xi32, #tpu.memory_space<hbm>>
      %dma_wait3A_201 = tpu.memref_squeeze %dma_wait3A_200 : memref<1x1x1x25x40xi32, #tpu.memory_space<hbm>> -> memref<25x40xi32, #tpu.memory_space<hbm>>
      %dma_wait3A_202 = arith.constant 0 : i32
      %dma_wait3A_203 = arith.constant 0 : i32
      %dma_wait3A_204 = tpu.memref_slice %arg5[%run_scoped3A_4, %dma_wait3A_202, %dma_wait3A_203] : memref<2x25x40xi32, #tpu.memory_space<vmem>> -> memref<1x25x40xi32, #tpu.memory_space<vmem>>
      %dma_wait3A_205 = tpu.memref_squeeze %dma_wait3A_204 : memref<1x25x40xi32, #tpu.memory_space<vmem>> -> memref<25x40xi32, #tpu.memory_space<vmem>>
      %dma_wait3A_206 = arith.constant 0 : i32
      %dma_wait3A_207 = arith.constant 0 : i32
      %dma_wait3A_208 = tpu.memref_slice %arg3[%run_scoped3A, %add3A, %run_scoped3A_3, %dma_wait3A_206, %dma_wait3A_207] : memref<2x32x10x25x40xi32, #tpu.memory_space<hbm>> -> memref<1x1x1x25x40xi32, #tpu.memory_space<hbm>>
      %dma_wait3A_209 = tpu.memref_squeeze %dma_wait3A_208 : memref<1x1x1x25x40xi32, #tpu.memory_space<hbm>> -> memref<25x40xi32, #tpu.memory_space<hbm>>
      tpu.wait_dma2 semaphore(%run_scoped3A_177 : memref<!tpu.dma_semaphore, #tpu.memory_space<semaphore_mem>>) src(%dma_wait3A_209 : memref<25x40xi32, #tpu.memory_space<hbm>>) dst(%dma_wait3A_205 : memref<25x40xi32, #tpu.memory_space<vmem>>)
      tpu.yield
    }) : () -> ()
    %run_scoped3A_5 = arith.constant 1 : i32
    %run_scoped3A_6 = arith.constant 0 : i32
    %run_scoped3A_7 = arith.constant 0 : i32
    "tpu.region"() ({
      %run_scoped3A_177 = tpu.sem_alloc : memref<!tpu.dma_semaphore, #tpu.memory_space<semaphore_mem>>
      %dma_start3A_178 = arith.constant 0 : i32
      %dma_start3A_179 = arith.constant 0 : i32
      %dma_start3A_180 = tpu.memref_slice %arg6[%run_scoped3A_7, %dma_start3A_178, %dma_start3A_179] : memref<2x25x40xi32, #tpu.memory_space<vmem>> -> memref<1x25x40xi32, #tpu.memory_space<vmem>>
      %dma_start3A_181 = tpu.memref_squeeze %dma_start3A_180 : memref<1x25x40xi32, #tpu.memory_space<vmem>> -> memref<25x40xi32, #tpu.memory_space<vmem>>
      %dma_start3A_182 = arith.constant 0 : i32
      %dma_start3A_183 = arith.constant 0 : i32
      %dma_start3A_184 = tpu.memref_slice %arg3[%run_scoped3A_5, %add3A, %run_scoped3A_6, %dma_start3A_182, %dma_start3A_183] : memref<2x32x10x25x40xi32, #tpu.memory_space<hbm>> -> memref<1x1x1x25x40xi32, #tpu.memory_space<hbm>>
      %dma_start3A_185 = tpu.memref_squeeze %dma_start3A_184 : memref<1x1x1x25x40xi32, #tpu.memory_space<hbm>> -> memref<25x40xi32, #tpu.memory_space<hbm>>
      %dma_start3A_186 = arith.constant 0 : i32
      %dma_start3A_187 = arith.constant 0 : i32
      %dma_start3A_188 = tpu.memref_slice %arg6[%run_scoped3A_7, %dma_start3A_186, %dma_start3A_187] : memref<2x25x40xi32, #tpu.memory_space<vmem>> -> memref<1x25x40xi32, #tpu.memory_space<vmem>>
      %dma_start3A_189 = tpu.memref_squeeze %dma_start3A_188 : memref<1x25x40xi32, #tpu.memory_space<vmem>> -> memref<25x40xi32, #tpu.memory_space<vmem>>
      %dma_start3A_190 = arith.constant 0 : i32
      %dma_start3A_191 = arith.constant 0 : i32
      %dma_start3A_192 = tpu.memref_slice %arg3[%run_scoped3A_5, %add3A, %run_scoped3A_6, %dma_start3A_190, %dma_start3A_191] : memref<2x32x10x25x40xi32, #tpu.memory_space<hbm>> -> memref<1x1x1x25x40xi32, #tpu.memory_space<hbm>>
      %dma_start3A_193 = tpu.memref_squeeze %dma_start3A_192 : memref<1x1x1x25x40xi32, #tpu.memory_space<hbm>> -> memref<25x40xi32, #tpu.memory_space<hbm>>
      tpu.enqueue_dma source(%dma_start3A_193 : memref<25x40xi32, #tpu.memory_space<hbm>>) target(%dma_start3A_189 : memref<25x40xi32, #tpu.memory_space<vmem>>) target_semaphore(%run_scoped3A_177 : memref<!tpu.dma_semaphore, #tpu.memory_space<semaphore_mem>>)
      %dma_wait3A_194 = arith.constant 0 : i32
      %dma_wait3A_195 = arith.constant 0 : i32
      %dma_wait3A_196 = tpu.memref_slice %arg6[%run_scoped3A_7, %dma_wait3A_194, %dma_wait3A_195] : memref<2x25x40xi32, #tpu.memory_space<vmem>> -> memref<1x25x40xi32, #tpu.memory_space<vmem>>
      %dma_wait3A_197 = tpu.memref_squeeze %dma_wait3A_196 : memref<1x25x40xi32, #tpu.memory_space<vmem>> -> memref<25x40xi32, #tpu.memory_space<vmem>>
      %dma_wait3A_198 = arith.constant 0 : i32
      %dma_wait3A_199 = arith.constant 0 : i32
      %dma_wait3A_200 = tpu.memref_slice %arg3[%run_scoped3A_5, %add3A, %run_scoped3A_6, %dma_wait3A_198, %dma_wait3A_199] : memref<2x32x10x25x40xi32, #tpu.memory_space<hbm>> -> memref<1x1x1x25x40xi32, #tpu.memory_space<hbm>>
      %dma_wait3A_201 = tpu.memref_squeeze %dma_wait3A_200 : memref<1x1x1x25x40xi32, #tpu.memory_space<hbm>> -> memref<25x40xi32, #tpu.memory_space<hbm>>
      %dma_wait3A_202 = arith.constant 0 : i32
      %dma_wait3A_203 = arith.constant 0 : i32
      %dma_wait3A_204 = tpu.memref_slice %arg6[%run_scoped3A_7, %dma_wait3A_202, %dma_wait3A_203] : memref<2x25x40xi32, #tpu.memory_space<vmem>> -> memref<1x25x40xi32, #tpu.memory_space<vmem>>
      %dma_wait3A_205 = tpu.memref_squeeze %dma_wait3A_204 : memref<1x25x40xi32, #tpu.memory_space<vmem>> -> memref<25x40xi32, #tpu.memory_space<vmem>>
      %dma_wait3A_206 = arith.constant 0 : i32
      %dma_wait3A_207 = arith.constant 0 : i32
      %dma_wait3A_208 = tpu.memref_slice %arg3[%run_scoped3A_5, %add3A, %run_scoped3A_6, %dma_wait3A_206, %dma_wait3A_207] : memref<2x32x10x25x40xi32, #tpu.memory_space<hbm>> -> memref<1x1x1x25x40xi32, #tpu.memory_space<hbm>>
      %dma_wait3A_209 = tpu.memref_squeeze %dma_wait3A_208 : memref<1x1x1x25x40xi32, #tpu.memory_space<hbm>> -> memref<25x40xi32, #tpu.memory_space<hbm>>
      tpu.wait_dma2 semaphore(%run_scoped3A_177 : memref<!tpu.dma_semaphore, #tpu.memory_space<semaphore_mem>>) src(%dma_wait3A_209 : memref<25x40xi32, #tpu.memory_space<hbm>>) dst(%dma_wait3A_205 : memref<25x40xi32, #tpu.memory_space<vmem>>)
      tpu.yield
    }) : () -> ()
    %dma_start3A = arith.constant 0 : i32
    %dma_start3A_8 = arith.constant 1 : i32
    %dma_start3A_9 = arith.constant 1 : i32
    %dma_start3A_10 = arith.constant 0 : i32
    %dma_start3A_11 = arith.constant 0 : i32
    %dma_start3A_12 = tpu.memref_slice %arg5[%dma_start3A_9, %dma_start3A_10, %dma_start3A_11] : memref<2x25x40xi32, #tpu.memory_space<vmem>> -> memref<1x25x40xi32, #tpu.memory_space<vmem>>
    %dma_start3A_13 = tpu.memref_squeeze %dma_start3A_12 : memref<1x25x40xi32, #tpu.memory_space<vmem>> -> memref<25x40xi32, #tpu.memory_space<vmem>>
    %dma_start3A_14 = arith.constant 0 : i32
    %dma_start3A_15 = arith.constant 0 : i32
    %dma_start3A_16 = tpu.memref_slice %arg3[%dma_start3A, %add3A, %dma_start3A_8, %dma_start3A_14, %dma_start3A_15] : memref<2x32x10x25x40xi32, #tpu.memory_space<hbm>> -> memref<1x1x1x25x40xi32, #tpu.memory_space<hbm>>
    %dma_start3A_17 = tpu.memref_squeeze %dma_start3A_16 : memref<1x1x1x25x40xi32, #tpu.memory_space<hbm>> -> memref<25x40xi32, #tpu.memory_space<hbm>>
    %dma_start3A_18 = arith.constant 0 : i32
    %dma_start3A_19 = arith.constant 0 : i32
    %dma_start3A_20 = tpu.memref_slice %arg5[%dma_start3A_9, %dma_start3A_18, %dma_start3A_19] : memref<2x25x40xi32, #tpu.memory_space<vmem>> -> memref<1x25x40xi32, #tpu.memory_space<vmem>>
    %dma_start3A_21 = tpu.memref_squeeze %dma_start3A_20 : memref<1x25x40xi32, #tpu.memory_space<vmem>> -> memref<25x40xi32, #tpu.memory_space<vmem>>
    %dma_start3A_22 = arith.constant 0 : i32
    %dma_start3A_23 = arith.constant 0 : i32
    %dma_start3A_24 = tpu.memref_slice %arg3[%dma_start3A, %add3A, %dma_start3A_8, %dma_start3A_22, %dma_start3A_23] : memref<2x32x10x25x40xi32, #tpu.memory_space<hbm>> -> memref<1x1x1x25x40xi32, #tpu.memory_space<hbm>>
    %dma_start3A_25 = tpu.memref_squeeze %dma_start3A_24 : memref<1x1x1x25x40xi32, #tpu.memory_space<hbm>> -> memref<25x40xi32, #tpu.memory_space<hbm>>
    tpu.enqueue_dma source(%dma_start3A_25 : memref<25x40xi32, #tpu.memory_space<hbm>>) target(%dma_start3A_21 : memref<25x40xi32, #tpu.memory_space<vmem>>) target_semaphore(%arg24 : memref<!tpu.dma_semaphore, #tpu.memory_space<semaphore_mem>>)
    %dma_start3A_26 = arith.constant 1 : i32
    %dma_start3A_27 = arith.constant 1 : i32
    %dma_start3A_28 = arith.constant 1 : i32
    %dma_start3A_29 = arith.constant 0 : i32
    %dma_start3A_30 = arith.constant 0 : i32
    %dma_start3A_31 = tpu.memref_slice %arg6[%dma_start3A_28, %dma_start3A_29, %dma_start3A_30] : memref<2x25x40xi32, #tpu.memory_space<vmem>> -> memref<1x25x40xi32, #tpu.memory_space<vmem>>
    %dma_start3A_32 = tpu.memref_squeeze %dma_start3A_31 : memref<1x25x40xi32, #tpu.memory_space<vmem>> -> memref<25x40xi32, #tpu.memory_space<vmem>>
    %dma_start3A_33 = arith.constant 0 : i32
    %dma_start3A_34 = arith.constant 0 : i32
    %dma_start3A_35 = tpu.memref_slice %arg3[%dma_start3A_26, %add3A, %dma_start3A_27, %dma_start3A_33, %dma_start3A_34] : memref<2x32x10x25x40xi32, #tpu.memory_space<hbm>> -> memref<1x1x1x25x40xi32, #tpu.memory_space<hbm>>
    %dma_start3A_36 = tpu.memref_squeeze %dma_start3A_35 : memref<1x1x1x25x40xi32, #tpu.memory_space<hbm>> -> memref<25x40xi32, #tpu.memory_space<hbm>>
    %dma_start3A_37 = arith.constant 0 : i32
    %dma_start3A_38 = arith.constant 0 : i32
    %dma_start3A_39 = tpu.memref_slice %arg6[%dma_start3A_28, %dma_start3A_37, %dma_start3A_38] : memref<2x25x40xi32, #tpu.memory_space<vmem>> -> memref<1x25x40xi32, #tpu.memory_space<vmem>>
    %dma_start3A_40 = tpu.memref_squeeze %dma_start3A_39 : memref<1x25x40xi32, #tpu.memory_space<vmem>> -> memref<25x40xi32, #tpu.memory_space<vmem>>
    %dma_start3A_41 = arith.constant 0 : i32
    %dma_start3A_42 = arith.constant 0 : i32
    %dma_start3A_43 = tpu.memref_slice %arg3[%dma_start3A_26, %add3A, %dma_start3A_27, %dma_start3A_41, %dma_start3A_42] : memref<2x32x10x25x40xi32, #tpu.memory_space<hbm>> -> memref<1x1x1x25x40xi32, #tpu.memory_space<hbm>>
    %dma_start3A_44 = tpu.memref_squeeze %dma_start3A_43 : memref<1x1x1x25x40xi32, #tpu.memory_space<hbm>> -> memref<25x40xi32, #tpu.memory_space<hbm>>
    tpu.enqueue_dma source(%dma_start3A_44 : memref<25x40xi32, #tpu.memory_space<hbm>>) target(%dma_start3A_40 : memref<25x40xi32, #tpu.memory_space<vmem>>) target_semaphore(%arg24 : memref<!tpu.dma_semaphore, #tpu.memory_space<semaphore_mem>>)
    %dma_start3A_45 = arith.constant 0 : i32
    %dma_start3A_46 = arith.constant 0 : i32
    %dma_start3A_47 = arith.constant 0 : i32
    %dma_start3A_48 = tpu.memref_slice %arg5[%dma_start3A_45, %dma_start3A_46, %dma_start3A_47] : memref<2x25x40xi32, #tpu.memory_space<vmem>> -> memref<1x1x40xi32, #tpu.memory_space<vmem>>
    %dma_start3A_49 = tpu.memref_squeeze %dma_start3A_48 : memref<1x1x40xi32, #tpu.memory_space<vmem>> -> memref<40xi32, #tpu.memory_space<vmem>>
    %dma_start3A_50 = arith.constant 0 : i32
    %dma_start3A_51 = arith.constant 0 : i32
    %dma_start3A_52 = tpu.memref_slice %arg2[%dma_start3A_50, %dma_start3A_51] : memref<10000x128xf32, #tpu.memory_space<hbm>> -> memref<10000x128xf32, #tpu.memory_space<hbm>>
    tpu.enqueue_indirect_dma source(%dma_start3A_52 : memref<10000x128xf32, #tpu.memory_space<hbm>>) target(%arg7 : memref<40x128xf32, #tpu.memory_space<vmem>>) offsets(%dma_start3A_49 : memref<40xi32, #tpu.memory_space<vmem>>) semaphore(%arg14 : memref<!tpu.dma_semaphore, #tpu.memory_space<semaphore_mem>>)
    %dma_start3A_53 = arith.constant 0 : i32
    %dma_start3A_54 = arith.constant 1 : i32
    %dma_start3A_55 = arith.constant 0 : i32
    %dma_start3A_56 = tpu.memref_slice %arg5[%dma_start3A_53, %dma_start3A_54, %dma_start3A_55] : memref<2x25x40xi32, #tpu.memory_space<vmem>> -> memref<1x1x40xi32, #tpu.memory_space<vmem>>
    %dma_start3A_57 = tpu.memref_squeeze %dma_start3A_56 : memref<1x1x40xi32, #tpu.memory_space<vmem>> -> memref<40xi32, #tpu.memory_space<vmem>>
    %dma_start3A_58 = arith.constant 0 : i32
    %dma_start3A_59 = arith.constant 0 : i32
    %dma_start3A_60 = tpu.memref_slice %arg2[%dma_start3A_58, %dma_start3A_59] : memref<10000x128xf32, #tpu.memory_space<hbm>> -> memref<10000x128xf32, #tpu.memory_space<hbm>>
    tpu.enqueue_indirect_dma source(%dma_start3A_60 : memref<10000x128xf32, #tpu.memory_space<hbm>>) target(%arg8 : memref<40x128xf32, #tpu.memory_space<vmem>>) offsets(%dma_start3A_57 : memref<40xi32, #tpu.memory_space<vmem>>) semaphore(%arg15 : memref<!tpu.dma_semaphore, #tpu.memory_space<semaphore_mem>>)
    %dma_start3A_61 = arith.constant 0 : i32
    %dma_start3A_62 = arith.constant 2 : i32
    %dma_start3A_63 = arith.constant 0 : i32
    %dma_start3A_64 = tpu.memref_slice %arg5[%dma_start3A_61, %dma_start3A_62, %dma_start3A_63] : memref<2x25x40xi32, #tpu.memory_space<vmem>> -> memref<1x1x40xi32, #tpu.memory_space<vmem>>
    %dma_start3A_65 = tpu.memref_squeeze %dma_start3A_64 : memref<1x1x40xi32, #tpu.memory_space<vmem>> -> memref<40xi32, #tpu.memory_space<vmem>>
    %dma_start3A_66 = arith.constant 0 : i32
    %dma_start3A_67 = arith.constant 0 : i32
    %dma_start3A_68 = tpu.memref_slice %arg2[%dma_start3A_66, %dma_start3A_67] : memref<10000x128xf32, #tpu.memory_space<hbm>> -> memref<10000x128xf32, #tpu.memory_space<hbm>>
    tpu.enqueue_indirect_dma source(%dma_start3A_68 : memref<10000x128xf32, #tpu.memory_space<hbm>>) target(%arg9 : memref<40x128xf32, #tpu.memory_space<vmem>>) offsets(%dma_start3A_65 : memref<40xi32, #tpu.memory_space<vmem>>) semaphore(%arg16 : memref<!tpu.dma_semaphore, #tpu.memory_space<semaphore_mem>>)
    %dma_start3A_69 = arith.constant 0 : i32
    %dma_start3A_70 = arith.constant 3 : i32
    %dma_start3A_71 = arith.constant 0 : i32
    %dma_start3A_72 = tpu.memref_slice %arg5[%dma_start3A_69, %dma_start3A_70, %dma_start3A_71] : memref<2x25x40xi32, #tpu.memory_space<vmem>> -> memref<1x1x40xi32, #tpu.memory_space<vmem>>
    %dma_start3A_73 = tpu.memref_squeeze %dma_start3A_72 : memref<1x1x40xi32, #tpu.memory_space<vmem>> -> memref<40xi32, #tpu.memory_space<vmem>>
    %dma_start3A_74 = arith.constant 0 : i32
    %dma_start3A_75 = arith.constant 0 : i32
    %dma_start3A_76 = tpu.memref_slice %arg2[%dma_start3A_74, %dma_start3A_75] : memref<10000x128xf32, #tpu.memory_space<hbm>> -> memref<10000x128xf32, #tpu.memory_space<hbm>>
    tpu.enqueue_indirect_dma source(%dma_start3A_76 : memref<10000x128xf32, #tpu.memory_space<hbm>>) target(%arg10 : memref<40x128xf32, #tpu.memory_space<vmem>>) offsets(%dma_start3A_73 : memref<40xi32, #tpu.memory_space<vmem>>) semaphore(%arg17 : memref<!tpu.dma_semaphore, #tpu.memory_space<semaphore_mem>>)
    %dma_start3A_77 = arith.constant 0 : i32
    %dma_start3A_78 = arith.constant 4 : i32
    %dma_start3A_79 = arith.constant 0 : i32
    %dma_start3A_80 = tpu.memref_slice %arg5[%dma_start3A_77, %dma_start3A_78, %dma_start3A_79] : memref<2x25x40xi32, #tpu.memory_space<vmem>> -> memref<1x1x40xi32, #tpu.memory_space<vmem>>
    %dma_start3A_81 = tpu.memref_squeeze %dma_start3A_80 : memref<1x1x40xi32, #tpu.memory_space<vmem>> -> memref<40xi32, #tpu.memory_space<vmem>>
    %dma_start3A_82 = arith.constant 0 : i32
    %dma_start3A_83 = arith.constant 0 : i32
    %dma_start3A_84 = tpu.memref_slice %arg2[%dma_start3A_82, %dma_start3A_83] : memref<10000x128xf32, #tpu.memory_space<hbm>> -> memref<10000x128xf32, #tpu.memory_space<hbm>>
    tpu.enqueue_indirect_dma source(%dma_start3A_84 : memref<10000x128xf32, #tpu.memory_space<hbm>>) target(%arg11 : memref<40x128xf32, #tpu.memory_space<vmem>>) offsets(%dma_start3A_81 : memref<40xi32, #tpu.memory_space<vmem>>) semaphore(%arg18 : memref<!tpu.dma_semaphore, #tpu.memory_space<semaphore_mem>>)
    %broadcast_in_dim3A = arith.constant 0.000000e+00 : f32
    %broadcast_in_dim3A_85 = vector.broadcast %broadcast_in_dim3A : f32 to vector<16xf32>
    %scan3A = arith.constant 0 : i32
    %scan3A_86 = arith.constant 0 : i32
    %scan3A_87 = arith.constant 32 : i32
    %scan3A_88 = arith.addi %scan3A_86, %scan3A_87 : i32
    %scan3A_89 = arith.constant 1 : i32
    scf.for %scan3A_177 = %scan3A_86 to %scan3A_88 step %scan3A_89  : i32 {
      %swap3A = arith.index_cast %scan3A_177 : i32 to index
      %swap3A_178 = arith.constant 0 : index
      %swap3A_179 = tpu.vector_load %arg12[%swap3A, %swap3A_178] {strides = array<i32>} : memref<32x128xf32, #tpu.memory_space<vmem>>, vector<1x16xf32>,
      %swap3A_180 = vector.shape_cast %swap3A_179 : vector<1x16xf32> to vector<16xf32>
      %swap3A_181 = vector.shape_cast %broadcast_in_dim3A_85 : vector<16xf32> to vector<1x16xf32>
      tpu.vector_store %arg12[%swap3A, %swap3A_178], %swap3A_181 {strides = array<i32>} : memref<32x128xf32, #tpu.memory_space<vmem>>, vector<1x16xf32>,
      %swap3A_182 = arith.index_cast %scan3A_177 : i32 to index
      %swap3A_183 = arith.constant 16 : index
      %swap3A_184 = tpu.vector_load %arg12[%swap3A_182, %swap3A_183] {strides = array<i32>} : memref<32x128xf32, #tpu.memory_space<vmem>>, vector<1x16xf32>,
      %swap3A_185 = vector.shape_cast %swap3A_184 : vector<1x16xf32> to vector<16xf32>
      %swap3A_186 = vector.shape_cast %broadcast_in_dim3A_85 : vector<16xf32> to vector<1x16xf32>
      tpu.vector_store %arg12[%swap3A_182, %swap3A_183], %swap3A_186 {strides = array<i32>} : memref<32x128xf32, #tpu.memory_space<vmem>>, vector<1x16xf32>,
      %swap3A_187 = arith.index_cast %scan3A_177 : i32 to index
      %swap3A_188 = arith.constant 32 : index
      %swap3A_189 = tpu.vector_load %arg12[%swap3A_187, %swap3A_188] {strides = array<i32>} : memref<32x128xf32, #tpu.memory_space<vmem>>, vector<1x16xf32>,
      %swap3A_190 = vector.shape_cast %swap3A_189 : vector<1x16xf32> to vector<16xf32>
      %swap3A_191 = vector.shape_cast %broadcast_in_dim3A_85 : vector<16xf32> to vector<1x16xf32>
      tpu.vector_store %arg12[%swap3A_187, %swap3A_188], %swap3A_191 {strides = array<i32>} : memref<32x128xf32, #tpu.memory_space<vmem>>, vector<1x16xf32>,
      %swap3A_192 = arith.index_cast %scan3A_177 : i32 to index
      %swap3A_193 = arith.constant 48 : index
      %swap3A_194 = tpu.vector_load %arg12[%swap3A_192, %swap3A_193] {strides = array<i32>} : memref<32x128xf32, #tpu.memory_space<vmem>>, vector<1x16xf32>,
      %swap3A_195 = vector.shape_cast %swap3A_194 : vector<1x16xf32> to vector<16xf32>
      %swap3A_196 = vector.shape_cast %broadcast_in_dim3A_85 : vector<16xf32> to vector<1x16xf32>
      tpu.vector_store %arg12[%swap3A_192, %swap3A_193], %swap3A_196 {strides = array<i32>} : memref<32x128xf32, #tpu.memory_space<vmem>>, vector<1x16xf32>,
      %swap3A_197 = arith.index_cast %scan3A_177 : i32 to index
      %swap3A_198 = arith.constant 64 : index
      %swap3A_199 = tpu.vector_load %arg12[%swap3A_197, %swap3A_198] {strides = array<i32>} : memref<32x128xf32, #tpu.memory_space<vmem>>, vector<1x16xf32>,
      %swap3A_200 = vector.shape_cast %swap3A_199 : vector<1x16xf32> to vector<16xf32>
      %swap3A_201 = vector.shape_cast %broadcast_in_dim3A_85 : vector<16xf32> to vector<1x16xf32>
      tpu.vector_store %arg12[%swap3A_197, %swap3A_198], %swap3A_201 {strides = array<i32>} : memref<32x128xf32, #tpu.memory_space<vmem>>, vector<1x16xf32>,
      %swap3A_202 = arith.index_cast %scan3A_177 : i32 to index
      %swap3A_203 = arith.constant 80 : index
      %swap3A_204 = tpu.vector_load %arg12[%swap3A_202, %swap3A_203] {strides = array<i32>} : memref<32x128xf32, #tpu.memory_space<vmem>>, vector<1x16xf32>,
      %swap3A_205 = vector.shape_cast %swap3A_204 : vector<1x16xf32> to vector<16xf32>
      %swap3A_206 = vector.shape_cast %broadcast_in_dim3A_85 : vector<16xf32> to vector<1x16xf32>
      tpu.vector_store %arg12[%swap3A_202, %swap3A_203], %swap3A_206 {strides = array<i32>} : memref<32x128xf32, #tpu.memory_space<vmem>>, vector<1x16xf32>,
      %swap3A_207 = arith.index_cast %scan3A_177 : i32 to index
      %swap3A_208 = arith.constant 96 : index
      %swap3A_209 = tpu.vector_load %arg12[%swap3A_207, %swap3A_208] {strides = array<i32>} : memref<32x128xf32, #tpu.memory_space<vmem>>, vector<1x16xf32>,
      %swap3A_210 = vector.shape_cast %swap3A_209 : vector<1x16xf32> to vector<16xf32>
      %swap3A_211 = vector.shape_cast %broadcast_in_dim3A_85 : vector<16xf32> to vector<1x16xf32>
      tpu.vector_store %arg12[%swap3A_207, %swap3A_208], %swap3A_211 {strides = array<i32>} : memref<32x128xf32, #tpu.memory_space<vmem>>, vector<1x16xf32>,
      %swap3A_212 = arith.index_cast %scan3A_177 : i32 to index
      %swap3A_213 = arith.constant 112 : index
      %swap3A_214 = tpu.vector_load %arg12[%swap3A_212, %swap3A_213] {strides = array<i32>} : memref<32x128xf32, #tpu.memory_space<vmem>>, vector<1x16xf32>,
      %swap3A_215 = vector.shape_cast %swap3A_214 : vector<1x16xf32> to vector<16xf32>
      %swap3A_216 = vector.shape_cast %broadcast_in_dim3A_85 : vector<16xf32> to vector<1x16xf32>
      tpu.vector_store %arg12[%swap3A_212, %swap3A_213], %swap3A_216 {strides = array<i32>} : memref<32x128xf32, #tpu.memory_space<vmem>>, vector<1x16xf32>,
    }
    %scan3A_90 = arith.constant 32 : i32
    %add3A_91 = arith.constant 0 : i32
    %add3A_92 = arith.addi %mul3A_2, %add3A_91 : i32
    "tpu.region"() ({
      %run_scoped3A_177 = tpu.sem_alloc : memref<!tpu.dma_semaphore, #tpu.memory_space<semaphore_mem>>
      %dma_start3A_178 = arith.constant 0 : i32
      %dma_start3A_179 = tpu.memref_slice %arg13[%add3A_92, %dma_start3A_178] : memref<10240x128xf32, #tpu.memory_space<vmem_shared>> -> memref<32x128xf32, #tpu.memory_space<vmem_shared>>
      %dma_start3A_180 = arith.constant 0 : i32
      %dma_start3A_181 = tpu.memref_slice %arg13[%add3A_92, %dma_start3A_180] : memref<10240x128xf32, #tpu.memory_space<vmem_shared>> -> memref<32x128xf32, #tpu.memory_space<vmem_shared>>
      tpu.enqueue_dma source(%arg12 : memref<32x128xf32, #tpu.memory_space<vmem>>) target(%dma_start3A_181 : memref<32x128xf32, #tpu.memory_space<vmem_shared>>) target_semaphore(%run_scoped3A_177 : memref<!tpu.dma_semaphore, #tpu.memory_space<semaphore_mem>>)
      %dma_wait3A_182 = arith.constant 0 : i32
      %dma_wait3A_183 = tpu.memref_slice %arg13[%add3A_92, %dma_wait3A_182] : memref<10240x128xf32, #tpu.memory_space<vmem_shared>> -> memref<32x128xf32, #tpu.memory_space<vmem_shared>>
      %dma_wait3A_184 = arith.constant 0 : i32
      %dma_wait3A_185 = tpu.memref_slice %arg13[%add3A_92, %dma_wait3A_184] : memref<10240x128xf32, #tpu.memory_space<vmem_shared>> -> memref<32x128xf32, #tpu.memory_space<vmem_shared>>
      tpu.wait_dma2 semaphore(%run_scoped3A_177 : memref<!tpu.dma_semaphore, #tpu.memory_space<semaphore_mem>>) src(%arg12 : memref<32x128xf32, #tpu.memory_space<vmem>>) dst(%dma_wait3A_185 : memref<32x128xf32, #tpu.memory_space<vmem_shared>>)
      tpu.yield
    }) : () -> ()
    %add3A_93 = arith.constant 32 : i32
    %add3A_94 = arith.addi %mul3A_2, %add3A_93 : i32
    "tpu.region"() ({
      %run_scoped3A_177 = tpu.sem_alloc : memref<!tpu.dma_semaphore, #tpu.memory_space<semaphore_mem>>
      %dma_start3A_178 = arith.constant 0 : i32
      %dma_start3A_179 = tpu.memref_slice %arg13[%add3A_94, %dma_start3A_178] : memref<10240x128xf32, #tpu.memory_space<vmem_shared>> -> memref<32x128xf32, #tpu.memory_space<vmem_shared>>
      %dma_start3A_180 = arith.constant 0 : i32
      %dma_start3A_181 = tpu.memref_slice %arg13[%add3A_94, %dma_start3A_180] : memref<10240x128xf32, #tpu.memory_space<vmem_shared>> -> memref<32x128xf32, #tpu.memory_space<vmem_shared>>
      tpu.enqueue_dma source(%arg12 : memref<32x128xf32, #tpu.memory_space<vmem>>) target(%dma_start3A_181 : memref<32x128xf32, #tpu.memory_space<vmem_shared>>) target_semaphore(%run_scoped3A_177 : memref<!tpu.dma_semaphore, #tpu.memory_space<semaphore_mem>>)
      %dma_wait3A_182 = arith.constant 0 : i32
      %dma_wait3A_183 = tpu.memref_slice %arg13[%add3A_94, %dma_wait3A_182] : memref<10240x128xf32, #tpu.memory_space<vmem_shared>> -> memref<32x128xf32, #tpu.memory_space<vmem_shared>>
      %dma_wait3A_184 = arith.constant 0 : i32
      %dma_wait3A_185 = tpu.memref_slice %arg13[%add3A_94, %dma_wait3A_184] : memref<10240x128xf32, #tpu.memory_space<vmem_shared>> -> memref<32x128xf32, #tpu.memory_space<vmem_shared>>
      tpu.wait_dma2 semaphore(%run_scoped3A_177 : memref<!tpu.dma_semaphore, #tpu.memory_space<semaphore_mem>>) src(%arg12 : memref<32x128xf32, #tpu.memory_space<vmem>>) dst(%dma_wait3A_185 : memref<32x128xf32, #tpu.memory_space<vmem_shared>>)
      tpu.yield
    }) : () -> ()
    %add3A_95 = arith.constant 64 : i32
    %add3A_96 = arith.addi %mul3A_2, %add3A_95 : i32
    "tpu.region"() ({
      %run_scoped3A_177 = tpu.sem_alloc : memref<!tpu.dma_semaphore, #tpu.memory_space<semaphore_mem>>
      %dma_start3A_178 = arith.constant 0 : i32
      %dma_start3A_179 = tpu.memref_slice %arg13[%add3A_96, %dma_start3A_178] : memref<10240x128xf32, #tpu.memory_space<vmem_shared>> -> memref<32x128xf32, #tpu.memory_space<vmem_shared>>
      %dma_start3A_180 = arith.constant 0 : i32
      %dma_start3A_181 = tpu.memref_slice %arg13[%add3A_96, %dma_start3A_180] : memref<10240x128xf32, #tpu.memory_space<vmem_shared>> -> memref<32x128xf32, #tpu.memory_space<vmem_shared>>
      tpu.enqueue_dma source(%arg12 : memref<32x128xf32, #tpu.memory_space<vmem>>) target(%dma_start3A_181 : memref<32x128xf32, #tpu.memory_space<vmem_shared>>) target_semaphore(%run_scoped3A_177 : memref<!tpu.dma_semaphore, #tpu.memory_space<semaphore_mem>>)
      %dma_wait3A_182 = arith.constant 0 : i32
      %dma_wait3A_183 = tpu.memref_slice %arg13[%add3A_96, %dma_wait3A_182] : memref<10240x128xf32, #tpu.memory_space<vmem_shared>> -> memref<32x128xf32, #tpu.memory_space<vmem_shared>>
      %dma_wait3A_184 = arith.constant 0 : i32
      %dma_wait3A_185 = tpu.memref_slice %arg13[%add3A_96, %dma_wait3A_184] : memref<10240x128xf32, #tpu.memory_space<vmem_shared>> -> memref<32x128xf32, #tpu.memory_space<vmem_shared>>
      tpu.wait_dma2 semaphore(%run_scoped3A_177 : memref<!tpu.dma_semaphore, #tpu.memory_space<semaphore_mem>>) src(%arg12 : memref<32x128xf32, #tpu.memory_space<vmem>>) dst(%dma_wait3A_185 : memref<32x128xf32, #tpu.memory_space<vmem_shared>>)
      tpu.yield
    }) : () -> ()
    %add3A_97 = arith.constant 96 : i32
    %add3A_98 = arith.addi %mul3A_2, %add3A_97 : i32
    "tpu.region"() ({
      %run_scoped3A_177 = tpu.sem_alloc : memref<!tpu.dma_semaphore, #tpu.memory_space<semaphore_mem>>
      %dma_start3A_178 = arith.constant 0 : i32
      %dma_start3A_179 = tpu.memref_slice %arg13[%add3A_98, %dma_start3A_178] : memref<10240x128xf32, #tpu.memory_space<vmem_shared>> -> memref<32x128xf32, #tpu.memory_space<vmem_shared>>
      %dma_start3A_180 = arith.constant 0 : i32
      %dma_start3A_181 = tpu.memref_slice %arg13[%add3A_98, %dma_start3A_180] : memref<10240x128xf32, #tpu.memory_space<vmem_shared>> -> memref<32x128xf32, #tpu.memory_space<vmem_shared>>
      tpu.enqueue_dma source(%arg12 : memref<32x128xf32, #tpu.memory_space<vmem>>) target(%dma_start3A_181 : memref<32x128xf32, #tpu.memory_space<vmem_shared>>) target_semaphore(%run_scoped3A_177 : memref<!tpu.dma_semaphore, #tpu.memory_space<semaphore_mem>>)
      %dma_wait3A_182 = arith.constant 0 : i32
      %dma_wait3A_183 = tpu.memref_slice %arg13[%add3A_98, %dma_wait3A_182] : memref<10240x128xf32, #tpu.memory_space<vmem_shared>> -> memref<32x128xf32, #tpu.memory_space<vmem_shared>>
      %dma_wait3A_184 = arith.constant 0 : i32
      %dma_wait3A_185 = tpu.memref_slice %arg13[%add3A_98, %dma_wait3A_184] : memref<10240x128xf32, #tpu.memory_space<vmem_shared>> -> memref<32x128xf32, #tpu.memory_space<vmem_shared>>
      tpu.wait_dma2 semaphore(%run_scoped3A_177 : memref<!tpu.dma_semaphore, #tpu.memory_space<semaphore_mem>>) src(%arg12 : memref<32x128xf32, #tpu.memory_space<vmem>>) dst(%dma_wait3A_185 : memref<32x128xf32, #tpu.memory_space<vmem_shared>>)
      tpu.yield
    }) : () -> ()
    %add3A_99 = arith.constant 128 : i32
    %add3A_100 = arith.addi %mul3A_2, %add3A_99 : i32
    "tpu.region"() ({
      %run_scoped3A_177 = tpu.sem_alloc : memref<!tpu.dma_semaphore, #tpu.memory_space<semaphore_mem>>
      %dma_start3A_178 = arith.constant 0 : i32
      %dma_start3A_179 = tpu.memref_slice %arg13[%add3A_100, %dma_start3A_178] : memref<10240x128xf32, #tpu.memory_space<vmem_shared>> -> memref<32x128xf32, #tpu.memory_space<vmem_shared>>
      %dma_start3A_180 = arith.constant 0 : i32
      %dma_start3A_181 = tpu.memref_slice %arg13[%add3A_100, %dma_start3A_180] : memref<10240x128xf32, #tpu.memory_space<vmem_shared>> -> memref<32x128xf32, #tpu.memory_space<vmem_shared>>
      tpu.enqueue_dma source(%arg12 : memref<32x128xf32, #tpu.memory_space<vmem>>) target(%dma_start3A_181 : memref<32x128xf32, #tpu.memory_space<vmem_shared>>) target_semaphore(%run_scoped3A_177 : memref<!tpu.dma_semaphore, #tpu.memory_space<semaphore_mem>>)
      %dma_wait3A_182 = arith.constant 0 : i32
      %dma_wait3A_183 = tpu.memref_slice %arg13[%add3A_100, %dma_wait3A_182] : memref<10240x128xf32, #tpu.memory_space<vmem_shared>> -> memref<32x128xf32, #tpu.memory_space<vmem_shared>>
      %dma_wait3A_184 = arith.constant 0 : i32
      %dma_wait3A_185 = tpu.memref_slice %arg13[%add3A_100, %dma_wait3A_184] : memref<10240x128xf32, #tpu.memory_space<vmem_shared>> -> memref<32x128xf32, #tpu.memory_space<vmem_shared>>
      tpu.wait_dma2 semaphore(%run_scoped3A_177 : memref<!tpu.dma_semaphore, #tpu.memory_space<semaphore_mem>>) src(%arg12 : memref<32x128xf32, #tpu.memory_space<vmem>>) dst(%dma_wait3A_185 : memref<32x128xf32, #tpu.memory_space<vmem_shared>>)
      tpu.yield
    }) : () -> ()
    %add3A_101 = arith.constant 160 : i32
    %add3A_102 = arith.addi %mul3A_2, %add3A_101 : i32
    "tpu.region"() ({
      %run_scoped3A_177 = tpu.sem_alloc : memref<!tpu.dma_semaphore, #tpu.memory_space<semaphore_mem>>
      %dma_start3A_178 = arith.constant 0 : i32
      %dma_start3A_179 = tpu.memref_slice %arg13[%add3A_102, %dma_start3A_178] : memref<10240x128xf32, #tpu.memory_space<vmem_shared>> -> memref<32x128xf32, #tpu.memory_space<vmem_shared>>
      %dma_start3A_180 = arith.constant 0 : i32
      %dma_start3A_181 = tpu.memref_slice %arg13[%add3A_102, %dma_start3A_180] : memref<10240x128xf32, #tpu.memory_space<vmem_shared>> -> memref<32x128xf32, #tpu.memory_space<vmem_shared>>
      tpu.enqueue_dma source(%arg12 : memref<32x128xf32, #tpu.memory_space<vmem>>) target(%dma_start3A_181 : memref<32x128xf32, #tpu.memory_space<vmem_shared>>) target_semaphore(%run_scoped3A_177 : memref<!tpu.dma_semaphore, #tpu.memory_space<semaphore_mem>>)
      %dma_wait3A_182 = arith.constant 0 : i32
      %dma_wait3A_183 = tpu.memref_slice %arg13[%add3A_102, %dma_wait3A_182] : memref<10240x128xf32, #tpu.memory_space<vmem_shared>> -> memref<32x128xf32, #tpu.memory_space<vmem_shared>>
      %dma_wait3A_184 = arith.constant 0 : i32
      %dma_wait3A_185 = tpu.memref_slice %arg13[%add3A_102, %dma_wait3A_184] : memref<10240x128xf32, #tpu.memory_space<vmem_shared>> -> memref<32x128xf32, #tpu.memory_space<vmem_shared>>
      tpu.wait_dma2 semaphore(%run_scoped3A_177 : memref<!tpu.dma_semaphore, #tpu.memory_space<semaphore_mem>>) src(%arg12 : memref<32x128xf32, #tpu.memory_space<vmem>>) dst(%dma_wait3A_185 : memref<32x128xf32, #tpu.memory_space<vmem_shared>>)
      tpu.yield
    }) : () -> ()
    %add3A_103 = arith.constant 192 : i32
    %add3A_104 = arith.addi %mul3A_2, %add3A_103 : i32
    "tpu.region"() ({
      %run_scoped3A_177 = tpu.sem_alloc : memref<!tpu.dma_semaphore, #tpu.memory_space<semaphore_mem>>
      %dma_start3A_178 = arith.constant 0 : i32
      %dma_start3A_179 = tpu.memref_slice %arg13[%add3A_104, %dma_start3A_178] : memref<10240x128xf32, #tpu.memory_space<vmem_shared>> -> memref<32x128xf32, #tpu.memory_space<vmem_shared>>
      %dma_start3A_180 = arith.constant 0 : i32
      %dma_start3A_181 = tpu.memref_slice %arg13[%add3A_104, %dma_start3A_180] : memref<10240x128xf32, #tpu.memory_space<vmem_shared>> -> memref<32x128xf32, #tpu.memory_space<vmem_shared>>
      tpu.enqueue_dma source(%arg12 : memref<32x128xf32, #tpu.memory_space<vmem>>) target(%dma_start3A_181 : memref<32x128xf32, #tpu.memory_space<vmem_shared>>) target_semaphore(%run_scoped3A_177 : memref<!tpu.dma_semaphore, #tpu.memory_space<semaphore_mem>>)
      %dma_wait3A_182 = arith.constant 0 : i32
      %dma_wait3A_183 = tpu.memref_slice %arg13[%add3A_104, %dma_wait3A_182] : memref<10240x128xf32, #tpu.memory_space<vmem_shared>> -> memref<32x128xf32, #tpu.memory_space<vmem_shared>>
      %dma_wait3A_184 = arith.constant 0 : i32
      %dma_wait3A_185 = tpu.memref_slice %arg13[%add3A_104, %dma_wait3A_184] : memref<10240x128xf32, #tpu.memory_space<vmem_shared>> -> memref<32x128xf32, #tpu.memory_space<vmem_shared>>
      tpu.wait_dma2 semaphore(%run_scoped3A_177 : memref<!tpu.dma_semaphore, #tpu.memory_space<semaphore_mem>>) src(%arg12 : memref<32x128xf32, #tpu.memory_space<vmem>>) dst(%dma_wait3A_185 : memref<32x128xf32, #tpu.memory_space<vmem_shared>>)
      tpu.yield
    }) : () -> ()
    %add3A_105 = arith.constant 224 : i32
    %add3A_106 = arith.addi %mul3A_2, %add3A_105 : i32
    "tpu.region"() ({
      %run_scoped3A_177 = tpu.sem_alloc : memref<!tpu.dma_semaphore, #tpu.memory_space<semaphore_mem>>
      %dma_start3A_178 = arith.constant 0 : i32
      %dma_start3A_179 = tpu.memref_slice %arg13[%add3A_106, %dma_start3A_178] : memref<10240x128xf32, #tpu.memory_space<vmem_shared>> -> memref<32x128xf32, #tpu.memory_space<vmem_shared>>
      %dma_start3A_180 = arith.constant 0 : i32
      %dma_start3A_181 = tpu.memref_slice %arg13[%add3A_106, %dma_start3A_180] : memref<10240x128xf32, #tpu.memory_space<vmem_shared>> -> memref<32x128xf32, #tpu.memory_space<vmem_shared>>
      tpu.enqueue_dma source(%arg12 : memref<32x128xf32, #tpu.memory_space<vmem>>) target(%dma_start3A_181 : memref<32x128xf32, #tpu.memory_space<vmem_shared>>) target_semaphore(%run_scoped3A_177 : memref<!tpu.dma_semaphore, #tpu.memory_space<semaphore_mem>>)
      %dma_wait3A_182 = arith.constant 0 : i32
      %dma_wait3A_183 = tpu.memref_slice %arg13[%add3A_106, %dma_wait3A_182] : memref<10240x128xf32, #tpu.memory_space<vmem_shared>> -> memref<32x128xf32, #tpu.memory_space<vmem_shared>>
      %dma_wait3A_184 = arith.constant 0 : i32
      %dma_wait3A_185 = tpu.memref_slice %arg13[%add3A_106, %dma_wait3A_184] : memref<10240x128xf32, #tpu.memory_space<vmem_shared>> -> memref<32x128xf32, #tpu.memory_space<vmem_shared>>
      tpu.wait_dma2 semaphore(%run_scoped3A_177 : memref<!tpu.dma_semaphore, #tpu.memory_space<semaphore_mem>>) src(%arg12 : memref<32x128xf32, #tpu.memory_space<vmem>>) dst(%dma_wait3A_185 : memref<32x128xf32, #tpu.memory_space<vmem_shared>>)
      tpu.yield
    }) : () -> ()
    %add3A_107 = arith.constant 256 : i32
    %add3A_108 = arith.addi %mul3A_2, %add3A_107 : i32
    "tpu.region"() ({
      %run_scoped3A_177 = tpu.sem_alloc : memref<!tpu.dma_semaphore, #tpu.memory_space<semaphore_mem>>
      %dma_start3A_178 = arith.constant 0 : i32
      %dma_start3A_179 = tpu.memref_slice %arg13[%add3A_108, %dma_start3A_178] : memref<10240x128xf32, #tpu.memory_space<vmem_shared>> -> memref<32x128xf32, #tpu.memory_space<vmem_shared>>
      %dma_start3A_180 = arith.constant 0 : i32
      %dma_start3A_181 = tpu.memref_slice %arg13[%add3A_108, %dma_start3A_180] : memref<10240x128xf32, #tpu.memory_space<vmem_shared>> -> memref<32x128xf32, #tpu.memory_space<vmem_shared>>
      tpu.enqueue_dma source(%arg12 : memref<32x128xf32, #tpu.memory_space<vmem>>) target(%dma_start3A_181 : memref<32x128xf32, #tpu.memory_space<vmem_shared>>) target_semaphore(%run_scoped3A_177 : memref<!tpu.dma_semaphore, #tpu.memory_space<semaphore_mem>>)
      %dma_wait3A_182 = arith.constant 0 : i32
      %dma_wait3A_183 = tpu.memref_slice %arg13[%add3A_108, %dma_wait3A_182] : memref<10240x128xf32, #tpu.memory_space<vmem_shared>> -> memref<32x128xf32, #tpu.memory_space<vmem_shared>>
      %dma_wait3A_184 = arith.constant 0 : i32
      %dma_wait3A_185 = tpu.memref_slice %arg13[%add3A_108, %dma_wait3A_184] : memref<10240x128xf32, #tpu.memory_space<vmem_shared>> -> memref<32x128xf32, #tpu.memory_space<vmem_shared>>
      tpu.wait_dma2 semaphore(%run_scoped3A_177 : memref<!tpu.dma_semaphore, #tpu.memory_space<semaphore_mem>>) src(%arg12 : memref<32x128xf32, #tpu.memory_space<vmem>>) dst(%dma_wait3A_185 : memref<32x128xf32, #tpu.memory_space<vmem_shared>>)
      tpu.yield
    }) : () -> ()
    %add3A_109 = arith.constant 288 : i32
    %add3A_110 = arith.addi %mul3A_2, %add3A_109 : i32
    "tpu.region"() ({
      %run_scoped3A_177 = tpu.sem_alloc : memref<!tpu.dma_semaphore, #tpu.memory_space<semaphore_mem>>
      %dma_start3A_178 = arith.constant 0 : i32
      %dma_start3A_179 = tpu.memref_slice %arg13[%add3A_110, %dma_start3A_178] : memref<10240x128xf32, #tpu.memory_space<vmem_shared>> -> memref<32x128xf32, #tpu.memory_space<vmem_shared>>
      %dma_start3A_180 = arith.constant 0 : i32
      %dma_start3A_181 = tpu.memref_slice %arg13[%add3A_110, %dma_start3A_180] : memref<10240x128xf32, #tpu.memory_space<vmem_shared>> -> memref<32x128xf32, #tpu.memory_space<vmem_shared>>
      tpu.enqueue_dma source(%arg12 : memref<32x128xf32, #tpu.memory_space<vmem>>) target(%dma_start3A_181 : memref<32x128xf32, #tpu.memory_space<vmem_shared>>) target_semaphore(%run_scoped3A_177 : memref<!tpu.dma_semaphore, #tpu.memory_space<semaphore_mem>>)
      %dma_wait3A_182 = arith.constant 0 : i32
      %dma_wait3A_183 = tpu.memref_slice %arg13[%add3A_110, %dma_wait3A_182] : memref<10240x128xf32, #tpu.memory_space<vmem_shared>> -> memref<32x128xf32, #tpu.memory_space<vmem_shared>>
      %dma_wait3A_184 = arith.constant 0 : i32
      %dma_wait3A_185 = tpu.memref_slice %arg13[%add3A_110, %dma_wait3A_184] : memref<10240x128xf32, #tpu.memory_space<vmem_shared>> -> memref<32x128xf32, #tpu.memory_space<vmem_shared>>
      tpu.wait_dma2 semaphore(%run_scoped3A_177 : memref<!tpu.dma_semaphore, #tpu.memory_space<semaphore_mem>>) src(%arg12 : memref<32x128xf32, #tpu.memory_space<vmem>>) dst(%dma_wait3A_185 : memref<32x128xf32, #tpu.memory_space<vmem_shared>>)
      tpu.yield
    }) : () -> ()
    %add3A_111 = arith.constant 320 : i32
    %add3A_112 = arith.addi %mul3A_2, %add3A_111 : i32
    "tpu.region"() ({
      %run_scoped3A_177 = tpu.sem_alloc : memref<!tpu.dma_semaphore, #tpu.memory_space<semaphore_mem>>
      %dma_start3A_178 = arith.constant 0 : i32
      %dma_start3A_179 = tpu.memref_slice %arg13[%add3A_112, %dma_start3A_178] : memref<10240x128xf32, #tpu.memory_space<vmem_shared>> -> memref<32x128xf32, #tpu.memory_space<vmem_shared>>
      %dma_start3A_180 = arith.constant 0 : i32
      %dma_start3A_181 = tpu.memref_slice %arg13[%add3A_112, %dma_start3A_180] : memref<10240x128xf32, #tpu.memory_space<vmem_shared>> -> memref<32x128xf32, #tpu.memory_space<vmem_shared>>
      tpu.enqueue_dma source(%arg12 : memref<32x128xf32, #tpu.memory_space<vmem>>) target(%dma_start3A_181 : memref<32x128xf32, #tpu.memory_space<vmem_shared>>) target_semaphore(%run_scoped3A_177 : memref<!tpu.dma_semaphore, #tpu.memory_space<semaphore_mem>>)
      %dma_wait3A_182 = arith.constant 0 : i32
      %dma_wait3A_183 = tpu.memref_slice %arg13[%add3A_112, %dma_wait3A_182] : memref<10240x128xf32, #tpu.memory_space<vmem_shared>> -> memref<32x128xf32, #tpu.memory_space<vmem_shared>>
      %dma_wait3A_184 = arith.constant 0 : i32
      %dma_wait3A_185 = tpu.memref_slice %arg13[%add3A_112, %dma_wait3A_184] : memref<10240x128xf32, #tpu.memory_space<vmem_shared>> -> memref<32x128xf32, #tpu.memory_space<vmem_shared>>
      tpu.wait_dma2 semaphore(%run_scoped3A_177 : memref<!tpu.dma_semaphore, #tpu.memory_space<semaphore_mem>>) src(%arg12 : memref<32x128xf32, #tpu.memory_space<vmem>>) dst(%dma_wait3A_185 : memref<32x128xf32, #tpu.memory_space<vmem_shared>>)
      tpu.yield
    }) : () -> ()
    %add3A_113 = arith.constant 352 : i32
    %add3A_114 = arith.addi %mul3A_2, %add3A_113 : i32
    "tpu.region"() ({
      %run_scoped3A_177 = tpu.sem_alloc : memref<!tpu.dma_semaphore, #tpu.memory_space<semaphore_mem>>
      %dma_start3A_178 = arith.constant 0 : i32
      %dma_start3A_179 = tpu.memref_slice %arg13[%add3A_114, %dma_start3A_178] : memref<10240x128xf32, #tpu.memory_space<vmem_shared>> -> memref<32x128xf32, #tpu.memory_space<vmem_shared>>
      %dma_start3A_180 = arith.constant 0 : i32
      %dma_start3A_181 = tpu.memref_slice %arg13[%add3A_114, %dma_start3A_180] : memref<10240x128xf32, #tpu.memory_space<vmem_shared>> -> memref<32x128xf32, #tpu.memory_space<vmem_shared>>
      tpu.enqueue_dma source(%arg12 : memref<32x128xf32, #tpu.memory_space<vmem>>) target(%dma_start3A_181 : memref<32x128xf32, #tpu.memory_space<vmem_shared>>) target_semaphore(%run_scoped3A_177 : memref<!tpu.dma_semaphore, #tpu.memory_space<semaphore_mem>>)
      %dma_wait3A_182 = arith.constant 0 : i32
      %dma_wait3A_183 = tpu.memref_slice %arg13[%add3A_114, %dma_wait3A_182] : memref<10240x128xf32, #tpu.memory_space<vmem_shared>> -> memref<32x128xf32, #tpu.memory_space<vmem_shared>>
      %dma_wait3A_184 = arith.constant 0 : i32
      %dma_wait3A_185 = tpu.memref_slice %arg13[%add3A_114, %dma_wait3A_184] : memref<10240x128xf32, #tpu.memory_space<vmem_shared>> -> memref<32x128xf32, #tpu.memory_space<vmem_shared>>
      tpu.wait_dma2 semaphore(%run_scoped3A_177 : memref<!tpu.dma_semaphore, #tpu.memory_space<semaphore_mem>>) src(%arg12 : memref<32x128xf32, #tpu.memory_space<vmem>>) dst(%dma_wait3A_185 : memref<32x128xf32, #tpu.memory_space<vmem_shared>>)
      tpu.yield
    }) : () -> ()
    %add3A_115 = arith.constant 384 : i32
    %add3A_116 = arith.addi %mul3A_2, %add3A_115 : i32
    "tpu.region"() ({
      %run_scoped3A_177 = tpu.sem_alloc : memref<!tpu.dma_semaphore, #tpu.memory_space<semaphore_mem>>
      %dma_start3A_178 = arith.constant 0 : i32
      %dma_start3A_179 = tpu.memref_slice %arg13[%add3A_116, %dma_start3A_178] : memref<10240x128xf32, #tpu.memory_space<vmem_shared>> -> memref<32x128xf32, #tpu.memory_space<vmem_shared>>
      %dma_start3A_180 = arith.constant 0 : i32
      %dma_start3A_181 = tpu.memref_slice %arg13[%add3A_116, %dma_start3A_180] : memref<10240x128xf32, #tpu.memory_space<vmem_shared>> -> memref<32x128xf32, #tpu.memory_space<vmem_shared>>
      tpu.enqueue_dma source(%arg12 : memref<32x128xf32, #tpu.memory_space<vmem>>) target(%dma_start3A_181 : memref<32x128xf32, #tpu.memory_space<vmem_shared>>) target_semaphore(%run_scoped3A_177 : memref<!tpu.dma_semaphore, #tpu.memory_space<semaphore_mem>>)
      %dma_wait3A_182 = arith.constant 0 : i32
      %dma_wait3A_183 = tpu.memref_slice %arg13[%add3A_116, %dma_wait3A_182] : memref<10240x128xf32, #tpu.memory_space<vmem_shared>> -> memref<32x128xf32, #tpu.memory_space<vmem_shared>>
      %dma_wait3A_184 = arith.constant 0 : i32
      %dma_wait3A_185 = tpu.memref_slice %arg13[%add3A_116, %dma_wait3A_184] : memref<10240x128xf32, #tpu.memory_space<vmem_shared>> -> memref<32x128xf32, #tpu.memory_space<vmem_shared>>
      tpu.wait_dma2 semaphore(%run_scoped3A_177 : memref<!tpu.dma_semaphore, #tpu.memory_space<semaphore_mem>>) src(%arg12 : memref<32x128xf32, #tpu.memory_space<vmem>>) dst(%dma_wait3A_185 : memref<32x128xf32, #tpu.memory_space<vmem_shared>>)
      tpu.yield
    }) : () -> ()
    %add3A_117 = arith.constant 416 : i32
    %add3A_118 = arith.addi %mul3A_2, %add3A_117 : i32
    "tpu.region"() ({
      %run_scoped3A_177 = tpu.sem_alloc : memref<!tpu.dma_semaphore, #tpu.memory_space<semaphore_mem>>
      %dma_start3A_178 = arith.constant 0 : i32
      %dma_start3A_179 = tpu.memref_slice %arg13[%add3A_118, %dma_start3A_178] : memref<10240x128xf32, #tpu.memory_space<vmem_shared>> -> memref<32x128xf32, #tpu.memory_space<vmem_shared>>
      %dma_start3A_180 = arith.constant 0 : i32
      %dma_start3A_181 = tpu.memref_slice %arg13[%add3A_118, %dma_start3A_180] : memref<10240x128xf32, #tpu.memory_space<vmem_shared>> -> memref<32x128xf32, #tpu.memory_space<vmem_shared>>
      tpu.enqueue_dma source(%arg12 : memref<32x128xf32, #tpu.memory_space<vmem>>) target(%dma_start3A_181 : memref<32x128xf32, #tpu.memory_space<vmem_shared>>) target_semaphore(%run_scoped3A_177 : memref<!tpu.dma_semaphore, #tpu.memory_space<semaphore_mem>>)
      %dma_wait3A_182 = arith.constant 0 : i32
      %dma_wait3A_183 = tpu.memref_slice %arg13[%add3A_118, %dma_wait3A_182] : memref<10240x128xf32, #tpu.memory_space<vmem_shared>> -> memref<32x128xf32, #tpu.memory_space<vmem_shared>>
      %dma_wait3A_184 = arith.constant 0 : i32
      %dma_wait3A_185 = tpu.memref_slice %arg13[%add3A_118, %dma_wait3A_184] : memref<10240x128xf32, #tpu.memory_space<vmem_shared>> -> memref<32x128xf32, #tpu.memory_space<vmem_shared>>
      tpu.wait_dma2 semaphore(%run_scoped3A_177 : memref<!tpu.dma_semaphore, #tpu.memory_space<semaphore_mem>>) src(%arg12 : memref<32x128xf32, #tpu.memory_space<vmem>>) dst(%dma_wait3A_185 : memref<32x128xf32, #tpu.memory_space<vmem_shared>>)
      tpu.yield
    }) : () -> ()
    %add3A_119 = arith.constant 448 : i32
    %add3A_120 = arith.addi %mul3A_2, %add3A_119 : i32
    "tpu.region"() ({
      %run_scoped3A_177 = tpu.sem_alloc : memref<!tpu.dma_semaphore, #tpu.memory_space<semaphore_mem>>
      %dma_start3A_178 = arith.constant 0 : i32
      %dma_start3A_179 = tpu.memref_slice %arg13[%add3A_120, %dma_start3A_178] : memref<10240x128xf32, #tpu.memory_space<vmem_shared>> -> memref<32x128xf32, #tpu.memory_space<vmem_shared>>
      %dma_start3A_180 = arith.constant 0 : i32
      %dma_start3A_181 = tpu.memref_slice %arg13[%add3A_120, %dma_start3A_180] : memref<10240x128xf32, #tpu.memory_space<vmem_shared>> -> memref<32x128xf32, #tpu.memory_space<vmem_shared>>
      tpu.enqueue_dma source(%arg12 : memref<32x128xf32, #tpu.memory_space<vmem>>) target(%dma_start3A_181 : memref<32x128xf32, #tpu.memory_space<vmem_shared>>) target_semaphore(%run_scoped3A_177 : memref<!tpu.dma_semaphore, #tpu.memory_space<semaphore_mem>>)
      %dma_wait3A_182 = arith.constant 0 : i32
      %dma_wait3A_183 = tpu.memref_slice %arg13[%add3A_120, %dma_wait3A_182] : memref<10240x128xf32, #tpu.memory_space<vmem_shared>> -> memref<32x128xf32, #tpu.memory_space<vmem_shared>>
      %dma_wait3A_184 = arith.constant 0 : i32
      %dma_wait3A_185 = tpu.memref_slice %arg13[%add3A_120, %dma_wait3A_184] : memref<10240x128xf32, #tpu.memory_space<vmem_shared>> -> memref<32x128xf32, #tpu.memory_space<vmem_shared>>
      tpu.wait_dma2 semaphore(%run_scoped3A_177 : memref<!tpu.dma_semaphore, #tpu.memory_space<semaphore_mem>>) src(%arg12 : memref<32x128xf32, #tpu.memory_space<vmem>>) dst(%dma_wait3A_185 : memref<32x128xf32, #tpu.memory_space<vmem_shared>>)
      tpu.yield
    }) : () -> ()
    %add3A_121 = arith.constant 480 : i32
    %add3A_122 = arith.addi %mul3A_2, %add3A_121 : i32
    "tpu.region"() ({
      %run_scoped3A_177 = tpu.sem_alloc : memref<!tpu.dma_semaphore, #tpu.memory_space<semaphore_mem>>
      %dma_start3A_178 = arith.constant 0 : i32
      %dma_start3A_179 = tpu.memref_slice %arg13[%add3A_122, %dma_start3A_178] : memref<10240x128xf32, #tpu.memory_space<vmem_shared>> -> memref<32x128xf32, #tpu.memory_space<vmem_shared>>
      %dma_start3A_180 = arith.constant 0 : i32
      %dma_start3A_181 = tpu.memref_slice %arg13[%add3A_122, %dma_start3A_180] : memref<10240x128xf32, #tpu.memory_space<vmem_shared>> -> memref<32x128xf32, #tpu.memory_space<vmem_shared>>
      tpu.enqueue_dma source(%arg12 : memref<32x128xf32, #tpu.memory_space<vmem>>) target(%dma_start3A_181 : memref<32x128xf32, #tpu.memory_space<vmem_shared>>) target_semaphore(%run_scoped3A_177 : memref<!tpu.dma_semaphore, #tpu.memory_space<semaphore_mem>>)
      %dma_wait3A_182 = arith.constant 0 : i32
      %dma_wait3A_183 = tpu.memref_slice %arg13[%add3A_122, %dma_wait3A_182] : memref<10240x128xf32, #tpu.memory_space<vmem_shared>> -> memref<32x128xf32, #tpu.memory_space<vmem_shared>>
      %dma_wait3A_184 = arith.constant 0 : i32
      %dma_wait3A_185 = tpu.memref_slice %arg13[%add3A_122, %dma_wait3A_184] : memref<10240x128xf32, #tpu.memory_space<vmem_shared>> -> memref<32x128xf32, #tpu.memory_space<vmem_shared>>
      tpu.wait_dma2 semaphore(%run_scoped3A_177 : memref<!tpu.dma_semaphore, #tpu.memory_space<semaphore_mem>>) src(%arg12 : memref<32x128xf32, #tpu.memory_space<vmem>>) dst(%dma_wait3A_185 : memref<32x128xf32, #tpu.memory_space<vmem_shared>>)
      tpu.yield
    }) : () -> ()
    %add3A_123 = arith.constant 512 : i32
    %add3A_124 = arith.addi %mul3A_2, %add3A_123 : i32
    "tpu.region"() ({
      %run_scoped3A_177 = tpu.sem_alloc : memref<!tpu.dma_semaphore, #tpu.memory_space<semaphore_mem>>
      %dma_start3A_178 = arith.constant 0 : i32
      %dma_start3A_179 = tpu.memref_slice %arg13[%add3A_124, %dma_start3A_178] : memref<10240x128xf32, #tpu.memory_space<vmem_shared>> -> memref<32x128xf32, #tpu.memory_space<vmem_shared>>
      %dma_start3A_180 = arith.constant 0 : i32
      %dma_start3A_181 = tpu.memref_slice %arg13[%add3A_124, %dma_start3A_180] : memref<10240x128xf32, #tpu.memory_space<vmem_shared>> -> memref<32x128xf32, #tpu.memory_space<vmem_shared>>
      tpu.enqueue_dma source(%arg12 : memref<32x128xf32, #tpu.memory_space<vmem>>) target(%dma_start3A_181 : memref<32x128xf32, #tpu.memory_space<vmem_shared>>) target_semaphore(%run_scoped3A_177 : memref<!tpu.dma_semaphore, #tpu.memory_space<semaphore_mem>>)
      %dma_wait3A_182 = arith.constant 0 : i32
      %dma_wait3A_183 = tpu.memref_slice %arg13[%add3A_124, %dma_wait3A_182] : memref<10240x128xf32, #tpu.memory_space<vmem_shared>> -> memref<32x128xf32, #tpu.memory_space<vmem_shared>>
      %dma_wait3A_184 = arith.constant 0 : i32
      %dma_wait3A_185 = tpu.memref_slice %arg13[%add3A_124, %dma_wait3A_184] : memref<10240x128xf32, #tpu.memory_space<vmem_shared>> -> memref<32x128xf32, #tpu.memory_space<vmem_shared>>
      tpu.wait_dma2 semaphore(%run_scoped3A_177 : memref<!tpu.dma_semaphore, #tpu.memory_space<semaphore_mem>>) src(%arg12 : memref<32x128xf32, #tpu.memory_space<vmem>>) dst(%dma_wait3A_185 : memref<32x128xf32, #tpu.memory_space<vmem_shared>>)
      tpu.yield
    }) : () -> ()
    %add3A_125 = arith.constant 544 : i32
    %add3A_126 = arith.addi %mul3A_2, %add3A_125 : i32
    "tpu.region"() ({
      %run_scoped3A_177 = tpu.sem_alloc : memref<!tpu.dma_semaphore, #tpu.memory_space<semaphore_mem>>
      %dma_start3A_178 = arith.constant 0 : i32
      %dma_start3A_179 = tpu.memref_slice %arg13[%add3A_126, %dma_start3A_178] : memref<10240x128xf32, #tpu.memory_space<vmem_shared>> -> memref<32x128xf32, #tpu.memory_space<vmem_shared>>
      %dma_start3A_180 = arith.constant 0 : i32
      %dma_start3A_181 = tpu.memref_slice %arg13[%add3A_126, %dma_start3A_180] : memref<10240x128xf32, #tpu.memory_space<vmem_shared>> -> memref<32x128xf32, #tpu.memory_space<vmem_shared>>
      tpu.enqueue_dma source(%arg12 : memref<32x128xf32, #tpu.memory_space<vmem>>) target(%dma_start3A_181 : memref<32x128xf32, #tpu.memory_space<vmem_shared>>) target_semaphore(%run_scoped3A_177 : memref<!tpu.dma_semaphore, #tpu.memory_space<semaphore_mem>>)
      %dma_wait3A_182 = arith.constant 0 : i32
      %dma_wait3A_183 = tpu.memref_slice %arg13[%add3A_126, %dma_wait3A_182] : memref<10240x128xf32, #tpu.memory_space<vmem_shared>> -> memref<32x128xf32, #tpu.memory_space<vmem_shared>>
      %dma_wait3A_184 = arith.constant 0 : i32
      %dma_wait3A_185 = tpu.memref_slice %arg13[%add3A_126, %dma_wait3A_184] : memref<10240x128xf32, #tpu.memory_space<vmem_shared>> -> memref<32x128xf32, #tpu.memory_space<vmem_shared>>
      tpu.wait_dma2 semaphore(%run_scoped3A_177 : memref<!tpu.dma_semaphore, #tpu.memory_space<semaphore_mem>>) src(%arg12 : memref<32x128xf32, #tpu.memory_space<vmem>>) dst(%dma_wait3A_185 : memref<32x128xf32, #tpu.memory_space<vmem_shared>>)
      tpu.yield
    }) : () -> ()
    %add3A_127 = arith.constant 576 : i32
    %add3A_128 = arith.addi %mul3A_2, %add3A_127 : i32
    "tpu.region"() ({
      %run_scoped3A_177 = tpu.sem_alloc : memref<!tpu.dma_semaphore, #tpu.memory_space<semaphore_mem>>
      %dma_start3A_178 = arith.constant 0 : i32
      %dma_start3A_179 = tpu.memref_slice %arg13[%add3A_128, %dma_start3A_178] : memref<10240x128xf32, #tpu.memory_space<vmem_shared>> -> memref<32x128xf32, #tpu.memory_space<vmem_shared>>
      %dma_start3A_180 = arith.constant 0 : i32
      %dma_start3A_181 = tpu.memref_slice %arg13[%add3A_128, %dma_start3A_180] : memref<10240x128xf32, #tpu.memory_space<vmem_shared>> -> memref<32x128xf32, #tpu.memory_space<vmem_shared>>
      tpu.enqueue_dma source(%arg12 : memref<32x128xf32, #tpu.memory_space<vmem>>) target(%dma_start3A_181 : memref<32x128xf32, #tpu.memory_space<vmem_shared>>) target_semaphore(%run_scoped3A_177 : memref<!tpu.dma_semaphore, #tpu.memory_space<semaphore_mem>>)
      %dma_wait3A_182 = arith.constant 0 : i32
      %dma_wait3A_183 = tpu.memref_slice %arg13[%add3A_128, %dma_wait3A_182] : memref<10240x128xf32, #tpu.memory_space<vmem_shared>> -> memref<32x128xf32, #tpu.memory_space<vmem_shared>>
      %dma_wait3A_184 = arith.constant 0 : i32
      %dma_wait3A_185 = tpu.memref_slice %arg13[%add3A_128, %dma_wait3A_184] : memref<10240x128xf32, #tpu.memory_space<vmem_shared>> -> memref<32x128xf32, #tpu.memory_space<vmem_shared>>
      tpu.wait_dma2 semaphore(%run_scoped3A_177 : memref<!tpu.dma_semaphore, #tpu.memory_space<semaphore_mem>>) src(%arg12 : memref<32x128xf32, #tpu.memory_space<vmem>>) dst(%dma_wait3A_185 : memref<32x128xf32, #tpu.memory_space<vmem_shared>>)
      tpu.yield
    }) : () -> ()
    %add3A_129 = arith.constant 608 : i32
    %add3A_130 = arith.addi %mul3A_2, %add3A_129 : i32
    "tpu.region"() ({
      %run_scoped3A_177 = tpu.sem_alloc : memref<!tpu.dma_semaphore, #tpu.memory_space<semaphore_mem>>
      %dma_start3A_178 = arith.constant 0 : i32
      %dma_start3A_179 = tpu.memref_slice %arg13[%add3A_130, %dma_start3A_178] : memref<10240x128xf32, #tpu.memory_space<vmem_shared>> -> memref<32x128xf32, #tpu.memory_space<vmem_shared>>
      %dma_start3A_180 = arith.constant 0 : i32
      %dma_start3A_181 = tpu.memref_slice %arg13[%add3A_130, %dma_start3A_180] : memref<10240x128xf32, #tpu.memory_space<vmem_shared>> -> memref<32x128xf32, #tpu.memory_space<vmem_shared>>
      tpu.enqueue_dma source(%arg12 : memref<32x128xf32, #tpu.memory_space<vmem>>) target(%dma_start3A_181 : memref<32x128xf32, #tpu.memory_space<vmem_shared>>) target_semaphore(%run_scoped3A_177 : memref<!tpu.dma_semaphore, #tpu.memory_space<semaphore_mem>>)
      %dma_wait3A_182 = arith.constant 0 : i32
      %dma_wait3A_183 = tpu.memref_slice %arg13[%add3A_130, %dma_wait3A_182] : memref<10240x128xf32, #tpu.memory_space<vmem_shared>> -> memref<32x128xf32, #tpu.memory_space<vmem_shared>>
      %dma_wait3A_184 = arith.constant 0 : i32
      %dma_wait3A_185 = tpu.memref_slice %arg13[%add3A_130, %dma_wait3A_184] : memref<10240x128xf32, #tpu.memory_space<vmem_shared>> -> memref<32x128xf32, #tpu.memory_space<vmem_shared>>
      tpu.wait_dma2 semaphore(%run_scoped3A_177 : memref<!tpu.dma_semaphore, #tpu.memory_space<semaphore_mem>>) src(%arg12 : memref<32x128xf32, #tpu.memory_space<vmem>>) dst(%dma_wait3A_185 : memref<32x128xf32, #tpu.memory_space<vmem_shared>>)
      tpu.yield
    }) : () -> ()
    %barrier3A = arith.constant 0 : index
    tpu.barrier barrier_id(%barrier3A)
    %scan3A_131 = arith.constant 0 : i32
    %scan3A_132 = arith.constant 0 : i32
    %scan3A_133 = arith.constant 10 : i32
    %scan3A_134 = arith.addi %scan3A_132, %scan3A_133 : i32
    %scan3A_135 = arith.constant 1 : i32
    scf.for %scan3A_177 = %scan3A_132 to %scan3A_134 step %scan3A_135  : i32 {
      %scan3A_178 = arith.constant 0 : i32
      %scan3A_179 = arith.constant 0 : i32
      %scan3A_180 = arith.constant 5 : i32
      %scan3A_181 = arith.addi %scan3A_179, %scan3A_180 : i32
      %scan3A_182 = arith.constant 1 : i32
      scf.for %scan3A_184 = %scan3A_179 to %scan3A_181 step %scan3A_182  : i32 {
        %jit3A = arith.constant 2 : i32
        %eq3A = arith.constant 0 : i32
        %eq3A_185 = arith.cmpi eq, %jit3A, %eq3A : i32
        %jit3A_186 = arith.constant 1 : i32
        %select_n3A = arith.select %eq3A_185, %jit3A_186, %jit3A : i32
        %rem3A = arith.remsi %scan3A_177, %select_n3A : i32
        %ne3A = arith.constant 0 : i32
        %ne3A_187 = arith.cmpi ne, %rem3A, %ne3A : i32
        %lt3A = arith.constant 0 : i32
        %lt3A_188 = arith.cmpi slt, %rem3A, %lt3A : i32
        %lt3A_189 = arith.constant 0 : i32
        %lt3A_190 = arith.cmpi slt, %select_n3A, %lt3A_189 : i32
        %ne3A_191 = arith.xori %lt3A_188, %lt3A_190 : i1
        %and3A = arith.andi %ne3A_191, %ne3A_187 : i1
        %add3A_192 = arith.addi %rem3A, %select_n3A : i32
        %select_n3A_193 = arith.select %and3A, %add3A_192, %rem3A : i32
        %sub3A = arith.constant 1 : i32
        %sub3A_194 = arith.subi %sub3A, %select_n3A_193 : i32
        %eq3A_195 = arith.constant 9 : i32
        %eq3A_196 = arith.cmpi eq, %scan3A_177, %eq3A_195 : i32
        %eq3A_197 = arith.constant 1 : i32
        %eq3A_198 = arith.cmpi eq, %scan3A_184, %eq3A_197 : i32
        %not3A = arith.constant true
        %not3A_199 = arith.xori %eq3A_196, %not3A : i1
        %and3A_200 = arith.andi %eq3A_198, %not3A_199 : i1
        %convert_element_type3A = arith.extui %and3A_200 : i1 to i32
        %cond3A = arith.constant 0 : i32
        %cond3A_201 = arith.cmpi ne, %convert_element_type3A, %cond3A : i32
        scf.if %cond3A_201 {
          %add3A_366 = arith.constant 1 : i32
          %add3A_367 = arith.addi %scan3A_177, %add3A_366 : i32
          %dma_start3A_368 = arith.constant 0 : i32
          %dma_start3A_369 = arith.constant 0 : i32
          %dma_start3A_370 = arith.constant 0 : i32
          %dma_start3A_371 = tpu.memref_slice %arg5[%sub3A_194, %dma_start3A_369, %dma_start3A_370] : memref<2x25x40xi32, #tpu.memory_space<vmem>> -> memref<1x25x40xi32, #tpu.memory_space<vmem>>
          %dma_start3A_372 = tpu.memref_squeeze %dma_start3A_371 : memref<1x25x40xi32, #tpu.memory_space<vmem>> -> memref<25x40xi32, #tpu.memory_space<vmem>>
          %dma_start3A_373 = arith.constant 0 : i32
          %dma_start3A_374 = arith.constant 0 : i32
          %dma_start3A_375 = tpu.memref_slice %arg3[%dma_start3A_368, %add3A, %add3A_367, %dma_start3A_373, %dma_start3A_374] : memref<2x32x10x25x40xi32, #tpu.memory_space<hbm>> -> memref<1x1x1x25x40xi32, #tpu.memory_space<hbm>>
          %dma_start3A_376 = tpu.memref_squeeze %dma_start3A_375 : memref<1x1x1x25x40xi32, #tpu.memory_space<hbm>> -> memref<25x40xi32, #tpu.memory_space<hbm>>
          %dma_start3A_377 = arith.constant 0 : i32
          %dma_start3A_378 = arith.constant 0 : i32
          %dma_start3A_379 = tpu.memref_slice %arg5[%sub3A_194, %dma_start3A_377, %dma_start3A_378] : memref<2x25x40xi32, #tpu.memory_space<vmem>> -> memref<1x25x40xi32, #tpu.memory_space<vmem>>
          %dma_start3A_380 = tpu.memref_squeeze %dma_start3A_379 : memref<1x25x40xi32, #tpu.memory_space<vmem>> -> memref<25x40xi32, #tpu.memory_space<vmem>>
          %dma_start3A_381 = arith.constant 0 : i32
          %dma_start3A_382 = arith.constant 0 : i32
          %dma_start3A_383 = tpu.memref_slice %arg3[%dma_start3A_368, %add3A, %add3A_367, %dma_start3A_381, %dma_start3A_382] : memref<2x32x10x25x40xi32, #tpu.memory_space<hbm>> -> memref<1x1x1x25x40xi32, #tpu.memory_space<hbm>>
          %dma_start3A_384 = tpu.memref_squeeze %dma_start3A_383 : memref<1x1x1x25x40xi32, #tpu.memory_space<hbm>> -> memref<25x40xi32, #tpu.memory_space<hbm>>
          tpu.enqueue_dma source(%dma_start3A_384 : memref<25x40xi32, #tpu.memory_space<hbm>>) target(%dma_start3A_380 : memref<25x40xi32, #tpu.memory_space<vmem>>) target_semaphore(%arg24 : memref<!tpu.dma_semaphore, #tpu.memory_space<semaphore_mem>>)
          %add3A_385 = arith.constant 1 : i32
          %add3A_386 = arith.addi %scan3A_177, %add3A_385 : i32
          %dma_start3A_387 = arith.constant 1 : i32
          %dma_start3A_388 = arith.constant 0 : i32
          %dma_start3A_389 = arith.constant 0 : i32
          %dma_start3A_390 = tpu.memref_slice %arg6[%sub3A_194, %dma_start3A_388, %dma_start3A_389] : memref<2x25x40xi32, #tpu.memory_space<vmem>> -> memref<1x25x40xi32, #tpu.memory_space<vmem>>
          %dma_start3A_391 = tpu.memref_squeeze %dma_start3A_390 : memref<1x25x40xi32, #tpu.memory_space<vmem>> -> memref<25x40xi32, #tpu.memory_space<vmem>>
          %dma_start3A_392 = arith.constant 0 : i32
          %dma_start3A_393 = arith.constant 0 : i32
          %dma_start3A_394 = tpu.memref_slice %arg3[%dma_start3A_387, %add3A, %add3A_386, %dma_start3A_392, %dma_start3A_393] : memref<2x32x10x25x40xi32, #tpu.memory_space<hbm>> -> memref<1x1x1x25x40xi32, #tpu.memory_space<hbm>>
          %dma_start3A_395 = tpu.memref_squeeze %dma_start3A_394 : memref<1x1x1x25x40xi32, #tpu.memory_space<hbm>> -> memref<25x40xi32, #tpu.memory_space<hbm>>
          %dma_start3A_396 = arith.constant 0 : i32
          %dma_start3A_397 = arith.constant 0 : i32
          %dma_start3A_398 = tpu.memref_slice %arg6[%sub3A_194, %dma_start3A_396, %dma_start3A_397] : memref<2x25x40xi32, #tpu.memory_space<vmem>> -> memref<1x25x40xi32, #tpu.memory_space<vmem>>
          %dma_start3A_399 = tpu.memref_squeeze %dma_start3A_398 : memref<1x25x40xi32, #tpu.memory_space<vmem>> -> memref<25x40xi32, #tpu.memory_space<vmem>>
          %dma_start3A_400 = arith.constant 0 : i32
          %dma_start3A_401 = arith.constant 0 : i32
          %dma_start3A_402 = tpu.memref_slice %arg3[%dma_start3A_387, %add3A, %add3A_386, %dma_start3A_400, %dma_start3A_401] : memref<2x32x10x25x40xi32, #tpu.memory_space<hbm>> -> memref<1x1x1x25x40xi32, #tpu.memory_space<hbm>>
          %dma_start3A_403 = tpu.memref_squeeze %dma_start3A_402 : memref<1x1x1x25x40xi32, #tpu.memory_space<hbm>> -> memref<25x40xi32, #tpu.memory_space<hbm>>
          tpu.enqueue_dma source(%dma_start3A_403 : memref<25x40xi32, #tpu.memory_space<hbm>>) target(%dma_start3A_399 : memref<25x40xi32, #tpu.memory_space<vmem>>) target_semaphore(%arg24 : memref<!tpu.dma_semaphore, #tpu.memory_space<semaphore_mem>>)
        } else {
        }
        %eq3A_202 = arith.constant 4 : i32
        %eq3A_203 = arith.cmpi eq, %scan3A_184, %eq3A_202 : i32
        %not3A_204 = arith.constant true
        %not3A_205 = arith.xori %eq3A_196, %not3A_204 : i1
        %and3A_206 = arith.andi %eq3A_203, %not3A_205 : i1
        %convert_element_type3A_207 = arith.extui %and3A_206 : i1 to i32
        %cond3A_208 = arith.constant 0 : i32
        %cond3A_209 = arith.cmpi ne, %convert_element_type3A_207, %cond3A_208 : i32
        scf.if %cond3A_209 {
          %add3A_366 = arith.constant 1 : i32
          %add3A_367 = arith.addi %scan3A_177, %add3A_366 : i32
          %dma_wait3A_368 = arith.constant 0 : i32
          %dma_wait3A_369 = arith.constant 0 : i32
          %dma_wait3A_370 = arith.constant 0 : i32
          %dma_wait3A_371 = tpu.memref_slice %arg5[%sub3A_194, %dma_wait3A_369, %dma_wait3A_370] : memref<2x25x40xi32, #tpu.memory_space<vmem>> -> memref<1x25x40xi32, #tpu.memory_space<vmem>>
          %dma_wait3A_372 = tpu.memref_squeeze %dma_wait3A_371 : memref<1x25x40xi32, #tpu.memory_space<vmem>> -> memref<25x40xi32, #tpu.memory_space<vmem>>
          %dma_wait3A_373 = arith.constant 0 : i32
          %dma_wait3A_374 = arith.constant 0 : i32
          %dma_wait3A_375 = tpu.memref_slice %arg3[%dma_wait3A_368, %add3A, %add3A_367, %dma_wait3A_373, %dma_wait3A_374] : memref<2x32x10x25x40xi32, #tpu.memory_space<hbm>> -> memref<1x1x1x25x40xi32, #tpu.memory_space<hbm>>
          %dma_wait3A_376 = tpu.memref_squeeze %dma_wait3A_375 : memref<1x1x1x25x40xi32, #tpu.memory_space<hbm>> -> memref<25x40xi32, #tpu.memory_space<hbm>>
          %dma_wait3A_377 = arith.constant 0 : i32
          %dma_wait3A_378 = arith.constant 0 : i32
          %dma_wait3A_379 = tpu.memref_slice %arg5[%sub3A_194, %dma_wait3A_377, %dma_wait3A_378] : memref<2x25x40xi32, #tpu.memory_space<vmem>> -> memref<1x25x40xi32, #tpu.memory_space<vmem>>
          %dma_wait3A_380 = tpu.memref_squeeze %dma_wait3A_379 : memref<1x25x40xi32, #tpu.memory_space<vmem>> -> memref<25x40xi32, #tpu.memory_space<vmem>>
          %dma_wait3A_381 = arith.constant 0 : i32
          %dma_wait3A_382 = arith.constant 0 : i32
          %dma_wait3A_383 = tpu.memref_slice %arg3[%dma_wait3A_368, %add3A, %add3A_367, %dma_wait3A_381, %dma_wait3A_382] : memref<2x32x10x25x40xi32, #tpu.memory_space<hbm>> -> memref<1x1x1x25x40xi32, #tpu.memory_space<hbm>>
          %dma_wait3A_384 = tpu.memref_squeeze %dma_wait3A_383 : memref<1x1x1x25x40xi32, #tpu.memory_space<hbm>> -> memref<25x40xi32, #tpu.memory_space<hbm>>
          tpu.wait_dma2 semaphore(%arg24 : memref<!tpu.dma_semaphore, #tpu.memory_space<semaphore_mem>>) src(%dma_wait3A_384 : memref<25x40xi32, #tpu.memory_space<hbm>>) dst(%dma_wait3A_380 : memref<25x40xi32, #tpu.memory_space<vmem>>)
          %add3A_385 = arith.constant 1 : i32
          %add3A_386 = arith.addi %scan3A_177, %add3A_385 : i32
          %dma_wait3A_387 = arith.constant 1 : i32
          %dma_wait3A_388 = arith.constant 0 : i32
          %dma_wait3A_389 = arith.constant 0 : i32
          %dma_wait3A_390 = tpu.memref_slice %arg6[%sub3A_194, %dma_wait3A_388, %dma_wait3A_389] : memref<2x25x40xi32, #tpu.memory_space<vmem>> -> memref<1x25x40xi32, #tpu.memory_space<vmem>>
          %dma_wait3A_391 = tpu.memref_squeeze %dma_wait3A_390 : memref<1x25x40xi32, #tpu.memory_space<vmem>> -> memref<25x40xi32, #tpu.memory_space<vmem>>
          %dma_wait3A_392 = arith.constant 0 : i32
          %dma_wait3A_393 = arith.constant 0 : i32
          %dma_wait3A_394 = tpu.memref_slice %arg3[%dma_wait3A_387, %add3A, %add3A_386, %dma_wait3A_392, %dma_wait3A_393] : memref<2x32x10x25x40xi32, #tpu.memory_space<hbm>> -> memref<1x1x1x25x40xi32, #tpu.memory_space<hbm>>
          %dma_wait3A_395 = tpu.memref_squeeze %dma_wait3A_394 : memref<1x1x1x25x40xi32, #tpu.memory_space<hbm>> -> memref<25x40xi32, #tpu.memory_space<hbm>>
          %dma_wait3A_396 = arith.constant 0 : i32
          %dma_wait3A_397 = arith.constant 0 : i32
          %dma_wait3A_398 = tpu.memref_slice %arg6[%sub3A_194, %dma_wait3A_396, %dma_wait3A_397] : memref<2x25x40xi32, #tpu.memory_space<vmem>> -> memref<1x25x40xi32, #tpu.memory_space<vmem>>
          %dma_wait3A_399 = tpu.memref_squeeze %dma_wait3A_398 : memref<1x25x40xi32, #tpu.memory_space<vmem>> -> memref<25x40xi32, #tpu.memory_space<vmem>>
          %dma_wait3A_400 = arith.constant 0 : i32
          %dma_wait3A_401 = arith.constant 0 : i32
          %dma_wait3A_402 = tpu.memref_slice %arg3[%dma_wait3A_387, %add3A, %add3A_386, %dma_wait3A_400, %dma_wait3A_401] : memref<2x32x10x25x40xi32, #tpu.memory_space<hbm>> -> memref<1x1x1x25x40xi32, #tpu.memory_space<hbm>>
          %dma_wait3A_403 = tpu.memref_squeeze %dma_wait3A_402 : memref<1x1x1x25x40xi32, #tpu.memory_space<hbm>> -> memref<25x40xi32, #tpu.memory_space<hbm>>
          tpu.wait_dma2 semaphore(%arg24 : memref<!tpu.dma_semaphore, #tpu.memory_space<semaphore_mem>>) src(%dma_wait3A_403 : memref<25x40xi32, #tpu.memory_space<hbm>>) dst(%dma_wait3A_399 : memref<25x40xi32, #tpu.memory_space<vmem>>)
        } else {
        }
        %mul3A_210 = arith.constant 5 : i32
        %mul3A_211 = arith.muli %scan3A_184, %mul3A_210 : i32
        %add3A_212 = arith.constant 0 : i32
        %add3A_213 = arith.addi %mul3A_211, %add3A_212 : i32
        %dma_wait3A_214 = arith.constant 0 : i32
        %dma_wait3A_215 = tpu.memref_slice %arg5[%select_n3A_193, %add3A_213, %dma_wait3A_214] : memref<2x25x40xi32, #tpu.memory_space<vmem>> -> memref<1x1x40xi32, #tpu.memory_space<vmem>>
        %dma_wait3A_216 = tpu.memref_squeeze %dma_wait3A_215 : memref<1x1x40xi32, #tpu.memory_space<vmem>> -> memref<40xi32, #tpu.memory_space<vmem>>
        %dma_wait3A_217 = arith.constant 0 : i32
        %dma_wait3A_218 = arith.constant 0 : i32
        %dma_wait3A_219 = tpu.memref_slice %arg2[%dma_wait3A_217, %dma_wait3A_218] : memref<10000x128xf32, #tpu.memory_space<hbm>> -> memref<10000x128xf32, #tpu.memory_space<hbm>>
        tpu.wait_indirect_dma semaphore(%arg14 : memref<!tpu.dma_semaphore, #tpu.memory_space<semaphore_mem>>) src(%dma_wait3A_219 : memref<10000x128xf32, #tpu.memory_space<hbm>>) dst(%arg7 : memref<40x128xf32, #tpu.memory_space<vmem>>)
        %dma_start3A_220 = arith.constant 0 : i32
        %dma_start3A_221 = tpu.memref_slice %arg6[%select_n3A_193, %add3A_213, %dma_start3A_220] : memref<2x25x40xi32, #tpu.memory_space<vmem>> -> memref<1x1x40xi32, #tpu.memory_space<vmem>>
        %dma_start3A_222 = tpu.memref_squeeze %dma_start3A_221 : memref<1x1x40xi32, #tpu.memory_space<vmem>> -> memref<40xi32, #tpu.memory_space<vmem>>
        %dma_start3A_223 = arith.constant 0 : i32
        %dma_start3A_224 = arith.constant 0 : i32
        %dma_start3A_225 = tpu.memref_slice %arg13[%dma_start3A_223, %dma_start3A_224] : memref<10240x128xf32, #tpu.memory_space<vmem_shared>> -> memref<10240x128xf32, #tpu.memory_space<vmem_shared>>
        tpu.enqueue_indirect_dma source(%arg7 : memref<40x128xf32, #tpu.memory_space<vmem>>) target(%dma_start3A_225 : memref<10240x128xf32, #tpu.memory_space<vmem_shared>>) offsets(%dma_start3A_222 : memref<40xi32, #tpu.memory_space<vmem>>) semaphore(%arg19 : memref<!tpu.dma_semaphore, #tpu.memory_space<semaphore_mem>>) {add = true}
        %mul3A_226 = arith.constant 5 : i32
        %mul3A_227 = arith.muli %scan3A_184, %mul3A_226 : i32
        %add3A_228 = arith.constant 1 : i32
        %add3A_229 = arith.addi %mul3A_227, %add3A_228 : i32
        %dma_wait3A_230 = arith.constant 0 : i32
        %dma_wait3A_231 = tpu.memref_slice %arg5[%select_n3A_193, %add3A_229, %dma_wait3A_230] : memref<2x25x40xi32, #tpu.memory_space<vmem>> -> memref<1x1x40xi32, #tpu.memory_space<vmem>>
        %dma_wait3A_232 = tpu.memref_squeeze %dma_wait3A_231 : memref<1x1x40xi32, #tpu.memory_space<vmem>> -> memref<40xi32, #tpu.memory_space<vmem>>
        %dma_wait3A_233 = arith.constant 0 : i32
        %dma_wait3A_234 = arith.constant 0 : i32
        %dma_wait3A_235 = tpu.memref_slice %arg2[%dma_wait3A_233, %dma_wait3A_234] : memref<10000x128xf32, #tpu.memory_space<hbm>> -> memref<10000x128xf32, #tpu.memory_space<hbm>>
        tpu.wait_indirect_dma semaphore(%arg15 : memref<!tpu.dma_semaphore, #tpu.memory_space<semaphore_mem>>) src(%dma_wait3A_235 : memref<10000x128xf32, #tpu.memory_space<hbm>>) dst(%arg8 : memref<40x128xf32, #tpu.memory_space<vmem>>)
        %dma_start3A_236 = arith.constant 0 : i32
        %dma_start3A_237 = tpu.memref_slice %arg6[%select_n3A_193, %add3A_229, %dma_start3A_236] : memref<2x25x40xi32, #tpu.memory_space<vmem>> -> memref<1x1x40xi32, #tpu.memory_space<vmem>>
        %dma_start3A_238 = tpu.memref_squeeze %dma_start3A_237 : memref<1x1x40xi32, #tpu.memory_space<vmem>> -> memref<40xi32, #tpu.memory_space<vmem>>
        %dma_start3A_239 = arith.constant 0 : i32
        %dma_start3A_240 = arith.constant 0 : i32
        %dma_start3A_241 = tpu.memref_slice %arg13[%dma_start3A_239, %dma_start3A_240] : memref<10240x128xf32, #tpu.memory_space<vmem_shared>> -> memref<10240x128xf32, #tpu.memory_space<vmem_shared>>
        tpu.enqueue_indirect_dma source(%arg8 : memref<40x128xf32, #tpu.memory_space<vmem>>) target(%dma_start3A_241 : memref<10240x128xf32, #tpu.memory_space<vmem_shared>>) offsets(%dma_start3A_238 : memref<40xi32, #tpu.memory_space<vmem>>) semaphore(%arg20 : memref<!tpu.dma_semaphore, #tpu.memory_space<semaphore_mem>>) {add = true}
        %mul3A_242 = arith.constant 5 : i32
        %mul3A_243 = arith.muli %scan3A_184, %mul3A_242 : i32
        %add3A_244 = arith.constant 2 : i32
        %add3A_245 = arith.addi %mul3A_243, %add3A_244 : i32
        %dma_wait3A_246 = arith.constant 0 : i32
        %dma_wait3A_247 = tpu.memref_slice %arg5[%select_n3A_193, %add3A_245, %dma_wait3A_246] : memref<2x25x40xi32, #tpu.memory_space<vmem>> -> memref<1x1x40xi32, #tpu.memory_space<vmem>>
        %dma_wait3A_248 = tpu.memref_squeeze %dma_wait3A_247 : memref<1x1x40xi32, #tpu.memory_space<vmem>> -> memref<40xi32, #tpu.memory_space<vmem>>
        %dma_wait3A_249 = arith.constant 0 : i32
        %dma_wait3A_250 = arith.constant 0 : i32
        %dma_wait3A_251 = tpu.memref_slice %arg2[%dma_wait3A_249, %dma_wait3A_250] : memref<10000x128xf32, #tpu.memory_space<hbm>> -> memref<10000x128xf32, #tpu.memory_space<hbm>>
        tpu.wait_indirect_dma semaphore(%arg16 : memref<!tpu.dma_semaphore, #tpu.memory_space<semaphore_mem>>) src(%dma_wait3A_251 : memref<10000x128xf32, #tpu.memory_space<hbm>>) dst(%arg9 : memref<40x128xf32, #tpu.memory_space<vmem>>)
        %dma_start3A_252 = arith.constant 0 : i32
        %dma_start3A_253 = tpu.memref_slice %arg6[%select_n3A_193, %add3A_245, %dma_start3A_252] : memref<2x25x40xi32, #tpu.memory_space<vmem>> -> memref<1x1x40xi32, #tpu.memory_space<vmem>>
        %dma_start3A_254 = tpu.memref_squeeze %dma_start3A_253 : memref<1x1x40xi32, #tpu.memory_space<vmem>> -> memref<40xi32, #tpu.memory_space<vmem>>
        %dma_start3A_255 = arith.constant 0 : i32
        %dma_start3A_256 = arith.constant 0 : i32
        %dma_start3A_257 = tpu.memref_slice %arg13[%dma_start3A_255, %dma_start3A_256] : memref<10240x128xf32, #tpu.memory_space<vmem_shared>> -> memref<10240x128xf32, #tpu.memory_space<vmem_shared>>
        tpu.enqueue_indirect_dma source(%arg9 : memref<40x128xf32, #tpu.memory_space<vmem>>) target(%dma_start3A_257 : memref<10240x128xf32, #tpu.memory_space<vmem_shared>>) offsets(%dma_start3A_254 : memref<40xi32, #tpu.memory_space<vmem>>) semaphore(%arg21 : memref<!tpu.dma_semaphore, #tpu.memory_space<semaphore_mem>>) {add = true}
        %mul3A_258 = arith.constant 5 : i32
        %mul3A_259 = arith.muli %scan3A_184, %mul3A_258 : i32
        %add3A_260 = arith.constant 3 : i32
        %add3A_261 = arith.addi %mul3A_259, %add3A_260 : i32
        %dma_wait3A_262 = arith.constant 0 : i32
        %dma_wait3A_263 = tpu.memref_slice %arg5[%select_n3A_193, %add3A_261, %dma_wait3A_262] : memref<2x25x40xi32, #tpu.memory_space<vmem>> -> memref<1x1x40xi32, #tpu.memory_space<vmem>>
        %dma_wait3A_264 = tpu.memref_squeeze %dma_wait3A_263 : memref<1x1x40xi32, #tpu.memory_space<vmem>> -> memref<40xi32, #tpu.memory_space<vmem>>
        %dma_wait3A_265 = arith.constant 0 : i32
        %dma_wait3A_266 = arith.constant 0 : i32
        %dma_wait3A_267 = tpu.memref_slice %arg2[%dma_wait3A_265, %dma_wait3A_266] : memref<10000x128xf32, #tpu.memory_space<hbm>> -> memref<10000x128xf32, #tpu.memory_space<hbm>>
        tpu.wait_indirect_dma semaphore(%arg17 : memref<!tpu.dma_semaphore, #tpu.memory_space<semaphore_mem>>) src(%dma_wait3A_267 : memref<10000x128xf32, #tpu.memory_space<hbm>>) dst(%arg10 : memref<40x128xf32, #tpu.memory_space<vmem>>)
        %dma_start3A_268 = arith.constant 0 : i32
        %dma_start3A_269 = tpu.memref_slice %arg6[%select_n3A_193, %add3A_261, %dma_start3A_268] : memref<2x25x40xi32, #tpu.memory_space<vmem>> -> memref<1x1x40xi32, #tpu.memory_space<vmem>>
        %dma_start3A_270 = tpu.memref_squeeze %dma_start3A_269 : memref<1x1x40xi32, #tpu.memory_space<vmem>> -> memref<40xi32, #tpu.memory_space<vmem>>
        %dma_start3A_271 = arith.constant 0 : i32
        %dma_start3A_272 = arith.constant 0 : i32
        %dma_start3A_273 = tpu.memref_slice %arg13[%dma_start3A_271, %dma_start3A_272] : memref<10240x128xf32, #tpu.memory_space<vmem_shared>> -> memref<10240x128xf32, #tpu.memory_space<vmem_shared>>
        tpu.enqueue_indirect_dma source(%arg10 : memref<40x128xf32, #tpu.memory_space<vmem>>) target(%dma_start3A_273 : memref<10240x128xf32, #tpu.memory_space<vmem_shared>>) offsets(%dma_start3A_270 : memref<40xi32, #tpu.memory_space<vmem>>) semaphore(%arg22 : memref<!tpu.dma_semaphore, #tpu.memory_space<semaphore_mem>>) {add = true}
        %mul3A_274 = arith.constant 5 : i32
        %mul3A_275 = arith.muli %scan3A_184, %mul3A_274 : i32
        %add3A_276 = arith.constant 4 : i32
        %add3A_277 = arith.addi %mul3A_275, %add3A_276 : i32
        %dma_wait3A_278 = arith.constant 0 : i32
        %dma_wait3A_279 = tpu.memref_slice %arg5[%select_n3A_193, %add3A_277, %dma_wait3A_278] : memref<2x25x40xi32, #tpu.memory_space<vmem>> -> memref<1x1x40xi32, #tpu.memory_space<vmem>>
        %dma_wait3A_280 = tpu.memref_squeeze %dma_wait3A_279 : memref<1x1x40xi32, #tpu.memory_space<vmem>> -> memref<40xi32, #tpu.memory_space<vmem>>
        %dma_wait3A_281 = arith.constant 0 : i32
        %dma_wait3A_282 = arith.constant 0 : i32
        %dma_wait3A_283 = tpu.memref_slice %arg2[%dma_wait3A_281, %dma_wait3A_282] : memref<10000x128xf32, #tpu.memory_space<hbm>> -> memref<10000x128xf32, #tpu.memory_space<hbm>>
        tpu.wait_indirect_dma semaphore(%arg18 : memref<!tpu.dma_semaphore, #tpu.memory_space<semaphore_mem>>) src(%dma_wait3A_283 : memref<10000x128xf32, #tpu.memory_space<hbm>>) dst(%arg11 : memref<40x128xf32, #tpu.memory_space<vmem>>)
        %dma_start3A_284 = arith.constant 0 : i32
        %dma_start3A_285 = tpu.memref_slice %arg6[%select_n3A_193, %add3A_277, %dma_start3A_284] : memref<2x25x40xi32, #tpu.memory_space<vmem>> -> memref<1x1x40xi32, #tpu.memory_space<vmem>>
        %dma_start3A_286 = tpu.memref_squeeze %dma_start3A_285 : memref<1x1x40xi32, #tpu.memory_space<vmem>> -> memref<40xi32, #tpu.memory_space<vmem>>
        %dma_start3A_287 = arith.constant 0 : i32
        %dma_start3A_288 = arith.constant 0 : i32
        %dma_start3A_289 = tpu.memref_slice %arg13[%dma_start3A_287, %dma_start3A_288] : memref<10240x128xf32, #tpu.memory_space<vmem_shared>> -> memref<10240x128xf32, #tpu.memory_space<vmem_shared>>
        tpu.enqueue_indirect_dma source(%arg11 : memref<40x128xf32, #tpu.memory_space<vmem>>) target(%dma_start3A_289 : memref<10240x128xf32, #tpu.memory_space<vmem_shared>>) offsets(%dma_start3A_286 : memref<40xi32, #tpu.memory_space<vmem>>) semaphore(%arg23 : memref<!tpu.dma_semaphore, #tpu.memory_space<semaphore_mem>>) {add = true}
        %lt3A_290 = arith.constant 4 : i32
        %lt3A_291 = arith.cmpi slt, %scan3A_184, %lt3A_290 : i32
        %eq3A_292 = arith.constant 4 : i32
        %eq3A_293 = arith.cmpi eq, %scan3A_184, %eq3A_292 : i32
        %not3A_294 = arith.constant true
        %not3A_295 = arith.xori %eq3A_196, %not3A_294 : i1
        %and3A_296 = arith.andi %eq3A_293, %not3A_295 : i1
        %mul3A_297 = arith.constant 5 : i32
        %mul3A_298 = arith.muli %scan3A_184, %mul3A_297 : i32
        %add3A_299 = arith.constant 0 : i32
        %add3A_300 = arith.addi %mul3A_298, %add3A_299 : i32
        %or3A = arith.ori %lt3A_291, %and3A_296 : i1
        %convert_element_type3A_301 = arith.extui %or3A : i1 to i32
        %cond3A_302 = arith.constant 0 : i32
        %cond3A_303 = arith.cmpi ne, %convert_element_type3A_301, %cond3A_302 : i32
        scf.if %cond3A_303 {
          %dma_wait3A_366 = arith.constant 0 : i32
          %dma_wait3A_367 = tpu.memref_slice %arg6[%select_n3A_193, %add3A_300, %dma_wait3A_366] : memref<2x25x40xi32, #tpu.memory_space<vmem>> -> memref<1x1x40xi32, #tpu.memory_space<vmem>>
          %dma_wait3A_368 = tpu.memref_squeeze %dma_wait3A_367 : memref<1x1x40xi32, #tpu.memory_space<vmem>> -> memref<40xi32, #tpu.memory_space<vmem>>
          %dma_wait3A_369 = arith.constant 0 : i32
          %dma_wait3A_370 = arith.constant 0 : i32
          %dma_wait3A_371 = tpu.memref_slice %arg13[%dma_wait3A_369, %dma_wait3A_370] : memref<10240x128xf32, #tpu.memory_space<vmem_shared>> -> memref<10240x128xf32, #tpu.memory_space<vmem_shared>>
          tpu.wait_indirect_dma semaphore(%arg19 : memref<!tpu.dma_semaphore, #tpu.memory_space<semaphore_mem>>) src(%arg7 : memref<40x128xf32, #tpu.memory_space<vmem>>) dst(%dma_wait3A_371 : memref<10240x128xf32, #tpu.memory_space<vmem_shared>>)
        } else {
        }
        %convert_element_type3A_304 = arith.extui %lt3A_291 : i1 to i32
        %cond3A_305 = arith.constant 0 : i32
        %cond3A_306 = arith.cmpi ne, %convert_element_type3A_304, %cond3A_305 : i32
        scf.if %cond3A_306 {
          %add3A_366 = arith.constant 1 : i32
          %add3A_367 = arith.addi %scan3A_184, %add3A_366 : i32
          %mul3A_368 = arith.constant 5 : i32
          %mul3A_369 = arith.muli %add3A_367, %mul3A_368 : i32
          %add3A_370 = arith.constant 0 : i32
          %add3A_371 = arith.addi %mul3A_369, %add3A_370 : i32
          %dma_start3A_372 = arith.constant 0 : i32
          %dma_start3A_373 = tpu.memref_slice %arg5[%select_n3A_193, %add3A_371, %dma_start3A_372] : memref<2x25x40xi32, #tpu.memory_space<vmem>> -> memref<1x1x40xi32, #tpu.memory_space<vmem>>
          %dma_start3A_374 = tpu.memref_squeeze %dma_start3A_373 : memref<1x1x40xi32, #tpu.memory_space<vmem>> -> memref<40xi32, #tpu.memory_space<vmem>>
          %dma_start3A_375 = arith.constant 0 : i32
          %dma_start3A_376 = arith.constant 0 : i32
          %dma_start3A_377 = tpu.memref_slice %arg2[%dma_start3A_375, %dma_start3A_376] : memref<10000x128xf32, #tpu.memory_space<hbm>> -> memref<10000x128xf32, #tpu.memory_space<hbm>>
          tpu.enqueue_indirect_dma source(%dma_start3A_377 : memref<10000x128xf32, #tpu.memory_space<hbm>>) target(%arg7 : memref<40x128xf32, #tpu.memory_space<vmem>>) offsets(%dma_start3A_374 : memref<40xi32, #tpu.memory_space<vmem>>) semaphore(%arg14 : memref<!tpu.dma_semaphore, #tpu.memory_space<semaphore_mem>>)
        } else {
        }
        %convert_element_type3A_307 = arith.extui %and3A_296 : i1 to i32
        %cond3A_308 = arith.constant 0 : i32
        %cond3A_309 = arith.cmpi ne, %convert_element_type3A_307, %cond3A_308 : i32
        scf.if %cond3A_309 {
          %dma_start3A_366 = arith.constant 0 : i32
          %dma_start3A_367 = arith.constant 0 : i32
          %dma_start3A_368 = tpu.memref_slice %arg5[%sub3A_194, %dma_start3A_366, %dma_start3A_367] : memref<2x25x40xi32, #tpu.memory_space<vmem>> -> memref<1x1x40xi32, #tpu.memory_space<vmem>>
          %dma_start3A_369 = tpu.memref_squeeze %dma_start3A_368 : memref<1x1x40xi32, #tpu.memory_space<vmem>> -> memref<40xi32, #tpu.memory_space<vmem>>
          %dma_start3A_370 = arith.constant 0 : i32
          %dma_start3A_371 = arith.constant 0 : i32
          %dma_start3A_372 = tpu.memref_slice %arg2[%dma_start3A_370, %dma_start3A_371] : memref<10000x128xf32, #tpu.memory_space<hbm>> -> memref<10000x128xf32, #tpu.memory_space<hbm>>
          tpu.enqueue_indirect_dma source(%dma_start3A_372 : memref<10000x128xf32, #tpu.memory_space<hbm>>) target(%arg7 : memref<40x128xf32, #tpu.memory_space<vmem>>) offsets(%dma_start3A_369 : memref<40xi32, #tpu.memory_space<vmem>>) semaphore(%arg14 : memref<!tpu.dma_semaphore, #tpu.memory_space<semaphore_mem>>)
        } else {
        }
        %mul3A_310 = arith.constant 5 : i32
        %mul3A_311 = arith.muli %scan3A_184, %mul3A_310 : i32
        %add3A_312 = arith.constant 1 : i32
        %add3A_313 = arith.addi %mul3A_311, %add3A_312 : i32
        %or3A_314 = arith.ori %lt3A_291, %and3A_296 : i1
        %convert_element_type3A_315 = arith.extui %or3A_314 : i1 to i32
        %cond3A_316 = arith.constant 0 : i32
        %cond3A_317 = arith.cmpi ne, %convert_element_type3A_315, %cond3A_316 : i32
        scf.if %cond3A_317 {
          %dma_wait3A_366 = arith.constant 0 : i32
          %dma_wait3A_367 = tpu.memref_slice %arg6[%select_n3A_193, %add3A_313, %dma_wait3A_366] : memref<2x25x40xi32, #tpu.memory_space<vmem>> -> memref<1x1x40xi32, #tpu.memory_space<vmem>>
          %dma_wait3A_368 = tpu.memref_squeeze %dma_wait3A_367 : memref<1x1x40xi32, #tpu.memory_space<vmem>> -> memref<40xi32, #tpu.memory_space<vmem>>
          %dma_wait3A_369 = arith.constant 0 : i32
          %dma_wait3A_370 = arith.constant 0 : i32
          %dma_wait3A_371 = tpu.memref_slice %arg13[%dma_wait3A_369, %dma_wait3A_370] : memref<10240x128xf32, #tpu.memory_space<vmem_shared>> -> memref<10240x128xf32, #tpu.memory_space<vmem_shared>>
          tpu.wait_indirect_dma semaphore(%arg20 : memref<!tpu.dma_semaphore, #tpu.memory_space<semaphore_mem>>) src(%arg8 : memref<40x128xf32, #tpu.memory_space<vmem>>) dst(%dma_wait3A_371 : memref<10240x128xf32, #tpu.memory_space<vmem_shared>>)
        } else {
        }
        %convert_element_type3A_318 = arith.extui %lt3A_291 : i1 to i32
        %cond3A_319 = arith.constant 0 : i32
        %cond3A_320 = arith.cmpi ne, %convert_element_type3A_318, %cond3A_319 : i32
        scf.if %cond3A_320 {
          %add3A_366 = arith.constant 1 : i32
          %add3A_367 = arith.addi %scan3A_184, %add3A_366 : i32
          %mul3A_368 = arith.constant 5 : i32
          %mul3A_369 = arith.muli %add3A_367, %mul3A_368 : i32
          %add3A_370 = arith.constant 1 : i32
          %add3A_371 = arith.addi %mul3A_369, %add3A_370 : i32
          %dma_start3A_372 = arith.constant 0 : i32
          %dma_start3A_373 = tpu.memref_slice %arg5[%select_n3A_193, %add3A_371, %dma_start3A_372] : memref<2x25x40xi32, #tpu.memory_space<vmem>> -> memref<1x1x40xi32, #tpu.memory_space<vmem>>
          %dma_start3A_374 = tpu.memref_squeeze %dma_start3A_373 : memref<1x1x40xi32, #tpu.memory_space<vmem>> -> memref<40xi32, #tpu.memory_space<vmem>>
          %dma_start3A_375 = arith.constant 0 : i32
          %dma_start3A_376 = arith.constant 0 : i32
          %dma_start3A_377 = tpu.memref_slice %arg2[%dma_start3A_375, %dma_start3A_376] : memref<10000x128xf32, #tpu.memory_space<hbm>> -> memref<10000x128xf32, #tpu.memory_space<hbm>>
          tpu.enqueue_indirect_dma source(%dma_start3A_377 : memref<10000x128xf32, #tpu.memory_space<hbm>>) target(%arg8 : memref<40x128xf32, #tpu.memory_space<vmem>>) offsets(%dma_start3A_374 : memref<40xi32, #tpu.memory_space<vmem>>) semaphore(%arg15 : memref<!tpu.dma_semaphore, #tpu.memory_space<semaphore_mem>>)
        } else {
        }
        %convert_element_type3A_321 = arith.extui %and3A_296 : i1 to i32
        %cond3A_322 = arith.constant 0 : i32
        %cond3A_323 = arith.cmpi ne, %convert_element_type3A_321, %cond3A_322 : i32
        scf.if %cond3A_323 {
          %dma_start3A_366 = arith.constant 1 : i32
          %dma_start3A_367 = arith.constant 0 : i32
          %dma_start3A_368 = tpu.memref_slice %arg5[%sub3A_194, %dma_start3A_366, %dma_start3A_367] : memref<2x25x40xi32, #tpu.memory_space<vmem>> -> memref<1x1x40xi32, #tpu.memory_space<vmem>>
          %dma_start3A_369 = tpu.memref_squeeze %dma_start3A_368 : memref<1x1x40xi32, #tpu.memory_space<vmem>> -> memref<40xi32, #tpu.memory_space<vmem>>
          %dma_start3A_370 = arith.constant 0 : i32
          %dma_start3A_371 = arith.constant 0 : i32
          %dma_start3A_372 = tpu.memref_slice %arg2[%dma_start3A_370, %dma_start3A_371] : memref<10000x128xf32, #tpu.memory_space<hbm>> -> memref<10000x128xf32, #tpu.memory_space<hbm>>
          tpu.enqueue_indirect_dma source(%dma_start3A_372 : memref<10000x128xf32, #tpu.memory_space<hbm>>) target(%arg8 : memref<40x128xf32, #tpu.memory_space<vmem>>) offsets(%dma_start3A_369 : memref<40xi32, #tpu.memory_space<vmem>>) semaphore(%arg15 : memref<!tpu.dma_semaphore, #tpu.memory_space<semaphore_mem>>)
        } else {
        }
        %mul3A_324 = arith.constant 5 : i32
        %mul3A_325 = arith.muli %scan3A_184, %mul3A_324 : i32
        %add3A_326 = arith.constant 2 : i32
        %add3A_327 = arith.addi %mul3A_325, %add3A_326 : i32
        %or3A_328 = arith.ori %lt3A_291, %and3A_296 : i1
        %convert_element_type3A_329 = arith.extui %or3A_328 : i1 to i32
        %cond3A_330 = arith.constant 0 : i32
        %cond3A_331 = arith.cmpi ne, %convert_element_type3A_329, %cond3A_330 : i32
        scf.if %cond3A_331 {
          %dma_wait3A_366 = arith.constant 0 : i32
          %dma_wait3A_367 = tpu.memref_slice %arg6[%select_n3A_193, %add3A_327, %dma_wait3A_366] : memref<2x25x40xi32, #tpu.memory_space<vmem>> -> memref<1x1x40xi32, #tpu.memory_space<vmem>>
          %dma_wait3A_368 = tpu.memref_squeeze %dma_wait3A_367 : memref<1x1x40xi32, #tpu.memory_space<vmem>> -> memref<40xi32, #tpu.memory_space<vmem>>
          %dma_wait3A_369 = arith.constant 0 : i32
          %dma_wait3A_370 = arith.constant 0 : i32
          %dma_wait3A_371 = tpu.memref_slice %arg13[%dma_wait3A_369, %dma_wait3A_370] : memref<10240x128xf32, #tpu.memory_space<vmem_shared>> -> memref<10240x128xf32, #tpu.memory_space<vmem_shared>>
          tpu.wait_indirect_dma semaphore(%arg21 : memref<!tpu.dma_semaphore, #tpu.memory_space<semaphore_mem>>) src(%arg9 : memref<40x128xf32, #tpu.memory_space<vmem>>) dst(%dma_wait3A_371 : memref<10240x128xf32, #tpu.memory_space<vmem_shared>>)
        } else {
        }
        %convert_element_type3A_332 = arith.extui %lt3A_291 : i1 to i32
        %cond3A_333 = arith.constant 0 : i32
        %cond3A_334 = arith.cmpi ne, %convert_element_type3A_332, %cond3A_333 : i32
        scf.if %cond3A_334 {
          %add3A_366 = arith.constant 1 : i32
          %add3A_367 = arith.addi %scan3A_184, %add3A_366 : i32
          %mul3A_368 = arith.constant 5 : i32
          %mul3A_369 = arith.muli %add3A_367, %mul3A_368 : i32
          %add3A_370 = arith.constant 2 : i32
          %add3A_371 = arith.addi %mul3A_369, %add3A_370 : i32
          %dma_start3A_372 = arith.constant 0 : i32
          %dma_start3A_373 = tpu.memref_slice %arg5[%select_n3A_193, %add3A_371, %dma_start3A_372] : memref<2x25x40xi32, #tpu.memory_space<vmem>> -> memref<1x1x40xi32, #tpu.memory_space<vmem>>
          %dma_start3A_374 = tpu.memref_squeeze %dma_start3A_373 : memref<1x1x40xi32, #tpu.memory_space<vmem>> -> memref<40xi32, #tpu.memory_space<vmem>>
          %dma_start3A_375 = arith.constant 0 : i32
          %dma_start3A_376 = arith.constant 0 : i32
          %dma_start3A_377 = tpu.memref_slice %arg2[%dma_start3A_375, %dma_start3A_376] : memref<10000x128xf32, #tpu.memory_space<hbm>> -> memref<10000x128xf32, #tpu.memory_space<hbm>>
          tpu.enqueue_indirect_dma source(%dma_start3A_377 : memref<10000x128xf32, #tpu.memory_space<hbm>>) target(%arg9 : memref<40x128xf32, #tpu.memory_space<vmem>>) offsets(%dma_start3A_374 : memref<40xi32, #tpu.memory_space<vmem>>) semaphore(%arg16 : memref<!tpu.dma_semaphore, #tpu.memory_space<semaphore_mem>>)
        } else {
        }
        %convert_element_type3A_335 = arith.extui %and3A_296 : i1 to i32
        %cond3A_336 = arith.constant 0 : i32
        %cond3A_337 = arith.cmpi ne, %convert_element_type3A_335, %cond3A_336 : i32
        scf.if %cond3A_337 {
          %dma_start3A_366 = arith.constant 2 : i32
          %dma_start3A_367 = arith.constant 0 : i32
          %dma_start3A_368 = tpu.memref_slice %arg5[%sub3A_194, %dma_start3A_366, %dma_start3A_367] : memref<2x25x40xi32, #tpu.memory_space<vmem>> -> memref<1x1x40xi32, #tpu.memory_space<vmem>>
          %dma_start3A_369 = tpu.memref_squeeze %dma_start3A_368 : memref<1x1x40xi32, #tpu.memory_space<vmem>> -> memref<40xi32, #tpu.memory_space<vmem>>
          %dma_start3A_370 = arith.constant 0 : i32
          %dma_start3A_371 = arith.constant 0 : i32
          %dma_start3A_372 = tpu.memref_slice %arg2[%dma_start3A_370, %dma_start3A_371] : memref<10000x128xf32, #tpu.memory_space<hbm>> -> memref<10000x128xf32, #tpu.memory_space<hbm>>
          tpu.enqueue_indirect_dma source(%dma_start3A_372 : memref<10000x128xf32, #tpu.memory_space<hbm>>) target(%arg9 : memref<40x128xf32, #tpu.memory_space<vmem>>) offsets(%dma_start3A_369 : memref<40xi32, #tpu.memory_space<vmem>>) semaphore(%arg16 : memref<!tpu.dma_semaphore, #tpu.memory_space<semaphore_mem>>)
        } else {
        }
        %mul3A_338 = arith.constant 5 : i32
        %mul3A_339 = arith.muli %scan3A_184, %mul3A_338 : i32
        %add3A_340 = arith.constant 3 : i32
        %add3A_341 = arith.addi %mul3A_339, %add3A_340 : i32
        %or3A_342 = arith.ori %lt3A_291, %and3A_296 : i1
        %convert_element_type3A_343 = arith.extui %or3A_342 : i1 to i32
        %cond3A_344 = arith.constant 0 : i32
        %cond3A_345 = arith.cmpi ne, %convert_element_type3A_343, %cond3A_344 : i32
        scf.if %cond3A_345 {
          %dma_wait3A_366 = arith.constant 0 : i32
          %dma_wait3A_367 = tpu.memref_slice %arg6[%select_n3A_193, %add3A_341, %dma_wait3A_366] : memref<2x25x40xi32, #tpu.memory_space<vmem>> -> memref<1x1x40xi32, #tpu.memory_space<vmem>>
          %dma_wait3A_368 = tpu.memref_squeeze %dma_wait3A_367 : memref<1x1x40xi32, #tpu.memory_space<vmem>> -> memref<40xi32, #tpu.memory_space<vmem>>
          %dma_wait3A_369 = arith.constant 0 : i32
          %dma_wait3A_370 = arith.constant 0 : i32
          %dma_wait3A_371 = tpu.memref_slice %arg13[%dma_wait3A_369, %dma_wait3A_370] : memref<10240x128xf32, #tpu.memory_space<vmem_shared>> -> memref<10240x128xf32, #tpu.memory_space<vmem_shared>>
          tpu.wait_indirect_dma semaphore(%arg22 : memref<!tpu.dma_semaphore, #tpu.memory_space<semaphore_mem>>) src(%arg10 : memref<40x128xf32, #tpu.memory_space<vmem>>) dst(%dma_wait3A_371 : memref<10240x128xf32, #tpu.memory_space<vmem_shared>>)
        } else {
        }
        %convert_element_type3A_346 = arith.extui %lt3A_291 : i1 to i32
        %cond3A_347 = arith.constant 0 : i32
        %cond3A_348 = arith.cmpi ne, %convert_element_type3A_346, %cond3A_347 : i32
        scf.if %cond3A_348 {
          %add3A_366 = arith.constant 1 : i32
          %add3A_367 = arith.addi %scan3A_184, %add3A_366 : i32
          %mul3A_368 = arith.constant 5 : i32
          %mul3A_369 = arith.muli %add3A_367, %mul3A_368 : i32
          %add3A_370 = arith.constant 3 : i32
          %add3A_371 = arith.addi %mul3A_369, %add3A_370 : i32
          %dma_start3A_372 = arith.constant 0 : i32
          %dma_start3A_373 = tpu.memref_slice %arg5[%select_n3A_193, %add3A_371, %dma_start3A_372] : memref<2x25x40xi32, #tpu.memory_space<vmem>> -> memref<1x1x40xi32, #tpu.memory_space<vmem>>
          %dma_start3A_374 = tpu.memref_squeeze %dma_start3A_373 : memref<1x1x40xi32, #tpu.memory_space<vmem>> -> memref<40xi32, #tpu.memory_space<vmem>>
          %dma_start3A_375 = arith.constant 0 : i32
          %dma_start3A_376 = arith.constant 0 : i32
          %dma_start3A_377 = tpu.memref_slice %arg2[%dma_start3A_375, %dma_start3A_376] : memref<10000x128xf32, #tpu.memory_space<hbm>> -> memref<10000x128xf32, #tpu.memory_space<hbm>>
          tpu.enqueue_indirect_dma source(%dma_start3A_377 : memref<10000x128xf32, #tpu.memory_space<hbm>>) target(%arg10 : memref<40x128xf32, #tpu.memory_space<vmem>>) offsets(%dma_start3A_374 : memref<40xi32, #tpu.memory_space<vmem>>) semaphore(%arg17 : memref<!tpu.dma_semaphore, #tpu.memory_space<semaphore_mem>>)
        } else {
        }
        %convert_element_type3A_349 = arith.extui %and3A_296 : i1 to i32
        %cond3A_350 = arith.constant 0 : i32
        %cond3A_351 = arith.cmpi ne, %convert_element_type3A_349, %cond3A_350 : i32
        scf.if %cond3A_351 {
          %dma_start3A_366 = arith.constant 3 : i32
          %dma_start3A_367 = arith.constant 0 : i32
          %dma_start3A_368 = tpu.memref_slice %arg5[%sub3A_194, %dma_start3A_366, %dma_start3A_367] : memref<2x25x40xi32, #tpu.memory_space<vmem>> -> memref<1x1x40xi32, #tpu.memory_space<vmem>>
          %dma_start3A_369 = tpu.memref_squeeze %dma_start3A_368 : memref<1x1x40xi32, #tpu.memory_space<vmem>> -> memref<40xi32, #tpu.memory_space<vmem>>
          %dma_start3A_370 = arith.constant 0 : i32
          %dma_start3A_371 = arith.constant 0 : i32
          %dma_start3A_372 = tpu.memref_slice %arg2[%dma_start3A_370, %dma_start3A_371] : memref<10000x128xf32, #tpu.memory_space<hbm>> -> memref<10000x128xf32, #tpu.memory_space<hbm>>
          tpu.enqueue_indirect_dma source(%dma_start3A_372 : memref<10000x128xf32, #tpu.memory_space<hbm>>) target(%arg10 : memref<40x128xf32, #tpu.memory_space<vmem>>) offsets(%dma_start3A_369 : memref<40xi32, #tpu.memory_space<vmem>>) semaphore(%arg17 : memref<!tpu.dma_semaphore, #tpu.memory_space<semaphore_mem>>)
        } else {
        }
        %mul3A_352 = arith.constant 5 : i32
        %mul3A_353 = arith.muli %scan3A_184, %mul3A_352 : i32
        %add3A_354 = arith.constant 4 : i32
        %add3A_355 = arith.addi %mul3A_353, %add3A_354 : i32
        %or3A_356 = arith.ori %lt3A_291, %and3A_296 : i1
        %convert_element_type3A_357 = arith.extui %or3A_356 : i1 to i32
        %cond3A_358 = arith.constant 0 : i32
        %cond3A_359 = arith.cmpi ne, %convert_element_type3A_357, %cond3A_358 : i32
        scf.if %cond3A_359 {
          %dma_wait3A_366 = arith.constant 0 : i32
          %dma_wait3A_367 = tpu.memref_slice %arg6[%select_n3A_193, %add3A_355, %dma_wait3A_366] : memref<2x25x40xi32, #tpu.memory_space<vmem>> -> memref<1x1x40xi32, #tpu.memory_space<vmem>>
          %dma_wait3A_368 = tpu.memref_squeeze %dma_wait3A_367 : memref<1x1x40xi32, #tpu.memory_space<vmem>> -> memref<40xi32, #tpu.memory_space<vmem>>
          %dma_wait3A_369 = arith.constant 0 : i32
          %dma_wait3A_370 = arith.constant 0 : i32
          %dma_wait3A_371 = tpu.memref_slice %arg13[%dma_wait3A_369, %dma_wait3A_370] : memref<10240x128xf32, #tpu.memory_space<vmem_shared>> -> memref<10240x128xf32, #tpu.memory_space<vmem_shared>>
          tpu.wait_indirect_dma semaphore(%arg23 : memref<!tpu.dma_semaphore, #tpu.memory_space<semaphore_mem>>) src(%arg11 : memref<40x128xf32, #tpu.memory_space<vmem>>) dst(%dma_wait3A_371 : memref<10240x128xf32, #tpu.memory_space<vmem_shared>>)
        } else {
        }
        %convert_element_type3A_360 = arith.extui %lt3A_291 : i1 to i32
        %cond3A_361 = arith.constant 0 : i32
        %cond3A_362 = arith.cmpi ne, %convert_element_type3A_360, %cond3A_361 : i32
        scf.if %cond3A_362 {
          %add3A_366 = arith.constant 1 : i32
          %add3A_367 = arith.addi %scan3A_184, %add3A_366 : i32
          %mul3A_368 = arith.constant 5 : i32
          %mul3A_369 = arith.muli %add3A_367, %mul3A_368 : i32
          %add3A_370 = arith.constant 4 : i32
          %add3A_371 = arith.addi %mul3A_369, %add3A_370 : i32
          %dma_start3A_372 = arith.constant 0 : i32
          %dma_start3A_373 = tpu.memref_slice %arg5[%select_n3A_193, %add3A_371, %dma_start3A_372] : memref<2x25x40xi32, #tpu.memory_space<vmem>> -> memref<1x1x40xi32, #tpu.memory_space<vmem>>
          %dma_start3A_374 = tpu.memref_squeeze %dma_start3A_373 : memref<1x1x40xi32, #tpu.memory_space<vmem>> -> memref<40xi32, #tpu.memory_space<vmem>>
          %dma_start3A_375 = arith.constant 0 : i32
          %dma_start3A_376 = arith.constant 0 : i32
          %dma_start3A_377 = tpu.memref_slice %arg2[%dma_start3A_375, %dma_start3A_376] : memref<10000x128xf32, #tpu.memory_space<hbm>> -> memref<10000x128xf32, #tpu.memory_space<hbm>>
          tpu.enqueue_indirect_dma source(%dma_start3A_377 : memref<10000x128xf32, #tpu.memory_space<hbm>>) target(%arg11 : memref<40x128xf32, #tpu.memory_space<vmem>>) offsets(%dma_start3A_374 : memref<40xi32, #tpu.memory_space<vmem>>) semaphore(%arg18 : memref<!tpu.dma_semaphore, #tpu.memory_space<semaphore_mem>>)
        } else {
        }
        %convert_element_type3A_363 = arith.extui %and3A_296 : i1 to i32
        %cond3A_364 = arith.constant 0 : i32
        %cond3A_365 = arith.cmpi ne, %convert_element_type3A_363, %cond3A_364 : i32
        scf.if %cond3A_365 {
          %dma_start3A_366 = arith.constant 4 : i32
          %dma_start3A_367 = arith.constant 0 : i32
          %dma_start3A_368 = tpu.memref_slice %arg5[%sub3A_194, %dma_start3A_366, %dma_start3A_367] : memref<2x25x40xi32, #tpu.memory_space<vmem>> -> memref<1x1x40xi32, #tpu.memory_space<vmem>>
          %dma_start3A_369 = tpu.memref_squeeze %dma_start3A_368 : memref<1x1x40xi32, #tpu.memory_space<vmem>> -> memref<40xi32, #tpu.memory_space<vmem>>
          %dma_start3A_370 = arith.constant 0 : i32
          %dma_start3A_371 = arith.constant 0 : i32
          %dma_start3A_372 = tpu.memref_slice %arg2[%dma_start3A_370, %dma_start3A_371] : memref<10000x128xf32, #tpu.memory_space<hbm>> -> memref<10000x128xf32, #tpu.memory_space<hbm>>
          tpu.enqueue_indirect_dma source(%dma_start3A_372 : memref<10000x128xf32, #tpu.memory_space<hbm>>) target(%arg11 : memref<40x128xf32, #tpu.memory_space<vmem>>) offsets(%dma_start3A_369 : memref<40xi32, #tpu.memory_space<vmem>>) semaphore(%arg18 : memref<!tpu.dma_semaphore, #tpu.memory_space<semaphore_mem>>)
        } else {
        }
      }
      %scan3A_183 = arith.constant 5 : i32
    }
    %scan3A_136 = arith.constant 10 : i32
    %dma_wait3A = arith.constant 1 : i32
    %dma_wait3A_137 = arith.constant 20 : i32
    %dma_wait3A_138 = arith.constant 0 : i32
    %dma_wait3A_139 = tpu.memref_slice %arg6[%dma_wait3A, %dma_wait3A_137, %dma_wait3A_138] : memref<2x25x40xi32, #tpu.memory_space<vmem>> -> memref<1x1x40xi32, #tpu.memory_space<vmem>>
    %dma_wait3A_140 = tpu.memref_squeeze %dma_wait3A_139 : memref<1x1x40xi32, #tpu.memory_space<vmem>> -> memref<40xi32, #tpu.memory_space<vmem>>
    %dma_wait3A_141 = arith.constant 0 : i32
    %dma_wait3A_142 = arith.constant 0 : i32
    %dma_wait3A_143 = tpu.memref_slice %arg13[%dma_wait3A_141, %dma_wait3A_142] : memref<10240x128xf32, #tpu.memory_space<vmem_shared>> -> memref<10240x128xf32, #tpu.memory_space<vmem_shared>>
    tpu.wait_indirect_dma semaphore(%arg19 : memref<!tpu.dma_semaphore, #tpu.memory_space<semaphore_mem>>) src(%arg7 : memref<40x128xf32, #tpu.memory_space<vmem>>) dst(%dma_wait3A_143 : memref<10240x128xf32, #tpu.memory_space<vmem_shared>>)
    %dma_wait3A_144 = arith.constant 1 : i32
    %dma_wait3A_145 = arith.constant 21 : i32
    %dma_wait3A_146 = arith.constant 0 : i32
    %dma_wait3A_147 = tpu.memref_slice %arg6[%dma_wait3A_144, %dma_wait3A_145, %dma_wait3A_146] : memref<2x25x40xi32, #tpu.memory_space<vmem>> -> memref<1x1x40xi32, #tpu.memory_space<vmem>>
    %dma_wait3A_148 = tpu.memref_squeeze %dma_wait3A_147 : memref<1x1x40xi32, #tpu.memory_space<vmem>> -> memref<40xi32, #tpu.memory_space<vmem>>
    %dma_wait3A_149 = arith.constant 0 : i32
    %dma_wait3A_150 = arith.constant 0 : i32
    %dma_wait3A_151 = tpu.memref_slice %arg13[%dma_wait3A_149, %dma_wait3A_150] : memref<10240x128xf32, #tpu.memory_space<vmem_shared>> -> memref<10240x128xf32, #tpu.memory_space<vmem_shared>>
    tpu.wait_indirect_dma semaphore(%arg20 : memref<!tpu.dma_semaphore, #tpu.memory_space<semaphore_mem>>) src(%arg8 : memref<40x128xf32, #tpu.memory_space<vmem>>) dst(%dma_wait3A_151 : memref<10240x128xf32, #tpu.memory_space<vmem_shared>>)
    %dma_wait3A_152 = arith.constant 1 : i32
    %dma_wait3A_153 = arith.constant 22 : i32
    %dma_wait3A_154 = arith.constant 0 : i32
    %dma_wait3A_155 = tpu.memref_slice %arg6[%dma_wait3A_152, %dma_wait3A_153, %dma_wait3A_154] : memref<2x25x40xi32, #tpu.memory_space<vmem>> -> memref<1x1x40xi32, #tpu.memory_space<vmem>>
    %dma_wait3A_156 = tpu.memref_squeeze %dma_wait3A_155 : memref<1x1x40xi32, #tpu.memory_space<vmem>> -> memref<40xi32, #tpu.memory_space<vmem>>
    %dma_wait3A_157 = arith.constant 0 : i32
    %dma_wait3A_158 = arith.constant 0 : i32
    %dma_wait3A_159 = tpu.memref_slice %arg13[%dma_wait3A_157, %dma_wait3A_158] : memref<10240x128xf32, #tpu.memory_space<vmem_shared>> -> memref<10240x128xf32, #tpu.memory_space<vmem_shared>>
    tpu.wait_indirect_dma semaphore(%arg21 : memref<!tpu.dma_semaphore, #tpu.memory_space<semaphore_mem>>) src(%arg9 : memref<40x128xf32, #tpu.memory_space<vmem>>) dst(%dma_wait3A_159 : memref<10240x128xf32, #tpu.memory_space<vmem_shared>>)
    %dma_wait3A_160 = arith.constant 1 : i32
    %dma_wait3A_161 = arith.constant 23 : i32
    %dma_wait3A_162 = arith.constant 0 : i32
    %dma_wait3A_163 = tpu.memref_slice %arg6[%dma_wait3A_160, %dma_wait3A_161, %dma_wait3A_162] : memref<2x25x40xi32, #tpu.memory_space<vmem>> -> memref<1x1x40xi32, #tpu.memory_space<vmem>>
    %dma_wait3A_164 = tpu.memref_squeeze %dma_wait3A_163 : memref<1x1x40xi32, #tpu.memory_space<vmem>> -> memref<40xi32, #tpu.memory_space<vmem>>
    %dma_wait3A_165 = arith.constant 0 : i32
    %dma_wait3A_166 = arith.constant 0 : i32
    %dma_wait3A_167 = tpu.memref_slice %arg13[%dma_wait3A_165, %dma_wait3A_166] : memref<10240x128xf32, #tpu.memory_space<vmem_shared>> -> memref<10240x128xf32, #tpu.memory_space<vmem_shared>>
    tpu.wait_indirect_dma semaphore(%arg22 : memref<!tpu.dma_semaphore, #tpu.memory_space<semaphore_mem>>) src(%arg10 : memref<40x128xf32, #tpu.memory_space<vmem>>) dst(%dma_wait3A_167 : memref<10240x128xf32, #tpu.memory_space<vmem_shared>>)
    %dma_wait3A_168 = arith.constant 1 : i32
    %dma_wait3A_169 = arith.constant 24 : i32
    %dma_wait3A_170 = arith.constant 0 : i32
    %dma_wait3A_171 = tpu.memref_slice %arg6[%dma_wait3A_168, %dma_wait3A_169, %dma_wait3A_170] : memref<2x25x40xi32, #tpu.memory_space<vmem>> -> memref<1x1x40xi32, #tpu.memory_space<vmem>>
    %dma_wait3A_172 = tpu.memref_squeeze %dma_wait3A_171 : memref<1x1x40xi32, #tpu.memory_space<vmem>> -> memref<40xi32, #tpu.memory_space<vmem>>
    %dma_wait3A_173 = arith.constant 0 : i32
    %dma_wait3A_174 = arith.constant 0 : i32
    %dma_wait3A_175 = tpu.memref_slice %arg13[%dma_wait3A_173, %dma_wait3A_174] : memref<10240x128xf32, #tpu.memory_space<vmem_shared>> -> memref<10240x128xf32, #tpu.memory_space<vmem_shared>>
    tpu.wait_indirect_dma semaphore(%arg23 : memref<!tpu.dma_semaphore, #tpu.memory_space<semaphore_mem>>) src(%arg11 : memref<40x128xf32, #tpu.memory_space<vmem>>) dst(%dma_wait3A_175 : memref<10240x128xf32, #tpu.memory_space<vmem_shared>>)
    %barrier3A_176 = arith.constant 0 : index
    tpu.barrier barrier_id(%barrier3A_176)
    "tpu.region"() ({
      %run_scoped3A_177 = tpu.sem_alloc : memref<!tpu.dma_semaphore, #tpu.memory_space<semaphore_mem>>
      %dma_start3A_178 = arith.constant 0 : i32
      %dma_start3A_179 = tpu.memref_slice %arg4[%arg0, %mul3A_2, %dma_start3A_178] : memref<2x10240x128xf32, #tpu.memory_space<hbm>> -> memref<1x640x128xf32, #tpu.memory_space<hbm>>
      %dma_start3A_180 = tpu.memref_squeeze %dma_start3A_179 : memref<1x640x128xf32, #tpu.memory_space<hbm>> -> memref<640x128xf32, #tpu.memory_space<hbm>>
      %dma_start3A_181 = arith.constant 0 : i32
      %dma_start3A_182 = tpu.memref_slice %arg13[%mul3A_2, %dma_start3A_181] : memref<10240x128xf32, #tpu.memory_space<vmem_shared>> -> memref<640x128xf32, #tpu.memory_space<vmem_shared>>
      tpu.enqueue_dma source(%dma_start3A_182 : memref<640x128xf32, #tpu.memory_space<vmem_shared>>) target(%dma_start3A_180 : memref<640x128xf32, #tpu.memory_space<hbm>>) target_semaphore(%run_scoped3A_177 : memref<!tpu.dma_semaphore, #tpu.memory_space<semaphore_mem>>)
      %dma_wait3A_183 = arith.constant 0 : i32
      %dma_wait3A_184 = tpu.memref_slice %arg4[%arg0, %mul3A_2, %dma_wait3A_183] : memref<2x10240x128xf32, #tpu.memory_space<hbm>> -> memref<1x640x128xf32, #tpu.memory_space<hbm>>
      %dma_wait3A_185 = tpu.memref_squeeze %dma_wait3A_184 : memref<1x640x128xf32, #tpu.memory_space<hbm>> -> memref<640x128xf32, #tpu.memory_space<hbm>>
      %dma_wait3A_186 = arith.constant 0 : i32
      %dma_wait3A_187 = tpu.memref_slice %arg13[%mul3A_2, %dma_wait3A_186] : memref<10240x128xf32, #tpu.memory_space<vmem_shared>> -> memref<640x128xf32, #tpu.memory_space<vmem_shared>>
      tpu.wait_dma2 semaphore(%run_scoped3A_177 : memref<!tpu.dma_semaphore, #tpu.memory_space<semaphore_mem>>) src(%dma_wait3A_187 : memref<640x128xf32, #tpu.memory_space<vmem_shared>>) dst(%dma_wait3A_185 : memref<640x128xf32, #tpu.memory_space<hbm>>)
      tpu.yield
    }) : () -> ()
    return
  }
}

#map = affine_map<(d0, d1) -> (0, 0, 0, 0, 0)>
#map1 = affine_map<(d0, d1) -> (0, 0)>
module attributes {stable_mosaic.version = 14 : i64} {
  func.func @_deg_body(%arg0: i32, %arg1: i32, %arg2: memref<2x32x10x25x40xi32, #tpu.memory_space<hbm>>, %arg3: memref<2x10240xf32, #tpu.memory_space<hbm>>, %arg4: memref<25x40xi32, #tpu.memory_space<vmem>>, %arg5: memref<40xf32, #tpu.memory_space<vmem>>, %arg6: memref<640xf32, #tpu.memory_space<vmem>>, %arg7: memref<10240xf32, #tpu.memory_space<vmem_shared>>, %arg8: memref<!tpu.dma_semaphore, #tpu.memory_space<semaphore_mem>>) attributes {dimension_semantics = [#tpu.dimension_semantics<core_parallel>, #tpu.dimension_semantics<subcore_parallel>], iteration_bounds = array<i64: 2, 16>, scalar_prefetch = 0 : i64, scratch_operands = 5 : i64, tpu.core_type = #tpu.core_type<sc_vector_subcore>, window_params = [{transform_indices = #map}, {transform_indices = #map1}]} {
    %mul3A = arith.constant 16 : i32
    %mul3A_0 = arith.muli %arg0, %mul3A : i32
    %add3A = arith.addi %mul3A_0, %arg1 : i32
    %broadcast_in_dim3A = arith.constant 0.000000e+00 : f32
    %broadcast_in_dim3A_1 = vector.broadcast %broadcast_in_dim3A : f32 to vector<16xf32>
    %swap3A = arith.constant 0 : index
    %swap3A_2 = tpu.vector_load %arg6[%swap3A] {strides = array<i32>} : memref<640xf32, #tpu.memory_space<vmem>>, vector<16xf32>,
    %swap3A_3 = vector.shape_cast %swap3A_2 : vector<16xf32> to vector<16xf32>
    %swap3A_4 = vector.shape_cast %broadcast_in_dim3A_1 : vector<16xf32> to vector<16xf32>
    tpu.vector_store %arg6[%swap3A], %swap3A_4 {strides = array<i32>} : memref<640xf32, #tpu.memory_space<vmem>>, vector<16xf32>,
    %swap3A_5 = arith.constant 16 : index
    %swap3A_6 = tpu.vector_load %arg6[%swap3A_5] {strides = array<i32>} : memref<640xf32, #tpu.memory_space<vmem>>, vector<16xf32>,
    %swap3A_7 = vector.shape_cast %swap3A_6 : vector<16xf32> to vector<16xf32>
    %swap3A_8 = vector.shape_cast %broadcast_in_dim3A_1 : vector<16xf32> to vector<16xf32>
    tpu.vector_store %arg6[%swap3A_5], %swap3A_8 {strides = array<i32>} : memref<640xf32, #tpu.memory_space<vmem>>, vector<16xf32>,
    %swap3A_9 = arith.constant 32 : index
    %swap3A_10 = tpu.vector_load %arg6[%swap3A_9] {strides = array<i32>} : memref<640xf32, #tpu.memory_space<vmem>>, vector<16xf32>,
    %swap3A_11 = vector.shape_cast %swap3A_10 : vector<16xf32> to vector<16xf32>
    %swap3A_12 = vector.shape_cast %broadcast_in_dim3A_1 : vector<16xf32> to vector<16xf32>
    tpu.vector_store %arg6[%swap3A_9], %swap3A_12 {strides = array<i32>} : memref<640xf32, #tpu.memory_space<vmem>>, vector<16xf32>,
    %swap3A_13 = arith.constant 48 : index
    %swap3A_14 = tpu.vector_load %arg6[%swap3A_13] {strides = array<i32>} : memref<640xf32, #tpu.memory_space<vmem>>, vector<16xf32>,
    %swap3A_15 = vector.shape_cast %swap3A_14 : vector<16xf32> to vector<16xf32>
    %swap3A_16 = vector.shape_cast %broadcast_in_dim3A_1 : vector<16xf32> to vector<16xf32>
    tpu.vector_store %arg6[%swap3A_13], %swap3A_16 {strides = array<i32>} : memref<640xf32, #tpu.memory_space<vmem>>, vector<16xf32>,
    %swap3A_17 = arith.constant 64 : index
    %swap3A_18 = tpu.vector_load %arg6[%swap3A_17] {strides = array<i32>} : memref<640xf32, #tpu.memory_space<vmem>>, vector<16xf32>,
    %swap3A_19 = vector.shape_cast %swap3A_18 : vector<16xf32> to vector<16xf32>
    %swap3A_20 = vector.shape_cast %broadcast_in_dim3A_1 : vector<16xf32> to vector<16xf32>
    tpu.vector_store %arg6[%swap3A_17], %swap3A_20 {strides = array<i32>} : memref<640xf32, #tpu.memory_space<vmem>>, vector<16xf32>,
    %swap3A_21 = arith.constant 80 : index
    %swap3A_22 = tpu.vector_load %arg6[%swap3A_21] {strides = array<i32>} : memref<640xf32, #tpu.memory_space<vmem>>, vector<16xf32>,
    %swap3A_23 = vector.shape_cast %swap3A_22 : vector<16xf32> to vector<16xf32>
    %swap3A_24 = vector.shape_cast %broadcast_in_dim3A_1 : vector<16xf32> to vector<16xf32>
    tpu.vector_store %arg6[%swap3A_21], %swap3A_24 {strides = array<i32>} : memref<640xf32, #tpu.memory_space<vmem>>, vector<16xf32>,
    %swap3A_25 = arith.constant 96 : index
    %swap3A_26 = tpu.vector_load %arg6[%swap3A_25] {strides = array<i32>} : memref<640xf32, #tpu.memory_space<vmem>>, vector<16xf32>,
    %swap3A_27 = vector.shape_cast %swap3A_26 : vector<16xf32> to vector<16xf32>
    %swap3A_28 = vector.shape_cast %broadcast_in_dim3A_1 : vector<16xf32> to vector<16xf32>
    tpu.vector_store %arg6[%swap3A_25], %swap3A_28 {strides = array<i32>} : memref<640xf32, #tpu.memory_space<vmem>>, vector<16xf32>,
    %swap3A_29 = arith.constant 112 : index
    %swap3A_30 = tpu.vector_load %arg6[%swap3A_29] {strides = array<i32>} : memref<640xf32, #tpu.memory_space<vmem>>, vector<16xf32>,
    %swap3A_31 = vector.shape_cast %swap3A_30 : vector<16xf32> to vector<16xf32>
    %swap3A_32 = vector.shape_cast %broadcast_in_dim3A_1 : vector<16xf32> to vector<16xf32>
    tpu.vector_store %arg6[%swap3A_29], %swap3A_32 {strides = array<i32>} : memref<640xf32, #tpu.memory_space<vmem>>, vector<16xf32>,
    %swap3A_33 = arith.constant 128 : index
    %swap3A_34 = tpu.vector_load %arg6[%swap3A_33] {strides = array<i32>} : memref<640xf32, #tpu.memory_space<vmem>>, vector<16xf32>,
    %swap3A_35 = vector.shape_cast %swap3A_34 : vector<16xf32> to vector<16xf32>
    %swap3A_36 = vector.shape_cast %broadcast_in_dim3A_1 : vector<16xf32> to vector<16xf32>
    tpu.vector_store %arg6[%swap3A_33], %swap3A_36 {strides = array<i32>} : memref<640xf32, #tpu.memory_space<vmem>>, vector<16xf32>,
    %swap3A_37 = arith.constant 144 : index
    %swap3A_38 = tpu.vector_load %arg6[%swap3A_37] {strides = array<i32>} : memref<640xf32, #tpu.memory_space<vmem>>, vector<16xf32>,
    %swap3A_39 = vector.shape_cast %swap3A_38 : vector<16xf32> to vector<16xf32>
    %swap3A_40 = vector.shape_cast %broadcast_in_dim3A_1 : vector<16xf32> to vector<16xf32>
    tpu.vector_store %arg6[%swap3A_37], %swap3A_40 {strides = array<i32>} : memref<640xf32, #tpu.memory_space<vmem>>, vector<16xf32>,
    %swap3A_41 = arith.constant 160 : index
    %swap3A_42 = tpu.vector_load %arg6[%swap3A_41] {strides = array<i32>} : memref<640xf32, #tpu.memory_space<vmem>>, vector<16xf32>,
    %swap3A_43 = vector.shape_cast %swap3A_42 : vector<16xf32> to vector<16xf32>
    %swap3A_44 = vector.shape_cast %broadcast_in_dim3A_1 : vector<16xf32> to vector<16xf32>
    tpu.vector_store %arg6[%swap3A_41], %swap3A_44 {strides = array<i32>} : memref<640xf32, #tpu.memory_space<vmem>>, vector<16xf32>,
    %swap3A_45 = arith.constant 176 : index
    %swap3A_46 = tpu.vector_load %arg6[%swap3A_45] {strides = array<i32>} : memref<640xf32, #tpu.memory_space<vmem>>, vector<16xf32>,
    %swap3A_47 = vector.shape_cast %swap3A_46 : vector<16xf32> to vector<16xf32>
    %swap3A_48 = vector.shape_cast %broadcast_in_dim3A_1 : vector<16xf32> to vector<16xf32>
    tpu.vector_store %arg6[%swap3A_45], %swap3A_48 {strides = array<i32>} : memref<640xf32, #tpu.memory_space<vmem>>, vector<16xf32>,
    %swap3A_49 = arith.constant 192 : index
    %swap3A_50 = tpu.vector_load %arg6[%swap3A_49] {strides = array<i32>} : memref<640xf32, #tpu.memory_space<vmem>>, vector<16xf32>,
    %swap3A_51 = vector.shape_cast %swap3A_50 : vector<16xf32> to vector<16xf32>
    %swap3A_52 = vector.shape_cast %broadcast_in_dim3A_1 : vector<16xf32> to vector<16xf32>
    tpu.vector_store %arg6[%swap3A_49], %swap3A_52 {strides = array<i32>} : memref<640xf32, #tpu.memory_space<vmem>>, vector<16xf32>,
    %swap3A_53 = arith.constant 208 : index
    %swap3A_54 = tpu.vector_load %arg6[%swap3A_53] {strides = array<i32>} : memref<640xf32, #tpu.memory_space<vmem>>, vector<16xf32>,
    %swap3A_55 = vector.shape_cast %swap3A_54 : vector<16xf32> to vector<16xf32>
    %swap3A_56 = vector.shape_cast %broadcast_in_dim3A_1 : vector<16xf32> to vector<16xf32>
    tpu.vector_store %arg6[%swap3A_53], %swap3A_56 {strides = array<i32>} : memref<640xf32, #tpu.memory_space<vmem>>, vector<16xf32>,
    %swap3A_57 = arith.constant 224 : index
    %swap3A_58 = tpu.vector_load %arg6[%swap3A_57] {strides = array<i32>} : memref<640xf32, #tpu.memory_space<vmem>>, vector<16xf32>,
    %swap3A_59 = vector.shape_cast %swap3A_58 : vector<16xf32> to vector<16xf32>
    %swap3A_60 = vector.shape_cast %broadcast_in_dim3A_1 : vector<16xf32> to vector<16xf32>
    tpu.vector_store %arg6[%swap3A_57], %swap3A_60 {strides = array<i32>} : memref<640xf32, #tpu.memory_space<vmem>>, vector<16xf32>,
    %swap3A_61 = arith.constant 240 : index
    %swap3A_62 = tpu.vector_load %arg6[%swap3A_61] {strides = array<i32>} : memref<640xf32, #tpu.memory_space<vmem>>, vector<16xf32>,
    %swap3A_63 = vector.shape_cast %swap3A_62 : vector<16xf32> to vector<16xf32>
    %swap3A_64 = vector.shape_cast %broadcast_in_dim3A_1 : vector<16xf32> to vector<16xf32>
    tpu.vector_store %arg6[%swap3A_61], %swap3A_64 {strides = array<i32>} : memref<640xf32, #tpu.memory_space<vmem>>, vector<16xf32>,
    %swap3A_65 = arith.constant 256 : index
    %swap3A_66 = tpu.vector_load %arg6[%swap3A_65] {strides = array<i32>} : memref<640xf32, #tpu.memory_space<vmem>>, vector<16xf32>,
    %swap3A_67 = vector.shape_cast %swap3A_66 : vector<16xf32> to vector<16xf32>
    %swap3A_68 = vector.shape_cast %broadcast_in_dim3A_1 : vector<16xf32> to vector<16xf32>
    tpu.vector_store %arg6[%swap3A_65], %swap3A_68 {strides = array<i32>} : memref<640xf32, #tpu.memory_space<vmem>>, vector<16xf32>,
    %swap3A_69 = arith.constant 272 : index
    %swap3A_70 = tpu.vector_load %arg6[%swap3A_69] {strides = array<i32>} : memref<640xf32, #tpu.memory_space<vmem>>, vector<16xf32>,
    %swap3A_71 = vector.shape_cast %swap3A_70 : vector<16xf32> to vector<16xf32>
    %swap3A_72 = vector.shape_cast %broadcast_in_dim3A_1 : vector<16xf32> to vector<16xf32>
    tpu.vector_store %arg6[%swap3A_69], %swap3A_72 {strides = array<i32>} : memref<640xf32, #tpu.memory_space<vmem>>, vector<16xf32>,
    %swap3A_73 = arith.constant 288 : index
    %swap3A_74 = tpu.vector_load %arg6[%swap3A_73] {strides = array<i32>} : memref<640xf32, #tpu.memory_space<vmem>>, vector<16xf32>,
    %swap3A_75 = vector.shape_cast %swap3A_74 : vector<16xf32> to vector<16xf32>
    %swap3A_76 = vector.shape_cast %broadcast_in_dim3A_1 : vector<16xf32> to vector<16xf32>
    tpu.vector_store %arg6[%swap3A_73], %swap3A_76 {strides = array<i32>} : memref<640xf32, #tpu.memory_space<vmem>>, vector<16xf32>,
    %swap3A_77 = arith.constant 304 : index
    %swap3A_78 = tpu.vector_load %arg6[%swap3A_77] {strides = array<i32>} : memref<640xf32, #tpu.memory_space<vmem>>, vector<16xf32>,
    %swap3A_79 = vector.shape_cast %swap3A_78 : vector<16xf32> to vector<16xf32>
    %swap3A_80 = vector.shape_cast %broadcast_in_dim3A_1 : vector<16xf32> to vector<16xf32>
    tpu.vector_store %arg6[%swap3A_77], %swap3A_80 {strides = array<i32>} : memref<640xf32, #tpu.memory_space<vmem>>, vector<16xf32>,
    %swap3A_81 = arith.constant 320 : index
    %swap3A_82 = tpu.vector_load %arg6[%swap3A_81] {strides = array<i32>} : memref<640xf32, #tpu.memory_space<vmem>>, vector<16xf32>,
    %swap3A_83 = vector.shape_cast %swap3A_82 : vector<16xf32> to vector<16xf32>
    %swap3A_84 = vector.shape_cast %broadcast_in_dim3A_1 : vector<16xf32> to vector<16xf32>
    tpu.vector_store %arg6[%swap3A_81], %swap3A_84 {strides = array<i32>} : memref<640xf32, #tpu.memory_space<vmem>>, vector<16xf32>,
    %swap3A_85 = arith.constant 336 : index
    %swap3A_86 = tpu.vector_load %arg6[%swap3A_85] {strides = array<i32>} : memref<640xf32, #tpu.memory_space<vmem>>, vector<16xf32>,
    %swap3A_87 = vector.shape_cast %swap3A_86 : vector<16xf32> to vector<16xf32>
    %swap3A_88 = vector.shape_cast %broadcast_in_dim3A_1 : vector<16xf32> to vector<16xf32>
    tpu.vector_store %arg6[%swap3A_85], %swap3A_88 {strides = array<i32>} : memref<640xf32, #tpu.memory_space<vmem>>, vector<16xf32>,
    %swap3A_89 = arith.constant 352 : index
    %swap3A_90 = tpu.vector_load %arg6[%swap3A_89] {strides = array<i32>} : memref<640xf32, #tpu.memory_space<vmem>>, vector<16xf32>,
    %swap3A_91 = vector.shape_cast %swap3A_90 : vector<16xf32> to vector<16xf32>
    %swap3A_92 = vector.shape_cast %broadcast_in_dim3A_1 : vector<16xf32> to vector<16xf32>
    tpu.vector_store %arg6[%swap3A_89], %swap3A_92 {strides = array<i32>} : memref<640xf32, #tpu.memory_space<vmem>>, vector<16xf32>,
    %swap3A_93 = arith.constant 368 : index
    %swap3A_94 = tpu.vector_load %arg6[%swap3A_93] {strides = array<i32>} : memref<640xf32, #tpu.memory_space<vmem>>, vector<16xf32>,
    %swap3A_95 = vector.shape_cast %swap3A_94 : vector<16xf32> to vector<16xf32>
    %swap3A_96 = vector.shape_cast %broadcast_in_dim3A_1 : vector<16xf32> to vector<16xf32>
    tpu.vector_store %arg6[%swap3A_93], %swap3A_96 {strides = array<i32>} : memref<640xf32, #tpu.memory_space<vmem>>, vector<16xf32>,
    %swap3A_97 = arith.constant 384 : index
    %swap3A_98 = tpu.vector_load %arg6[%swap3A_97] {strides = array<i32>} : memref<640xf32, #tpu.memory_space<vmem>>, vector<16xf32>,
    %swap3A_99 = vector.shape_cast %swap3A_98 : vector<16xf32> to vector<16xf32>
    %swap3A_100 = vector.shape_cast %broadcast_in_dim3A_1 : vector<16xf32> to vector<16xf32>
    tpu.vector_store %arg6[%swap3A_97], %swap3A_100 {strides = array<i32>} : memref<640xf32, #tpu.memory_space<vmem>>, vector<16xf32>,
    %swap3A_101 = arith.constant 400 : index
    %swap3A_102 = tpu.vector_load %arg6[%swap3A_101] {strides = array<i32>} : memref<640xf32, #tpu.memory_space<vmem>>, vector<16xf32>,
    %swap3A_103 = vector.shape_cast %swap3A_102 : vector<16xf32> to vector<16xf32>
    %swap3A_104 = vector.shape_cast %broadcast_in_dim3A_1 : vector<16xf32> to vector<16xf32>
    tpu.vector_store %arg6[%swap3A_101], %swap3A_104 {strides = array<i32>} : memref<640xf32, #tpu.memory_space<vmem>>, vector<16xf32>,
    %swap3A_105 = arith.constant 416 : index
    %swap3A_106 = tpu.vector_load %arg6[%swap3A_105] {strides = array<i32>} : memref<640xf32, #tpu.memory_space<vmem>>, vector<16xf32>,
    %swap3A_107 = vector.shape_cast %swap3A_106 : vector<16xf32> to vector<16xf32>
    %swap3A_108 = vector.shape_cast %broadcast_in_dim3A_1 : vector<16xf32> to vector<16xf32>
    tpu.vector_store %arg6[%swap3A_105], %swap3A_108 {strides = array<i32>} : memref<640xf32, #tpu.memory_space<vmem>>, vector<16xf32>,
    %swap3A_109 = arith.constant 432 : index
    %swap3A_110 = tpu.vector_load %arg6[%swap3A_109] {strides = array<i32>} : memref<640xf32, #tpu.memory_space<vmem>>, vector<16xf32>,
    %swap3A_111 = vector.shape_cast %swap3A_110 : vector<16xf32> to vector<16xf32>
    %swap3A_112 = vector.shape_cast %broadcast_in_dim3A_1 : vector<16xf32> to vector<16xf32>
    tpu.vector_store %arg6[%swap3A_109], %swap3A_112 {strides = array<i32>} : memref<640xf32, #tpu.memory_space<vmem>>, vector<16xf32>,
    %swap3A_113 = arith.constant 448 : index
    %swap3A_114 = tpu.vector_load %arg6[%swap3A_113] {strides = array<i32>} : memref<640xf32, #tpu.memory_space<vmem>>, vector<16xf32>,
    %swap3A_115 = vector.shape_cast %swap3A_114 : vector<16xf32> to vector<16xf32>
    %swap3A_116 = vector.shape_cast %broadcast_in_dim3A_1 : vector<16xf32> to vector<16xf32>
    tpu.vector_store %arg6[%swap3A_113], %swap3A_116 {strides = array<i32>} : memref<640xf32, #tpu.memory_space<vmem>>, vector<16xf32>,
    %swap3A_117 = arith.constant 464 : index
    %swap3A_118 = tpu.vector_load %arg6[%swap3A_117] {strides = array<i32>} : memref<640xf32, #tpu.memory_space<vmem>>, vector<16xf32>,
    %swap3A_119 = vector.shape_cast %swap3A_118 : vector<16xf32> to vector<16xf32>
    %swap3A_120 = vector.shape_cast %broadcast_in_dim3A_1 : vector<16xf32> to vector<16xf32>
    tpu.vector_store %arg6[%swap3A_117], %swap3A_120 {strides = array<i32>} : memref<640xf32, #tpu.memory_space<vmem>>, vector<16xf32>,
    %swap3A_121 = arith.constant 480 : index
    %swap3A_122 = tpu.vector_load %arg6[%swap3A_121] {strides = array<i32>} : memref<640xf32, #tpu.memory_space<vmem>>, vector<16xf32>,
    %swap3A_123 = vector.shape_cast %swap3A_122 : vector<16xf32> to vector<16xf32>
    %swap3A_124 = vector.shape_cast %broadcast_in_dim3A_1 : vector<16xf32> to vector<16xf32>
    tpu.vector_store %arg6[%swap3A_121], %swap3A_124 {strides = array<i32>} : memref<640xf32, #tpu.memory_space<vmem>>, vector<16xf32>,
    %swap3A_125 = arith.constant 496 : index
    %swap3A_126 = tpu.vector_load %arg6[%swap3A_125] {strides = array<i32>} : memref<640xf32, #tpu.memory_space<vmem>>, vector<16xf32>,
    %swap3A_127 = vector.shape_cast %swap3A_126 : vector<16xf32> to vector<16xf32>
    %swap3A_128 = vector.shape_cast %broadcast_in_dim3A_1 : vector<16xf32> to vector<16xf32>
    tpu.vector_store %arg6[%swap3A_125], %swap3A_128 {strides = array<i32>} : memref<640xf32, #tpu.memory_space<vmem>>, vector<16xf32>,
    %swap3A_129 = arith.constant 512 : index
    %swap3A_130 = tpu.vector_load %arg6[%swap3A_129] {strides = array<i32>} : memref<640xf32, #tpu.memory_space<vmem>>, vector<16xf32>,
    %swap3A_131 = vector.shape_cast %swap3A_130 : vector<16xf32> to vector<16xf32>
    %swap3A_132 = vector.shape_cast %broadcast_in_dim3A_1 : vector<16xf32> to vector<16xf32>
    tpu.vector_store %arg6[%swap3A_129], %swap3A_132 {strides = array<i32>} : memref<640xf32, #tpu.memory_space<vmem>>, vector<16xf32>,
    %swap3A_133 = arith.constant 528 : index
    %swap3A_134 = tpu.vector_load %arg6[%swap3A_133] {strides = array<i32>} : memref<640xf32, #tpu.memory_space<vmem>>, vector<16xf32>,
    %swap3A_135 = vector.shape_cast %swap3A_134 : vector<16xf32> to vector<16xf32>
    %swap3A_136 = vector.shape_cast %broadcast_in_dim3A_1 : vector<16xf32> to vector<16xf32>
    tpu.vector_store %arg6[%swap3A_133], %swap3A_136 {strides = array<i32>} : memref<640xf32, #tpu.memory_space<vmem>>, vector<16xf32>,
    %swap3A_137 = arith.constant 544 : index
    %swap3A_138 = tpu.vector_load %arg6[%swap3A_137] {strides = array<i32>} : memref<640xf32, #tpu.memory_space<vmem>>, vector<16xf32>,
    %swap3A_139 = vector.shape_cast %swap3A_138 : vector<16xf32> to vector<16xf32>
    %swap3A_140 = vector.shape_cast %broadcast_in_dim3A_1 : vector<16xf32> to vector<16xf32>
    tpu.vector_store %arg6[%swap3A_137], %swap3A_140 {strides = array<i32>} : memref<640xf32, #tpu.memory_space<vmem>>, vector<16xf32>,
    %swap3A_141 = arith.constant 560 : index
    %swap3A_142 = tpu.vector_load %arg6[%swap3A_141] {strides = array<i32>} : memref<640xf32, #tpu.memory_space<vmem>>, vector<16xf32>,
    %swap3A_143 = vector.shape_cast %swap3A_142 : vector<16xf32> to vector<16xf32>
    %swap3A_144 = vector.shape_cast %broadcast_in_dim3A_1 : vector<16xf32> to vector<16xf32>
    tpu.vector_store %arg6[%swap3A_141], %swap3A_144 {strides = array<i32>} : memref<640xf32, #tpu.memory_space<vmem>>, vector<16xf32>,
    %swap3A_145 = arith.constant 576 : index
    %swap3A_146 = tpu.vector_load %arg6[%swap3A_145] {strides = array<i32>} : memref<640xf32, #tpu.memory_space<vmem>>, vector<16xf32>,
    %swap3A_147 = vector.shape_cast %swap3A_146 : vector<16xf32> to vector<16xf32>
    %swap3A_148 = vector.shape_cast %broadcast_in_dim3A_1 : vector<16xf32> to vector<16xf32>
    tpu.vector_store %arg6[%swap3A_145], %swap3A_148 {strides = array<i32>} : memref<640xf32, #tpu.memory_space<vmem>>, vector<16xf32>,
    %swap3A_149 = arith.constant 592 : index
    %swap3A_150 = tpu.vector_load %arg6[%swap3A_149] {strides = array<i32>} : memref<640xf32, #tpu.memory_space<vmem>>, vector<16xf32>,
    %swap3A_151 = vector.shape_cast %swap3A_150 : vector<16xf32> to vector<16xf32>
    %swap3A_152 = vector.shape_cast %broadcast_in_dim3A_1 : vector<16xf32> to vector<16xf32>
    tpu.vector_store %arg6[%swap3A_149], %swap3A_152 {strides = array<i32>} : memref<640xf32, #tpu.memory_space<vmem>>, vector<16xf32>,
    %swap3A_153 = arith.constant 608 : index
    %swap3A_154 = tpu.vector_load %arg6[%swap3A_153] {strides = array<i32>} : memref<640xf32, #tpu.memory_space<vmem>>, vector<16xf32>,
    %swap3A_155 = vector.shape_cast %swap3A_154 : vector<16xf32> to vector<16xf32>
    %swap3A_156 = vector.shape_cast %broadcast_in_dim3A_1 : vector<16xf32> to vector<16xf32>
    tpu.vector_store %arg6[%swap3A_153], %swap3A_156 {strides = array<i32>} : memref<640xf32, #tpu.memory_space<vmem>>, vector<16xf32>,
    %swap3A_157 = arith.constant 624 : index
    %swap3A_158 = tpu.vector_load %arg6[%swap3A_157] {strides = array<i32>} : memref<640xf32, #tpu.memory_space<vmem>>, vector<16xf32>,
    %swap3A_159 = vector.shape_cast %swap3A_158 : vector<16xf32> to vector<16xf32>
    %swap3A_160 = vector.shape_cast %broadcast_in_dim3A_1 : vector<16xf32> to vector<16xf32>
    tpu.vector_store %arg6[%swap3A_157], %swap3A_160 {strides = array<i32>} : memref<640xf32, #tpu.memory_space<vmem>>, vector<16xf32>,
    %broadcast_in_dim3A_161 = arith.constant 1.000000e+00 : f32
    %broadcast_in_dim3A_162 = vector.broadcast %broadcast_in_dim3A_161 : f32 to vector<16xf32>
    %swap3A_163 = arith.constant 0 : index
    %swap3A_164 = tpu.vector_load %arg5[%swap3A_163] {strides = array<i32>} : memref<40xf32, #tpu.memory_space<vmem>>, vector<16xf32>,
    %swap3A_165 = vector.shape_cast %swap3A_164 : vector<16xf32> to vector<16xf32>
    %swap3A_166 = vector.shape_cast %broadcast_in_dim3A_162 : vector<16xf32> to vector<16xf32>
    tpu.vector_store %arg5[%swap3A_163], %swap3A_166 {strides = array<i32>} : memref<40xf32, #tpu.memory_space<vmem>>, vector<16xf32>,
    %swap3A_167 = arith.constant 16 : index
    %swap3A_168 = tpu.vector_load %arg5[%swap3A_167] {strides = array<i32>} : memref<40xf32, #tpu.memory_space<vmem>>, vector<16xf32>,
    %swap3A_169 = vector.shape_cast %swap3A_168 : vector<16xf32> to vector<16xf32>
    %swap3A_170 = vector.shape_cast %broadcast_in_dim3A_162 : vector<16xf32> to vector<16xf32>
    tpu.vector_store %arg5[%swap3A_167], %swap3A_170 {strides = array<i32>} : memref<40xf32, #tpu.memory_space<vmem>>, vector<16xf32>,
    %swap3A_171 = arith.constant 24 : index
    %swap3A_172 = tpu.vector_load %arg5[%swap3A_171] {strides = array<i32>} : memref<40xf32, #tpu.memory_space<vmem>>, vector<16xf32>,
    %swap3A_173 = vector.shape_cast %swap3A_172 : vector<16xf32> to vector<16xf32>
    %swap3A_174 = vector.shape_cast %broadcast_in_dim3A_162 : vector<16xf32> to vector<16xf32>
    tpu.vector_store %arg5[%swap3A_171], %swap3A_174 {strides = array<i32>} : memref<40xf32, #tpu.memory_space<vmem>>, vector<16xf32>,
    %mul3A_175 = arith.constant 640 : i32
    %mul3A_176 = arith.muli %arg1, %mul3A_175 : i32
    "tpu.region"() ({
      %run_scoped3A = tpu.sem_alloc : memref<!tpu.dma_semaphore, #tpu.memory_space<semaphore_mem>>
      %dma_start3A = tpu.memref_slice %arg7[%mul3A_176] : memref<10240xf32, #tpu.memory_space<vmem_shared>> -> memref<640xf32, #tpu.memory_space<vmem_shared>>
      %dma_start3A_187 = tpu.memref_slice %arg7[%mul3A_176] : memref<10240xf32, #tpu.memory_space<vmem_shared>> -> memref<640xf32, #tpu.memory_space<vmem_shared>>
      tpu.enqueue_dma source(%arg6 : memref<640xf32, #tpu.memory_space<vmem>>) target(%dma_start3A_187 : memref<640xf32, #tpu.memory_space<vmem_shared>>) target_semaphore(%run_scoped3A : memref<!tpu.dma_semaphore, #tpu.memory_space<semaphore_mem>>)
      %dma_wait3A = tpu.memref_slice %arg7[%mul3A_176] : memref<10240xf32, #tpu.memory_space<vmem_shared>> -> memref<640xf32, #tpu.memory_space<vmem_shared>>
      %dma_wait3A_188 = tpu.memref_slice %arg7[%mul3A_176] : memref<10240xf32, #tpu.memory_space<vmem_shared>> -> memref<640xf32, #tpu.memory_space<vmem_shared>>
      tpu.wait_dma2 semaphore(%run_scoped3A : memref<!tpu.dma_semaphore, #tpu.memory_space<semaphore_mem>>) src(%arg6 : memref<640xf32, #tpu.memory_space<vmem>>) dst(%dma_wait3A_188 : memref<640xf32, #tpu.memory_space<vmem_shared>>)
      tpu.yield
    }) : () -> ()
    %barrier3A = arith.constant 0 : index
    tpu.barrier barrier_id(%barrier3A)
    %scan3A = arith.constant 0 : i32
    %scan3A_177 = arith.constant 0 : i32
    %scan3A_178 = arith.constant 10 : i32
    %scan3A_179 = arith.addi %scan3A_177, %scan3A_178 : i32
    %scan3A_180 = arith.constant 1 : i32
    scf.for %scan3A_187 = %scan3A_177 to %scan3A_179 step %scan3A_180  : i32 {
      %run_scoped3A = arith.constant 1 : i32
      "tpu.region"() ({
        %run_scoped3A_200 = tpu.sem_alloc : memref<!tpu.dma_semaphore, #tpu.memory_space<semaphore_mem>>
        %dma_start3A = arith.constant 0 : i32
        %dma_start3A_201 = arith.constant 0 : i32
        %dma_start3A_202 = tpu.memref_slice %arg2[%run_scoped3A, %add3A, %scan3A_187, %dma_start3A, %dma_start3A_201] : memref<2x32x10x25x40xi32, #tpu.memory_space<hbm>> -> memref<1x1x1x25x40xi32, #tpu.memory_space<hbm>>
        %dma_start3A_203 = tpu.memref_squeeze %dma_start3A_202 : memref<1x1x1x25x40xi32, #tpu.memory_space<hbm>> -> memref<25x40xi32, #tpu.memory_space<hbm>>
        %dma_start3A_204 = arith.constant 0 : i32
        %dma_start3A_205 = arith.constant 0 : i32
        %dma_start3A_206 = tpu.memref_slice %arg2[%run_scoped3A, %add3A, %scan3A_187, %dma_start3A_204, %dma_start3A_205] : memref<2x32x10x25x40xi32, #tpu.memory_space<hbm>> -> memref<1x1x1x25x40xi32, #tpu.memory_space<hbm>>
        %dma_start3A_207 = tpu.memref_squeeze %dma_start3A_206 : memref<1x1x1x25x40xi32, #tpu.memory_space<hbm>> -> memref<25x40xi32, #tpu.memory_space<hbm>>
        tpu.enqueue_dma source(%dma_start3A_207 : memref<25x40xi32, #tpu.memory_space<hbm>>) target(%arg4 : memref<25x40xi32, #tpu.memory_space<vmem>>) target_semaphore(%run_scoped3A_200 : memref<!tpu.dma_semaphore, #tpu.memory_space<semaphore_mem>>)
        %dma_wait3A = arith.constant 0 : i32
        %dma_wait3A_208 = arith.constant 0 : i32
        %dma_wait3A_209 = tpu.memref_slice %arg2[%run_scoped3A, %add3A, %scan3A_187, %dma_wait3A, %dma_wait3A_208] : memref<2x32x10x25x40xi32, #tpu.memory_space<hbm>> -> memref<1x1x1x25x40xi32, #tpu.memory_space<hbm>>
        %dma_wait3A_210 = tpu.memref_squeeze %dma_wait3A_209 : memref<1x1x1x25x40xi32, #tpu.memory_space<hbm>> -> memref<25x40xi32, #tpu.memory_space<hbm>>
        %dma_wait3A_211 = arith.constant 0 : i32
        %dma_wait3A_212 = arith.constant 0 : i32
        %dma_wait3A_213 = tpu.memref_slice %arg2[%run_scoped3A, %add3A, %scan3A_187, %dma_wait3A_211, %dma_wait3A_212] : memref<2x32x10x25x40xi32, #tpu.memory_space<hbm>> -> memref<1x1x1x25x40xi32, #tpu.memory_space<hbm>>
        %dma_wait3A_214 = tpu.memref_squeeze %dma_wait3A_213 : memref<1x1x1x25x40xi32, #tpu.memory_space<hbm>> -> memref<25x40xi32, #tpu.memory_space<hbm>>
        tpu.wait_dma2 semaphore(%run_scoped3A_200 : memref<!tpu.dma_semaphore, #tpu.memory_space<semaphore_mem>>) src(%dma_wait3A_214 : memref<25x40xi32, #tpu.memory_space<hbm>>) dst(%arg4 : memref<25x40xi32, #tpu.memory_space<vmem>>)
        tpu.yield
      }) : () -> ()
      %scan3A_188 = arith.constant 0 : i32
      %scan3A_189 = arith.constant 0 : i32
      %scan3A_190 = arith.constant 25 : i32
      %scan3A_191 = arith.addi %scan3A_189, %scan3A_190 : i32
      %scan3A_192 = arith.constant 1 : i32
      scf.for %scan3A_200 = %scan3A_189 to %scan3A_191 step %scan3A_192  : i32 {
        %dma_start3A = arith.constant 0 : i32
        %dma_start3A_201 = tpu.memref_slice %arg4[%scan3A_200, %dma_start3A] : memref<25x40xi32, #tpu.memory_space<vmem>> -> memref<1x40xi32, #tpu.memory_space<vmem>>
        %dma_start3A_202 = tpu.memref_squeeze %dma_start3A_201 : memref<1x40xi32, #tpu.memory_space<vmem>> -> memref<40xi32, #tpu.memory_space<vmem>>
        %dma_start3A_203 = arith.constant 0 : i32
        %dma_start3A_204 = tpu.memref_slice %arg7[%dma_start3A_203] : memref<10240xf32, #tpu.memory_space<vmem_shared>> -> memref<10240xf32, #tpu.memory_space<vmem_shared>>
        tpu.enqueue_indirect_dma source(%arg5 : memref<40xf32, #tpu.memory_space<vmem>>) target(%dma_start3A_204 : memref<10240xf32, #tpu.memory_space<vmem_shared>>) offsets(%dma_start3A_202 : memref<40xi32, #tpu.memory_space<vmem>>) semaphore(%arg8 : memref<!tpu.dma_semaphore, #tpu.memory_space<semaphore_mem>>) {add = true}
      }
      %scan3A_193 = arith.constant 25 : i32
      %scan3A_194 = arith.constant 0 : i32
      %scan3A_195 = arith.constant 0 : i32
      %scan3A_196 = arith.constant 25 : i32
      %scan3A_197 = arith.addi %scan3A_195, %scan3A_196 : i32
      %scan3A_198 = arith.constant 1 : i32
      scf.for %scan3A_200 = %scan3A_195 to %scan3A_197 step %scan3A_198  : i32 {
        %dma_wait3A = arith.constant 0 : i32
        %dma_wait3A_201 = tpu.memref_slice %arg4[%scan3A_200, %dma_wait3A] : memref<25x40xi32, #tpu.memory_space<vmem>> -> memref<1x40xi32, #tpu.memory_space<vmem>>
        %dma_wait3A_202 = tpu.memref_squeeze %dma_wait3A_201 : memref<1x40xi32, #tpu.memory_space<vmem>> -> memref<40xi32, #tpu.memory_space<vmem>>
        %dma_wait3A_203 = arith.constant 0 : i32
        %dma_wait3A_204 = tpu.memref_slice %arg7[%dma_wait3A_203] : memref<10240xf32, #tpu.memory_space<vmem_shared>> -> memref<10240xf32, #tpu.memory_space<vmem_shared>>
        tpu.wait_indirect_dma semaphore(%arg8 : memref<!tpu.dma_semaphore, #tpu.memory_space<semaphore_mem>>) src(%arg5 : memref<40xf32, #tpu.memory_space<vmem>>) dst(%dma_wait3A_204 : memref<10240xf32, #tpu.memory_space<vmem_shared>>)
      }
      %scan3A_199 = arith.constant 25 : i32
    }
    %scan3A_181 = arith.constant 10 : i32
    %barrier3A_182 = arith.constant 0 : index
    tpu.barrier barrier_id(%barrier3A_182)
    %mul3A_183 = arith.constant 640 : i32
    %mul3A_184 = arith.muli %arg1, %mul3A_183 : i32
    %mul3A_185 = arith.constant 640 : i32
    %mul3A_186 = arith.muli %arg1, %mul3A_185 : i32
    "tpu.region"() ({
      %run_scoped3A = tpu.sem_alloc : memref<!tpu.dma_semaphore, #tpu.memory_space<semaphore_mem>>
      %dma_start3A = tpu.memref_slice %arg3[%arg0, %mul3A_186] : memref<2x10240xf32, #tpu.memory_space<hbm>> -> memref<1x640xf32, #tpu.memory_space<hbm>>
      %dma_start3A_187 = tpu.memref_squeeze %dma_start3A : memref<1x640xf32, #tpu.memory_space<hbm>> -> memref<640xf32, #tpu.memory_space<hbm>>
      %dma_start3A_188 = tpu.memref_slice %arg7[%mul3A_184] : memref<10240xf32, #tpu.memory_space<vmem_shared>> -> memref<640xf32, #tpu.memory_space<vmem_shared>>
      tpu.enqueue_dma source(%dma_start3A_188 : memref<640xf32, #tpu.memory_space<vmem_shared>>) target(%dma_start3A_187 : memref<640xf32, #tpu.memory_space<hbm>>) target_semaphore(%run_scoped3A : memref<!tpu.dma_semaphore, #tpu.memory_space<semaphore_mem>>)
      %dma_wait3A = tpu.memref_slice %arg3[%arg0, %mul3A_186] : memref<2x10240xf32, #tpu.memory_space<hbm>> -> memref<1x640xf32, #tpu.memory_space<hbm>>
      %dma_wait3A_189 = tpu.memref_squeeze %dma_wait3A : memref<1x640xf32, #tpu.memory_space<hbm>> -> memref<640xf32, #tpu.memory_space<hbm>>
      %dma_wait3A_190 = tpu.memref_slice %arg7[%mul3A_184] : memref<10240xf32, #tpu.memory_space<vmem_shared>> -> memref<640xf32, #tpu.memory_space<vmem_shared>>
      tpu.wait_dma2 semaphore(%run_scoped3A : memref<!tpu.dma_semaphore, #tpu.memory_space<semaphore_mem>>) src(%dma_wait3A_190 : memref<640xf32, #tpu.memory_space<vmem_shared>>) dst(%dma_wait3A_189 : memref<640xf32, #tpu.memory_space<hbm>>)
      tpu.yield
    }) : () -> ()
    return
  }
}

#map = affine_map<(d0, d1) -> (0, 0)>
#map1 = affine_map<(d0, d1) -> (0, 0, 0, 0, 0)>
#map2 = affine_map<(d0, d1) -> (0, 0, 0)>
module attributes {stable_mosaic.version = 14 : i64} {
  func.func @_edge_body(%arg0: i32, %arg1: i32, %arg2: memref<10000x128xf32, #tpu.memory_space<hbm>>, %arg3: memref<2x32x10x25x40xi32, #tpu.memory_space<hbm>>, %arg4: memref<2x10240x128xf32, #tpu.memory_space<hbm>>, %arg5: memref<2x25x40xi32, #tpu.memory_space<vmem>>, %arg6: memref<2x25x40xi32, #tpu.memory_space<vmem>>, %arg7: memref<40x128xf32, #tpu.memory_space<vmem>>, %arg8: memref<40x128xf32, #tpu.memory_space<vmem>>, %arg9: memref<40x128xf32, #tpu.memory_space<vmem>>, %arg10: memref<40x128xf32, #tpu.memory_space<vmem>>, %arg11: memref<40x128xf32, #tpu.memory_space<vmem>>, %arg12: memref<32x128xf32, #tpu.memory_space<vmem>>, %arg13: memref<10240x128xf32, #tpu.memory_space<vmem_shared>>, %arg14: memref<!tpu.dma_semaphore, #tpu.memory_space<semaphore_mem>>, %arg15: memref<!tpu.dma_semaphore, #tpu.memory_space<semaphore_mem>>, %arg16: memref<!tpu.dma_semaphore, #tpu.memory_space<semaphore_mem>>, %arg17: memref<!tpu.dma_semaphore, #tpu.memory_space<semaphore_mem>>, %arg18: memref<!tpu.dma_semaphore, #tpu.memory_space<semaphore_mem>>, %arg19: memref<!tpu.dma_semaphore, #tpu.memory_space<semaphore_mem>>, %arg20: memref<!tpu.dma_semaphore, #tpu.memory_space<semaphore_mem>>, %arg21: memref<!tpu.dma_semaphore, #tpu.memory_space<semaphore_mem>>, %arg22: memref<!tpu.dma_semaphore, #tpu.memory_space<semaphore_mem>>, %arg23: memref<!tpu.dma_semaphore, #tpu.memory_space<semaphore_mem>>, %arg24: memref<!tpu.dma_semaphore, #tpu.memory_space<semaphore_mem>>) attributes {dimension_semantics = [#tpu.dimension_semantics<core_parallel>, #tpu.dimension_semantics<subcore_parallel>], iteration_bounds = array<i64: 2, 16>, scalar_prefetch = 0 : i64, scratch_operands = 20 : i64, tpu.core_type = #tpu.core_type<sc_vector_subcore>, window_params = [{transform_indices = #map}, {transform_indices = #map1}, {transform_indices = #map2}]} {
    %mul3A = arith.constant 16 : i32
    %mul3A_0 = arith.muli %arg0, %mul3A : i32
    %add3A = arith.addi %mul3A_0, %arg1 : i32
    %mul3A_1 = arith.constant 640 : i32
    %mul3A_2 = arith.muli %arg1, %mul3A_1 : i32
    %run_scoped3A = arith.constant 0 : i32
    %run_scoped3A_3 = arith.constant 0 : i32
    %run_scoped3A_4 = arith.constant 0 : i32
    "tpu.region"() ({
      %run_scoped3A_177 = tpu.sem_alloc : memref<!tpu.dma_semaphore, #tpu.memory_space<semaphore_mem>>
      %dma_start3A_178 = arith.constant 0 : i32
      %dma_start3A_179 = arith.constant 0 : i32
      %dma_start3A_180 = tpu.memref_slice %arg5[%run_scoped3A_4, %dma_start3A_178, %dma_start3A_179] : memref<2x25x40xi32, #tpu.memory_space<vmem>> -> memref<1x25x40xi32, #tpu.memory_space<vmem>>
      %dma_start3A_181 = tpu.memref_squeeze %dma_start3A_180 : memref<1x25x40xi32, #tpu.memory_space<vmem>> -> memref<25x40xi32, #tpu.memory_space<vmem>>
      %dma_start3A_182 = arith.constant 0 : i32
      %dma_start3A_183 = arith.constant 0 : i32
      %dma_start3A_184 = tpu.memref_slice %arg3[%run_scoped3A, %add3A, %run_scoped3A_3, %dma_start3A_182, %dma_start3A_183] : memref<2x32x10x25x40xi32, #tpu.memory_space<hbm>> -> memref<1x1x1x25x40xi32, #tpu.memory_space<hbm>>
      %dma_start3A_185 = tpu.memref_squeeze %dma_start3A_184 : memref<1x1x1x25x40xi32, #tpu.memory_space<hbm>> -> memref<25x40xi32, #tpu.memory_space<hbm>>
      %dma_start3A_186 = arith.constant 0 : i32
      %dma_start3A_187 = arith.constant 0 : i32
      %dma_start3A_188 = tpu.memref_slice %arg5[%run_scoped3A_4, %dma_start3A_186, %dma_start3A_187] : memref<2x25x40xi32, #tpu.memory_space<vmem>> -> memref<1x25x40xi32, #tpu.memory_space<vmem>>
      %dma_start3A_189 = tpu.memref_squeeze %dma_start3A_188 : memref<1x25x40xi32, #tpu.memory_space<vmem>> -> memref<25x40xi32, #tpu.memory_space<vmem>>
      %dma_start3A_190 = arith.constant 0 : i32
      %dma_start3A_191 = arith.constant 0 : i32
      %dma_start3A_192 = tpu.memref_slice %arg3[%run_scoped3A, %add3A, %run_scoped3A_3, %dma_start3A_190, %dma_start3A_191] : memref<2x32x10x25x40xi32, #tpu.memory_space<hbm>> -> memref<1x1x1x25x40xi32, #tpu.memory_space<hbm>>
      %dma_start3A_193 = tpu.memref_squeeze %dma_start3A_192 : memref<1x1x1x25x40xi32, #tpu.memory_space<hbm>> -> memref<25x40xi32, #tpu.memory_space<hbm>>
      tpu.enqueue_dma source(%dma_start3A_193 : memref<25x40xi32, #tpu.memory_space<hbm>>) target(%dma_start3A_189 : memref<25x40xi32, #tpu.memory_space<vmem>>) target_semaphore(%run_scoped3A_177 : memref<!tpu.dma_semaphore, #tpu.memory_space<semaphore_mem>>)
      %dma_wait3A_194 = arith.constant 0 : i32
      %dma_wait3A_195 = arith.constant 0 : i32
      %dma_wait3A_196 = tpu.memref_slice %arg5[%run_scoped3A_4, %dma_wait3A_194, %dma_wait3A_195] : memref<2x25x40xi32, #tpu.memory_space<vmem>> -> memref<1x25x40xi32, #tpu.memory_space<vmem>>
      %dma_wait3A_197 = tpu.memref_squeeze %dma_wait3A_196 : memref<1x25x40xi32, #tpu.memory_space<vmem>> -> memref<25x40xi32, #tpu.memory_space<vmem>>
      %dma_wait3A_198 = arith.constant 0 : i32
      %dma_wait3A_199 = arith.constant 0 : i32
      %dma_wait3A_200 = tpu.memref_slice %arg3[%run_scoped3A, %add3A, %run_scoped3A_3, %dma_wait3A_198, %dma_wait3A_199] : memref<2x32x10x25x40xi32, #tpu.memory_space<hbm>> -> memref<1x1x1x25x40xi32, #tpu.memory_space<hbm>>
      %dma_wait3A_201 = tpu.memref_squeeze %dma_wait3A_200 : memref<1x1x1x25x40xi32, #tpu.memory_space<hbm>> -> memref<25x40xi32, #tpu.memory_space<hbm>>
      %dma_wait3A_202 = arith.constant 0 : i32
      %dma_wait3A_203 = arith.constant 0 : i32
      %dma_wait3A_204 = tpu.memref_slice %arg5[%run_scoped3A_4, %dma_wait3A_202, %dma_wait3A_203] : memref<2x25x40xi32, #tpu.memory_space<vmem>> -> memref<1x25x40xi32, #tpu.memory_space<vmem>>
      %dma_wait3A_205 = tpu.memref_squeeze %dma_wait3A_204 : memref<1x25x40xi32, #tpu.memory_space<vmem>> -> memref<25x40xi32, #tpu.memory_space<vmem>>
      %dma_wait3A_206 = arith.constant 0 : i32
      %dma_wait3A_207 = arith.constant 0 : i32
      %dma_wait3A_208 = tpu.memref_slice %arg3[%run_scoped3A, %add3A, %run_scoped3A_3, %dma_wait3A_206, %dma_wait3A_207] : memref<2x32x10x25x40xi32, #tpu.memory_space<hbm>> -> memref<1x1x1x25x40xi32, #tpu.memory_space<hbm>>
      %dma_wait3A_209 = tpu.memref_squeeze %dma_wait3A_208 : memref<1x1x1x25x40xi32, #tpu.memory_space<hbm>> -> memref<25x40xi32, #tpu.memory_space<hbm>>
      tpu.wait_dma2 semaphore(%run_scoped3A_177 : memref<!tpu.dma_semaphore, #tpu.memory_space<semaphore_mem>>) src(%dma_wait3A_209 : memref<25x40xi32, #tpu.memory_space<hbm>>) dst(%dma_wait3A_205 : memref<25x40xi32, #tpu.memory_space<vmem>>)
      tpu.yield
    }) : () -> ()
    %run_scoped3A_5 = arith.constant 1 : i32
    %run_scoped3A_6 = arith.constant 0 : i32
    %run_scoped3A_7 = arith.constant 0 : i32
    "tpu.region"() ({
      %run_scoped3A_177 = tpu.sem_alloc : memref<!tpu.dma_semaphore, #tpu.memory_space<semaphore_mem>>
      %dma_start3A_178 = arith.constant 0 : i32
      %dma_start3A_179 = arith.constant 0 : i32
      %dma_start3A_180 = tpu.memref_slice %arg6[%run_scoped3A_7, %dma_start3A_178, %dma_start3A_179] : memref<2x25x40xi32, #tpu.memory_space<vmem>> -> memref<1x25x40xi32, #tpu.memory_space<vmem>>
      %dma_start3A_181 = tpu.memref_squeeze %dma_start3A_180 : memref<1x25x40xi32, #tpu.memory_space<vmem>> -> memref<25x40xi32, #tpu.memory_space<vmem>>
      %dma_start3A_182 = arith.constant 0 : i32
      %dma_start3A_183 = arith.constant 0 : i32
      %dma_start3A_184 = tpu.memref_slice %arg3[%run_scoped3A_5, %add3A, %run_scoped3A_6, %dma_start3A_182, %dma_start3A_183] : memref<2x32x10x25x40xi32, #tpu.memory_space<hbm>> -> memref<1x1x1x25x40xi32, #tpu.memory_space<hbm>>
      %dma_start3A_185 = tpu.memref_squeeze %dma_start3A_184 : memref<1x1x1x25x40xi32, #tpu.memory_space<hbm>> -> memref<25x40xi32, #tpu.memory_space<hbm>>
      %dma_start3A_186 = arith.constant 0 : i32
      %dma_start3A_187 = arith.constant 0 : i32
      %dma_start3A_188 = tpu.memref_slice %arg6[%run_scoped3A_7, %dma_start3A_186, %dma_start3A_187] : memref<2x25x40xi32, #tpu.memory_space<vmem>> -> memref<1x25x40xi32, #tpu.memory_space<vmem>>
      %dma_start3A_189 = tpu.memref_squeeze %dma_start3A_188 : memref<1x25x40xi32, #tpu.memory_space<vmem>> -> memref<25x40xi32, #tpu.memory_space<vmem>>
      %dma_start3A_190 = arith.constant 0 : i32
      %dma_start3A_191 = arith.constant 0 : i32
      %dma_start3A_192 = tpu.memref_slice %arg3[%run_scoped3A_5, %add3A, %run_scoped3A_6, %dma_start3A_190, %dma_start3A_191] : memref<2x32x10x25x40xi32, #tpu.memory_space<hbm>> -> memref<1x1x1x25x40xi32, #tpu.memory_space<hbm>>
      %dma_start3A_193 = tpu.memref_squeeze %dma_start3A_192 : memref<1x1x1x25x40xi32, #tpu.memory_space<hbm>> -> memref<25x40xi32, #tpu.memory_space<hbm>>
      tpu.enqueue_dma source(%dma_start3A_193 : memref<25x40xi32, #tpu.memory_space<hbm>>) target(%dma_start3A_189 : memref<25x40xi32, #tpu.memory_space<vmem>>) target_semaphore(%run_scoped3A_177 : memref<!tpu.dma_semaphore, #tpu.memory_space<semaphore_mem>>)
      %dma_wait3A_194 = arith.constant 0 : i32
      %dma_wait3A_195 = arith.constant 0 : i32
      %dma_wait3A_196 = tpu.memref_slice %arg6[%run_scoped3A_7, %dma_wait3A_194, %dma_wait3A_195] : memref<2x25x40xi32, #tpu.memory_space<vmem>> -> memref<1x25x40xi32, #tpu.memory_space<vmem>>
      %dma_wait3A_197 = tpu.memref_squeeze %dma_wait3A_196 : memref<1x25x40xi32, #tpu.memory_space<vmem>> -> memref<25x40xi32, #tpu.memory_space<vmem>>
      %dma_wait3A_198 = arith.constant 0 : i32
      %dma_wait3A_199 = arith.constant 0 : i32
      %dma_wait3A_200 = tpu.memref_slice %arg3[%run_scoped3A_5, %add3A, %run_scoped3A_6, %dma_wait3A_198, %dma_wait3A_199] : memref<2x32x10x25x40xi32, #tpu.memory_space<hbm>> -> memref<1x1x1x25x40xi32, #tpu.memory_space<hbm>>
      %dma_wait3A_201 = tpu.memref_squeeze %dma_wait3A_200 : memref<1x1x1x25x40xi32, #tpu.memory_space<hbm>> -> memref<25x40xi32, #tpu.memory_space<hbm>>
      %dma_wait3A_202 = arith.constant 0 : i32
      %dma_wait3A_203 = arith.constant 0 : i32
      %dma_wait3A_204 = tpu.memref_slice %arg6[%run_scoped3A_7, %dma_wait3A_202, %dma_wait3A_203] : memref<2x25x40xi32, #tpu.memory_space<vmem>> -> memref<1x25x40xi32, #tpu.memory_space<vmem>>
      %dma_wait3A_205 = tpu.memref_squeeze %dma_wait3A_204 : memref<1x25x40xi32, #tpu.memory_space<vmem>> -> memref<25x40xi32, #tpu.memory_space<vmem>>
      %dma_wait3A_206 = arith.constant 0 : i32
      %dma_wait3A_207 = arith.constant 0 : i32
      %dma_wait3A_208 = tpu.memref_slice %arg3[%run_scoped3A_5, %add3A, %run_scoped3A_6, %dma_wait3A_206, %dma_wait3A_207] : memref<2x32x10x25x40xi32, #tpu.memory_space<hbm>> -> memref<1x1x1x25x40xi32, #tpu.memory_space<hbm>>
      %dma_wait3A_209 = tpu.memref_squeeze %dma_wait3A_208 : memref<1x1x1x25x40xi32, #tpu.memory_space<hbm>> -> memref<25x40xi32, #tpu.memory_space<hbm>>
      tpu.wait_dma2 semaphore(%run_scoped3A_177 : memref<!tpu.dma_semaphore, #tpu.memory_space<semaphore_mem>>) src(%dma_wait3A_209 : memref<25x40xi32, #tpu.memory_space<hbm>>) dst(%dma_wait3A_205 : memref<25x40xi32, #tpu.memory_space<vmem>>)
      tpu.yield
    }) : () -> ()
    %dma_start3A = arith.constant 0 : i32
    %dma_start3A_8 = arith.constant 1 : i32
    %dma_start3A_9 = arith.constant 1 : i32
    %dma_start3A_10 = arith.constant 0 : i32
    %dma_start3A_11 = arith.constant 0 : i32
    %dma_start3A_12 = tpu.memref_slice %arg5[%dma_start3A_9, %dma_start3A_10, %dma_start3A_11] : memref<2x25x40xi32, #tpu.memory_space<vmem>> -> memref<1x25x40xi32, #tpu.memory_space<vmem>>
    %dma_start3A_13 = tpu.memref_squeeze %dma_start3A_12 : memref<1x25x40xi32, #tpu.memory_space<vmem>> -> memref<25x40xi32, #tpu.memory_space<vmem>>
    %dma_start3A_14 = arith.constant 0 : i32
    %dma_start3A_15 = arith.constant 0 : i32
    %dma_start3A_16 = tpu.memref_slice %arg3[%dma_start3A, %add3A, %dma_start3A_8, %dma_start3A_14, %dma_start3A_15] : memref<2x32x10x25x40xi32, #tpu.memory_space<hbm>> -> memref<1x1x1x25x40xi32, #tpu.memory_space<hbm>>
    %dma_start3A_17 = tpu.memref_squeeze %dma_start3A_16 : memref<1x1x1x25x40xi32, #tpu.memory_space<hbm>> -> memref<25x40xi32, #tpu.memory_space<hbm>>
    %dma_start3A_18 = arith.constant 0 : i32
    %dma_start3A_19 = arith.constant 0 : i32
    %dma_start3A_20 = tpu.memref_slice %arg5[%dma_start3A_9, %dma_start3A_18, %dma_start3A_19] : memref<2x25x40xi32, #tpu.memory_space<vmem>> -> memref<1x25x40xi32, #tpu.memory_space<vmem>>
    %dma_start3A_21 = tpu.memref_squeeze %dma_start3A_20 : memref<1x25x40xi32, #tpu.memory_space<vmem>> -> memref<25x40xi32, #tpu.memory_space<vmem>>
    %dma_start3A_22 = arith.constant 0 : i32
    %dma_start3A_23 = arith.constant 0 : i32
    %dma_start3A_24 = tpu.memref_slice %arg3[%dma_start3A, %add3A, %dma_start3A_8, %dma_start3A_22, %dma_start3A_23] : memref<2x32x10x25x40xi32, #tpu.memory_space<hbm>> -> memref<1x1x1x25x40xi32, #tpu.memory_space<hbm>>
    %dma_start3A_25 = tpu.memref_squeeze %dma_start3A_24 : memref<1x1x1x25x40xi32, #tpu.memory_space<hbm>> -> memref<25x40xi32, #tpu.memory_space<hbm>>
    tpu.enqueue_dma source(%dma_start3A_25 : memref<25x40xi32, #tpu.memory_space<hbm>>) target(%dma_start3A_21 : memref<25x40xi32, #tpu.memory_space<vmem>>) target_semaphore(%arg24 : memref<!tpu.dma_semaphore, #tpu.memory_space<semaphore_mem>>)
    %dma_start3A_26 = arith.constant 1 : i32
    %dma_start3A_27 = arith.constant 1 : i32
    %dma_start3A_28 = arith.constant 1 : i32
    %dma_start3A_29 = arith.constant 0 : i32
    %dma_start3A_30 = arith.constant 0 : i32
    %dma_start3A_31 = tpu.memref_slice %arg6[%dma_start3A_28, %dma_start3A_29, %dma_start3A_30] : memref<2x25x40xi32, #tpu.memory_space<vmem>> -> memref<1x25x40xi32, #tpu.memory_space<vmem>>
    %dma_start3A_32 = tpu.memref_squeeze %dma_start3A_31 : memref<1x25x40xi32, #tpu.memory_space<vmem>> -> memref<25x40xi32, #tpu.memory_space<vmem>>
    %dma_start3A_33 = arith.constant 0 : i32
    %dma_start3A_34 = arith.constant 0 : i32
    %dma_start3A_35 = tpu.memref_slice %arg3[%dma_start3A_26, %add3A, %dma_start3A_27, %dma_start3A_33, %dma_start3A_34] : memref<2x32x10x25x40xi32, #tpu.memory_space<hbm>> -> memref<1x1x1x25x40xi32, #tpu.memory_space<hbm>>
    %dma_start3A_36 = tpu.memref_squeeze %dma_start3A_35 : memref<1x1x1x25x40xi32, #tpu.memory_space<hbm>> -> memref<25x40xi32, #tpu.memory_space<hbm>>
    %dma_start3A_37 = arith.constant 0 : i32
    %dma_start3A_38 = arith.constant 0 : i32
    %dma_start3A_39 = tpu.memref_slice %arg6[%dma_start3A_28, %dma_start3A_37, %dma_start3A_38] : memref<2x25x40xi32, #tpu.memory_space<vmem>> -> memref<1x25x40xi32, #tpu.memory_space<vmem>>
    %dma_start3A_40 = tpu.memref_squeeze %dma_start3A_39 : memref<1x25x40xi32, #tpu.memory_space<vmem>> -> memref<25x40xi32, #tpu.memory_space<vmem>>
    %dma_start3A_41 = arith.constant 0 : i32
    %dma_start3A_42 = arith.constant 0 : i32
    %dma_start3A_43 = tpu.memref_slice %arg3[%dma_start3A_26, %add3A, %dma_start3A_27, %dma_start3A_41, %dma_start3A_42] : memref<2x32x10x25x40xi32, #tpu.memory_space<hbm>> -> memref<1x1x1x25x40xi32, #tpu.memory_space<hbm>>
    %dma_start3A_44 = tpu.memref_squeeze %dma_start3A_43 : memref<1x1x1x25x40xi32, #tpu.memory_space<hbm>> -> memref<25x40xi32, #tpu.memory_space<hbm>>
    tpu.enqueue_dma source(%dma_start3A_44 : memref<25x40xi32, #tpu.memory_space<hbm>>) target(%dma_start3A_40 : memref<25x40xi32, #tpu.memory_space<vmem>>) target_semaphore(%arg24 : memref<!tpu.dma_semaphore, #tpu.memory_space<semaphore_mem>>)
    %dma_start3A_45 = arith.constant 0 : i32
    %dma_start3A_46 = arith.constant 0 : i32
    %dma_start3A_47 = arith.constant 0 : i32
    %dma_start3A_48 = tpu.memref_slice %arg5[%dma_start3A_45, %dma_start3A_46, %dma_start3A_47] : memref<2x25x40xi32, #tpu.memory_space<vmem>> -> memref<1x1x40xi32, #tpu.memory_space<vmem>>
    %dma_start3A_49 = tpu.memref_squeeze %dma_start3A_48 : memref<1x1x40xi32, #tpu.memory_space<vmem>> -> memref<40xi32, #tpu.memory_space<vmem>>
    %dma_start3A_50 = arith.constant 0 : i32
    %dma_start3A_51 = arith.constant 0 : i32
    %dma_start3A_52 = tpu.memref_slice %arg2[%dma_start3A_50, %dma_start3A_51] : memref<10000x128xf32, #tpu.memory_space<hbm>> -> memref<10000x128xf32, #tpu.memory_space<hbm>>
    tpu.enqueue_indirect_dma source(%dma_start3A_52 : memref<10000x128xf32, #tpu.memory_space<hbm>>) target(%arg7 : memref<40x128xf32, #tpu.memory_space<vmem>>) offsets(%dma_start3A_49 : memref<40xi32, #tpu.memory_space<vmem>>) semaphore(%arg14 : memref<!tpu.dma_semaphore, #tpu.memory_space<semaphore_mem>>)
    %dma_start3A_53 = arith.constant 0 : i32
    %dma_start3A_54 = arith.constant 1 : i32
    %dma_start3A_55 = arith.constant 0 : i32
    %dma_start3A_56 = tpu.memref_slice %arg5[%dma_start3A_53, %dma_start3A_54, %dma_start3A_55] : memref<2x25x40xi32, #tpu.memory_space<vmem>> -> memref<1x1x40xi32, #tpu.memory_space<vmem>>
    %dma_start3A_57 = tpu.memref_squeeze %dma_start3A_56 : memref<1x1x40xi32, #tpu.memory_space<vmem>> -> memref<40xi32, #tpu.memory_space<vmem>>
    %dma_start3A_58 = arith.constant 0 : i32
    %dma_start3A_59 = arith.constant 0 : i32
    %dma_start3A_60 = tpu.memref_slice %arg2[%dma_start3A_58, %dma_start3A_59] : memref<10000x128xf32, #tpu.memory_space<hbm>> -> memref<10000x128xf32, #tpu.memory_space<hbm>>
    tpu.enqueue_indirect_dma source(%dma_start3A_60 : memref<10000x128xf32, #tpu.memory_space<hbm>>) target(%arg8 : memref<40x128xf32, #tpu.memory_space<vmem>>) offsets(%dma_start3A_57 : memref<40xi32, #tpu.memory_space<vmem>>) semaphore(%arg15 : memref<!tpu.dma_semaphore, #tpu.memory_space<semaphore_mem>>)
    %dma_start3A_61 = arith.constant 0 : i32
    %dma_start3A_62 = arith.constant 2 : i32
    %dma_start3A_63 = arith.constant 0 : i32
    %dma_start3A_64 = tpu.memref_slice %arg5[%dma_start3A_61, %dma_start3A_62, %dma_start3A_63] : memref<2x25x40xi32, #tpu.memory_space<vmem>> -> memref<1x1x40xi32, #tpu.memory_space<vmem>>
    %dma_start3A_65 = tpu.memref_squeeze %dma_start3A_64 : memref<1x1x40xi32, #tpu.memory_space<vmem>> -> memref<40xi32, #tpu.memory_space<vmem>>
    %dma_start3A_66 = arith.constant 0 : i32
    %dma_start3A_67 = arith.constant 0 : i32
    %dma_start3A_68 = tpu.memref_slice %arg2[%dma_start3A_66, %dma_start3A_67] : memref<10000x128xf32, #tpu.memory_space<hbm>> -> memref<10000x128xf32, #tpu.memory_space<hbm>>
    tpu.enqueue_indirect_dma source(%dma_start3A_68 : memref<10000x128xf32, #tpu.memory_space<hbm>>) target(%arg9 : memref<40x128xf32, #tpu.memory_space<vmem>>) offsets(%dma_start3A_65 : memref<40xi32, #tpu.memory_space<vmem>>) semaphore(%arg16 : memref<!tpu.dma_semaphore, #tpu.memory_space<semaphore_mem>>)
    %dma_start3A_69 = arith.constant 0 : i32
    %dma_start3A_70 = arith.constant 3 : i32
    %dma_start3A_71 = arith.constant 0 : i32
    %dma_start3A_72 = tpu.memref_slice %arg5[%dma_start3A_69, %dma_start3A_70, %dma_start3A_71] : memref<2x25x40xi32, #tpu.memory_space<vmem>> -> memref<1x1x40xi32, #tpu.memory_space<vmem>>
    %dma_start3A_73 = tpu.memref_squeeze %dma_start3A_72 : memref<1x1x40xi32, #tpu.memory_space<vmem>> -> memref<40xi32, #tpu.memory_space<vmem>>
    %dma_start3A_74 = arith.constant 0 : i32
    %dma_start3A_75 = arith.constant 0 : i32
    %dma_start3A_76 = tpu.memref_slice %arg2[%dma_start3A_74, %dma_start3A_75] : memref<10000x128xf32, #tpu.memory_space<hbm>> -> memref<10000x128xf32, #tpu.memory_space<hbm>>
    tpu.enqueue_indirect_dma source(%dma_start3A_76 : memref<10000x128xf32, #tpu.memory_space<hbm>>) target(%arg10 : memref<40x128xf32, #tpu.memory_space<vmem>>) offsets(%dma_start3A_73 : memref<40xi32, #tpu.memory_space<vmem>>) semaphore(%arg17 : memref<!tpu.dma_semaphore, #tpu.memory_space<semaphore_mem>>)
    %dma_start3A_77 = arith.constant 0 : i32
    %dma_start3A_78 = arith.constant 4 : i32
    %dma_start3A_79 = arith.constant 0 : i32
    %dma_start3A_80 = tpu.memref_slice %arg5[%dma_start3A_77, %dma_start3A_78, %dma_start3A_79] : memref<2x25x40xi32, #tpu.memory_space<vmem>> -> memref<1x1x40xi32, #tpu.memory_space<vmem>>
    %dma_start3A_81 = tpu.memref_squeeze %dma_start3A_80 : memref<1x1x40xi32, #tpu.memory_space<vmem>> -> memref<40xi32, #tpu.memory_space<vmem>>
    %dma_start3A_82 = arith.constant 0 : i32
    %dma_start3A_83 = arith.constant 0 : i32
    %dma_start3A_84 = tpu.memref_slice %arg2[%dma_start3A_82, %dma_start3A_83] : memref<10000x128xf32, #tpu.memory_space<hbm>> -> memref<10000x128xf32, #tpu.memory_space<hbm>>
    tpu.enqueue_indirect_dma source(%dma_start3A_84 : memref<10000x128xf32, #tpu.memory_space<hbm>>) target(%arg11 : memref<40x128xf32, #tpu.memory_space<vmem>>) offsets(%dma_start3A_81 : memref<40xi32, #tpu.memory_space<vmem>>) semaphore(%arg18 : memref<!tpu.dma_semaphore, #tpu.memory_space<semaphore_mem>>)
    %broadcast_in_dim3A = arith.constant 0.000000e+00 : f32
    %broadcast_in_dim3A_85 = vector.broadcast %broadcast_in_dim3A : f32 to vector<16xf32>
    %scan3A = arith.constant 0 : i32
    %scan3A_86 = arith.constant 0 : i32
    %scan3A_87 = arith.constant 32 : i32
    %scan3A_88 = arith.addi %scan3A_86, %scan3A_87 : i32
    %scan3A_89 = arith.constant 1 : i32
    scf.for %scan3A_177 = %scan3A_86 to %scan3A_88 step %scan3A_89  : i32 {
      %swap3A = arith.index_cast %scan3A_177 : i32 to index
      %swap3A_178 = arith.constant 0 : index
      %swap3A_179 = tpu.vector_load %arg12[%swap3A, %swap3A_178] {strides = array<i32>} : memref<32x128xf32, #tpu.memory_space<vmem>>, vector<1x16xf32>,
      %swap3A_180 = vector.shape_cast %swap3A_179 : vector<1x16xf32> to vector<16xf32>
      %swap3A_181 = vector.shape_cast %broadcast_in_dim3A_85 : vector<16xf32> to vector<1x16xf32>
      tpu.vector_store %arg12[%swap3A, %swap3A_178], %swap3A_181 {strides = array<i32>} : memref<32x128xf32, #tpu.memory_space<vmem>>, vector<1x16xf32>,
      %swap3A_182 = arith.index_cast %scan3A_177 : i32 to index
      %swap3A_183 = arith.constant 16 : index
      %swap3A_184 = tpu.vector_load %arg12[%swap3A_182, %swap3A_183] {strides = array<i32>} : memref<32x128xf32, #tpu.memory_space<vmem>>, vector<1x16xf32>,
      %swap3A_185 = vector.shape_cast %swap3A_184 : vector<1x16xf32> to vector<16xf32>
      %swap3A_186 = vector.shape_cast %broadcast_in_dim3A_85 : vector<16xf32> to vector<1x16xf32>
      tpu.vector_store %arg12[%swap3A_182, %swap3A_183], %swap3A_186 {strides = array<i32>} : memref<32x128xf32, #tpu.memory_space<vmem>>, vector<1x16xf32>,
      %swap3A_187 = arith.index_cast %scan3A_177 : i32 to index
      %swap3A_188 = arith.constant 32 : index
      %swap3A_189 = tpu.vector_load %arg12[%swap3A_187, %swap3A_188] {strides = array<i32>} : memref<32x128xf32, #tpu.memory_space<vmem>>, vector<1x16xf32>,
      %swap3A_190 = vector.shape_cast %swap3A_189 : vector<1x16xf32> to vector<16xf32>
      %swap3A_191 = vector.shape_cast %broadcast_in_dim3A_85 : vector<16xf32> to vector<1x16xf32>
      tpu.vector_store %arg12[%swap3A_187, %swap3A_188], %swap3A_191 {strides = array<i32>} : memref<32x128xf32, #tpu.memory_space<vmem>>, vector<1x16xf32>,
      %swap3A_192 = arith.index_cast %scan3A_177 : i32 to index
      %swap3A_193 = arith.constant 48 : index
      %swap3A_194 = tpu.vector_load %arg12[%swap3A_192, %swap3A_193] {strides = array<i32>} : memref<32x128xf32, #tpu.memory_space<vmem>>, vector<1x16xf32>,
      %swap3A_195 = vector.shape_cast %swap3A_194 : vector<1x16xf32> to vector<16xf32>
      %swap3A_196 = vector.shape_cast %broadcast_in_dim3A_85 : vector<16xf32> to vector<1x16xf32>
      tpu.vector_store %arg12[%swap3A_192, %swap3A_193], %swap3A_196 {strides = array<i32>} : memref<32x128xf32, #tpu.memory_space<vmem>>, vector<1x16xf32>,
      %swap3A_197 = arith.index_cast %scan3A_177 : i32 to index
      %swap3A_198 = arith.constant 64 : index
      %swap3A_199 = tpu.vector_load %arg12[%swap3A_197, %swap3A_198] {strides = array<i32>} : memref<32x128xf32, #tpu.memory_space<vmem>>, vector<1x16xf32>,
      %swap3A_200 = vector.shape_cast %swap3A_199 : vector<1x16xf32> to vector<16xf32>
      %swap3A_201 = vector.shape_cast %broadcast_in_dim3A_85 : vector<16xf32> to vector<1x16xf32>
      tpu.vector_store %arg12[%swap3A_197, %swap3A_198], %swap3A_201 {strides = array<i32>} : memref<32x128xf32, #tpu.memory_space<vmem>>, vector<1x16xf32>,
      %swap3A_202 = arith.index_cast %scan3A_177 : i32 to index
      %swap3A_203 = arith.constant 80 : index
      %swap3A_204 = tpu.vector_load %arg12[%swap3A_202, %swap3A_203] {strides = array<i32>} : memref<32x128xf32, #tpu.memory_space<vmem>>, vector<1x16xf32>,
      %swap3A_205 = vector.shape_cast %swap3A_204 : vector<1x16xf32> to vector<16xf32>
      %swap3A_206 = vector.shape_cast %broadcast_in_dim3A_85 : vector<16xf32> to vector<1x16xf32>
      tpu.vector_store %arg12[%swap3A_202, %swap3A_203], %swap3A_206 {strides = array<i32>} : memref<32x128xf32, #tpu.memory_space<vmem>>, vector<1x16xf32>,
      %swap3A_207 = arith.index_cast %scan3A_177 : i32 to index
      %swap3A_208 = arith.constant 96 : index
      %swap3A_209 = tpu.vector_load %arg12[%swap3A_207, %swap3A_208] {strides = array<i32>} : memref<32x128xf32, #tpu.memory_space<vmem>>, vector<1x16xf32>,
      %swap3A_210 = vector.shape_cast %swap3A_209 : vector<1x16xf32> to vector<16xf32>
      %swap3A_211 = vector.shape_cast %broadcast_in_dim3A_85 : vector<16xf32> to vector<1x16xf32>
      tpu.vector_store %arg12[%swap3A_207, %swap3A_208], %swap3A_211 {strides = array<i32>} : memref<32x128xf32, #tpu.memory_space<vmem>>, vector<1x16xf32>,
      %swap3A_212 = arith.index_cast %scan3A_177 : i32 to index
      %swap3A_213 = arith.constant 112 : index
      %swap3A_214 = tpu.vector_load %arg12[%swap3A_212, %swap3A_213] {strides = array<i32>} : memref<32x128xf32, #tpu.memory_space<vmem>>, vector<1x16xf32>,
      %swap3A_215 = vector.shape_cast %swap3A_214 : vector<1x16xf32> to vector<16xf32>
      %swap3A_216 = vector.shape_cast %broadcast_in_dim3A_85 : vector<16xf32> to vector<1x16xf32>
      tpu.vector_store %arg12[%swap3A_212, %swap3A_213], %swap3A_216 {strides = array<i32>} : memref<32x128xf32, #tpu.memory_space<vmem>>, vector<1x16xf32>,
    }
    %scan3A_90 = arith.constant 32 : i32
    %add3A_91 = arith.constant 0 : i32
    %add3A_92 = arith.addi %mul3A_2, %add3A_91 : i32
    "tpu.region"() ({
      %run_scoped3A_177 = tpu.sem_alloc : memref<!tpu.dma_semaphore, #tpu.memory_space<semaphore_mem>>
      %dma_start3A_178 = arith.constant 0 : i32
      %dma_start3A_179 = tpu.memref_slice %arg13[%add3A_92, %dma_start3A_178] : memref<10240x128xf32, #tpu.memory_space<vmem_shared>> -> memref<32x128xf32, #tpu.memory_space<vmem_shared>>
      %dma_start3A_180 = arith.constant 0 : i32
      %dma_start3A_181 = tpu.memref_slice %arg13[%add3A_92, %dma_start3A_180] : memref<10240x128xf32, #tpu.memory_space<vmem_shared>> -> memref<32x128xf32, #tpu.memory_space<vmem_shared>>
      tpu.enqueue_dma source(%arg12 : memref<32x128xf32, #tpu.memory_space<vmem>>) target(%dma_start3A_181 : memref<32x128xf32, #tpu.memory_space<vmem_shared>>) target_semaphore(%run_scoped3A_177 : memref<!tpu.dma_semaphore, #tpu.memory_space<semaphore_mem>>)
      %dma_wait3A_182 = arith.constant 0 : i32
      %dma_wait3A_183 = tpu.memref_slice %arg13[%add3A_92, %dma_wait3A_182] : memref<10240x128xf32, #tpu.memory_space<vmem_shared>> -> memref<32x128xf32, #tpu.memory_space<vmem_shared>>
      %dma_wait3A_184 = arith.constant 0 : i32
      %dma_wait3A_185 = tpu.memref_slice %arg13[%add3A_92, %dma_wait3A_184] : memref<10240x128xf32, #tpu.memory_space<vmem_shared>> -> memref<32x128xf32, #tpu.memory_space<vmem_shared>>
      tpu.wait_dma2 semaphore(%run_scoped3A_177 : memref<!tpu.dma_semaphore, #tpu.memory_space<semaphore_mem>>) src(%arg12 : memref<32x128xf32, #tpu.memory_space<vmem>>) dst(%dma_wait3A_185 : memref<32x128xf32, #tpu.memory_space<vmem_shared>>)
      tpu.yield
    }) : () -> ()
    %add3A_93 = arith.constant 32 : i32
    %add3A_94 = arith.addi %mul3A_2, %add3A_93 : i32
    "tpu.region"() ({
      %run_scoped3A_177 = tpu.sem_alloc : memref<!tpu.dma_semaphore, #tpu.memory_space<semaphore_mem>>
      %dma_start3A_178 = arith.constant 0 : i32
      %dma_start3A_179 = tpu.memref_slice %arg13[%add3A_94, %dma_start3A_178] : memref<10240x128xf32, #tpu.memory_space<vmem_shared>> -> memref<32x128xf32, #tpu.memory_space<vmem_shared>>
      %dma_start3A_180 = arith.constant 0 : i32
      %dma_start3A_181 = tpu.memref_slice %arg13[%add3A_94, %dma_start3A_180] : memref<10240x128xf32, #tpu.memory_space<vmem_shared>> -> memref<32x128xf32, #tpu.memory_space<vmem_shared>>
      tpu.enqueue_dma source(%arg12 : memref<32x128xf32, #tpu.memory_space<vmem>>) target(%dma_start3A_181 : memref<32x128xf32, #tpu.memory_space<vmem_shared>>) target_semaphore(%run_scoped3A_177 : memref<!tpu.dma_semaphore, #tpu.memory_space<semaphore_mem>>)
      %dma_wait3A_182 = arith.constant 0 : i32
      %dma_wait3A_183 = tpu.memref_slice %arg13[%add3A_94, %dma_wait3A_182] : memref<10240x128xf32, #tpu.memory_space<vmem_shared>> -> memref<32x128xf32, #tpu.memory_space<vmem_shared>>
      %dma_wait3A_184 = arith.constant 0 : i32
      %dma_wait3A_185 = tpu.memref_slice %arg13[%add3A_94, %dma_wait3A_184] : memref<10240x128xf32, #tpu.memory_space<vmem_shared>> -> memref<32x128xf32, #tpu.memory_space<vmem_shared>>
      tpu.wait_dma2 semaphore(%run_scoped3A_177 : memref<!tpu.dma_semaphore, #tpu.memory_space<semaphore_mem>>) src(%arg12 : memref<32x128xf32, #tpu.memory_space<vmem>>) dst(%dma_wait3A_185 : memref<32x128xf32, #tpu.memory_space<vmem_shared>>)
      tpu.yield
    }) : () -> ()
    %add3A_95 = arith.constant 64 : i32
    %add3A_96 = arith.addi %mul3A_2, %add3A_95 : i32
    "tpu.region"() ({
      %run_scoped3A_177 = tpu.sem_alloc : memref<!tpu.dma_semaphore, #tpu.memory_space<semaphore_mem>>
      %dma_start3A_178 = arith.constant 0 : i32
      %dma_start3A_179 = tpu.memref_slice %arg13[%add3A_96, %dma_start3A_178] : memref<10240x128xf32, #tpu.memory_space<vmem_shared>> -> memref<32x128xf32, #tpu.memory_space<vmem_shared>>
      %dma_start3A_180 = arith.constant 0 : i32
      %dma_start3A_181 = tpu.memref_slice %arg13[%add3A_96, %dma_start3A_180] : memref<10240x128xf32, #tpu.memory_space<vmem_shared>> -> memref<32x128xf32, #tpu.memory_space<vmem_shared>>
      tpu.enqueue_dma source(%arg12 : memref<32x128xf32, #tpu.memory_space<vmem>>) target(%dma_start3A_181 : memref<32x128xf32, #tpu.memory_space<vmem_shared>>) target_semaphore(%run_scoped3A_177 : memref<!tpu.dma_semaphore, #tpu.memory_space<semaphore_mem>>)
      %dma_wait3A_182 = arith.constant 0 : i32
      %dma_wait3A_183 = tpu.memref_slice %arg13[%add3A_96, %dma_wait3A_182] : memref<10240x128xf32, #tpu.memory_space<vmem_shared>> -> memref<32x128xf32, #tpu.memory_space<vmem_shared>>
      %dma_wait3A_184 = arith.constant 0 : i32
      %dma_wait3A_185 = tpu.memref_slice %arg13[%add3A_96, %dma_wait3A_184] : memref<10240x128xf32, #tpu.memory_space<vmem_shared>> -> memref<32x128xf32, #tpu.memory_space<vmem_shared>>
      tpu.wait_dma2 semaphore(%run_scoped3A_177 : memref<!tpu.dma_semaphore, #tpu.memory_space<semaphore_mem>>) src(%arg12 : memref<32x128xf32, #tpu.memory_space<vmem>>) dst(%dma_wait3A_185 : memref<32x128xf32, #tpu.memory_space<vmem_shared>>)
      tpu.yield
    }) : () -> ()
    %add3A_97 = arith.constant 96 : i32
    %add3A_98 = arith.addi %mul3A_2, %add3A_97 : i32
    "tpu.region"() ({
      %run_scoped3A_177 = tpu.sem_alloc : memref<!tpu.dma_semaphore, #tpu.memory_space<semaphore_mem>>
      %dma_start3A_178 = arith.constant 0 : i32
      %dma_start3A_179 = tpu.memref_slice %arg13[%add3A_98, %dma_start3A_178] : memref<10240x128xf32, #tpu.memory_space<vmem_shared>> -> memref<32x128xf32, #tpu.memory_space<vmem_shared>>
      %dma_start3A_180 = arith.constant 0 : i32
      %dma_start3A_181 = tpu.memref_slice %arg13[%add3A_98, %dma_start3A_180] : memref<10240x128xf32, #tpu.memory_space<vmem_shared>> -> memref<32x128xf32, #tpu.memory_space<vmem_shared>>
      tpu.enqueue_dma source(%arg12 : memref<32x128xf32, #tpu.memory_space<vmem>>) target(%dma_start3A_181 : memref<32x128xf32, #tpu.memory_space<vmem_shared>>) target_semaphore(%run_scoped3A_177 : memref<!tpu.dma_semaphore, #tpu.memory_space<semaphore_mem>>)
      %dma_wait3A_182 = arith.constant 0 : i32
      %dma_wait3A_183 = tpu.memref_slice %arg13[%add3A_98, %dma_wait3A_182] : memref<10240x128xf32, #tpu.memory_space<vmem_shared>> -> memref<32x128xf32, #tpu.memory_space<vmem_shared>>
      %dma_wait3A_184 = arith.constant 0 : i32
      %dma_wait3A_185 = tpu.memref_slice %arg13[%add3A_98, %dma_wait3A_184] : memref<10240x128xf32, #tpu.memory_space<vmem_shared>> -> memref<32x128xf32, #tpu.memory_space<vmem_shared>>
      tpu.wait_dma2 semaphore(%run_scoped3A_177 : memref<!tpu.dma_semaphore, #tpu.memory_space<semaphore_mem>>) src(%arg12 : memref<32x128xf32, #tpu.memory_space<vmem>>) dst(%dma_wait3A_185 : memref<32x128xf32, #tpu.memory_space<vmem_shared>>)
      tpu.yield
    }) : () -> ()
    %add3A_99 = arith.constant 128 : i32
    %add3A_100 = arith.addi %mul3A_2, %add3A_99 : i32
    "tpu.region"() ({
      %run_scoped3A_177 = tpu.sem_alloc : memref<!tpu.dma_semaphore, #tpu.memory_space<semaphore_mem>>
      %dma_start3A_178 = arith.constant 0 : i32
      %dma_start3A_179 = tpu.memref_slice %arg13[%add3A_100, %dma_start3A_178] : memref<10240x128xf32, #tpu.memory_space<vmem_shared>> -> memref<32x128xf32, #tpu.memory_space<vmem_shared>>
      %dma_start3A_180 = arith.constant 0 : i32
      %dma_start3A_181 = tpu.memref_slice %arg13[%add3A_100, %dma_start3A_180] : memref<10240x128xf32, #tpu.memory_space<vmem_shared>> -> memref<32x128xf32, #tpu.memory_space<vmem_shared>>
      tpu.enqueue_dma source(%arg12 : memref<32x128xf32, #tpu.memory_space<vmem>>) target(%dma_start3A_181 : memref<32x128xf32, #tpu.memory_space<vmem_shared>>) target_semaphore(%run_scoped3A_177 : memref<!tpu.dma_semaphore, #tpu.memory_space<semaphore_mem>>)
      %dma_wait3A_182 = arith.constant 0 : i32
      %dma_wait3A_183 = tpu.memref_slice %arg13[%add3A_100, %dma_wait3A_182] : memref<10240x128xf32, #tpu.memory_space<vmem_shared>> -> memref<32x128xf32, #tpu.memory_space<vmem_shared>>
      %dma_wait3A_184 = arith.constant 0 : i32
      %dma_wait3A_185 = tpu.memref_slice %arg13[%add3A_100, %dma_wait3A_184] : memref<10240x128xf32, #tpu.memory_space<vmem_shared>> -> memref<32x128xf32, #tpu.memory_space<vmem_shared>>
      tpu.wait_dma2 semaphore(%run_scoped3A_177 : memref<!tpu.dma_semaphore, #tpu.memory_space<semaphore_mem>>) src(%arg12 : memref<32x128xf32, #tpu.memory_space<vmem>>) dst(%dma_wait3A_185 : memref<32x128xf32, #tpu.memory_space<vmem_shared>>)
      tpu.yield
    }) : () -> ()
    %add3A_101 = arith.constant 160 : i32
    %add3A_102 = arith.addi %mul3A_2, %add3A_101 : i32
    "tpu.region"() ({
      %run_scoped3A_177 = tpu.sem_alloc : memref<!tpu.dma_semaphore, #tpu.memory_space<semaphore_mem>>
      %dma_start3A_178 = arith.constant 0 : i32
      %dma_start3A_179 = tpu.memref_slice %arg13[%add3A_102, %dma_start3A_178] : memref<10240x128xf32, #tpu.memory_space<vmem_shared>> -> memref<32x128xf32, #tpu.memory_space<vmem_shared>>
      %dma_start3A_180 = arith.constant 0 : i32
      %dma_start3A_181 = tpu.memref_slice %arg13[%add3A_102, %dma_start3A_180] : memref<10240x128xf32, #tpu.memory_space<vmem_shared>> -> memref<32x128xf32, #tpu.memory_space<vmem_shared>>
      tpu.enqueue_dma source(%arg12 : memref<32x128xf32, #tpu.memory_space<vmem>>) target(%dma_start3A_181 : memref<32x128xf32, #tpu.memory_space<vmem_shared>>) target_semaphore(%run_scoped3A_177 : memref<!tpu.dma_semaphore, #tpu.memory_space<semaphore_mem>>)
      %dma_wait3A_182 = arith.constant 0 : i32
      %dma_wait3A_183 = tpu.memref_slice %arg13[%add3A_102, %dma_wait3A_182] : memref<10240x128xf32, #tpu.memory_space<vmem_shared>> -> memref<32x128xf32, #tpu.memory_space<vmem_shared>>
      %dma_wait3A_184 = arith.constant 0 : i32
      %dma_wait3A_185 = tpu.memref_slice %arg13[%add3A_102, %dma_wait3A_184] : memref<10240x128xf32, #tpu.memory_space<vmem_shared>> -> memref<32x128xf32, #tpu.memory_space<vmem_shared>>
      tpu.wait_dma2 semaphore(%run_scoped3A_177 : memref<!tpu.dma_semaphore, #tpu.memory_space<semaphore_mem>>) src(%arg12 : memref<32x128xf32, #tpu.memory_space<vmem>>) dst(%dma_wait3A_185 : memref<32x128xf32, #tpu.memory_space<vmem_shared>>)
      tpu.yield
    }) : () -> ()
    %add3A_103 = arith.constant 192 : i32
    %add3A_104 = arith.addi %mul3A_2, %add3A_103 : i32
    "tpu.region"() ({
      %run_scoped3A_177 = tpu.sem_alloc : memref<!tpu.dma_semaphore, #tpu.memory_space<semaphore_mem>>
      %dma_start3A_178 = arith.constant 0 : i32
      %dma_start3A_179 = tpu.memref_slice %arg13[%add3A_104, %dma_start3A_178] : memref<10240x128xf32, #tpu.memory_space<vmem_shared>> -> memref<32x128xf32, #tpu.memory_space<vmem_shared>>
      %dma_start3A_180 = arith.constant 0 : i32
      %dma_start3A_181 = tpu.memref_slice %arg13[%add3A_104, %dma_start3A_180] : memref<10240x128xf32, #tpu.memory_space<vmem_shared>> -> memref<32x128xf32, #tpu.memory_space<vmem_shared>>
      tpu.enqueue_dma source(%arg12 : memref<32x128xf32, #tpu.memory_space<vmem>>) target(%dma_start3A_181 : memref<32x128xf32, #tpu.memory_space<vmem_shared>>) target_semaphore(%run_scoped3A_177 : memref<!tpu.dma_semaphore, #tpu.memory_space<semaphore_mem>>)
      %dma_wait3A_182 = arith.constant 0 : i32
      %dma_wait3A_183 = tpu.memref_slice %arg13[%add3A_104, %dma_wait3A_182] : memref<10240x128xf32, #tpu.memory_space<vmem_shared>> -> memref<32x128xf32, #tpu.memory_space<vmem_shared>>
      %dma_wait3A_184 = arith.constant 0 : i32
      %dma_wait3A_185 = tpu.memref_slice %arg13[%add3A_104, %dma_wait3A_184] : memref<10240x128xf32, #tpu.memory_space<vmem_shared>> -> memref<32x128xf32, #tpu.memory_space<vmem_shared>>
      tpu.wait_dma2 semaphore(%run_scoped3A_177 : memref<!tpu.dma_semaphore, #tpu.memory_space<semaphore_mem>>) src(%arg12 : memref<32x128xf32, #tpu.memory_space<vmem>>) dst(%dma_wait3A_185 : memref<32x128xf32, #tpu.memory_space<vmem_shared>>)
      tpu.yield
    }) : () -> ()
    %add3A_105 = arith.constant 224 : i32
    %add3A_106 = arith.addi %mul3A_2, %add3A_105 : i32
    "tpu.region"() ({
      %run_scoped3A_177 = tpu.sem_alloc : memref<!tpu.dma_semaphore, #tpu.memory_space<semaphore_mem>>
      %dma_start3A_178 = arith.constant 0 : i32
      %dma_start3A_179 = tpu.memref_slice %arg13[%add3A_106, %dma_start3A_178] : memref<10240x128xf32, #tpu.memory_space<vmem_shared>> -> memref<32x128xf32, #tpu.memory_space<vmem_shared>>
      %dma_start3A_180 = arith.constant 0 : i32
      %dma_start3A_181 = tpu.memref_slice %arg13[%add3A_106, %dma_start3A_180] : memref<10240x128xf32, #tpu.memory_space<vmem_shared>> -> memref<32x128xf32, #tpu.memory_space<vmem_shared>>
      tpu.enqueue_dma source(%arg12 : memref<32x128xf32, #tpu.memory_space<vmem>>) target(%dma_start3A_181 : memref<32x128xf32, #tpu.memory_space<vmem_shared>>) target_semaphore(%run_scoped3A_177 : memref<!tpu.dma_semaphore, #tpu.memory_space<semaphore_mem>>)
      %dma_wait3A_182 = arith.constant 0 : i32
      %dma_wait3A_183 = tpu.memref_slice %arg13[%add3A_106, %dma_wait3A_182] : memref<10240x128xf32, #tpu.memory_space<vmem_shared>> -> memref<32x128xf32, #tpu.memory_space<vmem_shared>>
      %dma_wait3A_184 = arith.constant 0 : i32
      %dma_wait3A_185 = tpu.memref_slice %arg13[%add3A_106, %dma_wait3A_184] : memref<10240x128xf32, #tpu.memory_space<vmem_shared>> -> memref<32x128xf32, #tpu.memory_space<vmem_shared>>
      tpu.wait_dma2 semaphore(%run_scoped3A_177 : memref<!tpu.dma_semaphore, #tpu.memory_space<semaphore_mem>>) src(%arg12 : memref<32x128xf32, #tpu.memory_space<vmem>>) dst(%dma_wait3A_185 : memref<32x128xf32, #tpu.memory_space<vmem_shared>>)
      tpu.yield
    }) : () -> ()
    %add3A_107 = arith.constant 256 : i32
    %add3A_108 = arith.addi %mul3A_2, %add3A_107 : i32
    "tpu.region"() ({
      %run_scoped3A_177 = tpu.sem_alloc : memref<!tpu.dma_semaphore, #tpu.memory_space<semaphore_mem>>
      %dma_start3A_178 = arith.constant 0 : i32
      %dma_start3A_179 = tpu.memref_slice %arg13[%add3A_108, %dma_start3A_178] : memref<10240x128xf32, #tpu.memory_space<vmem_shared>> -> memref<32x128xf32, #tpu.memory_space<vmem_shared>>
      %dma_start3A_180 = arith.constant 0 : i32
      %dma_start3A_181 = tpu.memref_slice %arg13[%add3A_108, %dma_start3A_180] : memref<10240x128xf32, #tpu.memory_space<vmem_shared>> -> memref<32x128xf32, #tpu.memory_space<vmem_shared>>
      tpu.enqueue_dma source(%arg12 : memref<32x128xf32, #tpu.memory_space<vmem>>) target(%dma_start3A_181 : memref<32x128xf32, #tpu.memory_space<vmem_shared>>) target_semaphore(%run_scoped3A_177 : memref<!tpu.dma_semaphore, #tpu.memory_space<semaphore_mem>>)
      %dma_wait3A_182 = arith.constant 0 : i32
      %dma_wait3A_183 = tpu.memref_slice %arg13[%add3A_108, %dma_wait3A_182] : memref<10240x128xf32, #tpu.memory_space<vmem_shared>> -> memref<32x128xf32, #tpu.memory_space<vmem_shared>>
      %dma_wait3A_184 = arith.constant 0 : i32
      %dma_wait3A_185 = tpu.memref_slice %arg13[%add3A_108, %dma_wait3A_184] : memref<10240x128xf32, #tpu.memory_space<vmem_shared>> -> memref<32x128xf32, #tpu.memory_space<vmem_shared>>
      tpu.wait_dma2 semaphore(%run_scoped3A_177 : memref<!tpu.dma_semaphore, #tpu.memory_space<semaphore_mem>>) src(%arg12 : memref<32x128xf32, #tpu.memory_space<vmem>>) dst(%dma_wait3A_185 : memref<32x128xf32, #tpu.memory_space<vmem_shared>>)
      tpu.yield
    }) : () -> ()
    %add3A_109 = arith.constant 288 : i32
    %add3A_110 = arith.addi %mul3A_2, %add3A_109 : i32
    "tpu.region"() ({
      %run_scoped3A_177 = tpu.sem_alloc : memref<!tpu.dma_semaphore, #tpu.memory_space<semaphore_mem>>
      %dma_start3A_178 = arith.constant 0 : i32
      %dma_start3A_179 = tpu.memref_slice %arg13[%add3A_110, %dma_start3A_178] : memref<10240x128xf32, #tpu.memory_space<vmem_shared>> -> memref<32x128xf32, #tpu.memory_space<vmem_shared>>
      %dma_start3A_180 = arith.constant 0 : i32
      %dma_start3A_181 = tpu.memref_slice %arg13[%add3A_110, %dma_start3A_180] : memref<10240x128xf32, #tpu.memory_space<vmem_shared>> -> memref<32x128xf32, #tpu.memory_space<vmem_shared>>
      tpu.enqueue_dma source(%arg12 : memref<32x128xf32, #tpu.memory_space<vmem>>) target(%dma_start3A_181 : memref<32x128xf32, #tpu.memory_space<vmem_shared>>) target_semaphore(%run_scoped3A_177 : memref<!tpu.dma_semaphore, #tpu.memory_space<semaphore_mem>>)
      %dma_wait3A_182 = arith.constant 0 : i32
      %dma_wait3A_183 = tpu.memref_slice %arg13[%add3A_110, %dma_wait3A_182] : memref<10240x128xf32, #tpu.memory_space<vmem_shared>> -> memref<32x128xf32, #tpu.memory_space<vmem_shared>>
      %dma_wait3A_184 = arith.constant 0 : i32
      %dma_wait3A_185 = tpu.memref_slice %arg13[%add3A_110, %dma_wait3A_184] : memref<10240x128xf32, #tpu.memory_space<vmem_shared>> -> memref<32x128xf32, #tpu.memory_space<vmem_shared>>
      tpu.wait_dma2 semaphore(%run_scoped3A_177 : memref<!tpu.dma_semaphore, #tpu.memory_space<semaphore_mem>>) src(%arg12 : memref<32x128xf32, #tpu.memory_space<vmem>>) dst(%dma_wait3A_185 : memref<32x128xf32, #tpu.memory_space<vmem_shared>>)
      tpu.yield
    }) : () -> ()
    %add3A_111 = arith.constant 320 : i32
    %add3A_112 = arith.addi %mul3A_2, %add3A_111 : i32
    "tpu.region"() ({
      %run_scoped3A_177 = tpu.sem_alloc : memref<!tpu.dma_semaphore, #tpu.memory_space<semaphore_mem>>
      %dma_start3A_178 = arith.constant 0 : i32
      %dma_start3A_179 = tpu.memref_slice %arg13[%add3A_112, %dma_start3A_178] : memref<10240x128xf32, #tpu.memory_space<vmem_shared>> -> memref<32x128xf32, #tpu.memory_space<vmem_shared>>
      %dma_start3A_180 = arith.constant 0 : i32
      %dma_start3A_181 = tpu.memref_slice %arg13[%add3A_112, %dma_start3A_180] : memref<10240x128xf32, #tpu.memory_space<vmem_shared>> -> memref<32x128xf32, #tpu.memory_space<vmem_shared>>
      tpu.enqueue_dma source(%arg12 : memref<32x128xf32, #tpu.memory_space<vmem>>) target(%dma_start3A_181 : memref<32x128xf32, #tpu.memory_space<vmem_shared>>) target_semaphore(%run_scoped3A_177 : memref<!tpu.dma_semaphore, #tpu.memory_space<semaphore_mem>>)
      %dma_wait3A_182 = arith.constant 0 : i32
      %dma_wait3A_183 = tpu.memref_slice %arg13[%add3A_112, %dma_wait3A_182] : memref<10240x128xf32, #tpu.memory_space<vmem_shared>> -> memref<32x128xf32, #tpu.memory_space<vmem_shared>>
      %dma_wait3A_184 = arith.constant 0 : i32
      %dma_wait3A_185 = tpu.memref_slice %arg13[%add3A_112, %dma_wait3A_184] : memref<10240x128xf32, #tpu.memory_space<vmem_shared>> -> memref<32x128xf32, #tpu.memory_space<vmem_shared>>
      tpu.wait_dma2 semaphore(%run_scoped3A_177 : memref<!tpu.dma_semaphore, #tpu.memory_space<semaphore_mem>>) src(%arg12 : memref<32x128xf32, #tpu.memory_space<vmem>>) dst(%dma_wait3A_185 : memref<32x128xf32, #tpu.memory_space<vmem_shared>>)
      tpu.yield
    }) : () -> ()
    %add3A_113 = arith.constant 352 : i32
    %add3A_114 = arith.addi %mul3A_2, %add3A_113 : i32
    "tpu.region"() ({
      %run_scoped3A_177 = tpu.sem_alloc : memref<!tpu.dma_semaphore, #tpu.memory_space<semaphore_mem>>
      %dma_start3A_178 = arith.constant 0 : i32
      %dma_start3A_179 = tpu.memref_slice %arg13[%add3A_114, %dma_start3A_178] : memref<10240x128xf32, #tpu.memory_space<vmem_shared>> -> memref<32x128xf32, #tpu.memory_space<vmem_shared>>
      %dma_start3A_180 = arith.constant 0 : i32
      %dma_start3A_181 = tpu.memref_slice %arg13[%add3A_114, %dma_start3A_180] : memref<10240x128xf32, #tpu.memory_space<vmem_shared>> -> memref<32x128xf32, #tpu.memory_space<vmem_shared>>
      tpu.enqueue_dma source(%arg12 : memref<32x128xf32, #tpu.memory_space<vmem>>) target(%dma_start3A_181 : memref<32x128xf32, #tpu.memory_space<vmem_shared>>) target_semaphore(%run_scoped3A_177 : memref<!tpu.dma_semaphore, #tpu.memory_space<semaphore_mem>>)
      %dma_wait3A_182 = arith.constant 0 : i32
      %dma_wait3A_183 = tpu.memref_slice %arg13[%add3A_114, %dma_wait3A_182] : memref<10240x128xf32, #tpu.memory_space<vmem_shared>> -> memref<32x128xf32, #tpu.memory_space<vmem_shared>>
      %dma_wait3A_184 = arith.constant 0 : i32
      %dma_wait3A_185 = tpu.memref_slice %arg13[%add3A_114, %dma_wait3A_184] : memref<10240x128xf32, #tpu.memory_space<vmem_shared>> -> memref<32x128xf32, #tpu.memory_space<vmem_shared>>
      tpu.wait_dma2 semaphore(%run_scoped3A_177 : memref<!tpu.dma_semaphore, #tpu.memory_space<semaphore_mem>>) src(%arg12 : memref<32x128xf32, #tpu.memory_space<vmem>>) dst(%dma_wait3A_185 : memref<32x128xf32, #tpu.memory_space<vmem_shared>>)
      tpu.yield
    }) : () -> ()
    %add3A_115 = arith.constant 384 : i32
    %add3A_116 = arith.addi %mul3A_2, %add3A_115 : i32
    "tpu.region"() ({
      %run_scoped3A_177 = tpu.sem_alloc : memref<!tpu.dma_semaphore, #tpu.memory_space<semaphore_mem>>
      %dma_start3A_178 = arith.constant 0 : i32
      %dma_start3A_179 = tpu.memref_slice %arg13[%add3A_116, %dma_start3A_178] : memref<10240x128xf32, #tpu.memory_space<vmem_shared>> -> memref<32x128xf32, #tpu.memory_space<vmem_shared>>
      %dma_start3A_180 = arith.constant 0 : i32
      %dma_start3A_181 = tpu.memref_slice %arg13[%add3A_116, %dma_start3A_180] : memref<10240x128xf32, #tpu.memory_space<vmem_shared>> -> memref<32x128xf32, #tpu.memory_space<vmem_shared>>
      tpu.enqueue_dma source(%arg12 : memref<32x128xf32, #tpu.memory_space<vmem>>) target(%dma_start3A_181 : memref<32x128xf32, #tpu.memory_space<vmem_shared>>) target_semaphore(%run_scoped3A_177 : memref<!tpu.dma_semaphore, #tpu.memory_space<semaphore_mem>>)
      %dma_wait3A_182 = arith.constant 0 : i32
      %dma_wait3A_183 = tpu.memref_slice %arg13[%add3A_116, %dma_wait3A_182] : memref<10240x128xf32, #tpu.memory_space<vmem_shared>> -> memref<32x128xf32, #tpu.memory_space<vmem_shared>>
      %dma_wait3A_184 = arith.constant 0 : i32
      %dma_wait3A_185 = tpu.memref_slice %arg13[%add3A_116, %dma_wait3A_184] : memref<10240x128xf32, #tpu.memory_space<vmem_shared>> -> memref<32x128xf32, #tpu.memory_space<vmem_shared>>
      tpu.wait_dma2 semaphore(%run_scoped3A_177 : memref<!tpu.dma_semaphore, #tpu.memory_space<semaphore_mem>>) src(%arg12 : memref<32x128xf32, #tpu.memory_space<vmem>>) dst(%dma_wait3A_185 : memref<32x128xf32, #tpu.memory_space<vmem_shared>>)
      tpu.yield
    }) : () -> ()
    %add3A_117 = arith.constant 416 : i32
    %add3A_118 = arith.addi %mul3A_2, %add3A_117 : i32
    "tpu.region"() ({
      %run_scoped3A_177 = tpu.sem_alloc : memref<!tpu.dma_semaphore, #tpu.memory_space<semaphore_mem>>
      %dma_start3A_178 = arith.constant 0 : i32
      %dma_start3A_179 = tpu.memref_slice %arg13[%add3A_118, %dma_start3A_178] : memref<10240x128xf32, #tpu.memory_space<vmem_shared>> -> memref<32x128xf32, #tpu.memory_space<vmem_shared>>
      %dma_start3A_180 = arith.constant 0 : i32
      %dma_start3A_181 = tpu.memref_slice %arg13[%add3A_118, %dma_start3A_180] : memref<10240x128xf32, #tpu.memory_space<vmem_shared>> -> memref<32x128xf32, #tpu.memory_space<vmem_shared>>
      tpu.enqueue_dma source(%arg12 : memref<32x128xf32, #tpu.memory_space<vmem>>) target(%dma_start3A_181 : memref<32x128xf32, #tpu.memory_space<vmem_shared>>) target_semaphore(%run_scoped3A_177 : memref<!tpu.dma_semaphore, #tpu.memory_space<semaphore_mem>>)
      %dma_wait3A_182 = arith.constant 0 : i32
      %dma_wait3A_183 = tpu.memref_slice %arg13[%add3A_118, %dma_wait3A_182] : memref<10240x128xf32, #tpu.memory_space<vmem_shared>> -> memref<32x128xf32, #tpu.memory_space<vmem_shared>>
      %dma_wait3A_184 = arith.constant 0 : i32
      %dma_wait3A_185 = tpu.memref_slice %arg13[%add3A_118, %dma_wait3A_184] : memref<10240x128xf32, #tpu.memory_space<vmem_shared>> -> memref<32x128xf32, #tpu.memory_space<vmem_shared>>
      tpu.wait_dma2 semaphore(%run_scoped3A_177 : memref<!tpu.dma_semaphore, #tpu.memory_space<semaphore_mem>>) src(%arg12 : memref<32x128xf32, #tpu.memory_space<vmem>>) dst(%dma_wait3A_185 : memref<32x128xf32, #tpu.memory_space<vmem_shared>>)
      tpu.yield
    }) : () -> ()
    %add3A_119 = arith.constant 448 : i32
    %add3A_120 = arith.addi %mul3A_2, %add3A_119 : i32
    "tpu.region"() ({
      %run_scoped3A_177 = tpu.sem_alloc : memref<!tpu.dma_semaphore, #tpu.memory_space<semaphore_mem>>
      %dma_start3A_178 = arith.constant 0 : i32
      %dma_start3A_179 = tpu.memref_slice %arg13[%add3A_120, %dma_start3A_178] : memref<10240x128xf32, #tpu.memory_space<vmem_shared>> -> memref<32x128xf32, #tpu.memory_space<vmem_shared>>
      %dma_start3A_180 = arith.constant 0 : i32
      %dma_start3A_181 = tpu.memref_slice %arg13[%add3A_120, %dma_start3A_180] : memref<10240x128xf32, #tpu.memory_space<vmem_shared>> -> memref<32x128xf32, #tpu.memory_space<vmem_shared>>
      tpu.enqueue_dma source(%arg12 : memref<32x128xf32, #tpu.memory_space<vmem>>) target(%dma_start3A_181 : memref<32x128xf32, #tpu.memory_space<vmem_shared>>) target_semaphore(%run_scoped3A_177 : memref<!tpu.dma_semaphore, #tpu.memory_space<semaphore_mem>>)
      %dma_wait3A_182 = arith.constant 0 : i32
      %dma_wait3A_183 = tpu.memref_slice %arg13[%add3A_120, %dma_wait3A_182] : memref<10240x128xf32, #tpu.memory_space<vmem_shared>> -> memref<32x128xf32, #tpu.memory_space<vmem_shared>>
      %dma_wait3A_184 = arith.constant 0 : i32
      %dma_wait3A_185 = tpu.memref_slice %arg13[%add3A_120, %dma_wait3A_184] : memref<10240x128xf32, #tpu.memory_space<vmem_shared>> -> memref<32x128xf32, #tpu.memory_space<vmem_shared>>
      tpu.wait_dma2 semaphore(%run_scoped3A_177 : memref<!tpu.dma_semaphore, #tpu.memory_space<semaphore_mem>>) src(%arg12 : memref<32x128xf32, #tpu.memory_space<vmem>>) dst(%dma_wait3A_185 : memref<32x128xf32, #tpu.memory_space<vmem_shared>>)
      tpu.yield
    }) : () -> ()
    %add3A_121 = arith.constant 480 : i32
    %add3A_122 = arith.addi %mul3A_2, %add3A_121 : i32
    "tpu.region"() ({
      %run_scoped3A_177 = tpu.sem_alloc : memref<!tpu.dma_semaphore, #tpu.memory_space<semaphore_mem>>
      %dma_start3A_178 = arith.constant 0 : i32
      %dma_start3A_179 = tpu.memref_slice %arg13[%add3A_122, %dma_start3A_178] : memref<10240x128xf32, #tpu.memory_space<vmem_shared>> -> memref<32x128xf32, #tpu.memory_space<vmem_shared>>
      %dma_start3A_180 = arith.constant 0 : i32
      %dma_start3A_181 = tpu.memref_slice %arg13[%add3A_122, %dma_start3A_180] : memref<10240x128xf32, #tpu.memory_space<vmem_shared>> -> memref<32x128xf32, #tpu.memory_space<vmem_shared>>
      tpu.enqueue_dma source(%arg12 : memref<32x128xf32, #tpu.memory_space<vmem>>) target(%dma_start3A_181 : memref<32x128xf32, #tpu.memory_space<vmem_shared>>) target_semaphore(%run_scoped3A_177 : memref<!tpu.dma_semaphore, #tpu.memory_space<semaphore_mem>>)
      %dma_wait3A_182 = arith.constant 0 : i32
      %dma_wait3A_183 = tpu.memref_slice %arg13[%add3A_122, %dma_wait3A_182] : memref<10240x128xf32, #tpu.memory_space<vmem_shared>> -> memref<32x128xf32, #tpu.memory_space<vmem_shared>>
      %dma_wait3A_184 = arith.constant 0 : i32
      %dma_wait3A_185 = tpu.memref_slice %arg13[%add3A_122, %dma_wait3A_184] : memref<10240x128xf32, #tpu.memory_space<vmem_shared>> -> memref<32x128xf32, #tpu.memory_space<vmem_shared>>
      tpu.wait_dma2 semaphore(%run_scoped3A_177 : memref<!tpu.dma_semaphore, #tpu.memory_space<semaphore_mem>>) src(%arg12 : memref<32x128xf32, #tpu.memory_space<vmem>>) dst(%dma_wait3A_185 : memref<32x128xf32, #tpu.memory_space<vmem_shared>>)
      tpu.yield
    }) : () -> ()
    %add3A_123 = arith.constant 512 : i32
    %add3A_124 = arith.addi %mul3A_2, %add3A_123 : i32
    "tpu.region"() ({
      %run_scoped3A_177 = tpu.sem_alloc : memref<!tpu.dma_semaphore, #tpu.memory_space<semaphore_mem>>
      %dma_start3A_178 = arith.constant 0 : i32
      %dma_start3A_179 = tpu.memref_slice %arg13[%add3A_124, %dma_start3A_178] : memref<10240x128xf32, #tpu.memory_space<vmem_shared>> -> memref<32x128xf32, #tpu.memory_space<vmem_shared>>
      %dma_start3A_180 = arith.constant 0 : i32
      %dma_start3A_181 = tpu.memref_slice %arg13[%add3A_124, %dma_start3A_180] : memref<10240x128xf32, #tpu.memory_space<vmem_shared>> -> memref<32x128xf32, #tpu.memory_space<vmem_shared>>
      tpu.enqueue_dma source(%arg12 : memref<32x128xf32, #tpu.memory_space<vmem>>) target(%dma_start3A_181 : memref<32x128xf32, #tpu.memory_space<vmem_shared>>) target_semaphore(%run_scoped3A_177 : memref<!tpu.dma_semaphore, #tpu.memory_space<semaphore_mem>>)
      %dma_wait3A_182 = arith.constant 0 : i32
      %dma_wait3A_183 = tpu.memref_slice %arg13[%add3A_124, %dma_wait3A_182] : memref<10240x128xf32, #tpu.memory_space<vmem_shared>> -> memref<32x128xf32, #tpu.memory_space<vmem_shared>>
      %dma_wait3A_184 = arith.constant 0 : i32
      %dma_wait3A_185 = tpu.memref_slice %arg13[%add3A_124, %dma_wait3A_184] : memref<10240x128xf32, #tpu.memory_space<vmem_shared>> -> memref<32x128xf32, #tpu.memory_space<vmem_shared>>
      tpu.wait_dma2 semaphore(%run_scoped3A_177 : memref<!tpu.dma_semaphore, #tpu.memory_space<semaphore_mem>>) src(%arg12 : memref<32x128xf32, #tpu.memory_space<vmem>>) dst(%dma_wait3A_185 : memref<32x128xf32, #tpu.memory_space<vmem_shared>>)
      tpu.yield
    }) : () -> ()
    %add3A_125 = arith.constant 544 : i32
    %add3A_126 = arith.addi %mul3A_2, %add3A_125 : i32
    "tpu.region"() ({
      %run_scoped3A_177 = tpu.sem_alloc : memref<!tpu.dma_semaphore, #tpu.memory_space<semaphore_mem>>
      %dma_start3A_178 = arith.constant 0 : i32
      %dma_start3A_179 = tpu.memref_slice %arg13[%add3A_126, %dma_start3A_178] : memref<10240x128xf32, #tpu.memory_space<vmem_shared>> -> memref<32x128xf32, #tpu.memory_space<vmem_shared>>
      %dma_start3A_180 = arith.constant 0 : i32
      %dma_start3A_181 = tpu.memref_slice %arg13[%add3A_126, %dma_start3A_180] : memref<10240x128xf32, #tpu.memory_space<vmem_shared>> -> memref<32x128xf32, #tpu.memory_space<vmem_shared>>
      tpu.enqueue_dma source(%arg12 : memref<32x128xf32, #tpu.memory_space<vmem>>) target(%dma_start3A_181 : memref<32x128xf32, #tpu.memory_space<vmem_shared>>) target_semaphore(%run_scoped3A_177 : memref<!tpu.dma_semaphore, #tpu.memory_space<semaphore_mem>>)
      %dma_wait3A_182 = arith.constant 0 : i32
      %dma_wait3A_183 = tpu.memref_slice %arg13[%add3A_126, %dma_wait3A_182] : memref<10240x128xf32, #tpu.memory_space<vmem_shared>> -> memref<32x128xf32, #tpu.memory_space<vmem_shared>>
      %dma_wait3A_184 = arith.constant 0 : i32
      %dma_wait3A_185 = tpu.memref_slice %arg13[%add3A_126, %dma_wait3A_184] : memref<10240x128xf32, #tpu.memory_space<vmem_shared>> -> memref<32x128xf32, #tpu.memory_space<vmem_shared>>
      tpu.wait_dma2 semaphore(%run_scoped3A_177 : memref<!tpu.dma_semaphore, #tpu.memory_space<semaphore_mem>>) src(%arg12 : memref<32x128xf32, #tpu.memory_space<vmem>>) dst(%dma_wait3A_185 : memref<32x128xf32, #tpu.memory_space<vmem_shared>>)
      tpu.yield
    }) : () -> ()
    %add3A_127 = arith.constant 576 : i32
    %add3A_128 = arith.addi %mul3A_2, %add3A_127 : i32
    "tpu.region"() ({
      %run_scoped3A_177 = tpu.sem_alloc : memref<!tpu.dma_semaphore, #tpu.memory_space<semaphore_mem>>
      %dma_start3A_178 = arith.constant 0 : i32
      %dma_start3A_179 = tpu.memref_slice %arg13[%add3A_128, %dma_start3A_178] : memref<10240x128xf32, #tpu.memory_space<vmem_shared>> -> memref<32x128xf32, #tpu.memory_space<vmem_shared>>
      %dma_start3A_180 = arith.constant 0 : i32
      %dma_start3A_181 = tpu.memref_slice %arg13[%add3A_128, %dma_start3A_180] : memref<10240x128xf32, #tpu.memory_space<vmem_shared>> -> memref<32x128xf32, #tpu.memory_space<vmem_shared>>
      tpu.enqueue_dma source(%arg12 : memref<32x128xf32, #tpu.memory_space<vmem>>) target(%dma_start3A_181 : memref<32x128xf32, #tpu.memory_space<vmem_shared>>) target_semaphore(%run_scoped3A_177 : memref<!tpu.dma_semaphore, #tpu.memory_space<semaphore_mem>>)
      %dma_wait3A_182 = arith.constant 0 : i32
      %dma_wait3A_183 = tpu.memref_slice %arg13[%add3A_128, %dma_wait3A_182] : memref<10240x128xf32, #tpu.memory_space<vmem_shared>> -> memref<32x128xf32, #tpu.memory_space<vmem_shared>>
      %dma_wait3A_184 = arith.constant 0 : i32
      %dma_wait3A_185 = tpu.memref_slice %arg13[%add3A_128, %dma_wait3A_184] : memref<10240x128xf32, #tpu.memory_space<vmem_shared>> -> memref<32x128xf32, #tpu.memory_space<vmem_shared>>
      tpu.wait_dma2 semaphore(%run_scoped3A_177 : memref<!tpu.dma_semaphore, #tpu.memory_space<semaphore_mem>>) src(%arg12 : memref<32x128xf32, #tpu.memory_space<vmem>>) dst(%dma_wait3A_185 : memref<32x128xf32, #tpu.memory_space<vmem_shared>>)
      tpu.yield
    }) : () -> ()
    %add3A_129 = arith.constant 608 : i32
    %add3A_130 = arith.addi %mul3A_2, %add3A_129 : i32
    "tpu.region"() ({
      %run_scoped3A_177 = tpu.sem_alloc : memref<!tpu.dma_semaphore, #tpu.memory_space<semaphore_mem>>
      %dma_start3A_178 = arith.constant 0 : i32
      %dma_start3A_179 = tpu.memref_slice %arg13[%add3A_130, %dma_start3A_178] : memref<10240x128xf32, #tpu.memory_space<vmem_shared>> -> memref<32x128xf32, #tpu.memory_space<vmem_shared>>
      %dma_start3A_180 = arith.constant 0 : i32
      %dma_start3A_181 = tpu.memref_slice %arg13[%add3A_130, %dma_start3A_180] : memref<10240x128xf32, #tpu.memory_space<vmem_shared>> -> memref<32x128xf32, #tpu.memory_space<vmem_shared>>
      tpu.enqueue_dma source(%arg12 : memref<32x128xf32, #tpu.memory_space<vmem>>) target(%dma_start3A_181 : memref<32x128xf32, #tpu.memory_space<vmem_shared>>) target_semaphore(%run_scoped3A_177 : memref<!tpu.dma_semaphore, #tpu.memory_space<semaphore_mem>>)
      %dma_wait3A_182 = arith.constant 0 : i32
      %dma_wait3A_183 = tpu.memref_slice %arg13[%add3A_130, %dma_wait3A_182] : memref<10240x128xf32, #tpu.memory_space<vmem_shared>> -> memref<32x128xf32, #tpu.memory_space<vmem_shared>>
      %dma_wait3A_184 = arith.constant 0 : i32
      %dma_wait3A_185 = tpu.memref_slice %arg13[%add3A_130, %dma_wait3A_184] : memref<10240x128xf32, #tpu.memory_space<vmem_shared>> -> memref<32x128xf32, #tpu.memory_space<vmem_shared>>
      tpu.wait_dma2 semaphore(%run_scoped3A_177 : memref<!tpu.dma_semaphore, #tpu.memory_space<semaphore_mem>>) src(%arg12 : memref<32x128xf32, #tpu.memory_space<vmem>>) dst(%dma_wait3A_185 : memref<32x128xf32, #tpu.memory_space<vmem_shared>>)
      tpu.yield
    }) : () -> ()
    %barrier3A = arith.constant 0 : index
    tpu.barrier barrier_id(%barrier3A)
    %scan3A_131 = arith.constant 0 : i32
    %scan3A_132 = arith.constant 0 : i32
    %scan3A_133 = arith.constant 10 : i32
    %scan3A_134 = arith.addi %scan3A_132, %scan3A_133 : i32
    %scan3A_135 = arith.constant 1 : i32
    scf.for %scan3A_177 = %scan3A_132 to %scan3A_134 step %scan3A_135  : i32 {
      %scan3A_178 = arith.constant 0 : i32
      %scan3A_179 = arith.constant 0 : i32
      %scan3A_180 = arith.constant 5 : i32
      %scan3A_181 = arith.addi %scan3A_179, %scan3A_180 : i32
      %scan3A_182 = arith.constant 1 : i32
      scf.for %scan3A_184 = %scan3A_179 to %scan3A_181 step %scan3A_182  : i32 {
        %jit3A = arith.constant 2 : i32
        %eq3A = arith.constant 0 : i32
        %eq3A_185 = arith.cmpi eq, %jit3A, %eq3A : i32
        %jit3A_186 = arith.constant 1 : i32
        %select_n3A = arith.select %eq3A_185, %jit3A_186, %jit3A : i32
        %rem3A = arith.remsi %scan3A_177, %select_n3A : i32
        %ne3A = arith.constant 0 : i32
        %ne3A_187 = arith.cmpi ne, %rem3A, %ne3A : i32
        %lt3A = arith.constant 0 : i32
        %lt3A_188 = arith.cmpi slt, %rem3A, %lt3A : i32
        %lt3A_189 = arith.constant 0 : i32
        %lt3A_190 = arith.cmpi slt, %select_n3A, %lt3A_189 : i32
        %ne3A_191 = arith.xori %lt3A_188, %lt3A_190 : i1
        %and3A = arith.andi %ne3A_191, %ne3A_187 : i1
        %add3A_192 = arith.addi %rem3A, %select_n3A : i32
        %select_n3A_193 = arith.select %and3A, %add3A_192, %rem3A : i32
        %sub3A = arith.constant 1 : i32
        %sub3A_194 = arith.subi %sub3A, %select_n3A_193 : i32
        %eq3A_195 = arith.constant 9 : i32
        %eq3A_196 = arith.cmpi eq, %scan3A_177, %eq3A_195 : i32
        %eq3A_197 = arith.constant 1 : i32
        %eq3A_198 = arith.cmpi eq, %scan3A_184, %eq3A_197 : i32
        %not3A = arith.constant true
        %not3A_199 = arith.xori %eq3A_196, %not3A : i1
        %and3A_200 = arith.andi %eq3A_198, %not3A_199 : i1
        %convert_element_type3A = arith.extui %and3A_200 : i1 to i32
        %cond3A = arith.constant 0 : i32
        %cond3A_201 = arith.cmpi ne, %convert_element_type3A, %cond3A : i32
        scf.if %cond3A_201 {
          %add3A_366 = arith.constant 1 : i32
          %add3A_367 = arith.addi %scan3A_177, %add3A_366 : i32
          %dma_start3A_368 = arith.constant 0 : i32
          %dma_start3A_369 = arith.constant 0 : i32
          %dma_start3A_370 = arith.constant 0 : i32
          %dma_start3A_371 = tpu.memref_slice %arg5[%sub3A_194, %dma_start3A_369, %dma_start3A_370] : memref<2x25x40xi32, #tpu.memory_space<vmem>> -> memref<1x25x40xi32, #tpu.memory_space<vmem>>
          %dma_start3A_372 = tpu.memref_squeeze %dma_start3A_371 : memref<1x25x40xi32, #tpu.memory_space<vmem>> -> memref<25x40xi32, #tpu.memory_space<vmem>>
          %dma_start3A_373 = arith.constant 0 : i32
          %dma_start3A_374 = arith.constant 0 : i32
          %dma_start3A_375 = tpu.memref_slice %arg3[%dma_start3A_368, %add3A, %add3A_367, %dma_start3A_373, %dma_start3A_374] : memref<2x32x10x25x40xi32, #tpu.memory_space<hbm>> -> memref<1x1x1x25x40xi32, #tpu.memory_space<hbm>>
          %dma_start3A_376 = tpu.memref_squeeze %dma_start3A_375 : memref<1x1x1x25x40xi32, #tpu.memory_space<hbm>> -> memref<25x40xi32, #tpu.memory_space<hbm>>
          %dma_start3A_377 = arith.constant 0 : i32
          %dma_start3A_378 = arith.constant 0 : i32
          %dma_start3A_379 = tpu.memref_slice %arg5[%sub3A_194, %dma_start3A_377, %dma_start3A_378] : memref<2x25x40xi32, #tpu.memory_space<vmem>> -> memref<1x25x40xi32, #tpu.memory_space<vmem>>
          %dma_start3A_380 = tpu.memref_squeeze %dma_start3A_379 : memref<1x25x40xi32, #tpu.memory_space<vmem>> -> memref<25x40xi32, #tpu.memory_space<vmem>>
          %dma_start3A_381 = arith.constant 0 : i32
          %dma_start3A_382 = arith.constant 0 : i32
          %dma_start3A_383 = tpu.memref_slice %arg3[%dma_start3A_368, %add3A, %add3A_367, %dma_start3A_381, %dma_start3A_382] : memref<2x32x10x25x40xi32, #tpu.memory_space<hbm>> -> memref<1x1x1x25x40xi32, #tpu.memory_space<hbm>>
          %dma_start3A_384 = tpu.memref_squeeze %dma_start3A_383 : memref<1x1x1x25x40xi32, #tpu.memory_space<hbm>> -> memref<25x40xi32, #tpu.memory_space<hbm>>
          tpu.enqueue_dma source(%dma_start3A_384 : memref<25x40xi32, #tpu.memory_space<hbm>>) target(%dma_start3A_380 : memref<25x40xi32, #tpu.memory_space<vmem>>) target_semaphore(%arg24 : memref<!tpu.dma_semaphore, #tpu.memory_space<semaphore_mem>>)
          %add3A_385 = arith.constant 1 : i32
          %add3A_386 = arith.addi %scan3A_177, %add3A_385 : i32
          %dma_start3A_387 = arith.constant 1 : i32
          %dma_start3A_388 = arith.constant 0 : i32
          %dma_start3A_389 = arith.constant 0 : i32
          %dma_start3A_390 = tpu.memref_slice %arg6[%sub3A_194, %dma_start3A_388, %dma_start3A_389] : memref<2x25x40xi32, #tpu.memory_space<vmem>> -> memref<1x25x40xi32, #tpu.memory_space<vmem>>
          %dma_start3A_391 = tpu.memref_squeeze %dma_start3A_390 : memref<1x25x40xi32, #tpu.memory_space<vmem>> -> memref<25x40xi32, #tpu.memory_space<vmem>>
          %dma_start3A_392 = arith.constant 0 : i32
          %dma_start3A_393 = arith.constant 0 : i32
          %dma_start3A_394 = tpu.memref_slice %arg3[%dma_start3A_387, %add3A, %add3A_386, %dma_start3A_392, %dma_start3A_393] : memref<2x32x10x25x40xi32, #tpu.memory_space<hbm>> -> memref<1x1x1x25x40xi32, #tpu.memory_space<hbm>>
          %dma_start3A_395 = tpu.memref_squeeze %dma_start3A_394 : memref<1x1x1x25x40xi32, #tpu.memory_space<hbm>> -> memref<25x40xi32, #tpu.memory_space<hbm>>
          %dma_start3A_396 = arith.constant 0 : i32
          %dma_start3A_397 = arith.constant 0 : i32
          %dma_start3A_398 = tpu.memref_slice %arg6[%sub3A_194, %dma_start3A_396, %dma_start3A_397] : memref<2x25x40xi32, #tpu.memory_space<vmem>> -> memref<1x25x40xi32, #tpu.memory_space<vmem>>
          %dma_start3A_399 = tpu.memref_squeeze %dma_start3A_398 : memref<1x25x40xi32, #tpu.memory_space<vmem>> -> memref<25x40xi32, #tpu.memory_space<vmem>>
          %dma_start3A_400 = arith.constant 0 : i32
          %dma_start3A_401 = arith.constant 0 : i32
          %dma_start3A_402 = tpu.memref_slice %arg3[%dma_start3A_387, %add3A, %add3A_386, %dma_start3A_400, %dma_start3A_401] : memref<2x32x10x25x40xi32, #tpu.memory_space<hbm>> -> memref<1x1x1x25x40xi32, #tpu.memory_space<hbm>>
          %dma_start3A_403 = tpu.memref_squeeze %dma_start3A_402 : memref<1x1x1x25x40xi32, #tpu.memory_space<hbm>> -> memref<25x40xi32, #tpu.memory_space<hbm>>
          tpu.enqueue_dma source(%dma_start3A_403 : memref<25x40xi32, #tpu.memory_space<hbm>>) target(%dma_start3A_399 : memref<25x40xi32, #tpu.memory_space<vmem>>) target_semaphore(%arg24 : memref<!tpu.dma_semaphore, #tpu.memory_space<semaphore_mem>>)
        } else {
        }
        %eq3A_202 = arith.constant 4 : i32
        %eq3A_203 = arith.cmpi eq, %scan3A_184, %eq3A_202 : i32
        %not3A_204 = arith.constant true
        %not3A_205 = arith.xori %eq3A_196, %not3A_204 : i1
        %and3A_206 = arith.andi %eq3A_203, %not3A_205 : i1
        %convert_element_type3A_207 = arith.extui %and3A_206 : i1 to i32
        %cond3A_208 = arith.constant 0 : i32
        %cond3A_209 = arith.cmpi ne, %convert_element_type3A_207, %cond3A_208 : i32
        scf.if %cond3A_209 {
          %add3A_366 = arith.constant 1 : i32
          %add3A_367 = arith.addi %scan3A_177, %add3A_366 : i32
          %dma_wait3A_368 = arith.constant 0 : i32
          %dma_wait3A_369 = arith.constant 0 : i32
          %dma_wait3A_370 = arith.constant 0 : i32
          %dma_wait3A_371 = tpu.memref_slice %arg5[%sub3A_194, %dma_wait3A_369, %dma_wait3A_370] : memref<2x25x40xi32, #tpu.memory_space<vmem>> -> memref<1x25x40xi32, #tpu.memory_space<vmem>>
          %dma_wait3A_372 = tpu.memref_squeeze %dma_wait3A_371 : memref<1x25x40xi32, #tpu.memory_space<vmem>> -> memref<25x40xi32, #tpu.memory_space<vmem>>
          %dma_wait3A_373 = arith.constant 0 : i32
          %dma_wait3A_374 = arith.constant 0 : i32
          %dma_wait3A_375 = tpu.memref_slice %arg3[%dma_wait3A_368, %add3A, %add3A_367, %dma_wait3A_373, %dma_wait3A_374] : memref<2x32x10x25x40xi32, #tpu.memory_space<hbm>> -> memref<1x1x1x25x40xi32, #tpu.memory_space<hbm>>
          %dma_wait3A_376 = tpu.memref_squeeze %dma_wait3A_375 : memref<1x1x1x25x40xi32, #tpu.memory_space<hbm>> -> memref<25x40xi32, #tpu.memory_space<hbm>>
          %dma_wait3A_377 = arith.constant 0 : i32
          %dma_wait3A_378 = arith.constant 0 : i32
          %dma_wait3A_379 = tpu.memref_slice %arg5[%sub3A_194, %dma_wait3A_377, %dma_wait3A_378] : memref<2x25x40xi32, #tpu.memory_space<vmem>> -> memref<1x25x40xi32, #tpu.memory_space<vmem>>
          %dma_wait3A_380 = tpu.memref_squeeze %dma_wait3A_379 : memref<1x25x40xi32, #tpu.memory_space<vmem>> -> memref<25x40xi32, #tpu.memory_space<vmem>>
          %dma_wait3A_381 = arith.constant 0 : i32
          %dma_wait3A_382 = arith.constant 0 : i32
          %dma_wait3A_383 = tpu.memref_slice %arg3[%dma_wait3A_368, %add3A, %add3A_367, %dma_wait3A_381, %dma_wait3A_382] : memref<2x32x10x25x40xi32, #tpu.memory_space<hbm>> -> memref<1x1x1x25x40xi32, #tpu.memory_space<hbm>>
          %dma_wait3A_384 = tpu.memref_squeeze %dma_wait3A_383 : memref<1x1x1x25x40xi32, #tpu.memory_space<hbm>> -> memref<25x40xi32, #tpu.memory_space<hbm>>
          tpu.wait_dma2 semaphore(%arg24 : memref<!tpu.dma_semaphore, #tpu.memory_space<semaphore_mem>>) src(%dma_wait3A_384 : memref<25x40xi32, #tpu.memory_space<hbm>>) dst(%dma_wait3A_380 : memref<25x40xi32, #tpu.memory_space<vmem>>)
          %add3A_385 = arith.constant 1 : i32
          %add3A_386 = arith.addi %scan3A_177, %add3A_385 : i32
          %dma_wait3A_387 = arith.constant 1 : i32
          %dma_wait3A_388 = arith.constant 0 : i32
          %dma_wait3A_389 = arith.constant 0 : i32
          %dma_wait3A_390 = tpu.memref_slice %arg6[%sub3A_194, %dma_wait3A_388, %dma_wait3A_389] : memref<2x25x40xi32, #tpu.memory_space<vmem>> -> memref<1x25x40xi32, #tpu.memory_space<vmem>>
          %dma_wait3A_391 = tpu.memref_squeeze %dma_wait3A_390 : memref<1x25x40xi32, #tpu.memory_space<vmem>> -> memref<25x40xi32, #tpu.memory_space<vmem>>
          %dma_wait3A_392 = arith.constant 0 : i32
          %dma_wait3A_393 = arith.constant 0 : i32
          %dma_wait3A_394 = tpu.memref_slice %arg3[%dma_wait3A_387, %add3A, %add3A_386, %dma_wait3A_392, %dma_wait3A_393] : memref<2x32x10x25x40xi32, #tpu.memory_space<hbm>> -> memref<1x1x1x25x40xi32, #tpu.memory_space<hbm>>
          %dma_wait3A_395 = tpu.memref_squeeze %dma_wait3A_394 : memref<1x1x1x25x40xi32, #tpu.memory_space<hbm>> -> memref<25x40xi32, #tpu.memory_space<hbm>>
          %dma_wait3A_396 = arith.constant 0 : i32
          %dma_wait3A_397 = arith.constant 0 : i32
          %dma_wait3A_398 = tpu.memref_slice %arg6[%sub3A_194, %dma_wait3A_396, %dma_wait3A_397] : memref<2x25x40xi32, #tpu.memory_space<vmem>> -> memref<1x25x40xi32, #tpu.memory_space<vmem>>
          %dma_wait3A_399 = tpu.memref_squeeze %dma_wait3A_398 : memref<1x25x40xi32, #tpu.memory_space<vmem>> -> memref<25x40xi32, #tpu.memory_space<vmem>>
          %dma_wait3A_400 = arith.constant 0 : i32
          %dma_wait3A_401 = arith.constant 0 : i32
          %dma_wait3A_402 = tpu.memref_slice %arg3[%dma_wait3A_387, %add3A, %add3A_386, %dma_wait3A_400, %dma_wait3A_401] : memref<2x32x10x25x40xi32, #tpu.memory_space<hbm>> -> memref<1x1x1x25x40xi32, #tpu.memory_space<hbm>>
          %dma_wait3A_403 = tpu.memref_squeeze %dma_wait3A_402 : memref<1x1x1x25x40xi32, #tpu.memory_space<hbm>> -> memref<25x40xi32, #tpu.memory_space<hbm>>
          tpu.wait_dma2 semaphore(%arg24 : memref<!tpu.dma_semaphore, #tpu.memory_space<semaphore_mem>>) src(%dma_wait3A_403 : memref<25x40xi32, #tpu.memory_space<hbm>>) dst(%dma_wait3A_399 : memref<25x40xi32, #tpu.memory_space<vmem>>)
        } else {
        }
        %mul3A_210 = arith.constant 5 : i32
        %mul3A_211 = arith.muli %scan3A_184, %mul3A_210 : i32
        %add3A_212 = arith.constant 0 : i32
        %add3A_213 = arith.addi %mul3A_211, %add3A_212 : i32
        %dma_wait3A_214 = arith.constant 0 : i32
        %dma_wait3A_215 = tpu.memref_slice %arg5[%select_n3A_193, %add3A_213, %dma_wait3A_214] : memref<2x25x40xi32, #tpu.memory_space<vmem>> -> memref<1x1x40xi32, #tpu.memory_space<vmem>>
        %dma_wait3A_216 = tpu.memref_squeeze %dma_wait3A_215 : memref<1x1x40xi32, #tpu.memory_space<vmem>> -> memref<40xi32, #tpu.memory_space<vmem>>
        %dma_wait3A_217 = arith.constant 0 : i32
        %dma_wait3A_218 = arith.constant 0 : i32
        %dma_wait3A_219 = tpu.memref_slice %arg2[%dma_wait3A_217, %dma_wait3A_218] : memref<10000x128xf32, #tpu.memory_space<hbm>> -> memref<10000x128xf32, #tpu.memory_space<hbm>>
        tpu.wait_indirect_dma semaphore(%arg14 : memref<!tpu.dma_semaphore, #tpu.memory_space<semaphore_mem>>) src(%dma_wait3A_219 : memref<10000x128xf32, #tpu.memory_space<hbm>>) dst(%arg7 : memref<40x128xf32, #tpu.memory_space<vmem>>)
        %dma_start3A_220 = arith.constant 0 : i32
        %dma_start3A_221 = tpu.memref_slice %arg6[%select_n3A_193, %add3A_213, %dma_start3A_220] : memref<2x25x40xi32, #tpu.memory_space<vmem>> -> memref<1x1x40xi32, #tpu.memory_space<vmem>>
        %dma_start3A_222 = tpu.memref_squeeze %dma_start3A_221 : memref<1x1x40xi32, #tpu.memory_space<vmem>> -> memref<40xi32, #tpu.memory_space<vmem>>
        %dma_start3A_223 = arith.constant 0 : i32
        %dma_start3A_224 = arith.constant 0 : i32
        %dma_start3A_225 = tpu.memref_slice %arg13[%dma_start3A_223, %dma_start3A_224] : memref<10240x128xf32, #tpu.memory_space<vmem_shared>> -> memref<10240x128xf32, #tpu.memory_space<vmem_shared>>
        tpu.enqueue_indirect_dma source(%arg7 : memref<40x128xf32, #tpu.memory_space<vmem>>) target(%dma_start3A_225 : memref<10240x128xf32, #tpu.memory_space<vmem_shared>>) offsets(%dma_start3A_222 : memref<40xi32, #tpu.memory_space<vmem>>) semaphore(%arg19 : memref<!tpu.dma_semaphore, #tpu.memory_space<semaphore_mem>>) {add = true}
        %mul3A_226 = arith.constant 5 : i32
        %mul3A_227 = arith.muli %scan3A_184, %mul3A_226 : i32
        %add3A_228 = arith.constant 1 : i32
        %add3A_229 = arith.addi %mul3A_227, %add3A_228 : i32
        %dma_wait3A_230 = arith.constant 0 : i32
        %dma_wait3A_231 = tpu.memref_slice %arg5[%select_n3A_193, %add3A_229, %dma_wait3A_230] : memref<2x25x40xi32, #tpu.memory_space<vmem>> -> memref<1x1x40xi32, #tpu.memory_space<vmem>>
        %dma_wait3A_232 = tpu.memref_squeeze %dma_wait3A_231 : memref<1x1x40xi32, #tpu.memory_space<vmem>> -> memref<40xi32, #tpu.memory_space<vmem>>
        %dma_wait3A_233 = arith.constant 0 : i32
        %dma_wait3A_234 = arith.constant 0 : i32
        %dma_wait3A_235 = tpu.memref_slice %arg2[%dma_wait3A_233, %dma_wait3A_234] : memref<10000x128xf32, #tpu.memory_space<hbm>> -> memref<10000x128xf32, #tpu.memory_space<hbm>>
        tpu.wait_indirect_dma semaphore(%arg15 : memref<!tpu.dma_semaphore, #tpu.memory_space<semaphore_mem>>) src(%dma_wait3A_235 : memref<10000x128xf32, #tpu.memory_space<hbm>>) dst(%arg8 : memref<40x128xf32, #tpu.memory_space<vmem>>)
        %dma_start3A_236 = arith.constant 0 : i32
        %dma_start3A_237 = tpu.memref_slice %arg6[%select_n3A_193, %add3A_229, %dma_start3A_236] : memref<2x25x40xi32, #tpu.memory_space<vmem>> -> memref<1x1x40xi32, #tpu.memory_space<vmem>>
        %dma_start3A_238 = tpu.memref_squeeze %dma_start3A_237 : memref<1x1x40xi32, #tpu.memory_space<vmem>> -> memref<40xi32, #tpu.memory_space<vmem>>
        %dma_start3A_239 = arith.constant 0 : i32
        %dma_start3A_240 = arith.constant 0 : i32
        %dma_start3A_241 = tpu.memref_slice %arg13[%dma_start3A_239, %dma_start3A_240] : memref<10240x128xf32, #tpu.memory_space<vmem_shared>> -> memref<10240x128xf32, #tpu.memory_space<vmem_shared>>
        tpu.enqueue_indirect_dma source(%arg8 : memref<40x128xf32, #tpu.memory_space<vmem>>) target(%dma_start3A_241 : memref<10240x128xf32, #tpu.memory_space<vmem_shared>>) offsets(%dma_start3A_238 : memref<40xi32, #tpu.memory_space<vmem>>) semaphore(%arg20 : memref<!tpu.dma_semaphore, #tpu.memory_space<semaphore_mem>>) {add = true}
        %mul3A_242 = arith.constant 5 : i32
        %mul3A_243 = arith.muli %scan3A_184, %mul3A_242 : i32
        %add3A_244 = arith.constant 2 : i32
        %add3A_245 = arith.addi %mul3A_243, %add3A_244 : i32
        %dma_wait3A_246 = arith.constant 0 : i32
        %dma_wait3A_247 = tpu.memref_slice %arg5[%select_n3A_193, %add3A_245, %dma_wait3A_246] : memref<2x25x40xi32, #tpu.memory_space<vmem>> -> memref<1x1x40xi32, #tpu.memory_space<vmem>>
        %dma_wait3A_248 = tpu.memref_squeeze %dma_wait3A_247 : memref<1x1x40xi32, #tpu.memory_space<vmem>> -> memref<40xi32, #tpu.memory_space<vmem>>
        %dma_wait3A_249 = arith.constant 0 : i32
        %dma_wait3A_250 = arith.constant 0 : i32
        %dma_wait3A_251 = tpu.memref_slice %arg2[%dma_wait3A_249, %dma_wait3A_250] : memref<10000x128xf32, #tpu.memory_space<hbm>> -> memref<10000x128xf32, #tpu.memory_space<hbm>>
        tpu.wait_indirect_dma semaphore(%arg16 : memref<!tpu.dma_semaphore, #tpu.memory_space<semaphore_mem>>) src(%dma_wait3A_251 : memref<10000x128xf32, #tpu.memory_space<hbm>>) dst(%arg9 : memref<40x128xf32, #tpu.memory_space<vmem>>)
        %dma_start3A_252 = arith.constant 0 : i32
        %dma_start3A_253 = tpu.memref_slice %arg6[%select_n3A_193, %add3A_245, %dma_start3A_252] : memref<2x25x40xi32, #tpu.memory_space<vmem>> -> memref<1x1x40xi32, #tpu.memory_space<vmem>>
        %dma_start3A_254 = tpu.memref_squeeze %dma_start3A_253 : memref<1x1x40xi32, #tpu.memory_space<vmem>> -> memref<40xi32, #tpu.memory_space<vmem>>
        %dma_start3A_255 = arith.constant 0 : i32
        %dma_start3A_256 = arith.constant 0 : i32
        %dma_start3A_257 = tpu.memref_slice %arg13[%dma_start3A_255, %dma_start3A_256] : memref<10240x128xf32, #tpu.memory_space<vmem_shared>> -> memref<10240x128xf32, #tpu.memory_space<vmem_shared>>
        tpu.enqueue_indirect_dma source(%arg9 : memref<40x128xf32, #tpu.memory_space<vmem>>) target(%dma_start3A_257 : memref<10240x128xf32, #tpu.memory_space<vmem_shared>>) offsets(%dma_start3A_254 : memref<40xi32, #tpu.memory_space<vmem>>) semaphore(%arg21 : memref<!tpu.dma_semaphore, #tpu.memory_space<semaphore_mem>>) {add = true}
        %mul3A_258 = arith.constant 5 : i32
        %mul3A_259 = arith.muli %scan3A_184, %mul3A_258 : i32
        %add3A_260 = arith.constant 3 : i32
        %add3A_261 = arith.addi %mul3A_259, %add3A_260 : i32
        %dma_wait3A_262 = arith.constant 0 : i32
        %dma_wait3A_263 = tpu.memref_slice %arg5[%select_n3A_193, %add3A_261, %dma_wait3A_262] : memref<2x25x40xi32, #tpu.memory_space<vmem>> -> memref<1x1x40xi32, #tpu.memory_space<vmem>>
        %dma_wait3A_264 = tpu.memref_squeeze %dma_wait3A_263 : memref<1x1x40xi32, #tpu.memory_space<vmem>> -> memref<40xi32, #tpu.memory_space<vmem>>
        %dma_wait3A_265 = arith.constant 0 : i32
        %dma_wait3A_266 = arith.constant 0 : i32
        %dma_wait3A_267 = tpu.memref_slice %arg2[%dma_wait3A_265, %dma_wait3A_266] : memref<10000x128xf32, #tpu.memory_space<hbm>> -> memref<10000x128xf32, #tpu.memory_space<hbm>>
        tpu.wait_indirect_dma semaphore(%arg17 : memref<!tpu.dma_semaphore, #tpu.memory_space<semaphore_mem>>) src(%dma_wait3A_267 : memref<10000x128xf32, #tpu.memory_space<hbm>>) dst(%arg10 : memref<40x128xf32, #tpu.memory_space<vmem>>)
        %dma_start3A_268 = arith.constant 0 : i32
        %dma_start3A_269 = tpu.memref_slice %arg6[%select_n3A_193, %add3A_261, %dma_start3A_268] : memref<2x25x40xi32, #tpu.memory_space<vmem>> -> memref<1x1x40xi32, #tpu.memory_space<vmem>>
        %dma_start3A_270 = tpu.memref_squeeze %dma_start3A_269 : memref<1x1x40xi32, #tpu.memory_space<vmem>> -> memref<40xi32, #tpu.memory_space<vmem>>
        %dma_start3A_271 = arith.constant 0 : i32
        %dma_start3A_272 = arith.constant 0 : i32
        %dma_start3A_273 = tpu.memref_slice %arg13[%dma_start3A_271, %dma_start3A_272] : memref<10240x128xf32, #tpu.memory_space<vmem_shared>> -> memref<10240x128xf32, #tpu.memory_space<vmem_shared>>
        tpu.enqueue_indirect_dma source(%arg10 : memref<40x128xf32, #tpu.memory_space<vmem>>) target(%dma_start3A_273 : memref<10240x128xf32, #tpu.memory_space<vmem_shared>>) offsets(%dma_start3A_270 : memref<40xi32, #tpu.memory_space<vmem>>) semaphore(%arg22 : memref<!tpu.dma_semaphore, #tpu.memory_space<semaphore_mem>>) {add = true}
        %mul3A_274 = arith.constant 5 : i32
        %mul3A_275 = arith.muli %scan3A_184, %mul3A_274 : i32
        %add3A_276 = arith.constant 4 : i32
        %add3A_277 = arith.addi %mul3A_275, %add3A_276 : i32
        %dma_wait3A_278 = arith.constant 0 : i32
        %dma_wait3A_279 = tpu.memref_slice %arg5[%select_n3A_193, %add3A_277, %dma_wait3A_278] : memref<2x25x40xi32, #tpu.memory_space<vmem>> -> memref<1x1x40xi32, #tpu.memory_space<vmem>>
        %dma_wait3A_280 = tpu.memref_squeeze %dma_wait3A_279 : memref<1x1x40xi32, #tpu.memory_space<vmem>> -> memref<40xi32, #tpu.memory_space<vmem>>
        %dma_wait3A_281 = arith.constant 0 : i32
        %dma_wait3A_282 = arith.constant 0 : i32
        %dma_wait3A_283 = tpu.memref_slice %arg2[%dma_wait3A_281, %dma_wait3A_282] : memref<10000x128xf32, #tpu.memory_space<hbm>> -> memref<10000x128xf32, #tpu.memory_space<hbm>>
        tpu.wait_indirect_dma semaphore(%arg18 : memref<!tpu.dma_semaphore, #tpu.memory_space<semaphore_mem>>) src(%dma_wait3A_283 : memref<10000x128xf32, #tpu.memory_space<hbm>>) dst(%arg11 : memref<40x128xf32, #tpu.memory_space<vmem>>)
        %dma_start3A_284 = arith.constant 0 : i32
        %dma_start3A_285 = tpu.memref_slice %arg6[%select_n3A_193, %add3A_277, %dma_start3A_284] : memref<2x25x40xi32, #tpu.memory_space<vmem>> -> memref<1x1x40xi32, #tpu.memory_space<vmem>>
        %dma_start3A_286 = tpu.memref_squeeze %dma_start3A_285 : memref<1x1x40xi32, #tpu.memory_space<vmem>> -> memref<40xi32, #tpu.memory_space<vmem>>
        %dma_start3A_287 = arith.constant 0 : i32
        %dma_start3A_288 = arith.constant 0 : i32
        %dma_start3A_289 = tpu.memref_slice %arg13[%dma_start3A_287, %dma_start3A_288] : memref<10240x128xf32, #tpu.memory_space<vmem_shared>> -> memref<10240x128xf32, #tpu.memory_space<vmem_shared>>
        tpu.enqueue_indirect_dma source(%arg11 : memref<40x128xf32, #tpu.memory_space<vmem>>) target(%dma_start3A_289 : memref<10240x128xf32, #tpu.memory_space<vmem_shared>>) offsets(%dma_start3A_286 : memref<40xi32, #tpu.memory_space<vmem>>) semaphore(%arg23 : memref<!tpu.dma_semaphore, #tpu.memory_space<semaphore_mem>>) {add = true}
        %lt3A_290 = arith.constant 4 : i32
        %lt3A_291 = arith.cmpi slt, %scan3A_184, %lt3A_290 : i32
        %eq3A_292 = arith.constant 4 : i32
        %eq3A_293 = arith.cmpi eq, %scan3A_184, %eq3A_292 : i32
        %not3A_294 = arith.constant true
        %not3A_295 = arith.xori %eq3A_196, %not3A_294 : i1
        %and3A_296 = arith.andi %eq3A_293, %not3A_295 : i1
        %mul3A_297 = arith.constant 5 : i32
        %mul3A_298 = arith.muli %scan3A_184, %mul3A_297 : i32
        %add3A_299 = arith.constant 0 : i32
        %add3A_300 = arith.addi %mul3A_298, %add3A_299 : i32
        %or3A = arith.ori %lt3A_291, %and3A_296 : i1
        %convert_element_type3A_301 = arith.extui %or3A : i1 to i32
        %cond3A_302 = arith.constant 0 : i32
        %cond3A_303 = arith.cmpi ne, %convert_element_type3A_301, %cond3A_302 : i32
        scf.if %cond3A_303 {
          %dma_wait3A_366 = arith.constant 0 : i32
          %dma_wait3A_367 = tpu.memref_slice %arg6[%select_n3A_193, %add3A_300, %dma_wait3A_366] : memref<2x25x40xi32, #tpu.memory_space<vmem>> -> memref<1x1x40xi32, #tpu.memory_space<vmem>>
          %dma_wait3A_368 = tpu.memref_squeeze %dma_wait3A_367 : memref<1x1x40xi32, #tpu.memory_space<vmem>> -> memref<40xi32, #tpu.memory_space<vmem>>
          %dma_wait3A_369 = arith.constant 0 : i32
          %dma_wait3A_370 = arith.constant 0 : i32
          %dma_wait3A_371 = tpu.memref_slice %arg13[%dma_wait3A_369, %dma_wait3A_370] : memref<10240x128xf32, #tpu.memory_space<vmem_shared>> -> memref<10240x128xf32, #tpu.memory_space<vmem_shared>>
          tpu.wait_indirect_dma semaphore(%arg19 : memref<!tpu.dma_semaphore, #tpu.memory_space<semaphore_mem>>) src(%arg7 : memref<40x128xf32, #tpu.memory_space<vmem>>) dst(%dma_wait3A_371 : memref<10240x128xf32, #tpu.memory_space<vmem_shared>>)
        } else {
        }
        %convert_element_type3A_304 = arith.extui %lt3A_291 : i1 to i32
        %cond3A_305 = arith.constant 0 : i32
        %cond3A_306 = arith.cmpi ne, %convert_element_type3A_304, %cond3A_305 : i32
        scf.if %cond3A_306 {
          %add3A_366 = arith.constant 1 : i32
          %add3A_367 = arith.addi %scan3A_184, %add3A_366 : i32
          %mul3A_368 = arith.constant 5 : i32
          %mul3A_369 = arith.muli %add3A_367, %mul3A_368 : i32
          %add3A_370 = arith.constant 0 : i32
          %add3A_371 = arith.addi %mul3A_369, %add3A_370 : i32
          %dma_start3A_372 = arith.constant 0 : i32
          %dma_start3A_373 = tpu.memref_slice %arg5[%select_n3A_193, %add3A_371, %dma_start3A_372] : memref<2x25x40xi32, #tpu.memory_space<vmem>> -> memref<1x1x40xi32, #tpu.memory_space<vmem>>
          %dma_start3A_374 = tpu.memref_squeeze %dma_start3A_373 : memref<1x1x40xi32, #tpu.memory_space<vmem>> -> memref<40xi32, #tpu.memory_space<vmem>>
          %dma_start3A_375 = arith.constant 0 : i32
          %dma_start3A_376 = arith.constant 0 : i32
          %dma_start3A_377 = tpu.memref_slice %arg2[%dma_start3A_375, %dma_start3A_376] : memref<10000x128xf32, #tpu.memory_space<hbm>> -> memref<10000x128xf32, #tpu.memory_space<hbm>>
          tpu.enqueue_indirect_dma source(%dma_start3A_377 : memref<10000x128xf32, #tpu.memory_space<hbm>>) target(%arg7 : memref<40x128xf32, #tpu.memory_space<vmem>>) offsets(%dma_start3A_374 : memref<40xi32, #tpu.memory_space<vmem>>) semaphore(%arg14 : memref<!tpu.dma_semaphore, #tpu.memory_space<semaphore_mem>>)
        } else {
        }
        %convert_element_type3A_307 = arith.extui %and3A_296 : i1 to i32
        %cond3A_308 = arith.constant 0 : i32
        %cond3A_309 = arith.cmpi ne, %convert_element_type3A_307, %cond3A_308 : i32
        scf.if %cond3A_309 {
          %dma_start3A_366 = arith.constant 0 : i32
          %dma_start3A_367 = arith.constant 0 : i32
          %dma_start3A_368 = tpu.memref_slice %arg5[%sub3A_194, %dma_start3A_366, %dma_start3A_367] : memref<2x25x40xi32, #tpu.memory_space<vmem>> -> memref<1x1x40xi32, #tpu.memory_space<vmem>>
          %dma_start3A_369 = tpu.memref_squeeze %dma_start3A_368 : memref<1x1x40xi32, #tpu.memory_space<vmem>> -> memref<40xi32, #tpu.memory_space<vmem>>
          %dma_start3A_370 = arith.constant 0 : i32
          %dma_start3A_371 = arith.constant 0 : i32
          %dma_start3A_372 = tpu.memref_slice %arg2[%dma_start3A_370, %dma_start3A_371] : memref<10000x128xf32, #tpu.memory_space<hbm>> -> memref<10000x128xf32, #tpu.memory_space<hbm>>
          tpu.enqueue_indirect_dma source(%dma_start3A_372 : memref<10000x128xf32, #tpu.memory_space<hbm>>) target(%arg7 : memref<40x128xf32, #tpu.memory_space<vmem>>) offsets(%dma_start3A_369 : memref<40xi32, #tpu.memory_space<vmem>>) semaphore(%arg14 : memref<!tpu.dma_semaphore, #tpu.memory_space<semaphore_mem>>)
        } else {
        }
        %mul3A_310 = arith.constant 5 : i32
        %mul3A_311 = arith.muli %scan3A_184, %mul3A_310 : i32
        %add3A_312 = arith.constant 1 : i32
        %add3A_313 = arith.addi %mul3A_311, %add3A_312 : i32
        %or3A_314 = arith.ori %lt3A_291, %and3A_296 : i1
        %convert_element_type3A_315 = arith.extui %or3A_314 : i1 to i32
        %cond3A_316 = arith.constant 0 : i32
        %cond3A_317 = arith.cmpi ne, %convert_element_type3A_315, %cond3A_316 : i32
        scf.if %cond3A_317 {
          %dma_wait3A_366 = arith.constant 0 : i32
          %dma_wait3A_367 = tpu.memref_slice %arg6[%select_n3A_193, %add3A_313, %dma_wait3A_366] : memref<2x25x40xi32, #tpu.memory_space<vmem>> -> memref<1x1x40xi32, #tpu.memory_space<vmem>>
          %dma_wait3A_368 = tpu.memref_squeeze %dma_wait3A_367 : memref<1x1x40xi32, #tpu.memory_space<vmem>> -> memref<40xi32, #tpu.memory_space<vmem>>
          %dma_wait3A_369 = arith.constant 0 : i32
          %dma_wait3A_370 = arith.constant 0 : i32
          %dma_wait3A_371 = tpu.memref_slice %arg13[%dma_wait3A_369, %dma_wait3A_370] : memref<10240x128xf32, #tpu.memory_space<vmem_shared>> -> memref<10240x128xf32, #tpu.memory_space<vmem_shared>>
          tpu.wait_indirect_dma semaphore(%arg20 : memref<!tpu.dma_semaphore, #tpu.memory_space<semaphore_mem>>) src(%arg8 : memref<40x128xf32, #tpu.memory_space<vmem>>) dst(%dma_wait3A_371 : memref<10240x128xf32, #tpu.memory_space<vmem_shared>>)
        } else {
        }
        %convert_element_type3A_318 = arith.extui %lt3A_291 : i1 to i32
        %cond3A_319 = arith.constant 0 : i32
        %cond3A_320 = arith.cmpi ne, %convert_element_type3A_318, %cond3A_319 : i32
        scf.if %cond3A_320 {
          %add3A_366 = arith.constant 1 : i32
          %add3A_367 = arith.addi %scan3A_184, %add3A_366 : i32
          %mul3A_368 = arith.constant 5 : i32
          %mul3A_369 = arith.muli %add3A_367, %mul3A_368 : i32
          %add3A_370 = arith.constant 1 : i32
          %add3A_371 = arith.addi %mul3A_369, %add3A_370 : i32
          %dma_start3A_372 = arith.constant 0 : i32
          %dma_start3A_373 = tpu.memref_slice %arg5[%select_n3A_193, %add3A_371, %dma_start3A_372] : memref<2x25x40xi32, #tpu.memory_space<vmem>> -> memref<1x1x40xi32, #tpu.memory_space<vmem>>
          %dma_start3A_374 = tpu.memref_squeeze %dma_start3A_373 : memref<1x1x40xi32, #tpu.memory_space<vmem>> -> memref<40xi32, #tpu.memory_space<vmem>>
          %dma_start3A_375 = arith.constant 0 : i32
          %dma_start3A_376 = arith.constant 0 : i32
          %dma_start3A_377 = tpu.memref_slice %arg2[%dma_start3A_375, %dma_start3A_376] : memref<10000x128xf32, #tpu.memory_space<hbm>> -> memref<10000x128xf32, #tpu.memory_space<hbm>>
          tpu.enqueue_indirect_dma source(%dma_start3A_377 : memref<10000x128xf32, #tpu.memory_space<hbm>>) target(%arg8 : memref<40x128xf32, #tpu.memory_space<vmem>>) offsets(%dma_start3A_374 : memref<40xi32, #tpu.memory_space<vmem>>) semaphore(%arg15 : memref<!tpu.dma_semaphore, #tpu.memory_space<semaphore_mem>>)
        } else {
        }
        %convert_element_type3A_321 = arith.extui %and3A_296 : i1 to i32
        %cond3A_322 = arith.constant 0 : i32
        %cond3A_323 = arith.cmpi ne, %convert_element_type3A_321, %cond3A_322 : i32
        scf.if %cond3A_323 {
          %dma_start3A_366 = arith.constant 1 : i32
          %dma_start3A_367 = arith.constant 0 : i32
          %dma_start3A_368 = tpu.memref_slice %arg5[%sub3A_194, %dma_start3A_366, %dma_start3A_367] : memref<2x25x40xi32, #tpu.memory_space<vmem>> -> memref<1x1x40xi32, #tpu.memory_space<vmem>>
          %dma_start3A_369 = tpu.memref_squeeze %dma_start3A_368 : memref<1x1x40xi32, #tpu.memory_space<vmem>> -> memref<40xi32, #tpu.memory_space<vmem>>
          %dma_start3A_370 = arith.constant 0 : i32
          %dma_start3A_371 = arith.constant 0 : i32
          %dma_start3A_372 = tpu.memref_slice %arg2[%dma_start3A_370, %dma_start3A_371] : memref<10000x128xf32, #tpu.memory_space<hbm>> -> memref<10000x128xf32, #tpu.memory_space<hbm>>
          tpu.enqueue_indirect_dma source(%dma_start3A_372 : memref<10000x128xf32, #tpu.memory_space<hbm>>) target(%arg8 : memref<40x128xf32, #tpu.memory_space<vmem>>) offsets(%dma_start3A_369 : memref<40xi32, #tpu.memory_space<vmem>>) semaphore(%arg15 : memref<!tpu.dma_semaphore, #tpu.memory_space<semaphore_mem>>)
        } else {
        }
        %mul3A_324 = arith.constant 5 : i32
        %mul3A_325 = arith.muli %scan3A_184, %mul3A_324 : i32
        %add3A_326 = arith.constant 2 : i32
        %add3A_327 = arith.addi %mul3A_325, %add3A_326 : i32
        %or3A_328 = arith.ori %lt3A_291, %and3A_296 : i1
        %convert_element_type3A_329 = arith.extui %or3A_328 : i1 to i32
        %cond3A_330 = arith.constant 0 : i32
        %cond3A_331 = arith.cmpi ne, %convert_element_type3A_329, %cond3A_330 : i32
        scf.if %cond3A_331 {
          %dma_wait3A_366 = arith.constant 0 : i32
          %dma_wait3A_367 = tpu.memref_slice %arg6[%select_n3A_193, %add3A_327, %dma_wait3A_366] : memref<2x25x40xi32, #tpu.memory_space<vmem>> -> memref<1x1x40xi32, #tpu.memory_space<vmem>>
          %dma_wait3A_368 = tpu.memref_squeeze %dma_wait3A_367 : memref<1x1x40xi32, #tpu.memory_space<vmem>> -> memref<40xi32, #tpu.memory_space<vmem>>
          %dma_wait3A_369 = arith.constant 0 : i32
          %dma_wait3A_370 = arith.constant 0 : i32
          %dma_wait3A_371 = tpu.memref_slice %arg13[%dma_wait3A_369, %dma_wait3A_370] : memref<10240x128xf32, #tpu.memory_space<vmem_shared>> -> memref<10240x128xf32, #tpu.memory_space<vmem_shared>>
          tpu.wait_indirect_dma semaphore(%arg21 : memref<!tpu.dma_semaphore, #tpu.memory_space<semaphore_mem>>) src(%arg9 : memref<40x128xf32, #tpu.memory_space<vmem>>) dst(%dma_wait3A_371 : memref<10240x128xf32, #tpu.memory_space<vmem_shared>>)
        } else {
        }
        %convert_element_type3A_332 = arith.extui %lt3A_291 : i1 to i32
        %cond3A_333 = arith.constant 0 : i32
        %cond3A_334 = arith.cmpi ne, %convert_element_type3A_332, %cond3A_333 : i32
        scf.if %cond3A_334 {
          %add3A_366 = arith.constant 1 : i32
          %add3A_367 = arith.addi %scan3A_184, %add3A_366 : i32
          %mul3A_368 = arith.constant 5 : i32
          %mul3A_369 = arith.muli %add3A_367, %mul3A_368 : i32
          %add3A_370 = arith.constant 2 : i32
          %add3A_371 = arith.addi %mul3A_369, %add3A_370 : i32
          %dma_start3A_372 = arith.constant 0 : i32
          %dma_start3A_373 = tpu.memref_slice %arg5[%select_n3A_193, %add3A_371, %dma_start3A_372] : memref<2x25x40xi32, #tpu.memory_space<vmem>> -> memref<1x1x40xi32, #tpu.memory_space<vmem>>
          %dma_start3A_374 = tpu.memref_squeeze %dma_start3A_373 : memref<1x1x40xi32, #tpu.memory_space<vmem>> -> memref<40xi32, #tpu.memory_space<vmem>>
          %dma_start3A_375 = arith.constant 0 : i32
          %dma_start3A_376 = arith.constant 0 : i32
          %dma_start3A_377 = tpu.memref_slice %arg2[%dma_start3A_375, %dma_start3A_376] : memref<10000x128xf32, #tpu.memory_space<hbm>> -> memref<10000x128xf32, #tpu.memory_space<hbm>>
          tpu.enqueue_indirect_dma source(%dma_start3A_377 : memref<10000x128xf32, #tpu.memory_space<hbm>>) target(%arg9 : memref<40x128xf32, #tpu.memory_space<vmem>>) offsets(%dma_start3A_374 : memref<40xi32, #tpu.memory_space<vmem>>) semaphore(%arg16 : memref<!tpu.dma_semaphore, #tpu.memory_space<semaphore_mem>>)
        } else {
        }
        %convert_element_type3A_335 = arith.extui %and3A_296 : i1 to i32
        %cond3A_336 = arith.constant 0 : i32
        %cond3A_337 = arith.cmpi ne, %convert_element_type3A_335, %cond3A_336 : i32
        scf.if %cond3A_337 {
          %dma_start3A_366 = arith.constant 2 : i32
          %dma_start3A_367 = arith.constant 0 : i32
          %dma_start3A_368 = tpu.memref_slice %arg5[%sub3A_194, %dma_start3A_366, %dma_start3A_367] : memref<2x25x40xi32, #tpu.memory_space<vmem>> -> memref<1x1x40xi32, #tpu.memory_space<vmem>>
          %dma_start3A_369 = tpu.memref_squeeze %dma_start3A_368 : memref<1x1x40xi32, #tpu.memory_space<vmem>> -> memref<40xi32, #tpu.memory_space<vmem>>
          %dma_start3A_370 = arith.constant 0 : i32
          %dma_start3A_371 = arith.constant 0 : i32
          %dma_start3A_372 = tpu.memref_slice %arg2[%dma_start3A_370, %dma_start3A_371] : memref<10000x128xf32, #tpu.memory_space<hbm>> -> memref<10000x128xf32, #tpu.memory_space<hbm>>
          tpu.enqueue_indirect_dma source(%dma_start3A_372 : memref<10000x128xf32, #tpu.memory_space<hbm>>) target(%arg9 : memref<40x128xf32, #tpu.memory_space<vmem>>) offsets(%dma_start3A_369 : memref<40xi32, #tpu.memory_space<vmem>>) semaphore(%arg16 : memref<!tpu.dma_semaphore, #tpu.memory_space<semaphore_mem>>)
        } else {
        }
        %mul3A_338 = arith.constant 5 : i32
        %mul3A_339 = arith.muli %scan3A_184, %mul3A_338 : i32
        %add3A_340 = arith.constant 3 : i32
        %add3A_341 = arith.addi %mul3A_339, %add3A_340 : i32
        %or3A_342 = arith.ori %lt3A_291, %and3A_296 : i1
        %convert_element_type3A_343 = arith.extui %or3A_342 : i1 to i32
        %cond3A_344 = arith.constant 0 : i32
        %cond3A_345 = arith.cmpi ne, %convert_element_type3A_343, %cond3A_344 : i32
        scf.if %cond3A_345 {
          %dma_wait3A_366 = arith.constant 0 : i32
          %dma_wait3A_367 = tpu.memref_slice %arg6[%select_n3A_193, %add3A_341, %dma_wait3A_366] : memref<2x25x40xi32, #tpu.memory_space<vmem>> -> memref<1x1x40xi32, #tpu.memory_space<vmem>>
          %dma_wait3A_368 = tpu.memref_squeeze %dma_wait3A_367 : memref<1x1x40xi32, #tpu.memory_space<vmem>> -> memref<40xi32, #tpu.memory_space<vmem>>
          %dma_wait3A_369 = arith.constant 0 : i32
          %dma_wait3A_370 = arith.constant 0 : i32
          %dma_wait3A_371 = tpu.memref_slice %arg13[%dma_wait3A_369, %dma_wait3A_370] : memref<10240x128xf32, #tpu.memory_space<vmem_shared>> -> memref<10240x128xf32, #tpu.memory_space<vmem_shared>>
          tpu.wait_indirect_dma semaphore(%arg22 : memref<!tpu.dma_semaphore, #tpu.memory_space<semaphore_mem>>) src(%arg10 : memref<40x128xf32, #tpu.memory_space<vmem>>) dst(%dma_wait3A_371 : memref<10240x128xf32, #tpu.memory_space<vmem_shared>>)
        } else {
        }
        %convert_element_type3A_346 = arith.extui %lt3A_291 : i1 to i32
        %cond3A_347 = arith.constant 0 : i32
        %cond3A_348 = arith.cmpi ne, %convert_element_type3A_346, %cond3A_347 : i32
        scf.if %cond3A_348 {
          %add3A_366 = arith.constant 1 : i32
          %add3A_367 = arith.addi %scan3A_184, %add3A_366 : i32
          %mul3A_368 = arith.constant 5 : i32
          %mul3A_369 = arith.muli %add3A_367, %mul3A_368 : i32
          %add3A_370 = arith.constant 3 : i32
          %add3A_371 = arith.addi %mul3A_369, %add3A_370 : i32
          %dma_start3A_372 = arith.constant 0 : i32
          %dma_start3A_373 = tpu.memref_slice %arg5[%select_n3A_193, %add3A_371, %dma_start3A_372] : memref<2x25x40xi32, #tpu.memory_space<vmem>> -> memref<1x1x40xi32, #tpu.memory_space<vmem>>
          %dma_start3A_374 = tpu.memref_squeeze %dma_start3A_373 : memref<1x1x40xi32, #tpu.memory_space<vmem>> -> memref<40xi32, #tpu.memory_space<vmem>>
          %dma_start3A_375 = arith.constant 0 : i32
          %dma_start3A_376 = arith.constant 0 : i32
          %dma_start3A_377 = tpu.memref_slice %arg2[%dma_start3A_375, %dma_start3A_376] : memref<10000x128xf32, #tpu.memory_space<hbm>> -> memref<10000x128xf32, #tpu.memory_space<hbm>>
          tpu.enqueue_indirect_dma source(%dma_start3A_377 : memref<10000x128xf32, #tpu.memory_space<hbm>>) target(%arg10 : memref<40x128xf32, #tpu.memory_space<vmem>>) offsets(%dma_start3A_374 : memref<40xi32, #tpu.memory_space<vmem>>) semaphore(%arg17 : memref<!tpu.dma_semaphore, #tpu.memory_space<semaphore_mem>>)
        } else {
        }
        %convert_element_type3A_349 = arith.extui %and3A_296 : i1 to i32
        %cond3A_350 = arith.constant 0 : i32
        %cond3A_351 = arith.cmpi ne, %convert_element_type3A_349, %cond3A_350 : i32
        scf.if %cond3A_351 {
          %dma_start3A_366 = arith.constant 3 : i32
          %dma_start3A_367 = arith.constant 0 : i32
          %dma_start3A_368 = tpu.memref_slice %arg5[%sub3A_194, %dma_start3A_366, %dma_start3A_367] : memref<2x25x40xi32, #tpu.memory_space<vmem>> -> memref<1x1x40xi32, #tpu.memory_space<vmem>>
          %dma_start3A_369 = tpu.memref_squeeze %dma_start3A_368 : memref<1x1x40xi32, #tpu.memory_space<vmem>> -> memref<40xi32, #tpu.memory_space<vmem>>
          %dma_start3A_370 = arith.constant 0 : i32
          %dma_start3A_371 = arith.constant 0 : i32
          %dma_start3A_372 = tpu.memref_slice %arg2[%dma_start3A_370, %dma_start3A_371] : memref<10000x128xf32, #tpu.memory_space<hbm>> -> memref<10000x128xf32, #tpu.memory_space<hbm>>
          tpu.enqueue_indirect_dma source(%dma_start3A_372 : memref<10000x128xf32, #tpu.memory_space<hbm>>) target(%arg10 : memref<40x128xf32, #tpu.memory_space<vmem>>) offsets(%dma_start3A_369 : memref<40xi32, #tpu.memory_space<vmem>>) semaphore(%arg17 : memref<!tpu.dma_semaphore, #tpu.memory_space<semaphore_mem>>)
        } else {
        }
        %mul3A_352 = arith.constant 5 : i32
        %mul3A_353 = arith.muli %scan3A_184, %mul3A_352 : i32
        %add3A_354 = arith.constant 4 : i32
        %add3A_355 = arith.addi %mul3A_353, %add3A_354 : i32
        %or3A_356 = arith.ori %lt3A_291, %and3A_296 : i1
        %convert_element_type3A_357 = arith.extui %or3A_356 : i1 to i32
        %cond3A_358 = arith.constant 0 : i32
        %cond3A_359 = arith.cmpi ne, %convert_element_type3A_357, %cond3A_358 : i32
        scf.if %cond3A_359 {
          %dma_wait3A_366 = arith.constant 0 : i32
          %dma_wait3A_367 = tpu.memref_slice %arg6[%select_n3A_193, %add3A_355, %dma_wait3A_366] : memref<2x25x40xi32, #tpu.memory_space<vmem>> -> memref<1x1x40xi32, #tpu.memory_space<vmem>>
          %dma_wait3A_368 = tpu.memref_squeeze %dma_wait3A_367 : memref<1x1x40xi32, #tpu.memory_space<vmem>> -> memref<40xi32, #tpu.memory_space<vmem>>
          %dma_wait3A_369 = arith.constant 0 : i32
          %dma_wait3A_370 = arith.constant 0 : i32
          %dma_wait3A_371 = tpu.memref_slice %arg13[%dma_wait3A_369, %dma_wait3A_370] : memref<10240x128xf32, #tpu.memory_space<vmem_shared>> -> memref<10240x128xf32, #tpu.memory_space<vmem_shared>>
          tpu.wait_indirect_dma semaphore(%arg23 : memref<!tpu.dma_semaphore, #tpu.memory_space<semaphore_mem>>) src(%arg11 : memref<40x128xf32, #tpu.memory_space<vmem>>) dst(%dma_wait3A_371 : memref<10240x128xf32, #tpu.memory_space<vmem_shared>>)
        } else {
        }
        %convert_element_type3A_360 = arith.extui %lt3A_291 : i1 to i32
        %cond3A_361 = arith.constant 0 : i32
        %cond3A_362 = arith.cmpi ne, %convert_element_type3A_360, %cond3A_361 : i32
        scf.if %cond3A_362 {
          %add3A_366 = arith.constant 1 : i32
          %add3A_367 = arith.addi %scan3A_184, %add3A_366 : i32
          %mul3A_368 = arith.constant 5 : i32
          %mul3A_369 = arith.muli %add3A_367, %mul3A_368 : i32
          %add3A_370 = arith.constant 4 : i32
          %add3A_371 = arith.addi %mul3A_369, %add3A_370 : i32
          %dma_start3A_372 = arith.constant 0 : i32
          %dma_start3A_373 = tpu.memref_slice %arg5[%select_n3A_193, %add3A_371, %dma_start3A_372] : memref<2x25x40xi32, #tpu.memory_space<vmem>> -> memref<1x1x40xi32, #tpu.memory_space<vmem>>
          %dma_start3A_374 = tpu.memref_squeeze %dma_start3A_373 : memref<1x1x40xi32, #tpu.memory_space<vmem>> -> memref<40xi32, #tpu.memory_space<vmem>>
          %dma_start3A_375 = arith.constant 0 : i32
          %dma_start3A_376 = arith.constant 0 : i32
          %dma_start3A_377 = tpu.memref_slice %arg2[%dma_start3A_375, %dma_start3A_376] : memref<10000x128xf32, #tpu.memory_space<hbm>> -> memref<10000x128xf32, #tpu.memory_space<hbm>>
          tpu.enqueue_indirect_dma source(%dma_start3A_377 : memref<10000x128xf32, #tpu.memory_space<hbm>>) target(%arg11 : memref<40x128xf32, #tpu.memory_space<vmem>>) offsets(%dma_start3A_374 : memref<40xi32, #tpu.memory_space<vmem>>) semaphore(%arg18 : memref<!tpu.dma_semaphore, #tpu.memory_space<semaphore_mem>>)
        } else {
        }
        %convert_element_type3A_363 = arith.extui %and3A_296 : i1 to i32
        %cond3A_364 = arith.constant 0 : i32
        %cond3A_365 = arith.cmpi ne, %convert_element_type3A_363, %cond3A_364 : i32
        scf.if %cond3A_365 {
          %dma_start3A_366 = arith.constant 4 : i32
          %dma_start3A_367 = arith.constant 0 : i32
          %dma_start3A_368 = tpu.memref_slice %arg5[%sub3A_194, %dma_start3A_366, %dma_start3A_367] : memref<2x25x40xi32, #tpu.memory_space<vmem>> -> memref<1x1x40xi32, #tpu.memory_space<vmem>>
          %dma_start3A_369 = tpu.memref_squeeze %dma_start3A_368 : memref<1x1x40xi32, #tpu.memory_space<vmem>> -> memref<40xi32, #tpu.memory_space<vmem>>
          %dma_start3A_370 = arith.constant 0 : i32
          %dma_start3A_371 = arith.constant 0 : i32
          %dma_start3A_372 = tpu.memref_slice %arg2[%dma_start3A_370, %dma_start3A_371] : memref<10000x128xf32, #tpu.memory_space<hbm>> -> memref<10000x128xf32, #tpu.memory_space<hbm>>
          tpu.enqueue_indirect_dma source(%dma_start3A_372 : memref<10000x128xf32, #tpu.memory_space<hbm>>) target(%arg11 : memref<40x128xf32, #tpu.memory_space<vmem>>) offsets(%dma_start3A_369 : memref<40xi32, #tpu.memory_space<vmem>>) semaphore(%arg18 : memref<!tpu.dma_semaphore, #tpu.memory_space<semaphore_mem>>)
        } else {
        }
      }
      %scan3A_183 = arith.constant 5 : i32
    }
    %scan3A_136 = arith.constant 10 : i32
    %dma_wait3A = arith.constant 1 : i32
    %dma_wait3A_137 = arith.constant 20 : i32
    %dma_wait3A_138 = arith.constant 0 : i32
    %dma_wait3A_139 = tpu.memref_slice %arg6[%dma_wait3A, %dma_wait3A_137, %dma_wait3A_138] : memref<2x25x40xi32, #tpu.memory_space<vmem>> -> memref<1x1x40xi32, #tpu.memory_space<vmem>>
    %dma_wait3A_140 = tpu.memref_squeeze %dma_wait3A_139 : memref<1x1x40xi32, #tpu.memory_space<vmem>> -> memref<40xi32, #tpu.memory_space<vmem>>
    %dma_wait3A_141 = arith.constant 0 : i32
    %dma_wait3A_142 = arith.constant 0 : i32
    %dma_wait3A_143 = tpu.memref_slice %arg13[%dma_wait3A_141, %dma_wait3A_142] : memref<10240x128xf32, #tpu.memory_space<vmem_shared>> -> memref<10240x128xf32, #tpu.memory_space<vmem_shared>>
    tpu.wait_indirect_dma semaphore(%arg19 : memref<!tpu.dma_semaphore, #tpu.memory_space<semaphore_mem>>) src(%arg7 : memref<40x128xf32, #tpu.memory_space<vmem>>) dst(%dma_wait3A_143 : memref<10240x128xf32, #tpu.memory_space<vmem_shared>>)
    %dma_wait3A_144 = arith.constant 1 : i32
    %dma_wait3A_145 = arith.constant 21 : i32
    %dma_wait3A_146 = arith.constant 0 : i32
    %dma_wait3A_147 = tpu.memref_slice %arg6[%dma_wait3A_144, %dma_wait3A_145, %dma_wait3A_146] : memref<2x25x40xi32, #tpu.memory_space<vmem>> -> memref<1x1x40xi32, #tpu.memory_space<vmem>>
    %dma_wait3A_148 = tpu.memref_squeeze %dma_wait3A_147 : memref<1x1x40xi32, #tpu.memory_space<vmem>> -> memref<40xi32, #tpu.memory_space<vmem>>
    %dma_wait3A_149 = arith.constant 0 : i32
    %dma_wait3A_150 = arith.constant 0 : i32
    %dma_wait3A_151 = tpu.memref_slice %arg13[%dma_wait3A_149, %dma_wait3A_150] : memref<10240x128xf32, #tpu.memory_space<vmem_shared>> -> memref<10240x128xf32, #tpu.memory_space<vmem_shared>>
    tpu.wait_indirect_dma semaphore(%arg20 : memref<!tpu.dma_semaphore, #tpu.memory_space<semaphore_mem>>) src(%arg8 : memref<40x128xf32, #tpu.memory_space<vmem>>) dst(%dma_wait3A_151 : memref<10240x128xf32, #tpu.memory_space<vmem_shared>>)
    %dma_wait3A_152 = arith.constant 1 : i32
    %dma_wait3A_153 = arith.constant 22 : i32
    %dma_wait3A_154 = arith.constant 0 : i32
    %dma_wait3A_155 = tpu.memref_slice %arg6[%dma_wait3A_152, %dma_wait3A_153, %dma_wait3A_154] : memref<2x25x40xi32, #tpu.memory_space<vmem>> -> memref<1x1x40xi32, #tpu.memory_space<vmem>>
    %dma_wait3A_156 = tpu.memref_squeeze %dma_wait3A_155 : memref<1x1x40xi32, #tpu.memory_space<vmem>> -> memref<40xi32, #tpu.memory_space<vmem>>
    %dma_wait3A_157 = arith.constant 0 : i32
    %dma_wait3A_158 = arith.constant 0 : i32
    %dma_wait3A_159 = tpu.memref_slice %arg13[%dma_wait3A_157, %dma_wait3A_158] : memref<10240x128xf32, #tpu.memory_space<vmem_shared>> -> memref<10240x128xf32, #tpu.memory_space<vmem_shared>>
    tpu.wait_indirect_dma semaphore(%arg21 : memref<!tpu.dma_semaphore, #tpu.memory_space<semaphore_mem>>) src(%arg9 : memref<40x128xf32, #tpu.memory_space<vmem>>) dst(%dma_wait3A_159 : memref<10240x128xf32, #tpu.memory_space<vmem_shared>>)
    %dma_wait3A_160 = arith.constant 1 : i32
    %dma_wait3A_161 = arith.constant 23 : i32
    %dma_wait3A_162 = arith.constant 0 : i32
    %dma_wait3A_163 = tpu.memref_slice %arg6[%dma_wait3A_160, %dma_wait3A_161, %dma_wait3A_162] : memref<2x25x40xi32, #tpu.memory_space<vmem>> -> memref<1x1x40xi32, #tpu.memory_space<vmem>>
    %dma_wait3A_164 = tpu.memref_squeeze %dma_wait3A_163 : memref<1x1x40xi32, #tpu.memory_space<vmem>> -> memref<40xi32, #tpu.memory_space<vmem>>
    %dma_wait3A_165 = arith.constant 0 : i32
    %dma_wait3A_166 = arith.constant 0 : i32
    %dma_wait3A_167 = tpu.memref_slice %arg13[%dma_wait3A_165, %dma_wait3A_166] : memref<10240x128xf32, #tpu.memory_space<vmem_shared>> -> memref<10240x128xf32, #tpu.memory_space<vmem_shared>>
    tpu.wait_indirect_dma semaphore(%arg22 : memref<!tpu.dma_semaphore, #tpu.memory_space<semaphore_mem>>) src(%arg10 : memref<40x128xf32, #tpu.memory_space<vmem>>) dst(%dma_wait3A_167 : memref<10240x128xf32, #tpu.memory_space<vmem_shared>>)
    %dma_wait3A_168 = arith.constant 1 : i32
    %dma_wait3A_169 = arith.constant 24 : i32
    %dma_wait3A_170 = arith.constant 0 : i32
    %dma_wait3A_171 = tpu.memref_slice %arg6[%dma_wait3A_168, %dma_wait3A_169, %dma_wait3A_170] : memref<2x25x40xi32, #tpu.memory_space<vmem>> -> memref<1x1x40xi32, #tpu.memory_space<vmem>>
    %dma_wait3A_172 = tpu.memref_squeeze %dma_wait3A_171 : memref<1x1x40xi32, #tpu.memory_space<vmem>> -> memref<40xi32, #tpu.memory_space<vmem>>
    %dma_wait3A_173 = arith.constant 0 : i32
    %dma_wait3A_174 = arith.constant 0 : i32
    %dma_wait3A_175 = tpu.memref_slice %arg13[%dma_wait3A_173, %dma_wait3A_174] : memref<10240x128xf32, #tpu.memory_space<vmem_shared>> -> memref<10240x128xf32, #tpu.memory_space<vmem_shared>>
    tpu.wait_indirect_dma semaphore(%arg23 : memref<!tpu.dma_semaphore, #tpu.memory_space<semaphore_mem>>) src(%arg11 : memref<40x128xf32, #tpu.memory_space<vmem>>) dst(%dma_wait3A_175 : memref<10240x128xf32, #tpu.memory_space<vmem_shared>>)
    %barrier3A_176 = arith.constant 0 : index
    tpu.barrier barrier_id(%barrier3A_176)
    "tpu.region"() ({
      %run_scoped3A_177 = tpu.sem_alloc : memref<!tpu.dma_semaphore, #tpu.memory_space<semaphore_mem>>
      %dma_start3A_178 = arith.constant 0 : i32
      %dma_start3A_179 = tpu.memref_slice %arg4[%arg0, %mul3A_2, %dma_start3A_178] : memref<2x10240x128xf32, #tpu.memory_space<hbm>> -> memref<1x640x128xf32, #tpu.memory_space<hbm>>
      %dma_start3A_180 = tpu.memref_squeeze %dma_start3A_179 : memref<1x640x128xf32, #tpu.memory_space<hbm>> -> memref<640x128xf32, #tpu.memory_space<hbm>>
      %dma_start3A_181 = arith.constant 0 : i32
      %dma_start3A_182 = tpu.memref_slice %arg13[%mul3A_2, %dma_start3A_181] : memref<10240x128xf32, #tpu.memory_space<vmem_shared>> -> memref<640x128xf32, #tpu.memory_space<vmem_shared>>
      tpu.enqueue_dma source(%dma_start3A_182 : memref<640x128xf32, #tpu.memory_space<vmem_shared>>) target(%dma_start3A_180 : memref<640x128xf32, #tpu.memory_space<hbm>>) target_semaphore(%run_scoped3A_177 : memref<!tpu.dma_semaphore, #tpu.memory_space<semaphore_mem>>)
      %dma_wait3A_183 = arith.constant 0 : i32
      %dma_wait3A_184 = tpu.memref_slice %arg4[%arg0, %mul3A_2, %dma_wait3A_183] : memref<2x10240x128xf32, #tpu.memory_space<hbm>> -> memref<1x640x128xf32, #tpu.memory_space<hbm>>
      %dma_wait3A_185 = tpu.memref_squeeze %dma_wait3A_184 : memref<1x640x128xf32, #tpu.memory_space<hbm>> -> memref<640x128xf32, #tpu.memory_space<hbm>>
      %dma_wait3A_186 = arith.constant 0 : i32
      %dma_wait3A_187 = tpu.memref_slice %arg13[%mul3A_2, %dma_wait3A_186] : memref<10240x128xf32, #tpu.memory_space<vmem_shared>> -> memref<640x128xf32, #tpu.memory_space<vmem_shared>>
      tpu.wait_dma2 semaphore(%run_scoped3A_177 : memref<!tpu.dma_semaphore, #tpu.memory_space<semaphore_mem>>) src(%dma_wait3A_187 : memref<640x128xf32, #tpu.memory_space<vmem_shared>>) dst(%dma_wait3A_185 : memref<640x128xf32, #tpu.memory_space<hbm>>)
      tpu.yield
    }) : () -> ()
    return
  }
}

module attributes {stable_mosaic.version = 14 : i64} {
  func.func @_tc_scale_body(%arg0: i32, %arg1: memref<2000x2xf32, #tpu.memory_space<vmem>>, %arg2: memref<2000x128xf32, #tpu.memory_space<vmem>>, %arg3: memref<128x128xf32, #tpu.memory_space<vmem>>, %arg4: memref<2000x128xf32, #tpu.memory_space<vmem>>) attributes {dimension_semantics = [#tpu.dimension_semantics<arbitrary>], iteration_bounds = array<i64: 5>, scalar_prefetch = 0 : i64, scratch_operands = 0 : i64, tpu.core_type = #tpu.core_type<tc>, window_params = [{transform_indices = @transform_0, window_bounds = array<i64: 2000, 2>}, {transform_indices = @transform_1, window_bounds = array<i64: 2000, 128>}, {pipeline_mode = #tpu.pipeline_mode<synchronous>, transform_indices = @transform_2, window_bounds = array<i64: 128, 128>}, {transform_indices = @transform_3, window_bounds = array<i64: 2000, 128>}]} {
    %get3A = arith.constant 0 : index
    %get3A_0 = arith.constant 0 : index
    %get3A_1 = vector.load %arg2[%get3A, %get3A_0] : memref<2000x128xf32, #tpu.memory_space<vmem>>, vector<2000x128xf32>
    %get3A_2 = arith.constant 0 : index
    %get3A_3 = arith.constant 0 : index
    %get3A_4 = vector.load %arg3[%get3A_2, %get3A_3] : memref<128x128xf32, #tpu.memory_space<vmem>>, vector<128x128xf32>
    %dot_general3A = arith.constant dense<0.000000e+00> : vector<2000x128xf32>
    %dot_general3A_5 = tpu.matmul %get3A_1, %get3A_4, %dot_general3A {dimension_numbers = #tpu.dot_dimension_numbers<[1], [0], [0], [1], [0, 0, 1, 1], [], []>, transpose_lhs_hint = false} : vector<2000x128xf32>, vector<128x128xf32>, vector<2000x128xf32> -> vector<2000x128xf32>
    %get3A_6 = arith.constant 0 : index
    %get3A_7 = arith.constant 0 : index
    %get3A_8 = vector.load %arg1[%get3A_6, %get3A_7] : memref<2000x2xf32, #tpu.memory_space<vmem>>, vector<2000x1xf32>
    %add3A = arith.constant 1.000000e+00 : f32
    %add3A_9 = vector.broadcast %add3A : f32 to vector<2000x1xf32>
    %add3A_10 = arith.addf %add3A_9, %get3A_8 : vector<2000x1xf32>
    %get3A_11 = arith.constant 0 : index
    %get3A_12 = arith.constant 1 : index
    %get3A_13 = vector.load %arg1[%get3A_11, %get3A_12] : memref<2000x2xf32, #tpu.memory_space<vmem>>, vector<2000x1xf32>
    %add3A_14 = arith.addf %add3A_10, %get3A_13 : vector<2000x1xf32>
    %rsqrt3A = math.rsqrt %add3A_14 : vector<2000x1xf32>
    %mul3A = vector.broadcast %rsqrt3A : vector<2000x1xf32> to vector<2000x128xf32>
    %mul3A_15 = arith.mulf %dot_general3A_5, %mul3A : vector<2000x128xf32>
    %swap3A = arith.constant 0 : index
    %swap3A_16 = arith.constant 0 : index
    %swap3A_17 = vector.load %arg4[%swap3A, %swap3A_16] : memref<2000x128xf32, #tpu.memory_space<vmem>>, vector<2000x128xf32>
    tpu.vector_store %arg4[%swap3A, %swap3A_16], %mul3A_15 {strides = array<i32>} : memref<2000x128xf32, #tpu.memory_space<vmem>>, vector<2000x128xf32>,
    return
  }
  func.func @transform_0(%arg0: i32) -> (i32, i32) {
    %c0_i32 = arith.constant 0 : i32
    %c0_i32_0 = arith.constant 0 : i32
    return %arg0, %c0_i32 : i32, i32
  }
  func.func @transform_1(%arg0: i32) -> (i32, i32) {
    %c0_i32 = arith.constant 0 : i32
    %c0_i32_0 = arith.constant 0 : i32
    return %arg0, %c0_i32 : i32, i32
  }
  func.func @transform_2(%arg0: i32) -> (i32, i32) {
    %c0_i32 = arith.constant 0 : i32
    %c0_i32_0 = arith.constant 0 : i32
    %c0_i32_1 = arith.constant 0 : i32
    return %c0_i32, %c0_i32_0 : i32, i32
  }
  func.func @transform_3(%arg0: i32) -> (i32, i32) {
    %c0_i32 = arith.constant 0 : i32
    %c0_i32_0 = arith.constant 0 : i32
    return %arg0, %c0_i32 : i32, i32
  }
}

module attributes {stable_mosaic.version = 14 : i64} {
  func.func @_tc_mid_body(%arg0: i32, %arg1: memref<2x2000x128xf32, #tpu.memory_space<vmem>>, %arg2: memref<2000x128xf32, #tpu.memory_space<vmem>>, %arg3: memref<2000x2xf32, #tpu.memory_space<vmem>>, %arg4: memref<1x128xf32, #tpu.memory_space<vmem>>, %arg5: memref<128x128xf32, #tpu.memory_space<vmem>>, %arg6: memref<2000x128xf32, #tpu.memory_space<vmem>>) attributes {dimension_semantics = [#tpu.dimension_semantics<arbitrary>], iteration_bounds = array<i64: 5>, scalar_prefetch = 0 : i64, scratch_operands = 0 : i64, tpu.core_type = #tpu.core_type<tc>, window_params = [{transform_indices = @transform_0, window_bounds = array<i64: 2, 2000, 128>}, {transform_indices = @transform_1, window_bounds = array<i64: 2000, 128>}, {transform_indices = @transform_2, window_bounds = array<i64: 2000, 2>}, {pipeline_mode = #tpu.pipeline_mode<synchronous>, transform_indices = @transform_3, window_bounds = array<i64: 1, 128>}, {pipeline_mode = #tpu.pipeline_mode<synchronous>, transform_indices = @transform_4, window_bounds = array<i64: 128, 128>}, {transform_indices = @transform_5, window_bounds = array<i64: 2000, 128>}]} {
    %get3A = arith.constant 0 : index
    %get3A_0 = arith.constant 0 : index
    %get3A_1 = vector.load %arg3[%get3A, %get3A_0] : memref<2000x2xf32, #tpu.memory_space<vmem>>, vector<2000x1xf32>
    %add3A = arith.constant 1.000000e+00 : f32
    %add3A_2 = vector.broadcast %add3A : f32 to vector<2000x1xf32>
    %add3A_3 = arith.addf %add3A_2, %get3A_1 : vector<2000x1xf32>
    %get3A_4 = arith.constant 0 : index
    %get3A_5 = arith.constant 1 : index
    %get3A_6 = vector.load %arg3[%get3A_4, %get3A_5] : memref<2000x2xf32, #tpu.memory_space<vmem>>, vector<2000x1xf32>
    %add3A_7 = arith.addf %add3A_3, %get3A_6 : vector<2000x1xf32>
    %rsqrt3A = math.rsqrt %add3A_7 : vector<2000x1xf32>
    %get3A_8 = arith.constant 0 : index
    %get3A_9 = arith.constant 0 : index
    %get3A_10 = arith.constant 0 : index
    %get3A_11 = vector.load %arg1[%get3A_8, %get3A_9, %get3A_10] : memref<2x2000x128xf32, #tpu.memory_space<vmem>>, vector<1x2000x128xf32>
    %get3A_12 = vector.shape_cast %get3A_11 : vector<1x2000x128xf32> to vector<2000x128xf32>
    %get3A_13 = arith.constant 1 : index
    %get3A_14 = arith.constant 0 : index
    %get3A_15 = arith.constant 0 : index
    %get3A_16 = vector.load %arg1[%get3A_13, %get3A_14, %get3A_15] : memref<2x2000x128xf32, #tpu.memory_space<vmem>>, vector<1x2000x128xf32>
    %get3A_17 = vector.shape_cast %get3A_16 : vector<1x2000x128xf32> to vector<2000x128xf32>
    %add3A_18 = arith.addf %get3A_12, %get3A_17 : vector<2000x128xf32>
    %get3A_19 = arith.constant 0 : index
    %get3A_20 = arith.constant 0 : index
    %get3A_21 = vector.load %arg2[%get3A_19, %get3A_20] : memref<2000x128xf32, #tpu.memory_space<vmem>>, vector<2000x128xf32>
    %add3A_22 = arith.addf %add3A_18, %get3A_21 : vector<2000x128xf32>
    %mul3A = vector.broadcast %rsqrt3A : vector<2000x1xf32> to vector<2000x128xf32>
    %mul3A_23 = arith.mulf %add3A_22, %mul3A : vector<2000x128xf32>
    %get3A_24 = arith.constant 0 : index
    %get3A_25 = arith.constant 0 : index
    %get3A_26 = vector.load %arg4[%get3A_24, %get3A_25] : memref<1x128xf32, #tpu.memory_space<vmem>>, vector<1x128xf32>
    %add3A_27 = vector.broadcast %get3A_26 : vector<1x128xf32> to vector<2000x128xf32>
    %add3A_28 = arith.addf %mul3A_23, %add3A_27 : vector<2000x128xf32>
    %max3A = arith.constant 0.000000e+00 : f32
    %max3A_29 = vector.broadcast %max3A : f32 to vector<2000x128xf32>
    %max3A_30 = arith.maximumf %add3A_28, %max3A_29 : vector<2000x128xf32>
    %get3A_31 = arith.constant 0 : index
    %get3A_32 = arith.constant 0 : index
    %get3A_33 = vector.load %arg5[%get3A_31, %get3A_32] : memref<128x128xf32, #tpu.memory_space<vmem>>, vector<128x128xf32>
    %dot_general3A = arith.constant dense<0.000000e+00> : vector<2000x128xf32>
    %dot_general3A_34 = tpu.matmul %max3A_30, %get3A_33, %dot_general3A {dimension_numbers = #tpu.dot_dimension_numbers<[1], [0], [0], [1], [0, 0, 1, 1], [], []>, transpose_lhs_hint = false} : vector<2000x128xf32>, vector<128x128xf32>, vector<2000x128xf32> -> vector<2000x128xf32>
    %mul3A_35 = vector.broadcast %rsqrt3A : vector<2000x1xf32> to vector<2000x128xf32>
    %mul3A_36 = arith.mulf %dot_general3A_34, %mul3A_35 : vector<2000x128xf32>
    %swap3A = arith.constant 0 : index
    %swap3A_37 = arith.constant 0 : index
    %swap3A_38 = vector.load %arg6[%swap3A, %swap3A_37] : memref<2000x128xf32, #tpu.memory_space<vmem>>, vector<2000x128xf32>
    tpu.vector_store %arg6[%swap3A, %swap3A_37], %mul3A_36 {strides = array<i32>} : memref<2000x128xf32, #tpu.memory_space<vmem>>, vector<2000x128xf32>,
    return
  }
  func.func @transform_0(%arg0: i32) -> (i32, i32, i32) {
    %c0_i32 = arith.constant 0 : i32
    %c0_i32_0 = arith.constant 0 : i32
    %c0_i32_1 = arith.constant 0 : i32
    return %c0_i32, %arg0, %c0_i32_0 : i32, i32, i32
  }
  func.func @transform_1(%arg0: i32) -> (i32, i32) {
    %c0_i32 = arith.constant 0 : i32
    %c0_i32_0 = arith.constant 0 : i32
    return %arg0, %c0_i32 : i32, i32
  }
  func.func @transform_2(%arg0: i32) -> (i32, i32) {
    %c0_i32 = arith.constant 0 : i32
    %c0_i32_0 = arith.constant 0 : i32
    return %arg0, %c0_i32 : i32, i32
  }
  func.func @transform_3(%arg0: i32) -> (i32, i32) {
    %c0_i32 = arith.constant 0 : i32
    %c0_i32_0 = arith.constant 0 : i32
    %c0_i32_1 = arith.constant 0 : i32
    return %c0_i32, %c0_i32_0 : i32, i32
  }
  func.func @transform_4(%arg0: i32) -> (i32, i32) {
    %c0_i32 = arith.constant 0 : i32
    %c0_i32_0 = arith.constant 0 : i32
    %c0_i32_1 = arith.constant 0 : i32
    return %c0_i32, %c0_i32_0 : i32, i32
  }
  func.func @transform_5(%arg0: i32) -> (i32, i32) {
    %c0_i32 = arith.constant 0 : i32
    %c0_i32_0 = arith.constant 0 : i32
    return %arg0, %c0_i32 : i32, i32
  }
}

module attributes {stable_mosaic.version = 14 : i64} {
  func.func @_tc_out_body(%arg0: i32, %arg1: memref<2x2000x128xf32, #tpu.memory_space<vmem>>, %arg2: memref<2000x128xf32, #tpu.memory_space<vmem>>, %arg3: memref<2000x2xf32, #tpu.memory_space<vmem>>, %arg4: memref<1x128xf32, #tpu.memory_space<vmem>>, %arg5: memref<2000x128xf32, #tpu.memory_space<vmem>>) attributes {dimension_semantics = [#tpu.dimension_semantics<arbitrary>], iteration_bounds = array<i64: 5>, scalar_prefetch = 0 : i64, scratch_operands = 0 : i64, tpu.core_type = #tpu.core_type<tc>, window_params = [{transform_indices = @transform_0, window_bounds = array<i64: 2, 2000, 128>}, {transform_indices = @transform_1, window_bounds = array<i64: 2000, 128>}, {transform_indices = @transform_2, window_bounds = array<i64: 2000, 2>}, {pipeline_mode = #tpu.pipeline_mode<synchronous>, transform_indices = @transform_3, window_bounds = array<i64: 1, 128>}, {transform_indices = @transform_4, window_bounds = array<i64: 2000, 128>}]} {
    %get3A = arith.constant 0 : index
    %get3A_0 = arith.constant 0 : index
    %get3A_1 = arith.constant 0 : index
    %get3A_2 = vector.load %arg1[%get3A, %get3A_0, %get3A_1] : memref<2x2000x128xf32, #tpu.memory_space<vmem>>, vector<1x2000x128xf32>
    %get3A_3 = vector.shape_cast %get3A_2 : vector<1x2000x128xf32> to vector<2000x128xf32>
    %get3A_4 = arith.constant 1 : index
    %get3A_5 = arith.constant 0 : index
    %get3A_6 = arith.constant 0 : index
    %get3A_7 = vector.load %arg1[%get3A_4, %get3A_5, %get3A_6] : memref<2x2000x128xf32, #tpu.memory_space<vmem>>, vector<1x2000x128xf32>
    %get3A_8 = vector.shape_cast %get3A_7 : vector<1x2000x128xf32> to vector<2000x128xf32>
    %add3A = arith.addf %get3A_3, %get3A_8 : vector<2000x128xf32>
    %get3A_9 = arith.constant 0 : index
    %get3A_10 = arith.constant 0 : index
    %get3A_11 = vector.load %arg2[%get3A_9, %get3A_10] : memref<2000x128xf32, #tpu.memory_space<vmem>>, vector<2000x128xf32>
    %add3A_12 = arith.addf %add3A, %get3A_11 : vector<2000x128xf32>
    %get3A_13 = arith.constant 0 : index
    %get3A_14 = arith.constant 0 : index
    %get3A_15 = vector.load %arg3[%get3A_13, %get3A_14] : memref<2000x2xf32, #tpu.memory_space<vmem>>, vector<2000x1xf32>
    %add3A_16 = arith.constant 1.000000e+00 : f32
    %add3A_17 = vector.broadcast %add3A_16 : f32 to vector<2000x1xf32>
    %add3A_18 = arith.addf %add3A_17, %get3A_15 : vector<2000x1xf32>
    %get3A_19 = arith.constant 0 : index
    %get3A_20 = arith.constant 1 : index
    %get3A_21 = vector.load %arg3[%get3A_19, %get3A_20] : memref<2000x2xf32, #tpu.memory_space<vmem>>, vector<2000x1xf32>
    %add3A_22 = arith.addf %add3A_18, %get3A_21 : vector<2000x1xf32>
    %rsqrt3A = math.rsqrt %add3A_22 : vector<2000x1xf32>
    %mul3A = vector.broadcast %rsqrt3A : vector<2000x1xf32> to vector<2000x128xf32>
    %mul3A_23 = arith.mulf %add3A_12, %mul3A : vector<2000x128xf32>
    %get3A_24 = arith.constant 0 : index
    %get3A_25 = arith.constant 0 : index
    %get3A_26 = vector.load %arg4[%get3A_24, %get3A_25] : memref<1x128xf32, #tpu.memory_space<vmem>>, vector<1x128xf32>
    %add3A_27 = vector.broadcast %get3A_26 : vector<1x128xf32> to vector<2000x128xf32>
    %add3A_28 = arith.addf %mul3A_23, %add3A_27 : vector<2000x128xf32>
    %swap3A = arith.constant 0 : index
    %swap3A_29 = arith.constant 0 : index
    %swap3A_30 = vector.load %arg5[%swap3A, %swap3A_29] : memref<2000x128xf32, #tpu.memory_space<vmem>>, vector<2000x128xf32>
    tpu.vector_store %arg5[%swap3A, %swap3A_29], %add3A_28 {strides = array<i32>} : memref<2000x128xf32, #tpu.memory_space<vmem>>, vector<2000x128xf32>,
    return
  }
  func.func @transform_0(%arg0: i32) -> (i32, i32, i32) {
    %c0_i32 = arith.constant 0 : i32
    %c0_i32_0 = arith.constant 0 : i32
    %c0_i32_1 = arith.constant 0 : i32
    return %c0_i32, %arg0, %c0_i32_0 : i32, i32, i32
  }
  func.func @transform_1(%arg0: i32) -> (i32, i32) {
    %c0_i32 = arith.constant 0 : i32
    %c0_i32_0 = arith.constant 0 : i32
    return %arg0, %c0_i32 : i32, i32
  }
  func.func @transform_2(%arg0: i32) -> (i32, i32) {
    %c0_i32 = arith.constant 0 : i32
    %c0_i32_0 = arith.constant 0 : i32
    return %arg0, %c0_i32 : i32, i32
  }
  func.func @transform_3(%arg0: i32) -> (i32, i32) {
    %c0_i32 = arith.constant 0 : i32
    %c0_i32_0 = arith.constant 0 : i32
    %c0_i32_1 = arith.constant 0 : i32
    return %c0_i32, %c0_i32_0 : i32, i32
  }
  func.func @transform_4(%arg0: i32) -> (i32, i32) {
    %c0_i32 = arith.constant 0 : i32
    %c0_i32_0 = arith.constant 0 : i32
    return %arg0, %c0_i32 : i32, i32
  }
}

</mosaic_0001>

<sc_bundles>
// kernel: kernel.11.cloned.1.call-start
scs
__scs_entry_jumppad:
0x0: {  	(pc) =	sbr.rel $0x88, $3  }
0x1: {  	(tag) =	ssettag $0x0;
	lr =	simm.s32 $0x1  }
0x2: {  	[smem:$0x3F9B] =	sst lr;
	_ =	strace $0xD0000000  }
0x3: {  	_ = 	snop  }
0x4: {  	_ = 	snop  }
0x5: {  	_ = 	snop  }
0x6: {  	_ = 	snop  }
0x7: {  	_ = 	snop  }
__scs_overlays_trampoline_lowered:
0x8: {  	[smem:$0x3FAA] =	sst s0  }
0x9: {  	[smem:$0x3FAB] =	sst s1  }
0xa: {  	[smem:$0x3FAC] =	sst s2  }
0xb: {  	[smem:$0x3FAD] =	sst s3  }
0xc: {  	[smem:$0x3FAE] =	sst s4  }
0xd: {  	[smem:$0x3FAF] =	sst s5  }
0xe: {  	[smem:$0x3FB0] =	sst s6  }
0xf: {  	[smem:$0x3FB1] =	sst s7  }
0x10: {  	[smem:$0x3FB2] =	sst s8  }
0x11: {  	[smem:$0x3FB3] =	sst s9;
	s0 =	simm.s32 @!p0 $0x0  }
0x12: {  	s1 =	sld [smem:$0x3F99];
	s0 =	simm.s32 @p0 $0x1  }
0x13: {  	[smem:$0x3FB4] =	sst s0;
	s0 =	simm.s32 @!p1 $0x0  }
0x14: {  	s2 =	sld [smem:$0x3F98];
	s0 =	simm.s32 @p1 $0x1  }
0x15: {  	[smem:$0x3FB5] =	sst s0;
	s0 =	simm.s32 @!p2 $0x0  }
0x16: {  	s3 =	sld [smem:$0x3FDB];
	s0 =	simm.s32 @p2 $0x1  }
0x17: {  	s4 =	simm.s32 $0x1BF5;
	[smem:$0x3FB7] =	sst s0  }
0x18: {  	s0 =	sld [smem:$0x3F9A];
	_ =	swait.ge [sflag:s4], $0x0  }
0x19: {  	s7 =	sld [smem:$0x3F9B]  }
0x1a: {  	s8 =	sadd.s32 $0xFFFFE003, lr  }
0x1b: {  	s9 =	sadd.s32 $0xFFFFFEF7, lr;
	s5 =	simm.s32 $0xFFFFFFFF;
	p2 =	slt.u32 s8, $0xFFFFF086  }
0x1c: {  	p1 =	slt.u32 s9, $0xF7A;
	s5 =	simm.s32 @!p2 $0x0  }
0x1d: {  	s5 =	simm.s32 @p1 $0x1;
	p0 =	seq.s32 s7, s2  }
0x1e: {  	s7 =	smul.u32 @!p0 $0xF7A, s2;
	p2 =	seq.s32 @!p0 s5, $0x0  }
0x1f: {  	s9 =	smul.u32 $0xF7A, s1;
	s8 =	simm.s32 @!p0 $0x1BF5;
	p2 =	por !p2, p0  }
0x20: {  	[sflag:s8] =	ssyncset.s32 @!p0 $0xFFFFF086;
	s6 =	sadd.s32 @!p0 s3, s7;
	s7 =	simm.s32 @!p0 $0x108  }
0x21: {  	s3 =	sadd.s32 s3, s9;
	s6 =	sadd.s32 @!p0 $0x88, s6;
	s7 =	simm.s32 @p2 $0x1082  }
0x22: {  	[simem:s7], [sflag:s8] =	dma.local @!p0 [hbm:s6], $0xF7A  }
0x23: {  	s9 =	sor.u32 $0xD0000000, s2;
	s6 =	simm.s32 $0x108;
	_ =	swait.ge @!p0 [sflag:s8], $0x0  }
0x24: {  	s3 =	sadd.s32 $0x88, s3;
	s6 =	simm.s32 @!p1 $0x1082;
	[sflag:s4] =	ssyncset.s32 $0xFFFFF086  }
0x25: {  	[simem:s6], [sflag:s4] =	dma.local [hbm:s3], $0xF7A  }
0x26: {  	[smem:$0x3F9B] =	sst s1;
	(tag) =	ssettag s2;
	_ =	strace s9  }
0x27: {  	s1 =	sld [smem:$0x3FAB]  }
0x28: {  	s2 =	sld [smem:$0x3FAC]  }
0x29: {  	s4 =	sld [smem:$0x3FAE]  }
0x2a: {  	p0 =	seq.s32 s5, $0x0;
	s5 =	sld [smem:$0x3FAF]  }
0x2b: {  	s6 =	sld [smem:$0x3FB0]  }
0x2c: {  	s7 =	sld [smem:$0x3FB1]  }
0x2d: {  	s3 =	simm.s32 $0x108;
	s8 =	sld [smem:$0x3FB2]  }
0x2e: {  	s3 =	simm.s32 @!p0 $0x1082;
	s9 =	sld [smem:$0x3FB3]  }
0x2f: {  	lr =	sadd.s32 s0, s3;
	s0 =	sld [smem:$0x3FAA]  }
0x30: {  	s3 =	sld [smem:$0x3FAD]  }
0x31: {  	[smem:$0x3FB6] =	sst s10  }
0x32: {  	s10 =	sld [smem:$0x3FB4];
	_ =	sdelay $0x3  }
0x33: {  	p0 =	seq.s32 s10, $0x1;
	s10 =	sld [smem:$0x3FB6];
	_ =	sdelay $0x3  }
0x34: {  	[smem:$0x3FB6] =	sst s10  }
0x35: {  	s10 =	sld [smem:$0x3FB5];
	_ =	sdelay $0x3  }
0x36: {  	p1 =	seq.s32 s10, $0x1;
	s10 =	sld [smem:$0x3FB6];
	_ =	sdelay $0x3  }
0x37: {  	[smem:$0x3FB6] =	sst s10  }
0x38: {  	s10 =	sld [smem:$0x3FB7]  }
0x39: {  	_ = 	snop;
	(pc) =	sbr.ind lr, $3  }
0x3a: {  	_ = 	snop  }
0x3b: {  	_ = 	snop  }
0x3c: {  	p2 =	seq.s32 s10, $0x1;
	s10 =	sld [smem:$0x3FB6]  }
0x3d: {  	_ =	shalt  }
0x3e: {  	_ =	shalt  }
0x3f: {  	_ =	shalt  }
0x40: {  	_ =	shalt  }
0x41: {  	_ =	shalt  }
0x42: {  	_ =	shalt  }
0x43: {  	_ =	shalt  }
0x44: {  	_ =	shalt  }
0x45: {  	_ =	shalt  }
0x46: {  	_ =	shalt  }
0x47: {  	_ =	shalt  }
0x48: {  	_ =	shalt  }
0x49: {  	_ =	shalt  }
0x4a: {  	_ =	shalt  }
0x4b: {  	_ =	shalt  }
0x4c: {  	_ =	shalt  }
0x4d: {  	_ =	shalt  }
0x4e: {  	_ =	shalt  }
0x4f: {  	_ =	shalt  }
0x50: {  	_ =	shalt  }
0x51: {  	_ =	shalt  }
0x52: {  	_ =	shalt  }
0x53: {  	_ =	shalt  }
0x54: {  	_ =	shalt  }
0x55: {  	_ =	shalt  }
0x56: {  	_ =	shalt  }
0x57: {  	_ =	shalt  }
0x58: {  	_ =	shalt  }
0x59: {  	_ =	shalt  }
0x5a: {  	_ =	shalt  }
0x5b: {  	_ =	shalt  }
0x5c: {  	_ =	shalt  }
0x5d: {  	_ =	shalt  }
0x5e: {  	_ =	shalt  }
0x5f: {  	_ =	shalt  }
0x60: {  	_ =	shalt  }
0x61: {  	_ =	shalt  }
0x62: {  	_ =	shalt  }
0x63: {  	_ =	shalt  }
0x64: {  	_ =	shalt  }
0x65: {  	_ =	shalt  }
0x66: {  	_ =	shalt  }
0x67: {  	_ =	shalt  }
0x68: {  	_ =	shalt  }
0x69: {  	_ =	shalt  }
0x6a: {  	_ =	shalt  }
0x6b: {  	_ =	shalt  }
0x6c: {  	_ =	shalt  }
0x6d: {  	_ =	shalt  }
0x6e: {  	_ =	shalt  }
0x6f: {  	_ =	shalt  }
0x70: {  	_ =	shalt  }
0x71: {  	_ =	shalt  }
0x72: {  	_ =	shalt  }
0x73: {  	_ =	shalt  }
0x74: {  	_ =	shalt  }
0x75: {  	_ =	shalt  }
0x76: {  	_ =	shalt  }
0x77: {  	_ =	shalt  }
0x78: {  	_ =	shalt  }
0x79: {  	_ =	shalt  }
0x7a: {  	_ =	shalt  }
0x7b: {  	_ =	shalt  }
0x7c: {  	_ =	shalt  }
0x7d: {  	_ =	shalt  }
0x7e: {  	_ =	shalt  }
0x7f: {  	_ =	shalt  }
0x80: {  	_ =	shalt  }
0x81: {  	_ =	shalt  }
0x82: {  	_ =	shalt  }
0x83: {  	_ =	shalt  }
0x84: {  	_ =	shalt  }
0x85: {  	_ =	shalt  }
0x86: {  	_ =	shalt  }
0x87: {  	_ =	shalt  }
.Lfunc_end0:
.L_simem_size_0:
called_computation.1_lowered:
.L_overlay_start_0:
0x88: {  	s2 =	sld [smem:$0x3FD9]  }
0x89: {  	s3 =	sld [smem:$0x3FFE];
	_ =	sdelay $0x1  }
0x8a: {  	s1 =	srdreg.scid  }
0x8b: {  	s0 =	sand.u32 $0x1, s1  }
0x8c: {  	s17 =	sshll.u32 s0, $0xA;
	s2 =	sadd.s32 s3, s2  }
0x8d: {  	s2 =	sadd.s32 s2, s17  }
0x8e: {  	[smem:$0x3FC2] =	sst s2  }
0x8f: {  	_ = 	snop  }
0x90: {  	s2 =	sld [smem:$0x3FD0];
	(tm) =	ssettm $0x1  }
0x91: {  	s18 =	sld [smem:$0x3FFB];
	_ =	sdelay $0x3  }
0x92: {  	_ =	strace s18  }
0x93: {  	s3 =	sld [smem:$0x3FFC];
	_ =	sdelay $0x3  }
0x94: {  	_ =	strace s3  }
0x95: {  	s3 =	sld [smem:$0x3FFD];
	_ =	sdelay $0x3  }
0x96: {  	_ =	strace s3  }
0x97: {  	_ =	strace $0x8FFFFFFF  }
0x98: {  	s19 =	sld [smem:$0x3FDB];
	_ =	sdelay $0x1  }
0x99: {  	s4 =	simm.s32 $_scs_section_size  }
0x9a: {  	s5 =	simm.s32 $_size__tile_overlayer_lowered;
	s6 =	simm.s32 $_tile_overlayer_lowered  }
0x9b: {  	s22 =	simm.s32 $0x1BFF;
	s21 =	sshll.u32 s6, $0x1;
	s3 =	sadd.s32 s4, s19  }
0x9c: {  	s7 =	simm.s32 $0x0;
	s20 =	sshll.u32 s5, $0x1;
	s5 =	sadd.s32 s21, s3  }
0x9d: {  	[timem:s7], [sflag:s22] =	dma.local [hbm:s5], s20  }
0x9e: {  	_ =	swait.ge [sflag:s22], s20  }
0x9f: {  	s4 =	ssub.s32 $0x0, s20;
	[sflag:s22] =	ssyncset.done $0x0  }
0xa0: {  	[sflag:s22] =	ssyncadd.s32 s4;
	_ =	sdelay $0x1  }
0xa1: {  	s23 =	simm.s32 $0x1B8B  }
0xa2: {  	_ =	swait.ge [sflag:s23], $0x1  }
0xa3: {  	[sflag:s23] =	ssyncset.done $0x0  }
0xa4: {  	s25 =	simm.s32 $0x1B8E;
	s24 =	sld [smem:$0x3FFE];
	[sflag:s23] =	ssyncadd.s32 $0xFFFFFFFF  }
0xa5: {  	s26 =	simm.s32 $execute0_lowered;
	[smem:$0x3FD2] =	sst s25  }
0xa6: {  	s5 =	sshll.u32 s26, $0x1;
	_ =	strace $0x80000049;
	[dreg:$0x1] =	wrdreg $0xFFFFFFFF  }
0xa7: {  	s28 =	simm.s32 $_size_execute0_lowered;
	s3 =	sadd.s32 s3, s5;
	[dreg:$0x0] =	wrdreg $0x0  }
0xa8: {  	s5 =	sshll.u32 s28, $0x1;
	[dreg:$0x2] =	wrdreg s3  }
0xa9: {  	[dreg:$0x3] =	wrdreg s5  }
0xaa: {  	[dreg:$0x4] =	wrdreg $0xC0  }
0xab: {  	_ =	task [dreg:s7], $0x5FFFF  }
0xac: {  	[dreg:$0x1] =	wrdreg $0xFFFFFFFF  }
0xad: {  	[dreg:$0x0] =	wrdreg $0x60  }
0xae: {  	[dreg:$0x2] =	wrdreg s2  }
0xaf: {  	[dreg:$0x3] =	wrdreg s24  }
0xb0: {  	[dreg:$0x4] =	wrdreg $0xB4000  }
0xb1: {  	[dreg:$0x5] =	wrdreg $0x9  }
0xb2: {  	_ =	task.clear_ibuf [dreg:s7], $0x6FFFF;
	_ =	strace $0x90000049  }
0xb3: {  	s29 =	simm.s32 $0x9;
	_ =	strace $0x8000004B  }
0xb4: {  	_ =	swait.ge [sflag:s29], $0x1  }
0xb5: {  	[sflag:s29] =	ssyncadd.s32 $0xFFFFFFFF  }
0xb6: {  	_ =	strace $0x9000004B  }
0xb7: {  	_ =	sfence  }
0xb8: {  	s30 =	sld [smem:$0x0];
	_ =	sdelay $0x2  }
0xb9: {  	s31 =	sshll.u32 s1, $0xD;
	s1 =	sshrl.u32 s1, $0x2  }
0xba: {  	s3 =	sand.u32 $0x4000, s31;
	s1 =	sadd.s32 s1, s30  }
0xbb: {  	s0 =	sor.u32 s3, s0;
	s1 =	sshll.u32 s1, $0x11  }
0xbc: {  	s0 =	sor.u32 s1, s0  }
0xbd: {  	s0 =	sadd.s32 $0x8F2B, s0  }
0xbe: {  	[sflag:s0] =	ssyncadd.remote.s32 $0x1  }
0xbf: {  	_ =	sfence.sel $0xFFFF  }
0xc0: {  	[dreg:$0x0] =	wrdreg $0xFFFFFFFF;
	(pc) =	sbr.abs _section_cstart, $3  }
0xc1: {  	[dreg:$0x1] =	wrdreg $0xFFFFFFFF  }
0xc2: {  	_ =	task.clear_ibuf [dreg:s7], $0x2FFFF;
	_ =	strace $0x9FFFFFFF  }
0xc3: {  	(tm) =	ssettm $0x7FFFFFFF  }
tec
execute0_lowered:
.L_overlay_start_1:
0x0: {  	(tag) =	ssettag $0x1  }
0x1: {  	s1 =	rddreg [dreg:$0x0]  }
0x2: {  	s0 =	rddreg [dreg:$0x1]  }
0x3: {  	s3 =	rddreg [dreg:$0x2]  }
0x4: {  	s2 =	srdreg.scid;
	s8 =	stileid.u32;
	s4 =	simm.s32 $0x0  }
0x5: {  	s2 =	sand.u32 $0x1, s2;
	s6 =	smul.u32 $0x14000, s8;
	[smem:$0x7FF] =	sst s4  }
0x6: {  	s28 =	sadd.s32 $0x2600, s0;
	s5 =	smul.u32 $0x140000, s2;
	s7 =	sshll.u32 s2, $0x4  }
0x7: {  	_ =	strace $0x8000004A;
	s2 =	ssub.s32 $0x2, s2;
	[dreg:$0x4] =	wrdreg s28  }
0x8: {  	s7 =	sor.u32 s8, s7;
	s8 =	smul.u32 $0x50000, s8;
	s9 =	sshrl.u32 s2, $0x1  }
0x9: {  	s6 =	sadd.s32 s6, s5;
	s7 =	smul.u32 $0xA000, s7;
	s2 =	ssub.s32 s2, s9  }
0xa: {  	s6 =	sshrl.u32 s6, $0x3;
	s30 =	sshrl.u32 s8, $0x2;
	s23 =	smax.u32 s2, $0x1  }
0xb: {  	s0 =	sadd.s32 s6, s0;
	s22 =	sor.u32 $0x1000, s7;
	[dreg:$0x18] =	wrdreg s23  }
0xc: {  	s29 =	sshrl.u32 s7, $0x3;
	s6 =	sadd.s32 s30, s3;
	[dreg:$0x16] =	wrdreg s22  }
0xd: {  	s5 =	sadd.s32 s28, s29;
	[dreg:$0x7] =	wrdreg s6  }
0xe: {  	s10 =	sadd.s32 $0x1000, s6;
	[dreg:$0x5] =	wrdreg s5  }
0xf: {  	s11 =	sadd.s32 $0x2000, s6;
	[dreg:$0xa] =	wrdreg s10  }
0x10: {  	s12 =	sadd.s32 $0x3000, s6;
	[dreg:$0xb] =	wrdreg s11  }
0x11: {  	s13 =	sadd.s32 $0x4000, s6;
	[dreg:$0xc] =	wrdreg s12  }
0x12: {  	s14 =	sadd.s32 $0x5000, s6;
	[dreg:$0xd] =	wrdreg s13  }
0x13: {  	s15 =	sadd.s32 $0x6000, s6;
	[dreg:$0xe] =	wrdreg s14  }
0x14: {  	s16 =	sadd.s32 $0x7000, s6;
	[dreg:$0xf] =	wrdreg s15  }
0x15: {  	s17 =	sadd.s32 $0x8000, s6;
	[dreg:$0x10] =	wrdreg s16  }
0x16: {  	s18 =	sadd.s32 $0x9000, s6;
	[dreg:$0x11] =	wrdreg s17  }
0x17: {  	s19 =	sadd.s32 $0xA000, s6;
	[dreg:$0x12] =	wrdreg s18  }
0x18: {  	s20 =	sadd.s32 $0xB000, s6;
	[dreg:$0x13] =	wrdreg s19  }
0x19: {  	s21 =	sadd.s32 $0xC000, s6;
	[dreg:$0x14] =	wrdreg s20  }
0x1a: {  	s0 =	sadd.s32 $0x52600, s0;
	[dreg:$0x15] =	wrdreg s21  }
0x1b: {  	s24 =	sadd.s32 $0xD000, s6;
	[dreg:$0x17] =	wrdreg s0  }
0x1c: {  	s25 =	sadd.s32 $0xE000, s6;
	[dreg:$0x19] =	wrdreg s24  }
0x1d: {  	s26 =	sadd.s32 $0xF000, s6;
	[dreg:$0x1a] =	wrdreg s25  }
0x1e: {  	p0 =	por $0x0, $0x0;
	s28 =	sadd.s32 $0x10000, s6;
	[dreg:$0x1b] =	wrdreg s26  }
0x1f: {  	s2 =	simm.s32 $0x0;
	s29 =	sadd.s32 $0x11000, s6;
	[dreg:$0x1c] =	wrdreg s28  }
0x20: {  	s30 =	sadd.s32 $0x12000, s6;
	s31 =	sadd.s32 $0x28000, s5;
	[dreg:$0x1d] =	wrdreg s29  }
0x21: {  	s9 =	sadd.s32 $0x200, s5;
	s5 =	sadd.s32 $0x28200, s5;
	[dreg:$0x1e] =	wrdreg s30  }
0x22: {  	s10 =	simm.s32 $0x4000;
	s11 =	simm.s32 $0x5400;
	s12 =	simm.s32 $0x6800  }
.Ltmp0:
0x23: {  	s13 =	simm.s32 $0x7C00;
	s14 =	simm.s32 $0x9000;
	(pc) =	sbr.rel .LBB2_1-.Ltmp0, $4  }
0x24: {  	s16 =	simm.s32 $0x1;
	s17 =	simm.s32 $0x2;
	[dreg:$0x6] =	wrdreg s31  }
0x25: {  	s18 =	simm.s32 $0x3;
	s19 =	simm.s32 $0x4;
	[dreg:$0x8] =	wrdreg s9  }
0x26: {  	s20 =	simm.s32 $0x5;
	[dreg:$0x9] =	wrdreg s5;
	s31 =	sadd.s32 $0x13000, s6  }
0x27: {  	v0 =	vimm.f32 $0.0e+00;
	s5 =	simm.s32 $0xC;
	s9 =	simm.s32 $0x28;
	[dreg:$0x1f] =	wrdreg s31  }
.LBB2_10:
0x28: {  	s0 =	simm.s32 $0x6  }
0x29: {  	_ =	swait.ge [sflag:s0], $0x1400  }
0x2a: {  	[sflag:s0] =	ssyncset.done $0x0  }
0x2b: {  	s24 =	simm.s32 $0x7;
	[sflag:s0] =	ssyncadd.s32 $0xFFFFEC00  }
0x2c: {  	_ =	swait.ge [sflag:s24], $0x1400  }
0x2d: {  	[sflag:s24] =	ssyncset.done $0x0  }
0x2e: {  	s25 =	simm.s32 $0x8;
	[sflag:s24] =	ssyncadd.s32 $0xFFFFEC00  }
0x2f: {  	_ =	swait.ge [sflag:s25], $0x1400  }
0x30: {  	[sflag:s25] =	ssyncset.done $0x0  }
0x31: {  	s26 =	simm.s32 $0x9;
	[sflag:s25] =	ssyncadd.s32 $0xFFFFEC00  }
0x32: {  	_ =	swait.ge [sflag:s26], $0x1400  }
0x33: {  	[sflag:s26] =	ssyncset.done $0x0  }
0x34: {  	s28 =	simm.s32 $0xA;
	[sflag:s26] =	ssyncadd.s32 $0xFFFFEC00  }
0x35: {  	_ =	swait.ge [sflag:s28], $0x1400  }
0x36: {  	[sflag:s28] =	ssyncset.done $0x0  }
0x37: {  	[sflag:s28] =	ssyncadd.s32 $0xFFFFEC00  }
0x38: {  	s29 =	stileid.u32;
	[bflag:$0x0] =	sbarrier.arrive $0xFFFF  }
0x39: {  	s0 =	sshll.u32 s29, $0x6;
	s6 =	rddreg [dreg:$0x7]  }
0x3a: {  	s0 =	sor.u32 $0x1C0C, s0;
	s5 =	rddreg [dreg:$0x17];
	s2 =	sshrl.u32 s6, $0x3  }
0x3b: {  	[hbm:s5], [sflag:s0] =	dma.local [spmem:s2], $0x2800  }
0x3c: {  	s5 =	simm.s32 $0xC  }
0x3d: {  	_ =	swait.ge [sflag:s5], $0x2800  }
0x3e: {  	s30 =	sld [smem:$0x7FD];
	_ =	sdelay $0x2  }
0x3f: {  	s31 =	rddreg [dreg:$0x18];
	s2 =	sadd.s32 $0x1, s30  }
0x40: {  	p1 =	sne.s32 s2, s31  }
.Ltmp1:
0x41: {  	_ = 	snop;
	(pc) =	sbr.rel @!p1 .LBB2_11-.Ltmp1, $3  }
0x42: {  	_ =	sdelay $0x1  }
0x43: {  	[sflag:s5] =	ssyncset.done $0x0  }
0x44: {  	[sflag:s5] =	ssyncadd.s32 $0xFFFFD800  }
.LBB2_1:
0x45: {  	[smem:$0x7FD] =	sst s2  }
0x46: {  	s0 =	rddreg [dreg:$0x5]  }
0x47: {  	[tilespmem:s4], [sflag:$0xC] =	stream.linear.gather [hbm4b:s0+s4], $0xC80, $0x38;
	[tilespmem:$0x1F400] =	vst v63  }
0x48: {  	_ =	swait.ge [sflag:s5], $0xC80  }
0x49: {  	[sflag:s5] =	ssyncset.done $0x0  }
0x4a: {  	s22 =	simm.s32 $0x2000;
	s21 =	rddreg [dreg:$0x6];
	[sflag:s5] =	ssyncadd.s32 $0xFFFFF380  }
0x4b: {  	[tilespmem:s22], [sflag:$0xC] =	stream.linear.gather [hbm4b:s21+s4], $0xC80, $0x38;
	[tilespmem:$0x1F400] =	vst v63  }
0x4c: {  	_ =	swait.ge [sflag:s5], $0xC80  }
0x4d: {  	[sflag:s5] =	ssyncset.done $0x0  }
0x4e: {  	s24 =	simm.s32 $0x1000;
	s23 =	rddreg [dreg:$0x8];
	[sflag:s5] =	ssyncadd.s32 $0xFFFFF380  }
0x4f: {  	[tilespmem:s24], [sflag:$0xB] =	stream.linear.gather [hbm4b:s23+s4], $0xC80, $0x38;
	[tilespmem:$0x1F400] =	vst v63  }
0x50: {  	s26 =	simm.s32 $0x3000;
	s25 =	rddreg [dreg:$0x9]  }
0x51: {  	[tilespmem:s26], [sflag:$0xB] =	stream.linear.gather [hbm4b:s25+s4], $0xC80, $0x38;
	[tilespmem:$0x1F400] =	vst v63  }
0x52: {  	_ = 	snop  }
0x53: {  	[tilespmem:s10], [sflag:$0x1] =	stream.indirect.gather [hbm4b:s1+s9], $0x80, s4, s9, $0xb8;
	[tilespmem:$0x1F400] =	vst v63  }
0x54: {  	s28 =	simm.s32 $0x80  }
0x55: {  	[tilespmem:s11], [sflag:$0x2] =	stream.indirect.gather [hbm4b:s1+s9], $0x80, s28, s9, $0xb8;
	[tilespmem:$0x1F400] =	vst v63  }
0x56: {  	s29 =	simm.s32 $0x100  }
0x57: {  	[tilespmem:s12], [sflag:$0x3] =	stream.indirect.gather [hbm4b:s1+s9], $0x80, s29, s9, $0xb8;
	[tilespmem:$0x1F400] =	vst v63  }
0x58: {  	s30 =	simm.s32 $0x180  }
0x59: {  	[tilespmem:s13], [sflag:$0x4] =	stream.indirect.gather [hbm4b:s1+s9], $0x80, s30, s9, $0xb8;
	[tilespmem:$0x1F400] =	vst v63  }
0x5a: {  	s31 =	simm.s32 $0x200;
	s2 =	simm.s32 $0x200;
	s0 =	simm.s32 $0x0  }
0x5b: {  	[tilespmem:s14], [sflag:$0x5] =	stream.indirect.gather [hbm4b:s1+s9], $0x80, s31, s9, $0xb8;
	[tilespmem:$0x1F400] =	vst v63  }
.LBB2_2:
0x5c: {  	p1 =	sne.s32 s2, $0x3E00;
	[tilespmem:s0+$0xA470] =	vst v0  }
0x5d: {  	[tilespmem:s0+$0xA400] =	vst v0  }
0x5e: {  	[tilespmem:s0+$0xA410] =	vst v0  }
.Ltmp2:
0x5f: {  	[tilespmem:s0+$0xA420] =	vst v0;
	(pc) =	sbr.rel @p1 .LBB2_2-.Ltmp2, $4  }
0x60: {  	[tilespmem:s0+$0xA430] =	vst v0  }
0x61: {  	[tilespmem:s0+$0xA440] =	vst v0  }
0x62: {  	[tilespmem:s0+$0xA450] =	vst v0  }
0x63: {  	[tilespmem:s0+$0xA460] =	vst v0;
	s0 =	sshra.s32 s2, $0x2;
	s2 =	sadd.s32 $0x200, s2  }
0x64: {  	[tilespmem:s0+$0xA470] =	vst v0  }
0x65: {  	[tilespmem:s0+$0xA400] =	vst v0  }
0x66: {  	[tilespmem:s0+$0xA410] =	vst v0  }
0x67: {  	[tilespmem:s0+$0xA420] =	vst v0  }
0x68: {  	[tilespmem:s0+$0xA430] =	vst v0  }
0x69: {  	[tilespmem:s0+$0xA440] =	vst v0  }
0x6a: {  	[tilespmem:s0+$0xA450] =	vst v0  }
0x6b: {  	[tilespmem:s0+$0xA460] =	vst v0;
	s2 =	simm.s32 $0xA400  }
0x6c: {  	[spmem:s6] =	stream.linear.scatter [tilespmem:s2], [sflag:$0xC], $0x1000, $0x38;
	[tilespmem:$0x1F400] =	vst v63  }
0x6d: {  	_ =	swait.ge [sflag:s5], $0x1000  }
0x6e: {  	[sflag:s5] =	ssyncset.done $0x0  }
0x6f: {  	s24 =	rddreg [dreg:$0xa];
	[sflag:s5] =	ssyncadd.s32 $0xFFFFF000  }
0x70: {  	[spmem:s24] =	stream.linear.scatter [tilespmem:s2], [sflag:$0xC], $0x1000, $0x38;
	[tilespmem:$0x1F400] =	vst v63  }
0x71: {  	_ =	swait.ge [sflag:s5], $0x1000  }
0x72: {  	[sflag:s5] =	ssyncset.done $0x0  }
0x73: {  	s25 =	rddreg [dreg:$0xb];
	[sflag:s5] =	ssyncadd.s32 $0xFFFFF000  }
0x74: {  	[spmem:s25] =	stream.linear.scatter [tilespmem:s2], [sflag:$0xC], $0x1000, $0x38;
	[tilespmem:$0x1F400] =	vst v63  }
0x75: {  	_ =	swait.ge [sflag:s5], $0x1000  }
0x76: {  	[sflag:s5] =	ssyncset.done $0x0  }
0x77: {  	s26 =	rddreg [dreg:$0xc];
	[sflag:s5] =	ssyncadd.s32 $0xFFFFF000  }
0x78: {  	[spmem:s26] =	stream.linear.scatter [tilespmem:s2], [sflag:$0xC], $0x1000, $0x38;
	[tilespmem:$0x1F400] =	vst v63  }
0x79: {  	_ =	swait.ge [sflag:s5], $0x1000  }
0x7a: {  	[sflag:s5] =	ssyncset.done $0x0  }
0x7b: {  	s28 =	rddreg [dreg:$0xd];
	[sflag:s5] =	ssyncadd.s32 $0xFFFFF000  }
0x7c: {  	[spmem:s28] =	stream.linear.scatter [tilespmem:s2], [sflag:$0xC], $0x1000, $0x38;
	[tilespmem:$0x1F400] =	vst v63  }
0x7d: {  	_ =	swait.ge [sflag:s5], $0x1000  }
0x7e: {  	[sflag:s5] =	ssyncset.done $0x0  }
0x7f: {  	s30 =	rddreg [dreg:$0xe];
	[sflag:s5] =	ssyncadd.s32 $0xFFFFF000  }
0x80: {  	[spmem:s30] =	stream.linear.scatter [tilespmem:s2], [sflag:$0xC], $0x1000, $0x38;
	[tilespmem:$0x1F400] =	vst v63  }
0x81: {  	_ =	swait.ge [sflag:s5], $0x1000  }
0x82: {  	[sflag:s5] =	ssyncset.done $0x0  }
0x83: {  	s31 =	rddreg [dreg:$0xf];
	[sflag:s5] =	ssyncadd.s32 $0xFFFFF000  }
0x84: {  	[spmem:s31] =	stream.linear.scatter [tilespmem:s2], [sflag:$0xC], $0x1000, $0x38;
	[tilespmem:$0x1F400] =	vst v63  }
0x85: {  	_ =	swait.ge [sflag:s5], $0x1000  }
0x86: {  	[sflag:s5] =	ssyncset.done $0x0  }
0x87: {  	s6 =	rddreg [dreg:$0x10];
	[sflag:s5] =	ssyncadd.s32 $0xFFFFF000  }
0x88: {  	[spmem:s6] =	stream.linear.scatter [tilespmem:s2], [sflag:$0xC], $0x1000, $0x38;
	[tilespmem:$0x1F400] =	vst v63  }
0x89: {  	_ =	swait.ge [sflag:s5], $0x1000  }
0x8a: {  	[sflag:s5] =	ssyncset.done $0x0  }
0x8b: {  	s7 =	rddreg [dreg:$0x11];
	[sflag:s5] =	ssyncadd.s32 $0xFFFFF000  }
0x8c: {  	[spmem:s7] =	stream.linear.scatter [tilespmem:s2], [sflag:$0xC], $0x1000, $0x38;
	[tilespmem:$0x1F400] =	vst v63  }
0x8d: {  	_ =	swait.ge [sflag:s5], $0x1000  }
0x8e: {  	[sflag:s5] =	ssyncset.done $0x0  }
0x8f: {  	s8 =	rddreg [dreg:$0x12];
	[sflag:s5] =	ssyncadd.s32 $0xFFFFF000  }
0x90: {  	[spmem:s8] =	stream.linear.scatter [tilespmem:s2], [sflag:$0xC], $0x1000, $0x38;
	[tilespmem:$0x1F400] =	vst v63  }
0x91: {  	_ =	swait.ge [sflag:s5], $0x1000  }
0x92: {  	[sflag:s5] =	ssyncset.done $0x0  }
0x93: {  	s15 =	rddreg [dreg:$0x13];
	[sflag:s5] =	ssyncadd.s32 $0xFFFFF000  }
0x94: {  	[spmem:s15] =	stream.linear.scatter [tilespmem:s2], [sflag:$0xC], $0x1000, $0x38;
	[tilespmem:$0x1F400] =	vst v63  }
0x95: {  	_ =	swait.ge [sflag:s5], $0x1000  }
0x96: {  	[sflag:s5] =	ssyncset.done $0x0  }
0x97: {  	s21 =	rddreg [dreg:$0x14];
	[sflag:s5] =	ssyncadd.s32 $0xFFFFF000  }
0x98: {  	[spmem:s21] =	stream.linear.scatter [tilespmem:s2], [sflag:$0xC], $0x1000, $0x38;
	[tilespmem:$0x1F400] =	vst v63  }
0x99: {  	_ =	swait.ge [sflag:s5], $0x1000  }
0x9a: {  	[sflag:s5] =	ssyncset.done $0x0  }
0x9b: {  	s22 =	rddreg [dreg:$0x15];
	[sflag:s5] =	ssyncadd.s32 $0xFFFFF000  }
0x9c: {  	[spmem:s22] =	stream.linear.scatter [tilespmem:s2], [sflag:$0xC], $0x1000, $0x38;
	[tilespmem:$0x1F400] =	vst v63  }
0x9d: {  	_ =	swait.ge [sflag:s5], $0x1000  }
0x9e: {  	[sflag:s5] =	ssyncset.done $0x0  }
0x9f: {  	s23 =	rddreg [dreg:$0x19];
	[sflag:s5] =	ssyncadd.s32 $0xFFFFF000  }
0xa0: {  	[spmem:s23] =	stream.linear.scatter [tilespmem:s2], [sflag:$0xC], $0x1000, $0x38;
	[tilespmem:$0x1F400] =	vst v63  }
0xa1: {  	_ =	swait.ge [sflag:s5], $0x1000  }
0xa2: {  	[sflag:s5] =	ssyncset.done $0x0  }
0xa3: {  	s24 =	rddreg [dreg:$0x1a];
	[sflag:s5] =	ssyncadd.s32 $0xFFFFF000  }
0xa4: {  	[spmem:s24] =	stream.linear.scatter [tilespmem:s2], [sflag:$0xC], $0x1000, $0x38;
	[tilespmem:$0x1F400] =	vst v63  }
0xa5: {  	_ =	swait.ge [sflag:s5], $0x1000  }
0xa6: {  	[sflag:s5] =	ssyncset.done $0x0  }
0xa7: {  	s25 =	rddreg [dreg:$0x1b];
	[sflag:s5] =	ssyncadd.s32 $0xFFFFF000  }
0xa8: {  	[spmem:s25] =	stream.linear.scatter [tilespmem:s2], [sflag:$0xC], $0x1000, $0x38;
	[tilespmem:$0x1F400] =	vst v63  }
0xa9: {  	_ =	swait.ge [sflag:s5], $0x1000  }
0xaa: {  	[sflag:s5] =	ssyncset.done $0x0  }
0xab: {  	s26 =	rddreg [dreg:$0x1c];
	[sflag:s5] =	ssyncadd.s32 $0xFFFFF000  }
0xac: {  	[spmem:s26] =	stream.linear.scatter [tilespmem:s2], [sflag:$0xC], $0x1000, $0x38;
	[tilespmem:$0x1F400] =	vst v63  }
0xad: {  	_ =	swait.ge [sflag:s5], $0x1000  }
0xae: {  	[sflag:s5] =	ssyncset.done $0x0  }
0xaf: {  	s28 =	rddreg [dreg:$0x1d];
	[sflag:s5] =	ssyncadd.s32 $0xFFFFF000  }
0xb0: {  	[spmem:s28] =	stream.linear.scatter [tilespmem:s2], [sflag:$0xC], $0x1000, $0x38;
	[tilespmem:$0x1F400] =	vst v63  }
0xb1: {  	_ =	swait.ge [sflag:s5], $0x1000  }
0xb2: {  	[sflag:s5] =	ssyncset.done $0x0  }
0xb3: {  	s30 =	rddreg [dreg:$0x1e];
	[sflag:s5] =	ssyncadd.s32 $0xFFFFF000  }
0xb4: {  	[spmem:s30] =	stream.linear.scatter [tilespmem:s2], [sflag:$0xC], $0x1000, $0x38;
	[tilespmem:$0x1F400] =	vst v63  }
0xb5: {  	_ =	swait.ge [sflag:s5], $0x1000  }
0xb6: {  	[sflag:s5] =	ssyncset.done $0x0  }
0xb7: {  	s31 =	rddreg [dreg:$0x1f];
	[sflag:s5] =	ssyncadd.s32 $0xFFFFF000  }
0xb8: {  	[spmem:s31] =	stream.linear.scatter [tilespmem:s2], [sflag:$0xC], $0x1000, $0x38;
	[tilespmem:$0x1F400] =	vst v63  }
.Ltmp3:
0xb9: {  	_ =	swait.ge [sflag:s5], $0x1000;
	(pc) =	sbr.rel .LBB2_4-.Ltmp3, $4  }
0xba: {  	[sflag:s5] =	ssyncset.done $0x0  }
0xbb: {  	[sflag:s5] =	ssyncadd.s32 $0xFFFFF000  }
0xbc: {  	[bflag:$0x0] =	sbarrier.arrive $0xFFFF  }
0xbd: {  	s29 =	simm.s32 $0x0;
	p1 =	por $0x0, $0x0  }
.LBB2_9:
0xbe: {  	s29 =	sadd.s32 $0x1, s29  }
0xbf: {  	p2 =	sne.s32 s29, $0xA  }
.Ltmp4:
0xc0: {  	_ = 	snop;
	(pc) =	sbr.rel @!p2 .LBB2_10-.Ltmp4, $2  }
0xc1: {  	_ =	sdelay $0x2  }
0xc2: {  	p1 =	por !p1, !p1  }
.LBB2_4:
0xc3: {  	s0 =	simm.s32 $0x1;
	s5 =	rddreg [dreg:$0x16]  }
0xc4: {  	s2 =	sshll.u32 s29, $0xC;
	s6 =	sxor.u32 $0xFFFFFFFF, s29;
	s28 =	rddreg [dreg:$0x4]  }
0xc5: {  	p2 =	seq.s32 s29, $0x9;
	p3 =	sne.s32 s29, $0x9;
	s8 =	simm.s32 $0x0  }
.Ltmp5:
0xc6: {  	s0 =	simm.s32 @!p1 $0x0;
	s2 =	sadd.s32 s2, s5;
	(pc) =	sbr.rel .LBB2_5-.Ltmp5, $4  }
0xc7: {  	s26 =	sand.u32 $0x1, s6;
	s30 =	sshll.u32 s0, $0xC;
	s2 =	sshrl.u32 s2, $0x3  }
0xc8: {  	s0 =	sshll.u32 s26, $0xC;
	s31 =	sor.u32 $0x2000, s30;
	s2 =	sadd.s32 s28, s2  }
0xc9: {  	s6 =	sor.u32 $0x2000, s0;
	s22 =	sor.u32 $0x80, s0;
	s24 =	sor.u32 $0x100, s0  }
0xca: {  	s25 =	sor.u32 $0x180, s0;
	s26 =	sor.u32 $0x200, s0;
	s21 =	sadd.s32 $0x28000, s2  }
.LBB2_7:
0xcb: {  	p4 =	sne.s32 @!p2 s8, $0x2800  }
0xcc: {  	p5 =	por p4, p2  }
0xcd: {  	s28 =	simm.s32 @!p5 $0xB  }
0xce: {  	_ =	swait.ge @!p5 [sflag:s28], $0xC80  }
0xcf: {  	[sflag:s28] =	ssyncset.done @!p5 $0x0  }
0xd0: {  	[sflag:s28] =	ssyncadd.s32 @!p5 $0xFFFFF380  }
0xd1: {  	p4 =	por !p4, p2;
	p6 =	por @!p5 $0x1, $0x1;
	_ =	swait.ge @!p5 [sflag:s28], $0xC80  }
0xd2: {  	p6 =	por @!p4 p0, p0;
	p4 =	por $0x0, $0x0;
	[sflag:s28] =	ssyncset.done @!p5 $0x0  }
0xd3: {  	p4 =	por @!p2 p6, p6;
	[sflag:s28] =	ssyncadd.s32 @!p5 $0xFFFFF380  }
.LBB2_8:
0xd4: {  	_ =	swait.ge [sflag:s16], $0x1400  }
0xd5: {  	s28 =	sshra.s32 s8, $0x2;
	[sflag:s16] =	ssyncset.done $0x0  }
0xd6: {  	s28 =	sadd.s32 s28, s31;
	[sflag:s16] =	ssyncadd.s32 $0xFFFFEC00  }
0xd7: {  	[spmem:s3] =	stream.indirect.scatter.add.f32 [tilespmem:s10], [sflag:$0x6], $0x80, s28, s9, $0xb8;
	[tilespmem:$0x1F400] =	vst v63  }
0xd8: {  	_ =	swait.ge [sflag:s17], $0x1400  }
0xd9: {  	[sflag:s17] =	ssyncset.done $0x0  }
0xda: {  	s15 =	sadd.s32 $0x80, s28;
	[sflag:s17] =	ssyncadd.s32 $0xFFFFEC00  }
0xdb: {  	[spmem:s3] =	stream.indirect.scatter.add.f32 [tilespmem:s11], [sflag:$0x7], $0x80, s15, s9, $0xb8;
	[tilespmem:$0x1F400] =	vst v63  }
0xdc: {  	_ =	swait.ge [sflag:s18], $0x1400  }
0xdd: {  	[sflag:s18] =	ssyncset.done $0x0  }
0xde: {  	s7 =	sadd.s32 $0x100, s28;
	[sflag:s18] =	ssyncadd.s32 $0xFFFFEC00  }
0xdf: {  	[spmem:s3] =	stream.indirect.scatter.add.f32 [tilespmem:s12], [sflag:$0x8], $0x80, s7, s9, $0xb8;
	[tilespmem:$0x1F400] =	vst v63  }
0xe0: {  	_ =	swait.ge [sflag:s19], $0x1400  }
0xe1: {  	[sflag:s19] =	ssyncset.done $0x0  }
0xe2: {  	p5 =	sne.s32 s8, $0x2800;
	s23 =	sadd.s32 $0x180, s28;
	[sflag:s19] =	ssyncadd.s32 $0xFFFFEC00  }
0xe3: {  	[spmem:s3] =	stream.indirect.scatter.add.f32 [tilespmem:s13], [sflag:$0x9], $0x80, s23, s9, $0xb8;
	[tilespmem:$0x1F400] =	vst v63  }
0xe4: {  	p5 =	por p3, p5;
	_ =	swait.ge [sflag:s20], $0x1400  }
0xe5: {  	p6 =	seq.s32 @p5 s8, $0x2800;
	[sflag:s20] =	ssyncset.done $0x0  }
0xe6: {  	s28 =	sadd.s32 $0x200, s28;
	s15 =	simm.s32 @p5 $0x6;
	[sflag:s20] =	ssyncadd.s32 $0xFFFFEC00  }
0xe7: {  	[spmem:s3] =	stream.indirect.scatter.add.f32 [tilespmem:s14], [sflag:$0xA], $0x80, s28, s9, $0xb8;
	[tilespmem:$0x1F400] =	vst v63  }
0xe8: {  	p6 =	por p6, !p5;
	_ =	swait.ge @p5 [sflag:s15], $0x1400  }
0xe9: {  	s28 =	sshra.s32 @!p6 s8, $0x2;
	[sflag:s15] =	ssyncset.done @p5 $0x0  }
0xea: {  	[sflag:s15] =	ssyncadd.s32 @p5 $0xFFFFEC00;
	s15 =	sadd.s32 @!p6 s28, s30  }
0xeb: {  	s5 =	simm.s32 @!p6 $0x28;
	s23 =	simm.s32 @!p6 $0x4000;
	s28 =	sadd.s32 @!p6 $0x280, s15  }
0xec: {  	[tilespmem:s23], [sflag:$0x1] =	stream.indirect.gather @!p6 [hbm4b:s1+s5], $0x80, s28, s5, $0xb8;
	[tilespmem:$0x1F400] =	vst v63  }
0xed: {  	s23 =	simm.s32 @p4 $0x28;
	s28 =	simm.s32 @p4 $0x4000  }
0xee: {  	[tilespmem:s28], [sflag:$0x1] =	stream.indirect.gather @p4 [hbm4b:s1+s23], $0x80, s0, s23, $0xb8;
	[tilespmem:$0x1F400] =	vst v63  }
0xef: {  	s28 =	simm.s32 @p5 $0x7  }
0xf0: {  	_ =	swait.ge @p5 [sflag:s28], $0x1400  }
0xf1: {  	[sflag:s28] =	ssyncset.done @p5 $0x0  }
0xf2: {  	s7 =	simm.s32 @!p6 $0x5400;
	[sflag:s28] =	ssyncadd.s32 @p5 $0xFFFFEC00;
	s28 =	sadd.s32 @!p6 $0x300, s15  }
0xf3: {  	[tilespmem:s7], [sflag:$0x2] =	stream.indirect.gather @!p6 [hbm4b:s1+s5], $0x80, s28, s5, $0xb8;
	[tilespmem:$0x1F400] =	vst v63  }
0xf4: {  	s7 =	simm.s32 @p4 $0x5400  }
0xf5: {  	[tilespmem:s7], [sflag:$0x2] =	stream.indirect.gather @p4 [hbm4b:s1+s23], $0x80, s22, s23, $0xb8;
	[tilespmem:$0x1F400] =	vst v63  }
0xf6: {  	s7 =	simm.s32 @p5 $0x8  }
0xf7: {  	_ =	swait.ge @p5 [sflag:s7], $0x1400  }
0xf8: {  	[sflag:s7] =	ssyncset.done @p5 $0x0  }
0xf9: {  	s28 =	simm.s32 @!p6 $0x6800;
	[sflag:s7] =	ssyncadd.s32 @p5 $0xFFFFEC00;
	s7 =	sadd.s32 @!p6 $0x380, s15  }
0xfa: {  	[tilespmem:s28], [sflag:$0x3] =	stream.indirect.gather @!p6 [hbm4b:s1+s5], $0x80, s7, s5, $0xb8;
	[tilespmem:$0x1F400] =	vst v63  }
0xfb: {  	s7 =	simm.s32 @p4 $0x6800  }
0xfc: {  	[tilespmem:s7], [sflag:$0x3] =	stream.indirect.gather @p4 [hbm4b:s1+s23], $0x80, s24, s23, $0xb8;
	[tilespmem:$0x1F400] =	vst v63  }
0xfd: {  	s7 =	simm.s32 @p5 $0x9  }
0xfe: {  	_ =	swait.ge @p5 [sflag:s7], $0x1400  }
0xff: {  	[sflag:s7] =	ssyncset.done @p5 $0x0  }
0x100: {  	s28 =	simm.s32 @!p6 $0x7C00;
	[sflag:s7] =	ssyncadd.s32 @p5 $0xFFFFEC00;
	s7 =	sadd.s32 @!p6 $0x400, s15  }
0x101: {  	[tilespmem:s28], [sflag:$0x4] =	stream.indirect.gather @!p6 [hbm4b:s1+s5], $0x80, s7, s5, $0xb8;
	[tilespmem:$0x1F400] =	vst v63  }
0x102: {  	s7 =	simm.s32 @p4 $0x7C00  }
0x103: {  	[tilespmem:s7], [sflag:$0x4] =	stream.indirect.gather @p4 [hbm4b:s1+s23], $0x80, s25, s23, $0xb8;
	[tilespmem:$0x1F400] =	vst v63  }
0x104: {  	s7 =	simm.s32 @p5 $0xA  }
0x105: {  	_ =	swait.ge @p5 [sflag:s7], $0x1400  }
0x106: {  	[sflag:s7] =	ssyncset.done @p5 $0x0  }
0x107: {  	[sflag:s7] =	ssyncadd.s32 @p5 $0xFFFFEC00;
	s7 =	sadd.s32 @!p6 $0x480, s15;
	s15 =	simm.s32 @!p6 $0x9000  }
0x108: {  	[tilespmem:s15], [sflag:$0x5] =	stream.indirect.gather @!p6 [hbm4b:s1+s5], $0x80, s7, s5, $0xb8;
	[tilespmem:$0x1F400] =	vst v63  }
0x109: {  	s8 =	sadd.s32 $0xA00, s8;
	s5 =	simm.s32 @p4 $0x9000  }
0x10a: {  	[tilespmem:s5], [sflag:$0x5] =	stream.indirect.gather @p4 [hbm4b:s1+s23], $0x80, s26, s23, $0xb8;
	[tilespmem:$0x1F400] =	vst v63  }
0x10b: {  	p4 =	sne.s32 s8, $0x3200  }
.Ltmp6:
0x10c: {  	_ = 	snop;
	(pc) =	sbr.rel @!p4 .LBB2_9-.Ltmp6, $1  }
0x10d: {  	_ =	sdelay $0x3  }
.LBB2_5:
0x10e: {  	p4 =	sne.s32 @!p2 s8, $0xA00  }
0x10f: {  	p4 =	por p2, p4  }
.Ltmp7:
0x110: {  	_ = 	snop;
	(pc) =	sbr.rel @p4 .LBB2_7-.Ltmp7, $1  }
0x111: {  	_ =	sdelay $0x3  }
.Ltmp8:
0x112: {  	(pc) =	sbr.rel .LBB2_8-.Ltmp8, $4  }
0x113: {  	_ = 	snop  }
0x114: {  	[tilespmem:s0], [sflag:$0xB] =	stream.linear.gather [hbm4b:s2+s4], $0xC80, $0x38;
	[tilespmem:$0x1F400] =	vst v63  }
0x115: {  	p4 =	por $0x0, $0x0  }
0x116: {  	[tilespmem:s6], [sflag:$0xB] =	stream.linear.gather [hbm4b:s21+s4], $0xC80, $0x38;
	[tilespmem:$0x1F400] =	vst v63  }
.LBB2_11:
0x117: {  	_ =	sfence.sel $0x180000  }
0x118: {  	[bflag:$0x0] =	sbarrier.arrive $0xFFFF  }
0x119: {  	_ =	strace $0x9000004A  }
0x11a: {  	s0 =	stileid.u32;
	[bflag:$0x2] =	sbarrier.arrive $0xFFFF  }
0x11b: {  	p0 =	sne.s32 s0, $0x0;
	s0 =	rddreg [dreg:$0x3]  }
0x11c: {  	s0 =	sadd.s32 @!p0 $0x100000, s0  }
0x11d: {  	[sflag:s0] =	ssyncadd.tile.s32 @!p0 $0x1;
	_ =	shalt  }
.Lfunc_end2:
_tile_overlayer_lowered:
.L_overlay_start_2:
0x11e: {  	(tag) =	ssettag $0x2  }
0x11f: {  	s0 =	rddreg [dreg:$0x0];
	s2 =	stileid.u32  }
0x120: {  	s1 =	rddreg [dreg:$0x1];
	p0 =	sne.s32 s2, $0x0  }
0x121: {  	s3 =	rddreg [dreg:$0x2];
	[bflag:$0x3] =	sbarrier.arrive $0xFFFF;
	s2 =	simm.s32 @!p0 $0x1C0C  }
0x122: {  	[timem:s3], [sflag:s2] =	dma.local @!p0 [hbm:s0], s1  }
0x123: {  	s0 =	simm.s32 @!p0 $0xC  }
0x124: {  	_ =	swait.ge @!p0 [sflag:s0], s1  }
0x125: {  	s1 =	ssub.s32 @!p0 $0x0, s1;
	[sflag:s0] =	ssyncset.done @!p0 $0x0  }
0x126: {  	[sflag:s0] =	ssyncadd.s32 @!p0 s1  }
0x127: {  	[bflag:$0x3] =	sbarrier.arrive $0xFFFF  }
0x128: {  	_ =	shalt  }

// kernel: kernel.14.cloned.1.call-start
scs
__scs_entry_jumppad:
0x0: {  	(pc) =	sbr.rel $0x88, $3  }
0x1: {  	(tag) =	ssettag $0x0;
	lr =	simm.s32 $0x1  }
0x2: {  	[smem:$0x3F9B] =	sst lr;
	_ =	strace $0xD0000000  }
0x3: {  	_ = 	snop  }
0x4: {  	_ = 	snop  }
0x5: {  	_ = 	snop  }
0x6: {  	_ = 	snop  }
0x7: {  	_ = 	snop  }
__scs_overlays_trampoline_lowered:
0x8: {  	[smem:$0x3FAA] =	sst s0  }
0x9: {  	[smem:$0x3FAB] =	sst s1  }
0xa: {  	[smem:$0x3FAC] =	sst s2  }
0xb: {  	[smem:$0x3FAD] =	sst s3  }
0xc: {  	[smem:$0x3FAE] =	sst s4  }
0xd: {  	[smem:$0x3FAF] =	sst s5  }
0xe: {  	[smem:$0x3FB0] =	sst s6  }
0xf: {  	[smem:$0x3FB1] =	sst s7  }
0x10: {  	[smem:$0x3FB2] =	sst s8  }
0x11: {  	[smem:$0x3FB3] =	sst s9;
	s0 =	simm.s32 @!p0 $0x0  }
0x12: {  	s1 =	sld [smem:$0x3F99];
	s0 =	simm.s32 @p0 $0x1  }
0x13: {  	[smem:$0x3FB4] =	sst s0;
	s0 =	simm.s32 @!p1 $0x0  }
0x14: {  	s2 =	sld [smem:$0x3F98];
	s0 =	simm.s32 @p1 $0x1  }
0x15: {  	[smem:$0x3FB5] =	sst s0;
	s0 =	simm.s32 @!p2 $0x0  }
0x16: {  	s3 =	sld [smem:$0x3FDB];
	s0 =	simm.s32 @p2 $0x1  }
0x17: {  	s4 =	simm.s32 $0x1BF5;
	[smem:$0x3FB7] =	sst s0  }
0x18: {  	s0 =	sld [smem:$0x3F9A];
	_ =	swait.ge [sflag:s4], $0x0  }
0x19: {  	s7 =	sld [smem:$0x3F9B]  }
0x1a: {  	s8 =	sadd.s32 $0xFFFFE003, lr  }
0x1b: {  	s9 =	sadd.s32 $0xFFFFFEF7, lr;
	s5 =	simm.s32 $0xFFFFFFFF;
	p2 =	slt.u32 s8, $0xFFFFF086  }
0x1c: {  	p1 =	slt.u32 s9, $0xF7A;
	s5 =	simm.s32 @!p2 $0x0  }
0x1d: {  	s5 =	simm.s32 @p1 $0x1;
	p0 =	seq.s32 s7, s2  }
0x1e: {  	s7 =	smul.u32 @!p0 $0xF7A, s2;
	p2 =	seq.s32 @!p0 s5, $0x0  }
0x1f: {  	s9 =	smul.u32 $0xF7A, s1;
	s8 =	simm.s32 @!p0 $0x1BF5;
	p2 =	por !p2, p0  }
0x20: {  	[sflag:s8] =	ssyncset.s32 @!p0 $0xFFFFF086;
	s6 =	sadd.s32 @!p0 s3, s7;
	s7 =	simm.s32 @!p0 $0x108  }
0x21: {  	s3 =	sadd.s32 s3, s9;
	s6 =	sadd.s32 @!p0 $0x88, s6;
	s7 =	simm.s32 @p2 $0x1082  }
0x22: {  	[simem:s7], [sflag:s8] =	dma.local @!p0 [hbm:s6], $0xF7A  }
0x23: {  	s9 =	sor.u32 $0xD0000000, s2;
	s6 =	simm.s32 $0x108;
	_ =	swait.ge @!p0 [sflag:s8], $0x0  }
0x24: {  	s3 =	sadd.s32 $0x88, s3;
	s6 =	simm.s32 @!p1 $0x1082;
	[sflag:s4] =	ssyncset.s32 $0xFFFFF086  }
0x25: {  	[simem:s6], [sflag:s4] =	dma.local [hbm:s3], $0xF7A  }
0x26: {  	[smem:$0x3F9B] =	sst s1;
	(tag) =	ssettag s2;
	_ =	strace s9  }
0x27: {  	s1 =	sld [smem:$0x3FAB]  }
0x28: {  	s2 =	sld [smem:$0x3FAC]  }
0x29: {  	s4 =	sld [smem:$0x3FAE]  }
0x2a: {  	p0 =	seq.s32 s5, $0x0;
	s5 =	sld [smem:$0x3FAF]  }
0x2b: {  	s6 =	sld [smem:$0x3FB0]  }
0x2c: {  	s7 =	sld [smem:$0x3FB1]  }
0x2d: {  	s3 =	simm.s32 $0x108;
	s8 =	sld [smem:$0x3FB2]  }
0x2e: {  	s3 =	simm.s32 @!p0 $0x1082;
	s9 =	sld [smem:$0x3FB3]  }
0x2f: {  	lr =	sadd.s32 s0, s3;
	s0 =	sld [smem:$0x3FAA]  }
0x30: {  	s3 =	sld [smem:$0x3FAD]  }
0x31: {  	[smem:$0x3FB6] =	sst s10  }
0x32: {  	s10 =	sld [smem:$0x3FB4];
	_ =	sdelay $0x3  }
0x33: {  	p0 =	seq.s32 s10, $0x1;
	s10 =	sld [smem:$0x3FB6];
	_ =	sdelay $0x3  }
0x34: {  	[smem:$0x3FB6] =	sst s10  }
0x35: {  	s10 =	sld [smem:$0x3FB5];
	_ =	sdelay $0x3  }
0x36: {  	p1 =	seq.s32 s10, $0x1;
	s10 =	sld [smem:$0x3FB6];
	_ =	sdelay $0x3  }
0x37: {  	[smem:$0x3FB6] =	sst s10  }
0x38: {  	s10 =	sld [smem:$0x3FB7]  }
0x39: {  	_ = 	snop;
	(pc) =	sbr.ind lr, $3  }
0x3a: {  	_ = 	snop  }
0x3b: {  	_ = 	snop  }
0x3c: {  	p2 =	seq.s32 s10, $0x1;
	s10 =	sld [smem:$0x3FB6]  }
0x3d: {  	_ =	shalt  }
0x3e: {  	_ =	shalt  }
0x3f: {  	_ =	shalt  }
0x40: {  	_ =	shalt  }
0x41: {  	_ =	shalt  }
0x42: {  	_ =	shalt  }
0x43: {  	_ =	shalt  }
0x44: {  	_ =	shalt  }
0x45: {  	_ =	shalt  }
0x46: {  	_ =	shalt  }
0x47: {  	_ =	shalt  }
0x48: {  	_ =	shalt  }
0x49: {  	_ =	shalt  }
0x4a: {  	_ =	shalt  }
0x4b: {  	_ =	shalt  }
0x4c: {  	_ =	shalt  }
0x4d: {  	_ =	shalt  }
0x4e: {  	_ =	shalt  }
0x4f: {  	_ =	shalt  }
0x50: {  	_ =	shalt  }
0x51: {  	_ =	shalt  }
0x52: {  	_ =	shalt  }
0x53: {  	_ =	shalt  }
0x54: {  	_ =	shalt  }
0x55: {  	_ =	shalt  }
0x56: {  	_ =	shalt  }
0x57: {  	_ =	shalt  }
0x58: {  	_ =	shalt  }
0x59: {  	_ =	shalt  }
0x5a: {  	_ =	shalt  }
0x5b: {  	_ =	shalt  }
0x5c: {  	_ =	shalt  }
0x5d: {  	_ =	shalt  }
0x5e: {  	_ =	shalt  }
0x5f: {  	_ =	shalt  }
0x60: {  	_ =	shalt  }
0x61: {  	_ =	shalt  }
0x62: {  	_ =	shalt  }
0x63: {  	_ =	shalt  }
0x64: {  	_ =	shalt  }
0x65: {  	_ =	shalt  }
0x66: {  	_ =	shalt  }
0x67: {  	_ =	shalt  }
0x68: {  	_ =	shalt  }
0x69: {  	_ =	shalt  }
0x6a: {  	_ =	shalt  }
0x6b: {  	_ =	shalt  }
0x6c: {  	_ =	shalt  }
0x6d: {  	_ =	shalt  }
0x6e: {  	_ =	shalt  }
0x6f: {  	_ =	shalt  }
0x70: {  	_ =	shalt  }
0x71: {  	_ =	shalt  }
0x72: {  	_ =	shalt  }
0x73: {  	_ =	shalt  }
0x74: {  	_ =	shalt  }
0x75: {  	_ =	shalt  }
0x76: {  	_ =	shalt  }
0x77: {  	_ =	shalt  }
0x78: {  	_ =	shalt  }
0x79: {  	_ =	shalt  }
0x7a: {  	_ =	shalt  }
0x7b: {  	_ =	shalt  }
0x7c: {  	_ =	shalt  }
0x7d: {  	_ =	shalt  }
0x7e: {  	_ =	shalt  }
0x7f: {  	_ =	shalt  }
0x80: {  	_ =	shalt  }
0x81: {  	_ =	shalt  }
0x82: {  	_ =	shalt  }
0x83: {  	_ =	shalt  }
0x84: {  	_ =	shalt  }
0x85: {  	_ =	shalt  }
0x86: {  	_ =	shalt  }
0x87: {  	_ =	shalt  }
.Lfunc_end0:
.L_simem_size_0:
called_computation.2_lowered:
.L_overlay_start_0:
0x88: {  	s2 =	sld [smem:$0x3FD9]  }
0x89: {  	s3 =	sld [smem:$0x3FFE];
	_ =	sdelay $0x1  }
0x8a: {  	s1 =	srdreg.scid  }
0x8b: {  	s0 =	sand.u32 $0x1, s1  }
0x8c: {  	s17 =	sshll.u32 s0, $0xA;
	s2 =	sadd.s32 s3, s2  }
0x8d: {  	s2 =	sadd.s32 s2, s17  }
0x8e: {  	[smem:$0x3FC2] =	sst s2  }
0x8f: {  	_ = 	snop  }
0x90: {  	s2 =	sld [smem:$0x3FD0];
	(tm) =	ssettm $0x1  }
0x91: {  	s18 =	sld [smem:$0x3FFB];
	_ =	sdelay $0x3  }
0x92: {  	_ =	strace s18  }
0x93: {  	s3 =	sld [smem:$0x3FFC];
	_ =	sdelay $0x3  }
0x94: {  	_ =	strace s3  }
0x95: {  	s3 =	sld [smem:$0x3FFD];
	_ =	sdelay $0x3  }
0x96: {  	_ =	strace s3  }
0x97: {  	_ =	strace $0x8FFFFFFF  }
0x98: {  	s19 =	sld [smem:$0x3FDB];
	_ =	sdelay $0x1  }
0x99: {  	s4 =	simm.s32 $_scs_section_size  }
0x9a: {  	s5 =	simm.s32 $_size__tile_overlayer_lowered;
	s6 =	simm.s32 $_tile_overlayer_lowered  }
0x9b: {  	s22 =	simm.s32 $0x1BFF;
	s21 =	sshll.u32 s6, $0x1;
	s3 =	sadd.s32 s4, s19  }
0x9c: {  	s7 =	simm.s32 $0x0;
	s20 =	sshll.u32 s5, $0x1;
	s5 =	sadd.s32 s21, s3  }
0x9d: {  	[timem:s7], [sflag:s22] =	dma.local [hbm:s5], s20  }
0x9e: {  	_ =	swait.ge [sflag:s22], s20  }
0x9f: {  	s4 =	ssub.s32 $0x0, s20;
	[sflag:s22] =	ssyncset.done $0x0  }
0xa0: {  	[sflag:s22] =	ssyncadd.s32 s4;
	_ =	sdelay $0x1  }
0xa1: {  	s23 =	simm.s32 $0x1B8B  }
0xa2: {  	_ =	swait.ge [sflag:s23], $0x1  }
0xa3: {  	[sflag:s23] =	ssyncset.done $0x0  }
0xa4: {  	s25 =	simm.s32 $0x1B8E;
	s24 =	sld [smem:$0x3FFE];
	[sflag:s23] =	ssyncadd.s32 $0xFFFFFFFF  }
0xa5: {  	s26 =	simm.s32 $execute0_lowered;
	[smem:$0x3FD2] =	sst s25  }
0xa6: {  	s5 =	sshll.u32 s26, $0x1;
	_ =	strace $0x8000004C;
	[dreg:$0x1] =	wrdreg $0xFFFFFFFF  }
0xa7: {  	s28 =	simm.s32 $_size_execute0_lowered;
	s3 =	sadd.s32 s3, s5;
	[dreg:$0x0] =	wrdreg $0x0  }
0xa8: {  	s5 =	sshll.u32 s28, $0x1;
	[dreg:$0x2] =	wrdreg s3  }
0xa9: {  	[dreg:$0x3] =	wrdreg s5  }
0xaa: {  	[dreg:$0x4] =	wrdreg $0xC0  }
0xab: {  	_ =	task [dreg:s7], $0x5FFFF  }
0xac: {  	[dreg:$0x1] =	wrdreg $0xFFFFFFFF  }
0xad: {  	[dreg:$0x0] =	wrdreg $0x60  }
0xae: {  	[dreg:$0x2] =	wrdreg s2  }
0xaf: {  	[dreg:$0x3] =	wrdreg s24  }
0xb0: {  	[dreg:$0x4] =	wrdreg $0xB4000  }
0xb1: {  	[dreg:$0x5] =	wrdreg $0x9  }
0xb2: {  	_ =	task.clear_ibuf [dreg:s7], $0x6FFFF;
	_ =	strace $0x9000004C  }
0xb3: {  	s29 =	simm.s32 $0x9;
	_ =	strace $0x8000004E  }
0xb4: {  	_ =	swait.ge [sflag:s29], $0x1  }
0xb5: {  	[sflag:s29] =	ssyncadd.s32 $0xFFFFFFFF  }
0xb6: {  	_ =	strace $0x9000004E  }
0xb7: {  	_ =	sfence  }
0xb8: {  	s30 =	sld [smem:$0x0];
	_ =	sdelay $0x2  }
0xb9: {  	s31 =	sshll.u32 s1, $0xD;
	s1 =	sshrl.u32 s1, $0x2  }
0xba: {  	s3 =	sand.u32 $0x4000, s31;
	s1 =	sadd.s32 s1, s30  }
0xbb: {  	s0 =	sor.u32 s3, s0;
	s1 =	sshll.u32 s1, $0x11  }
0xbc: {  	s0 =	sor.u32 s1, s0  }
0xbd: {  	s0 =	sadd.s32 $0x8F2B, s0  }
0xbe: {  	[sflag:s0] =	ssyncadd.remote.s32 $0x1  }
0xbf: {  	_ =	sfence.sel $0xFFFF  }
0xc0: {  	[dreg:$0x0] =	wrdreg $0xFFFFFFFF;
	(pc) =	sbr.abs _section_cstart, $3  }
0xc1: {  	[dreg:$0x1] =	wrdreg $0xFFFFFFFF  }
0xc2: {  	_ =	task.clear_ibuf [dreg:s7], $0x2FFFF;
	_ =	strace $0x9FFFFFFF  }
0xc3: {  	(tm) =	ssettm $0x7FFFFFFF  }
tec
execute0_lowered:
.L_overlay_start_1:
0x0: {  	(tag) =	ssettag $0x1  }
0x1: {  	s1 =	rddreg [dreg:$0x0]  }
0x2: {  	s0 =	rddreg [dreg:$0x1]  }
0x3: {  	s3 =	rddreg [dreg:$0x2]  }
0x4: {  	s2 =	srdreg.scid;
	s8 =	stileid.u32;
	s4 =	simm.s32 $0x0  }
0x5: {  	s2 =	sand.u32 $0x1, s2;
	s6 =	smul.u32 $0x14000, s8;
	[smem:$0x7FF] =	sst s4  }
0x6: {  	s28 =	sadd.s32 $0x2600, s0;
	s5 =	smul.u32 $0x140000, s2;
	s7 =	sshll.u32 s2, $0x4  }
0x7: {  	_ =	strace $0x8000004D;
	s2 =	ssub.s32 $0x2, s2;
	[dreg:$0x4] =	wrdreg s28  }
0x8: {  	s7 =	sor.u32 s8, s7;
	s8 =	smul.u32 $0x50000, s8;
	s9 =	sshrl.u32 s2, $0x1  }
0x9: {  	s6 =	sadd.s32 s6, s5;
	s7 =	smul.u32 $0xA000, s7;
	s2 =	ssub.s32 s2, s9  }
0xa: {  	s6 =	sshrl.u32 s6, $0x3;
	s30 =	sshrl.u32 s8, $0x2;
	s23 =	smax.u32 s2, $0x1  }
0xb: {  	s0 =	sadd.s32 s6, s0;
	s22 =	sor.u32 $0x1000, s7;
	[dreg:$0x18] =	wrdreg s23  }
0xc: {  	s29 =	sshrl.u32 s7, $0x3;
	s6 =	sadd.s32 s30, s3;
	[dreg:$0x16] =	wrdreg s22  }
0xd: {  	s5 =	sadd.s32 s28, s29;
	[dreg:$0x7] =	wrdreg s6  }
0xe: {  	s10 =	sadd.s32 $0x1000, s6;
	[dreg:$0x5] =	wrdreg s5  }
0xf: {  	s11 =	sadd.s32 $0x2000, s6;
	[dreg:$0xa] =	wrdreg s10  }
0x10: {  	s12 =	sadd.s32 $0x3000, s6;
	[dreg:$0xb] =	wrdreg s11  }
0x11: {  	s13 =	sadd.s32 $0x4000, s6;
	[dreg:$0xc] =	wrdreg s12  }
0x12: {  	s14 =	sadd.s32 $0x5000, s6;
	[dreg:$0xd] =	wrdreg s13  }
0x13: {  	s15 =	sadd.s32 $0x6000, s6;
	[dreg:$0xe] =	wrdreg s14  }
0x14: {  	s16 =	sadd.s32 $0x7000, s6;
	[dreg:$0xf] =	wrdreg s15  }
0x15: {  	s17 =	sadd.s32 $0x8000, s6;
	[dreg:$0x10] =	wrdreg s16  }
0x16: {  	s18 =	sadd.s32 $0x9000, s6;
	[dreg:$0x11] =	wrdreg s17  }
0x17: {  	s19 =	sadd.s32 $0xA000, s6;
	[dreg:$0x12] =	wrdreg s18  }
0x18: {  	s20 =	sadd.s32 $0xB000, s6;
	[dreg:$0x13] =	wrdreg s19  }
0x19: {  	s21 =	sadd.s32 $0xC000, s6;
	[dreg:$0x14] =	wrdreg s20  }
0x1a: {  	s0 =	sadd.s32 $0x52600, s0;
	[dreg:$0x15] =	wrdreg s21  }
0x1b: {  	s24 =	sadd.s32 $0xD000, s6;
	[dreg:$0x17] =	wrdreg s0  }
0x1c: {  	s25 =	sadd.s32 $0xE000, s6;
	[dreg:$0x19] =	wrdreg s24  }
0x1d: {  	s26 =	sadd.s32 $0xF000, s6;
	[dreg:$0x1a] =	wrdreg s25  }
0x1e: {  	p0 =	por $0x0, $0x0;
	s28 =	sadd.s32 $0x10000, s6;
	[dreg:$0x1b] =	wrdreg s26  }
0x1f: {  	s2 =	simm.s32 $0x0;
	s29 =	sadd.s32 $0x11000, s6;
	[dreg:$0x1c] =	wrdreg s28  }
0x20: {  	s30 =	sadd.s32 $0x12000, s6;
	s31 =	sadd.s32 $0x28000, s5;
	[dreg:$0x1d] =	wrdreg s29  }
0x21: {  	s9 =	sadd.s32 $0x200, s5;
	s5 =	sadd.s32 $0x28200, s5;
	[dreg:$0x1e] =	wrdreg s30  }
0x22: {  	s10 =	simm.s32 $0x4000;
	s11 =	simm.s32 $0x5400;
	s12 =	simm.s32 $0x6800  }
.Ltmp0:
0x23: {  	s13 =	simm.s32 $0x7C00;
	s14 =	simm.s32 $0x9000;
	(pc) =	sbr.rel .LBB2_1-.Ltmp0, $4  }
0x24: {  	s16 =	simm.s32 $0x1;
	s17 =	simm.s32 $0x2;
	[dreg:$0x6] =	wrdreg s31  }
0x25: {  	s18 =	simm.s32 $0x3;
	s19 =	simm.s32 $0x4;
	[dreg:$0x8] =	wrdreg s9  }
0x26: {  	s20 =	simm.s32 $0x5;
	[dreg:$0x9] =	wrdreg s5;
	s31 =	sadd.s32 $0x13000, s6  }
0x27: {  	v0 =	vimm.f32 $0.0e+00;
	s5 =	simm.s32 $0xC;
	s9 =	simm.s32 $0x28;
	[dreg:$0x1f] =	wrdreg s31  }
.LBB2_10:
0x28: {  	s0 =	simm.s32 $0x6  }
0x29: {  	_ =	swait.ge [sflag:s0], $0x1400  }
0x2a: {  	[sflag:s0] =	ssyncset.done $0x0  }
0x2b: {  	s24 =	simm.s32 $0x7;
	[sflag:s0] =	ssyncadd.s32 $0xFFFFEC00  }
0x2c: {  	_ =	swait.ge [sflag:s24], $0x1400  }
0x2d: {  	[sflag:s24] =	ssyncset.done $0x0  }
0x2e: {  	s25 =	simm.s32 $0x8;
	[sflag:s24] =	ssyncadd.s32 $0xFFFFEC00  }
0x2f: {  	_ =	swait.ge [sflag:s25], $0x1400  }
0x30: {  	[sflag:s25] =	ssyncset.done $0x0  }
0x31: {  	s26 =	simm.s32 $0x9;
	[sflag:s25] =	ssyncadd.s32 $0xFFFFEC00  }
0x32: {  	_ =	swait.ge [sflag:s26], $0x1400  }
0x33: {  	[sflag:s26] =	ssyncset.done $0x0  }
0x34: {  	s28 =	simm.s32 $0xA;
	[sflag:s26] =	ssyncadd.s32 $0xFFFFEC00  }
0x35: {  	_ =	swait.ge [sflag:s28], $0x1400  }
0x36: {  	[sflag:s28] =	ssyncset.done $0x0  }
0x37: {  	[sflag:s28] =	ssyncadd.s32 $0xFFFFEC00  }
0x38: {  	s29 =	stileid.u32;
	[bflag:$0x0] =	sbarrier.arrive $0xFFFF  }
0x39: {  	s0 =	sshll.u32 s29, $0x6;
	s6 =	rddreg [dreg:$0x7]  }
0x3a: {  	s0 =	sor.u32 $0x1C0C, s0;
	s5 =	rddreg [dreg:$0x17];
	s2 =	sshrl.u32 s6, $0x3  }
0x3b: {  	[hbm:s5], [sflag:s0] =	dma.local [spmem:s2], $0x2800  }
0x3c: {  	s5 =	simm.s32 $0xC  }
0x3d: {  	_ =	swait.ge [sflag:s5], $0x2800  }
0x3e: {  	s30 =	sld [smem:$0x7FD];
	_ =	sdelay $0x2  }
0x3f: {  	s31 =	rddreg [dreg:$0x18];
	s2 =	sadd.s32 $0x1, s30  }
0x40: {  	p1 =	sne.s32 s2, s31  }
.Ltmp1:
0x41: {  	_ = 	snop;
	(pc) =	sbr.rel @!p1 .LBB2_11-.Ltmp1, $3  }
0x42: {  	_ =	sdelay $0x1  }
0x43: {  	[sflag:s5] =	ssyncset.done $0x0  }
0x44: {  	[sflag:s5] =	ssyncadd.s32 $0xFFFFD800  }
.LBB2_1:
0x45: {  	[smem:$0x7FD] =	sst s2  }
0x46: {  	s0 =	rddreg [dreg:$0x5]  }
0x47: {  	[tilespmem:s4], [sflag:$0xC] =	stream.linear.gather [hbm4b:s0+s4], $0xC80, $0x38;
	[tilespmem:$0x1F400] =	vst v63  }
0x48: {  	_ =	swait.ge [sflag:s5], $0xC80  }
0x49: {  	[sflag:s5] =	ssyncset.done $0x0  }
0x4a: {  	s22 =	simm.s32 $0x2000;
	s21 =	rddreg [dreg:$0x6];
	[sflag:s5] =	ssyncadd.s32 $0xFFFFF380  }
0x4b: {  	[tilespmem:s22], [sflag:$0xC] =	stream.linear.gather [hbm4b:s21+s4], $0xC80, $0x38;
	[tilespmem:$0x1F400] =	vst v63  }
0x4c: {  	_ =	swait.ge [sflag:s5], $0xC80  }
0x4d: {  	[sflag:s5] =	ssyncset.done $0x0  }
0x4e: {  	s24 =	simm.s32 $0x1000;
	s23 =	rddreg [dreg:$0x8];
	[sflag:s5] =	ssyncadd.s32 $0xFFFFF380  }
0x4f: {  	[tilespmem:s24], [sflag:$0xB] =	stream.linear.gather [hbm4b:s23+s4], $0xC80, $0x38;
	[tilespmem:$0x1F400] =	vst v63  }
0x50: {  	s26 =	simm.s32 $0x3000;
	s25 =	rddreg [dreg:$0x9]  }
0x51: {  	[tilespmem:s26], [sflag:$0xB] =	stream.linear.gather [hbm4b:s25+s4], $0xC80, $0x38;
	[tilespmem:$0x1F400] =	vst v63  }
0x52: {  	_ = 	snop  }
0x53: {  	[tilespmem:s10], [sflag:$0x1] =	stream.indirect.gather [hbm4b:s1+s9], $0x80, s4, s9, $0xb8;
	[tilespmem:$0x1F400] =	vst v63  }
0x54: {  	s28 =	simm.s32 $0x80  }
0x55: {  	[tilespmem:s11], [sflag:$0x2] =	stream.indirect.gather [hbm4b:s1+s9], $0x80, s28, s9, $0xb8;
	[tilespmem:$0x1F400] =	vst v63  }
0x56: {  	s29 =	simm.s32 $0x100  }
0x57: {  	[tilespmem:s12], [sflag:$0x3] =	stream.indirect.gather [hbm4b:s1+s9], $0x80, s29, s9, $0xb8;
	[tilespmem:$0x1F400] =	vst v63  }
0x58: {  	s30 =	simm.s32 $0x180  }
0x59: {  	[tilespmem:s13], [sflag:$0x4] =	stream.indirect.gather [hbm4b:s1+s9], $0x80, s30, s9, $0xb8;
	[tilespmem:$0x1F400] =	vst v63  }
0x5a: {  	s31 =	simm.s32 $0x200;
	s2 =	simm.s32 $0x200;
	s0 =	simm.s32 $0x0  }
0x5b: {  	[tilespmem:s14], [sflag:$0x5] =	stream.indirect.gather [hbm4b:s1+s9], $0x80, s31, s9, $0xb8;
	[tilespmem:$0x1F400] =	vst v63  }
.LBB2_2:
0x5c: {  	p1 =	sne.s32 s2, $0x3E00;
	[tilespmem:s0+$0xA470] =	vst v0  }
0x5d: {  	[tilespmem:s0+$0xA400] =	vst v0  }
0x5e: {  	[tilespmem:s0+$0xA410] =	vst v0  }
.Ltmp2:
0x5f: {  	[tilespmem:s0+$0xA420] =	vst v0;
	(pc) =	sbr.rel @p1 .LBB2_2-.Ltmp2, $4  }
0x60: {  	[tilespmem:s0+$0xA430] =	vst v0  }
0x61: {  	[tilespmem:s0+$0xA440] =	vst v0  }
0x62: {  	[tilespmem:s0+$0xA450] =	vst v0  }
0x63: {  	[tilespmem:s0+$0xA460] =	vst v0;
	s0 =	sshra.s32 s2, $0x2;
	s2 =	sadd.s32 $0x200, s2  }
0x64: {  	[tilespmem:s0+$0xA470] =	vst v0  }
0x65: {  	[tilespmem:s0+$0xA400] =	vst v0  }
0x66: {  	[tilespmem:s0+$0xA410] =	vst v0  }
0x67: {  	[tilespmem:s0+$0xA420] =	vst v0  }
0x68: {  	[tilespmem:s0+$0xA430] =	vst v0  }
0x69: {  	[tilespmem:s0+$0xA440] =	vst v0  }
0x6a: {  	[tilespmem:s0+$0xA450] =	vst v0  }
0x6b: {  	[tilespmem:s0+$0xA460] =	vst v0;
	s2 =	simm.s32 $0xA400  }
0x6c: {  	[spmem:s6] =	stream.linear.scatter [tilespmem:s2], [sflag:$0xC], $0x1000, $0x38;
	[tilespmem:$0x1F400] =	vst v63  }
0x6d: {  	_ =	swait.ge [sflag:s5], $0x1000  }
0x6e: {  	[sflag:s5] =	ssyncset.done $0x0  }
0x6f: {  	s24 =	rddreg [dreg:$0xa];
	[sflag:s5] =	ssyncadd.s32 $0xFFFFF000  }
0x70: {  	[spmem:s24] =	stream.linear.scatter [tilespmem:s2], [sflag:$0xC], $0x1000, $0x38;
	[tilespmem:$0x1F400] =	vst v63  }
0x71: {  	_ =	swait.ge [sflag:s5], $0x1000  }
0x72: {  	[sflag:s5] =	ssyncset.done $0x0  }
0x73: {  	s25 =	rddreg [dreg:$0xb];
	[sflag:s5] =	ssyncadd.s32 $0xFFFFF000  }
0x74: {  	[spmem:s25] =	stream.linear.scatter [tilespmem:s2], [sflag:$0xC], $0x1000, $0x38;
	[tilespmem:$0x1F400] =	vst v63  }
0x75: {  	_ =	swait.ge [sflag:s5], $0x1000  }
0x76: {  	[sflag:s5] =	ssyncset.done $0x0  }
0x77: {  	s26 =	rddreg [dreg:$0xc];
	[sflag:s5] =	ssyncadd.s32 $0xFFFFF000  }
0x78: {  	[spmem:s26] =	stream.linear.scatter [tilespmem:s2], [sflag:$0xC], $0x1000, $0x38;
	[tilespmem:$0x1F400] =	vst v63  }
0x79: {  	_ =	swait.ge [sflag:s5], $0x1000  }
0x7a: {  	[sflag:s5] =	ssyncset.done $0x0  }
0x7b: {  	s28 =	rddreg [dreg:$0xd];
	[sflag:s5] =	ssyncadd.s32 $0xFFFFF000  }
0x7c: {  	[spmem:s28] =	stream.linear.scatter [tilespmem:s2], [sflag:$0xC], $0x1000, $0x38;
	[tilespmem:$0x1F400] =	vst v63  }
0x7d: {  	_ =	swait.ge [sflag:s5], $0x1000  }
0x7e: {  	[sflag:s5] =	ssyncset.done $0x0  }
0x7f: {  	s30 =	rddreg [dreg:$0xe];
	[sflag:s5] =	ssyncadd.s32 $0xFFFFF000  }
0x80: {  	[spmem:s30] =	stream.linear.scatter [tilespmem:s2], [sflag:$0xC], $0x1000, $0x38;
	[tilespmem:$0x1F400] =	vst v63  }
0x81: {  	_ =	swait.ge [sflag:s5], $0x1000  }
0x82: {  	[sflag:s5] =	ssyncset.done $0x0  }
0x83: {  	s31 =	rddreg [dreg:$0xf];
	[sflag:s5] =	ssyncadd.s32 $0xFFFFF000  }
0x84: {  	[spmem:s31] =	stream.linear.scatter [tilespmem:s2], [sflag:$0xC], $0x1000, $0x38;
	[tilespmem:$0x1F400] =	vst v63  }
0x85: {  	_ =	swait.ge [sflag:s5], $0x1000  }
0x86: {  	[sflag:s5] =	ssyncset.done $0x0  }
0x87: {  	s6 =	rddreg [dreg:$0x10];
	[sflag:s5] =	ssyncadd.s32 $0xFFFFF000  }
0x88: {  	[spmem:s6] =	stream.linear.scatter [tilespmem:s2], [sflag:$0xC], $0x1000, $0x38;
	[tilespmem:$0x1F400] =	vst v63  }
0x89: {  	_ =	swait.ge [sflag:s5], $0x1000  }
0x8a: {  	[sflag:s5] =	ssyncset.done $0x0  }
0x8b: {  	s7 =	rddreg [dreg:$0x11];
	[sflag:s5] =	ssyncadd.s32 $0xFFFFF000  }
0x8c: {  	[spmem:s7] =	stream.linear.scatter [tilespmem:s2], [sflag:$0xC], $0x1000, $0x38;
	[tilespmem:$0x1F400] =	vst v63  }
0x8d: {  	_ =	swait.ge [sflag:s5], $0x1000  }
0x8e: {  	[sflag:s5] =	ssyncset.done $0x0  }
0x8f: {  	s8 =	rddreg [dreg:$0x12];
	[sflag:s5] =	ssyncadd.s32 $0xFFFFF000  }
0x90: {  	[spmem:s8] =	stream.linear.scatter [tilespmem:s2], [sflag:$0xC], $0x1000, $0x38;
	[tilespmem:$0x1F400] =	vst v63  }
0x91: {  	_ =	swait.ge [sflag:s5], $0x1000  }
0x92: {  	[sflag:s5] =	ssyncset.done $0x0  }
0x93: {  	s15 =	rddreg [dreg:$0x13];
	[sflag:s5] =	ssyncadd.s32 $0xFFFFF000  }
0x94: {  	[spmem:s15] =	stream.linear.scatter [tilespmem:s2], [sflag:$0xC], $0x1000, $0x38;
	[tilespmem:$0x1F400] =	vst v63  }
0x95: {  	_ =	swait.ge [sflag:s5], $0x1000  }
0x96: {  	[sflag:s5] =	ssyncset.done $0x0  }
0x97: {  	s21 =	rddreg [dreg:$0x14];
	[sflag:s5] =	ssyncadd.s32 $0xFFFFF000  }
0x98: {  	[spmem:s21] =	stream.linear.scatter [tilespmem:s2], [sflag:$0xC], $0x1000, $0x38;
	[tilespmem:$0x1F400] =	vst v63  }
0x99: {  	_ =	swait.ge [sflag:s5], $0x1000  }
0x9a: {  	[sflag:s5] =	ssyncset.done $0x0  }
0x9b: {  	s22 =	rddreg [dreg:$0x15];
	[sflag:s5] =	ssyncadd.s32 $0xFFFFF000  }
0x9c: {  	[spmem:s22] =	stream.linear.scatter [tilespmem:s2], [sflag:$0xC], $0x1000, $0x38;
	[tilespmem:$0x1F400] =	vst v63  }
0x9d: {  	_ =	swait.ge [sflag:s5], $0x1000  }
0x9e: {  	[sflag:s5] =	ssyncset.done $0x0  }
0x9f: {  	s23 =	rddreg [dreg:$0x19];
	[sflag:s5] =	ssyncadd.s32 $0xFFFFF000  }
0xa0: {  	[spmem:s23] =	stream.linear.scatter [tilespmem:s2], [sflag:$0xC], $0x1000, $0x38;
	[tilespmem:$0x1F400] =	vst v63  }
0xa1: {  	_ =	swait.ge [sflag:s5], $0x1000  }
0xa2: {  	[sflag:s5] =	ssyncset.done $0x0  }
0xa3: {  	s24 =	rddreg [dreg:$0x1a];
	[sflag:s5] =	ssyncadd.s32 $0xFFFFF000  }
0xa4: {  	[spmem:s24] =	stream.linear.scatter [tilespmem:s2], [sflag:$0xC], $0x1000, $0x38;
	[tilespmem:$0x1F400] =	vst v63  }
0xa5: {  	_ =	swait.ge [sflag:s5], $0x1000  }
0xa6: {  	[sflag:s5] =	ssyncset.done $0x0  }
0xa7: {  	s25 =	rddreg [dreg:$0x1b];
	[sflag:s5] =	ssyncadd.s32 $0xFFFFF000  }
0xa8: {  	[spmem:s25] =	stream.linear.scatter [tilespmem:s2], [sflag:$0xC], $0x1000, $0x38;
	[tilespmem:$0x1F400] =	vst v63  }
0xa9: {  	_ =	swait.ge [sflag:s5], $0x1000  }
0xaa: {  	[sflag:s5] =	ssyncset.done $0x0  }
0xab: {  	s26 =	rddreg [dreg:$0x1c];
	[sflag:s5] =	ssyncadd.s32 $0xFFFFF000  }
0xac: {  	[spmem:s26] =	stream.linear.scatter [tilespmem:s2], [sflag:$0xC], $0x1000, $0x38;
	[tilespmem:$0x1F400] =	vst v63  }
0xad: {  	_ =	swait.ge [sflag:s5], $0x1000  }
0xae: {  	[sflag:s5] =	ssyncset.done $0x0  }
0xaf: {  	s28 =	rddreg [dreg:$0x1d];
	[sflag:s5] =	ssyncadd.s32 $0xFFFFF000  }
0xb0: {  	[spmem:s28] =	stream.linear.scatter [tilespmem:s2], [sflag:$0xC], $0x1000, $0x38;
	[tilespmem:$0x1F400] =	vst v63  }
0xb1: {  	_ =	swait.ge [sflag:s5], $0x1000  }
0xb2: {  	[sflag:s5] =	ssyncset.done $0x0  }
0xb3: {  	s30 =	rddreg [dreg:$0x1e];
	[sflag:s5] =	ssyncadd.s32 $0xFFFFF000  }
0xb4: {  	[spmem:s30] =	stream.linear.scatter [tilespmem:s2], [sflag:$0xC], $0x1000, $0x38;
	[tilespmem:$0x1F400] =	vst v63  }
0xb5: {  	_ =	swait.ge [sflag:s5], $0x1000  }
0xb6: {  	[sflag:s5] =	ssyncset.done $0x0  }
0xb7: {  	s31 =	rddreg [dreg:$0x1f];
	[sflag:s5] =	ssyncadd.s32 $0xFFFFF000  }
0xb8: {  	[spmem:s31] =	stream.linear.scatter [tilespmem:s2], [sflag:$0xC], $0x1000, $0x38;
	[tilespmem:$0x1F400] =	vst v63  }
.Ltmp3:
0xb9: {  	_ =	swait.ge [sflag:s5], $0x1000;
	(pc) =	sbr.rel .LBB2_4-.Ltmp3, $4  }
0xba: {  	[sflag:s5] =	ssyncset.done $0x0  }
0xbb: {  	[sflag:s5] =	ssyncadd.s32 $0xFFFFF000  }
0xbc: {  	[bflag:$0x0] =	sbarrier.arrive $0xFFFF  }
0xbd: {  	s29 =	simm.s32 $0x0;
	p1 =	por $0x0, $0x0  }
.LBB2_9:
0xbe: {  	s29 =	sadd.s32 $0x1, s29  }
0xbf: {  	p2 =	sne.s32 s29, $0xA  }
.Ltmp4:
0xc0: {  	_ = 	snop;
	(pc) =	sbr.rel @!p2 .LBB2_10-.Ltmp4, $2  }
0xc1: {  	_ =	sdelay $0x2  }
0xc2: {  	p1 =	por !p1, !p1  }
.LBB2_4:
0xc3: {  	s0 =	simm.s32 $0x1;
	s5 =	rddreg [dreg:$0x16]  }
0xc4: {  	s2 =	sshll.u32 s29, $0xC;
	s6 =	sxor.u32 $0xFFFFFFFF, s29;
	s28 =	rddreg [dreg:$0x4]  }
0xc5: {  	p2 =	seq.s32 s29, $0x9;
	p3 =	sne.s32 s29, $0x9;
	s8 =	simm.s32 $0x0  }
.Ltmp5:
0xc6: {  	s0 =	simm.s32 @!p1 $0x0;
	s2 =	sadd.s32 s2, s5;
	(pc) =	sbr.rel .LBB2_5-.Ltmp5, $4  }
0xc7: {  	s26 =	sand.u32 $0x1, s6;
	s30 =	sshll.u32 s0, $0xC;
	s2 =	sshrl.u32 s2, $0x3  }
0xc8: {  	s0 =	sshll.u32 s26, $0xC;
	s31 =	sor.u32 $0x2000, s30;
	s2 =	sadd.s32 s28, s2  }
0xc9: {  	s6 =	sor.u32 $0x2000, s0;
	s22 =	sor.u32 $0x80, s0;
	s24 =	sor.u32 $0x100, s0  }
0xca: {  	s25 =	sor.u32 $0x180, s0;
	s26 =	sor.u32 $0x200, s0;
	s21 =	sadd.s32 $0x28000, s2  }
.LBB2_7:
0xcb: {  	p4 =	sne.s32 @!p2 s8, $0x2800  }
0xcc: {  	p5 =	por p4, p2  }
0xcd: {  	s28 =	simm.s32 @!p5 $0xB  }
0xce: {  	_ =	swait.ge @!p5 [sflag:s28], $0xC80  }
0xcf: {  	[sflag:s28] =	ssyncset.done @!p5 $0x0  }
0xd0: {  	[sflag:s28] =	ssyncadd.s32 @!p5 $0xFFFFF380  }
0xd1: {  	p4 =	por !p4, p2;
	p6 =	por @!p5 $0x1, $0x1;
	_ =	swait.ge @!p5 [sflag:s28], $0xC80  }
0xd2: {  	p6 =	por @!p4 p0, p0;
	p4 =	por $0x0, $0x0;
	[sflag:s28] =	ssyncset.done @!p5 $0x0  }
0xd3: {  	p4 =	por @!p2 p6, p6;
	[sflag:s28] =	ssyncadd.s32 @!p5 $0xFFFFF380  }
.LBB2_8:
0xd4: {  	_ =	swait.ge [sflag:s16], $0x1400  }
0xd5: {  	s28 =	sshra.s32 s8, $0x2;
	[sflag:s16] =	ssyncset.done $0x0  }
0xd6: {  	s28 =	sadd.s32 s28, s31;
	[sflag:s16] =	ssyncadd.s32 $0xFFFFEC00  }
0xd7: {  	[spmem:s3] =	stream.indirect.scatter.add.f32 [tilespmem:s10], [sflag:$0x6], $0x80, s28, s9, $0xb8;
	[tilespmem:$0x1F400] =	vst v63  }
0xd8: {  	_ =	swait.ge [sflag:s17], $0x1400  }
0xd9: {  	[sflag:s17] =	ssyncset.done $0x0  }
0xda: {  	s15 =	sadd.s32 $0x80, s28;
	[sflag:s17] =	ssyncadd.s32 $0xFFFFEC00  }
0xdb: {  	[spmem:s3] =	stream.indirect.scatter.add.f32 [tilespmem:s11], [sflag:$0x7], $0x80, s15, s9, $0xb8;
	[tilespmem:$0x1F400] =	vst v63  }
0xdc: {  	_ =	swait.ge [sflag:s18], $0x1400  }
0xdd: {  	[sflag:s18] =	ssyncset.done $0x0  }
0xde: {  	s7 =	sadd.s32 $0x100, s28;
	[sflag:s18] =	ssyncadd.s32 $0xFFFFEC00  }
0xdf: {  	[spmem:s3] =	stream.indirect.scatter.add.f32 [tilespmem:s12], [sflag:$0x8], $0x80, s7, s9, $0xb8;
	[tilespmem:$0x1F400] =	vst v63  }
0xe0: {  	_ =	swait.ge [sflag:s19], $0x1400  }
0xe1: {  	[sflag:s19] =	ssyncset.done $0x0  }
0xe2: {  	p5 =	sne.s32 s8, $0x2800;
	s23 =	sadd.s32 $0x180, s28;
	[sflag:s19] =	ssyncadd.s32 $0xFFFFEC00  }
0xe3: {  	[spmem:s3] =	stream.indirect.scatter.add.f32 [tilespmem:s13], [sflag:$0x9], $0x80, s23, s9, $0xb8;
	[tilespmem:$0x1F400] =	vst v63  }
0xe4: {  	p5 =	por p3, p5;
	_ =	swait.ge [sflag:s20], $0x1400  }
0xe5: {  	p6 =	seq.s32 @p5 s8, $0x2800;
	[sflag:s20] =	ssyncset.done $0x0  }
0xe6: {  	s28 =	sadd.s32 $0x200, s28;
	s15 =	simm.s32 @p5 $0x6;
	[sflag:s20] =	ssyncadd.s32 $0xFFFFEC00  }
0xe7: {  	[spmem:s3] =	stream.indirect.scatter.add.f32 [tilespmem:s14], [sflag:$0xA], $0x80, s28, s9, $0xb8;
	[tilespmem:$0x1F400] =	vst v63  }
0xe8: {  	p6 =	por p6, !p5;
	_ =	swait.ge @p5 [sflag:s15], $0x1400  }
0xe9: {  	s28 =	sshra.s32 @!p6 s8, $0x2;
	[sflag:s15] =	ssyncset.done @p5 $0x0  }
0xea: {  	[sflag:s15] =	ssyncadd.s32 @p5 $0xFFFFEC00;
	s15 =	sadd.s32 @!p6 s28, s30  }
0xeb: {  	s5 =	simm.s32 @!p6 $0x28;
	s23 =	simm.s32 @!p6 $0x4000;
	s28 =	sadd.s32 @!p6 $0x280, s15  }
0xec: {  	[tilespmem:s23], [sflag:$0x1] =	stream.indirect.gather @!p6 [hbm4b:s1+s5], $0x80, s28, s5, $0xb8;
	[tilespmem:$0x1F400] =	vst v63  }
0xed: {  	s23 =	simm.s32 @p4 $0x28;
	s28 =	simm.s32 @p4 $0x4000  }
0xee: {  	[tilespmem:s28], [sflag:$0x1] =	stream.indirect.gather @p4 [hbm4b:s1+s23], $0x80, s0, s23, $0xb8;
	[tilespmem:$0x1F400] =	vst v63  }
0xef: {  	s28 =	simm.s32 @p5 $0x7  }
0xf0: {  	_ =	swait.ge @p5 [sflag:s28], $0x1400  }
0xf1: {  	[sflag:s28] =	ssyncset.done @p5 $0x0  }
0xf2: {  	s7 =	simm.s32 @!p6 $0x5400;
	[sflag:s28] =	ssyncadd.s32 @p5 $0xFFFFEC00;
	s28 =	sadd.s32 @!p6 $0x300, s15  }
0xf3: {  	[tilespmem:s7], [sflag:$0x2] =	stream.indirect.gather @!p6 [hbm4b:s1+s5], $0x80, s28, s5, $0xb8;
	[tilespmem:$0x1F400] =	vst v63  }
0xf4: {  	s7 =	simm.s32 @p4 $0x5400  }
0xf5: {  	[tilespmem:s7], [sflag:$0x2] =	stream.indirect.gather @p4 [hbm4b:s1+s23], $0x80, s22, s23, $0xb8;
	[tilespmem:$0x1F400] =	vst v63  }
0xf6: {  	s7 =	simm.s32 @p5 $0x8  }
0xf7: {  	_ =	swait.ge @p5 [sflag:s7], $0x1400  }
0xf8: {  	[sflag:s7] =	ssyncset.done @p5 $0x0  }
0xf9: {  	s28 =	simm.s32 @!p6 $0x6800;
	[sflag:s7] =	ssyncadd.s32 @p5 $0xFFFFEC00;
	s7 =	sadd.s32 @!p6 $0x380, s15  }
0xfa: {  	[tilespmem:s28], [sflag:$0x3] =	stream.indirect.gather @!p6 [hbm4b:s1+s5], $0x80, s7, s5, $0xb8;
	[tilespmem:$0x1F400] =	vst v63  }
0xfb: {  	s7 =	simm.s32 @p4 $0x6800  }
0xfc: {  	[tilespmem:s7], [sflag:$0x3] =	stream.indirect.gather @p4 [hbm4b:s1+s23], $0x80, s24, s23, $0xb8;
	[tilespmem:$0x1F400] =	vst v63  }
0xfd: {  	s7 =	simm.s32 @p5 $0x9  }
0xfe: {  	_ =	swait.ge @p5 [sflag:s7], $0x1400  }
0xff: {  	[sflag:s7] =	ssyncset.done @p5 $0x0  }
0x100: {  	s28 =	simm.s32 @!p6 $0x7C00;
	[sflag:s7] =	ssyncadd.s32 @p5 $0xFFFFEC00;
	s7 =	sadd.s32 @!p6 $0x400, s15  }
0x101: {  	[tilespmem:s28], [sflag:$0x4] =	stream.indirect.gather @!p6 [hbm4b:s1+s5], $0x80, s7, s5, $0xb8;
	[tilespmem:$0x1F400] =	vst v63  }
0x102: {  	s7 =	simm.s32 @p4 $0x7C00  }
0x103: {  	[tilespmem:s7], [sflag:$0x4] =	stream.indirect.gather @p4 [hbm4b:s1+s23], $0x80, s25, s23, $0xb8;
	[tilespmem:$0x1F400] =	vst v63  }
0x104: {  	s7 =	simm.s32 @p5 $0xA  }
0x105: {  	_ =	swait.ge @p5 [sflag:s7], $0x1400  }
0x106: {  	[sflag:s7] =	ssyncset.done @p5 $0x0  }
0x107: {  	[sflag:s7] =	ssyncadd.s32 @p5 $0xFFFFEC00;
	s7 =	sadd.s32 @!p6 $0x480, s15;
	s15 =	simm.s32 @!p6 $0x9000  }
0x108: {  	[tilespmem:s15], [sflag:$0x5] =	stream.indirect.gather @!p6 [hbm4b:s1+s5], $0x80, s7, s5, $0xb8;
	[tilespmem:$0x1F400] =	vst v63  }
0x109: {  	s8 =	sadd.s32 $0xA00, s8;
	s5 =	simm.s32 @p4 $0x9000  }
0x10a: {  	[tilespmem:s5], [sflag:$0x5] =	stream.indirect.gather @p4 [hbm4b:s1+s23], $0x80, s26, s23, $0xb8;
	[tilespmem:$0x1F400] =	vst v63  }
0x10b: {  	p4 =	sne.s32 s8, $0x3200  }
.Ltmp6:
0x10c: {  	_ = 	snop;
	(pc) =	sbr.rel @!p4 .LBB2_9-.Ltmp6, $1  }
0x10d: {  	_ =	sdelay $0x3  }
.LBB2_5:
0x10e: {  	p4 =	sne.s32 @!p2 s8, $0xA00  }
0x10f: {  	p4 =	por p2, p4  }
.Ltmp7:
0x110: {  	_ = 	snop;
	(pc) =	sbr.rel @p4 .LBB2_7-.Ltmp7, $1  }
0x111: {  	_ =	sdelay $0x3  }
.Ltmp8:
0x112: {  	(pc) =	sbr.rel .LBB2_8-.Ltmp8, $4  }
0x113: {  	_ = 	snop  }
0x114: {  	[tilespmem:s0], [sflag:$0xB] =	stream.linear.gather [hbm4b:s2+s4], $0xC80, $0x38;
	[tilespmem:$0x1F400] =	vst v63  }
0x115: {  	p4 =	por $0x0, $0x0  }
0x116: {  	[tilespmem:s6], [sflag:$0xB] =	stream.linear.gather [hbm4b:s21+s4], $0xC80, $0x38;
	[tilespmem:$0x1F400] =	vst v63  }
.LBB2_11:
0x117: {  	_ =	sfence.sel $0x180000  }
0x118: {  	[bflag:$0x0] =	sbarrier.arrive $0xFFFF  }
0x119: {  	_ =	strace $0x9000004D  }
0x11a: {  	s0 =	stileid.u32;
	[bflag:$0x2] =	sbarrier.arrive $0xFFFF  }
0x11b: {  	p0 =	sne.s32 s0, $0x0;
	s0 =	rddreg [dreg:$0x3]  }
0x11c: {  	s0 =	sadd.s32 @!p0 $0x100000, s0  }
0x11d: {  	[sflag:s0] =	ssyncadd.tile.s32 @!p0 $0x1;
	_ =	shalt  }
.Lfunc_end2:
_tile_overlayer_lowered:
.L_overlay_start_2:
0x11e: {  	(tag) =	ssettag $0x2  }
0x11f: {  	s0 =	rddreg [dreg:$0x0];
	s2 =	stileid.u32  }
0x120: {  	s1 =	rddreg [dreg:$0x1];
	p0 =	sne.s32 s2, $0x0  }
0x121: {  	s3 =	rddreg [dreg:$0x2];
	[bflag:$0x3] =	sbarrier.arrive $0xFFFF;
	s2 =	simm.s32 @!p0 $0x1C0C  }
0x122: {  	[timem:s3], [sflag:s2] =	dma.local @!p0 [hbm:s0], s1  }
0x123: {  	s0 =	simm.s32 @!p0 $0xC  }
0x124: {  	_ =	swait.ge @!p0 [sflag:s0], s1  }
0x125: {  	s1 =	ssub.s32 @!p0 $0x0, s1;
	[sflag:s0] =	ssyncset.done @!p0 $0x0  }
0x126: {  	[sflag:s0] =	ssyncadd.s32 @!p0 s1  }
0x127: {  	[bflag:$0x3] =	sbarrier.arrive $0xFFFF  }
0x128: {  	_ =	shalt  }

// kernel: kernel.8.cloned.1.call-start
scs
__scs_entry_jumppad:
0x0: {  	(pc) =	sbr.rel $0x88, $3  }
0x1: {  	(tag) =	ssettag $0x0;
	lr =	simm.s32 $0x1  }
0x2: {  	[smem:$0x3F9B] =	sst lr;
	_ =	strace $0xD0000000  }
0x3: {  	_ = 	snop  }
0x4: {  	_ = 	snop  }
0x5: {  	_ = 	snop  }
0x6: {  	_ = 	snop  }
0x7: {  	_ = 	snop  }
__scs_overlays_trampoline_lowered:
0x8: {  	[smem:$0x3FAA] =	sst s0  }
0x9: {  	[smem:$0x3FAB] =	sst s1  }
0xa: {  	[smem:$0x3FAC] =	sst s2  }
0xb: {  	[smem:$0x3FAD] =	sst s3  }
0xc: {  	[smem:$0x3FAE] =	sst s4  }
0xd: {  	[smem:$0x3FAF] =	sst s5  }
0xe: {  	[smem:$0x3FB0] =	sst s6  }
0xf: {  	[smem:$0x3FB1] =	sst s7  }
0x10: {  	[smem:$0x3FB2] =	sst s8  }
0x11: {  	[smem:$0x3FB3] =	sst s9;
	s0 =	simm.s32 @!p0 $0x0  }
0x12: {  	s1 =	sld [smem:$0x3F99];
	s0 =	simm.s32 @p0 $0x1  }
0x13: {  	[smem:$0x3FB4] =	sst s0;
	s0 =	simm.s32 @!p1 $0x0  }
0x14: {  	s2 =	sld [smem:$0x3F98];
	s0 =	simm.s32 @p1 $0x1  }
0x15: {  	[smem:$0x3FB5] =	sst s0;
	s0 =	simm.s32 @!p2 $0x0  }
0x16: {  	s3 =	sld [smem:$0x3FDB];
	s0 =	simm.s32 @p2 $0x1  }
0x17: {  	s4 =	simm.s32 $0x1BF5;
	[smem:$0x3FB7] =	sst s0  }
0x18: {  	s0 =	sld [smem:$0x3F9A];
	_ =	swait.ge [sflag:s4], $0x0  }
0x19: {  	s7 =	sld [smem:$0x3F9B]  }
0x1a: {  	s8 =	sadd.s32 $0xFFFFE003, lr  }
0x1b: {  	s9 =	sadd.s32 $0xFFFFFEF7, lr;
	s5 =	simm.s32 $0xFFFFFFFF;
	p2 =	slt.u32 s8, $0xFFFFF086  }
0x1c: {  	p1 =	slt.u32 s9, $0xF7A;
	s5 =	simm.s32 @!p2 $0x0  }
0x1d: {  	s5 =	simm.s32 @p1 $0x1;
	p0 =	seq.s32 s7, s2  }
0x1e: {  	s7 =	smul.u32 @!p0 $0xF7A, s2;
	p2 =	seq.s32 @!p0 s5, $0x0  }
0x1f: {  	s9 =	smul.u32 $0xF7A, s1;
	s8 =	simm.s32 @!p0 $0x1BF5;
	p2 =	por !p2, p0  }
0x20: {  	[sflag:s8] =	ssyncset.s32 @!p0 $0xFFFFF086;
	s6 =	sadd.s32 @!p0 s3, s7;
	s7 =	simm.s32 @!p0 $0x108  }
0x21: {  	s3 =	sadd.s32 s3, s9;
	s6 =	sadd.s32 @!p0 $0x88, s6;
	s7 =	simm.s32 @p2 $0x1082  }
0x22: {  	[simem:s7], [sflag:s8] =	dma.local @!p0 [hbm:s6], $0xF7A  }
0x23: {  	s9 =	sor.u32 $0xD0000000, s2;
	s6 =	simm.s32 $0x108;
	_ =	swait.ge @!p0 [sflag:s8], $0x0  }
0x24: {  	s3 =	sadd.s32 $0x88, s3;
	s6 =	simm.s32 @!p1 $0x1082;
	[sflag:s4] =	ssyncset.s32 $0xFFFFF086  }
0x25: {  	[simem:s6], [sflag:s4] =	dma.local [hbm:s3], $0xF7A  }
0x26: {  	[smem:$0x3F9B] =	sst s1;
	(tag) =	ssettag s2;
	_ =	strace s9  }
0x27: {  	s1 =	sld [smem:$0x3FAB]  }
0x28: {  	s2 =	sld [smem:$0x3FAC]  }
0x29: {  	s4 =	sld [smem:$0x3FAE]  }
0x2a: {  	p0 =	seq.s32 s5, $0x0;
	s5 =	sld [smem:$0x3FAF]  }
0x2b: {  	s6 =	sld [smem:$0x3FB0]  }
0x2c: {  	s7 =	sld [smem:$0x3FB1]  }
0x2d: {  	s3 =	simm.s32 $0x108;
	s8 =	sld [smem:$0x3FB2]  }
0x2e: {  	s3 =	simm.s32 @!p0 $0x1082;
	s9 =	sld [smem:$0x3FB3]  }
0x2f: {  	lr =	sadd.s32 s0, s3;
	s0 =	sld [smem:$0x3FAA]  }
0x30: {  	s3 =	sld [smem:$0x3FAD]  }
0x31: {  	[smem:$0x3FB6] =	sst s10  }
0x32: {  	s10 =	sld [smem:$0x3FB4];
	_ =	sdelay $0x3  }
0x33: {  	p0 =	seq.s32 s10, $0x1;
	s10 =	sld [smem:$0x3FB6];
	_ =	sdelay $0x3  }
0x34: {  	[smem:$0x3FB6] =	sst s10  }
0x35: {  	s10 =	sld [smem:$0x3FB5];
	_ =	sdelay $0x3  }
0x36: {  	p1 =	seq.s32 s10, $0x1;
	s10 =	sld [smem:$0x3FB6];
	_ =	sdelay $0x3  }
0x37: {  	[smem:$0x3FB6] =	sst s10  }
0x38: {  	s10 =	sld [smem:$0x3FB7]  }
0x39: {  	_ = 	snop;
	(pc) =	sbr.ind lr, $3  }
0x3a: {  	_ = 	snop  }
0x3b: {  	_ = 	snop  }
0x3c: {  	p2 =	seq.s32 s10, $0x1;
	s10 =	sld [smem:$0x3FB6]  }
0x3d: {  	_ =	shalt  }
0x3e: {  	_ =	shalt  }
0x3f: {  	_ =	shalt  }
0x40: {  	_ =	shalt  }
0x41: {  	_ =	shalt  }
0x42: {  	_ =	shalt  }
0x43: {  	_ =	shalt  }
0x44: {  	_ =	shalt  }
0x45: {  	_ =	shalt  }
0x46: {  	_ =	shalt  }
0x47: {  	_ =	shalt  }
0x48: {  	_ =	shalt  }
0x49: {  	_ =	shalt  }
0x4a: {  	_ =	shalt  }
0x4b: {  	_ =	shalt  }
0x4c: {  	_ =	shalt  }
0x4d: {  	_ =	shalt  }
0x4e: {  	_ =	shalt  }
0x4f: {  	_ =	shalt  }
0x50: {  	_ =	shalt  }
0x51: {  	_ =	shalt  }
0x52: {  	_ =	shalt  }
0x53: {  	_ =	shalt  }
0x54: {  	_ =	shalt  }
0x55: {  	_ =	shalt  }
0x56: {  	_ =	shalt  }
0x57: {  	_ =	shalt  }
0x58: {  	_ =	shalt  }
0x59: {  	_ =	shalt  }
0x5a: {  	_ =	shalt  }
0x5b: {  	_ =	shalt  }
0x5c: {  	_ =	shalt  }
0x5d: {  	_ =	shalt  }
0x5e: {  	_ =	shalt  }
0x5f: {  	_ =	shalt  }
0x60: {  	_ =	shalt  }
0x61: {  	_ =	shalt  }
0x62: {  	_ =	shalt  }
0x63: {  	_ =	shalt  }
0x64: {  	_ =	shalt  }
0x65: {  	_ =	shalt  }
0x66: {  	_ =	shalt  }
0x67: {  	_ =	shalt  }
0x68: {  	_ =	shalt  }
0x69: {  	_ =	shalt  }
0x6a: {  	_ =	shalt  }
0x6b: {  	_ =	shalt  }
0x6c: {  	_ =	shalt  }
0x6d: {  	_ =	shalt  }
0x6e: {  	_ =	shalt  }
0x6f: {  	_ =	shalt  }
0x70: {  	_ =	shalt  }
0x71: {  	_ =	shalt  }
0x72: {  	_ =	shalt  }
0x73: {  	_ =	shalt  }
0x74: {  	_ =	shalt  }
0x75: {  	_ =	shalt  }
0x76: {  	_ =	shalt  }
0x77: {  	_ =	shalt  }
0x78: {  	_ =	shalt  }
0x79: {  	_ =	shalt  }
0x7a: {  	_ =	shalt  }
0x7b: {  	_ =	shalt  }
0x7c: {  	_ =	shalt  }
0x7d: {  	_ =	shalt  }
0x7e: {  	_ =	shalt  }
0x7f: {  	_ =	shalt  }
0x80: {  	_ =	shalt  }
0x81: {  	_ =	shalt  }
0x82: {  	_ =	shalt  }
0x83: {  	_ =	shalt  }
0x84: {  	_ =	shalt  }
0x85: {  	_ =	shalt  }
0x86: {  	_ =	shalt  }
0x87: {  	_ =	shalt  }
.Lfunc_end0:
.L_simem_size_0:
called_computation_lowered:
.L_overlay_start_0:
0x88: {  	s2 =	sld [smem:$0x3FD9]  }
0x89: {  	s3 =	sld [smem:$0x3FFE];
	_ =	sdelay $0x1  }
0x8a: {  	s1 =	srdreg.scid  }
0x8b: {  	s0 =	sand.u32 $0x1, s1  }
0x8c: {  	s17 =	sshll.u32 s0, $0xA;
	s2 =	sadd.s32 s3, s2  }
0x8d: {  	s2 =	sadd.s32 s2, s17  }
0x8e: {  	[smem:$0x3FC2] =	sst s2  }
0x8f: {  	_ = 	snop  }
0x90: {  	s2 =	sld [smem:$0x3FD0];
	(tm) =	ssettm $0x1  }
0x91: {  	s18 =	sld [smem:$0x3FFB];
	_ =	sdelay $0x3  }
0x92: {  	_ =	strace s18  }
0x93: {  	s3 =	sld [smem:$0x3FFC];
	_ =	sdelay $0x3  }
0x94: {  	_ =	strace s3  }
0x95: {  	s3 =	sld [smem:$0x3FFD];
	_ =	sdelay $0x3  }
0x96: {  	_ =	strace s3  }
0x97: {  	_ =	strace $0x8FFFFFFF  }
0x98: {  	s19 =	sld [smem:$0x3FDB];
	_ =	sdelay $0x1  }
0x99: {  	s4 =	simm.s32 $_scs_section_size  }
0x9a: {  	s5 =	simm.s32 $_size__tile_overlayer_lowered;
	s6 =	simm.s32 $_tile_overlayer_lowered  }
0x9b: {  	s22 =	simm.s32 $0x1BFF;
	s21 =	sshll.u32 s6, $0x1;
	s3 =	sadd.s32 s4, s19  }
0x9c: {  	s7 =	simm.s32 $0x0;
	s20 =	sshll.u32 s5, $0x1;
	s5 =	sadd.s32 s21, s3  }
0x9d: {  	[timem:s7], [sflag:s22] =	dma.local [hbm:s5], s20  }
0x9e: {  	_ =	swait.ge [sflag:s22], s20  }
0x9f: {  	s4 =	ssub.s32 $0x0, s20;
	[sflag:s22] =	ssyncset.done $0x0  }
0xa0: {  	[sflag:s22] =	ssyncadd.s32 s4;
	_ =	sdelay $0x1  }
0xa1: {  	s23 =	simm.s32 $0x1B8B  }
0xa2: {  	_ =	swait.ge [sflag:s23], $0x1  }
0xa3: {  	[sflag:s23] =	ssyncset.done $0x0  }
0xa4: {  	s25 =	simm.s32 $0x1B8E;
	s24 =	sld [smem:$0x3FFE];
	[sflag:s23] =	ssyncadd.s32 $0xFFFFFFFF  }
0xa5: {  	s26 =	simm.s32 $execute0_lowered;
	[smem:$0x3FD2] =	sst s25  }
0xa6: {  	s5 =	sshll.u32 s26, $0x1;
	_ =	strace $0x80000046;
	[dreg:$0x1] =	wrdreg $0xFFFFFFFF  }
0xa7: {  	s28 =	simm.s32 $_size_execute0_lowered;
	s3 =	sadd.s32 s3, s5;
	[dreg:$0x0] =	wrdreg $0x0  }
0xa8: {  	s5 =	sshll.u32 s28, $0x1;
	[dreg:$0x2] =	wrdreg s3  }
0xa9: {  	[dreg:$0x3] =	wrdreg s5  }
0xaa: {  	[dreg:$0x4] =	wrdreg $0xC0  }
0xab: {  	_ =	task [dreg:s7], $0x5FFFF  }
0xac: {  	[dreg:$0x1] =	wrdreg $0xFFFFFFFF  }
0xad: {  	[dreg:$0x0] =	wrdreg $0x60  }
0xae: {  	[dreg:$0x2] =	wrdreg s24  }
0xaf: {  	[dreg:$0x3] =	wrdreg s2  }
0xb0: {  	[dreg:$0x4] =	wrdreg $0x13000  }
0xb1: {  	[dreg:$0x5] =	wrdreg $0x9  }
0xb2: {  	_ =	task.clear_ibuf [dreg:s7], $0x6FFFF;
	_ =	strace $0x90000046  }
0xb3: {  	s29 =	simm.s32 $0x9;
	_ =	strace $0x80000048  }
0xb4: {  	_ =	swait.ge [sflag:s29], $0x1  }
0xb5: {  	[sflag:s29] =	ssyncadd.s32 $0xFFFFFFFF  }
0xb6: {  	_ =	strace $0x90000048  }
0xb7: {  	_ =	sfence  }
0xb8: {  	s30 =	sld [smem:$0x0];
	_ =	sdelay $0x2  }
0xb9: {  	s31 =	sshll.u32 s1, $0xD;
	s1 =	sshrl.u32 s1, $0x2  }
0xba: {  	s3 =	sand.u32 $0x4000, s31;
	s1 =	sadd.s32 s1, s30  }
0xbb: {  	s0 =	sor.u32 s3, s0;
	s1 =	sshll.u32 s1, $0x11  }
0xbc: {  	s0 =	sor.u32 s1, s0  }
0xbd: {  	s0 =	sadd.s32 $0x8F2B, s0  }
0xbe: {  	[sflag:s0] =	ssyncadd.remote.s32 $0x1  }
0xbf: {  	_ =	sfence.sel $0xFFFF  }
0xc0: {  	[dreg:$0x0] =	wrdreg $0xFFFFFFFF;
	(pc) =	sbr.abs _section_cstart, $3  }
0xc1: {  	[dreg:$0x1] =	wrdreg $0xFFFFFFFF  }
0xc2: {  	_ =	task.clear_ibuf [dreg:s7], $0x2FFFF;
	_ =	strace $0x9FFFFFFF  }
0xc3: {  	(tm) =	ssettm $0x7FFFFFFF  }
tec
execute0_lowered:
.L_overlay_start_1:
0x0: {  	(tag) =	ssettag $0x1  }
0x1: {  	s1 =	rddreg [dreg:$0x0]  }
0x2: {  	s0 =	srdreg.scid;
	s5 =	rddreg [dreg:$0x1]  }
0x3: {  	s8 =	stileid.u32;
	s2 =	rddreg [dreg:$0x2]  }
0x4: {  	s3 =	simm.s32 $0x0;
	s9 =	simm.s32 $0x28;
	s25 =	simm.s32 $0x80  }
0x5: {  	s10 =	simm.s32 $0x1000;
	s26 =	simm.s32 $0x100;
	s12 =	simm.s32 $0x200  }
0x6: {  	s13 =	simm.s32 $0x280;
	s14 =	simm.s32 $0x300;
	s15 =	simm.s32 $0x380  }
0x7: {  	s16 =	simm.s32 $0x400;
	s17 =	simm.s32 $0x480;
	s18 =	simm.s32 $0x500  }
0x8: {  	s19 =	simm.s32 $0x580;
	s28 =	simm.s32 $0x980;
	s6 =	smul.u32 $0xA000, s8  }
0x9: {  	s29 =	simm.s32 $0xA00;
	s30 =	simm.s32 $0xA80;
	s20 =	smul.u32 $0x500, s8  }
0xa: {  	s0 =	sand.u32 $0x1, s0;
	[smem:$0x7FF] =	sst s3;
	s8 =	smul.u32 $0xA00, s8  }
0xb: {  	s31 =	simm.s32 $0xB00;
	s4 =	smul.u32 $0xA0000, s0;
	_ =	strace $0x80000047  }
0xc: {  	s7 =	ssub.s32 $0x2, s0;
	s0 =	sshll.u32 s0, $0x7;
	[dreg:$0x5] =	wrdreg s25  }
0xd: {  	[dreg:$0x6] =	wrdreg s26;
	s25 =	simm.s32 $0x880;
	s26 =	simm.s32 $0x900  }
0xe: {  	s21 =	sshrl.u32 s7, $0x1;
	s0 =	sor.u32 s0, s20;
	s22 =	sshrl.u32 s8, $0x2  }
0xf: {  	s8 =	simm.s32 $0x2;
	s20 =	simm.s32 $0x600;
	s4 =	sadd.s32 s6, s4  }
0x10: {  	s0 =	sshrl.u32 s0, $0x3;
	s6 =	sadd.s32 s22, s2;
	s22 =	simm.s32 $0x700  }
0x11: {  	s4 =	sadd.s32 $0x140000, s4;
	s0 =	sadd.s32 s5, s0;
	[dreg:$0x7] =	wrdreg s6  }
0x12: {  	s5 =	simm.s32 $0x0;
	s4 =	sshrl.u32 s4, $0x3;
	[dreg:$0x8] =	wrdreg s0  }
0x13: {  	s0 =	simm.s32 $0x1;
	s1 =	sadd.s32 s4, s1;
	s4 =	ssub.s32 s7, s21  }
0x14: {  	s21 =	simm.s32 $0x680;
	s7 =	simm.s32 $0xC00;
	s24 =	smax.u32 s4, $0x1  }
0x15: {  	s23 =	sadd.s32 $0x2600, s1;
	s1 =	simm.s32 $0xB80;
	[dreg:$0x9] =	wrdreg s24  }
0x16: {  	v0 =	vimm.f32 $0.0e+00;
	v1 =	vimm.f32 $1.000000000e+00;
	[dreg:$0x4] =	wrdreg s23;
	s23 =	simm.s32 $0x780;
	s24 =	simm.s32 $0x800  }
.LBB2_1:
0x17: {  	[tilespmem:$0x1080] =	vst v0  }
0x18: {  	[tilespmem:$0x1090] =	vst v0  }
0x19: {  	[tilespmem:$0x10A0] =	vst v0  }
0x1a: {  	[tilespmem:$0x10B0] =	vst v0  }
0x1b: {  	[tilespmem:$0x10C0] =	vst v0  }
0x1c: {  	[tilespmem:$0x10D0] =	vst v0  }
0x1d: {  	[tilespmem:$0x10E0] =	vst v0  }
0x1e: {  	[tilespmem:$0x10F0] =	vst v0  }
0x1f: {  	[tilespmem:$0x1100] =	vst v0  }
0x20: {  	[tilespmem:$0x1110] =	vst v0  }
0x21: {  	[tilespmem:$0x1120] =	vst v0  }
0x22: {  	[tilespmem:$0x1130] =	vst v0  }
0x23: {  	[tilespmem:$0x1140] =	vst v0  }
0x24: {  	[tilespmem:$0x1150] =	vst v0  }
0x25: {  	[tilespmem:$0x1160] =	vst v0  }
0x26: {  	[tilespmem:$0x1170] =	vst v0  }
0x27: {  	[tilespmem:$0x1180] =	vst v0  }
0x28: {  	[tilespmem:$0x1190] =	vst v0  }
0x29: {  	[tilespmem:$0x11A0] =	vst v0  }
0x2a: {  	[tilespmem:$0x11B0] =	vst v0  }
0x2b: {  	[tilespmem:$0x11C0] =	vst v0  }
0x2c: {  	[tilespmem:$0x11D0] =	vst v0  }
0x2d: {  	[tilespmem:$0x11E0] =	vst v0  }
0x2e: {  	[tilespmem:$0x11F0] =	vst v0  }
0x2f: {  	[tilespmem:$0x1200] =	vst v0  }
0x30: {  	[tilespmem:$0x1210] =	vst v0  }
0x31: {  	[tilespmem:$0x1220] =	vst v0  }
0x32: {  	[tilespmem:$0x1230] =	vst v0  }
0x33: {  	[tilespmem:$0x1240] =	vst v0  }
0x34: {  	[tilespmem:$0x1250] =	vst v0  }
0x35: {  	[tilespmem:$0x1260] =	vst v0  }
0x36: {  	[tilespmem:$0x1270] =	vst v0  }
0x37: {  	[tilespmem:$0x1280] =	vst v0  }
0x38: {  	[tilespmem:$0x1290] =	vst v0  }
0x39: {  	[tilespmem:$0x12A0] =	vst v0  }
0x3a: {  	[tilespmem:$0x12B0] =	vst v0  }
0x3b: {  	[tilespmem:$0x12C0] =	vst v0  }
0x3c: {  	[tilespmem:$0x12D0] =	vst v0  }
0x3d: {  	[tilespmem:$0x12E0] =	vst v0  }
0x3e: {  	[tilespmem:$0x12F0] =	vst v0  }
0x3f: {  	[tilespmem:$0x1000] =	vst v1  }
0x40: {  	[tilespmem:$0x1010] =	vst v1  }
0x41: {  	[dreg:$0xa] =	wrdreg s5;
	s4 =	simm.s32 $0x1080;
	[tilespmem:$0x1018] =	vst v1  }
0x42: {  	[spmem:s6] =	stream.linear.scatter [tilespmem:s4], [sflag:$0x2], $0x280, $0x38;
	[tilespmem:$0x1580] =	vst v63  }
0x43: {  	_ =	swait.ge [sflag:s8], $0x280  }
0x44: {  	[sflag:s8] =	ssyncset.done $0x0  }
0x45: {  	[sflag:s8] =	ssyncadd.s32 $0xFFFFFD80  }
0x46: {  	[bflag:$0x0] =	sbarrier.arrive $0xFFFF  }
0x47: {  	s11 =	rddreg [dreg:$0x4]  }
0x48: {  	s4 =	sadd.s32 $0x0, s11  }
0x49: {  	[tilespmem:s3], [sflag:$0x2] =	stream.linear.gather [hbm4b:s4+s3], $0xC80, $0x38;
	[tilespmem:$0x1580] =	vst v63  }
0x4a: {  	_ =	swait.ge [sflag:s8], $0xC80  }
0x4b: {  	[sflag:s8] =	ssyncset.done $0x0  }
0x4c: {  	[sflag:s8] =	ssyncadd.s32 $0xFFFFF380  }
0x4d: {  	[spmem:s2] =	stream.indirect.scatter.add.f32 [tilespmem:s10], [sflag:$0x1], $0x1, s3, s9, $0xb8;
	[tilespmem:$0x1580] =	vst v63  }
0x4e: {  	s5 =	rddreg [dreg:$0x5]  }
0x4f: {  	[spmem:s2] =	stream.indirect.scatter.add.f32 [tilespmem:s10], [sflag:$0x1], $0x1, s5, s9, $0xb8;
	[tilespmem:$0x1580] =	vst v63  }
0x50: {  	s6 =	rddreg [dreg:$0x6]  }
0x51: {  	[spmem:s2] =	stream.indirect.scatter.add.f32 [tilespmem:s10], [sflag:$0x1], $0x1, s6, s9, $0xb8;
	[tilespmem:$0x1580] =	vst v63  }
0x52: {  	s11 =	simm.s32 $0x180  }
0x53: {  	[spmem:s2] =	stream.indirect.scatter.add.f32 [tilespmem:s10], [sflag:$0x1], $0x1, s11, s9, $0xb8;
	[tilespmem:$0x1580] =	vst v63  }
0x54: {  	_ = 	snop  }
0x55: {  	[spmem:s2] =	stream.indirect.scatter.add.f32 [tilespmem:s10], [sflag:$0x1], $0x1, s12, s9, $0xb8;
	[tilespmem:$0x1580] =	vst v63  }
0x56: {  	_ = 	snop  }
0x57: {  	[spmem:s2] =	stream.indirect.scatter.add.f32 [tilespmem:s10], [sflag:$0x1], $0x1, s13, s9, $0xb8;
	[tilespmem:$0x1580] =	vst v63  }
0x58: {  	_ = 	snop  }
0x59: {  	[spmem:s2] =	stream.indirect.scatter.add.f32 [tilespmem:s10], [sflag:$0x1], $0x1, s14, s9, $0xb8;
	[tilespmem:$0x1580] =	vst v63  }
0x5a: {  	_ = 	snop  }
0x5b: {  	[spmem:s2] =	stream.indirect.scatter.add.f32 [tilespmem:s10], [sflag:$0x1], $0x1, s15, s9, $0xb8;
	[tilespmem:$0x1580] =	vst v63  }
0x5c: {  	_ = 	snop  }
0x5d: {  	[spmem:s2] =	stream.indirect.scatter.add.f32 [tilespmem:s10], [sflag:$0x1], $0x1, s16, s9, $0xb8;
	[tilespmem:$0x1580] =	vst v63  }
0x5e: {  	_ = 	snop  }
0x5f: {  	[spmem:s2] =	stream.indirect.scatter.add.f32 [tilespmem:s10], [sflag:$0x1], $0x1, s17, s9, $0xb8;
	[tilespmem:$0x1580] =	vst v63  }
0x60: {  	_ = 	snop  }
0x61: {  	[spmem:s2] =	stream.indirect.scatter.add.f32 [tilespmem:s10], [sflag:$0x1], $0x1, s18, s9, $0xb8;
	[tilespmem:$0x1580] =	vst v63  }
0x62: {  	_ = 	snop  }
0x63: {  	[spmem:s2] =	stream.indirect.scatter.add.f32 [tilespmem:s10], [sflag:$0x1], $0x1, s19, s9, $0xb8;
	[tilespmem:$0x1580] =	vst v63  }
0x64: {  	_ = 	snop  }
0x65: {  	[spmem:s2] =	stream.indirect.scatter.add.f32 [tilespmem:s10], [sflag:$0x1], $0x1, s20, s9, $0xb8;
	[tilespmem:$0x1580] =	vst v63  }
0x66: {  	_ = 	snop  }
0x67: {  	[spmem:s2] =	stream.indirect.scatter.add.f32 [tilespmem:s10], [sflag:$0x1], $0x1, s21, s9, $0xb8;
	[tilespmem:$0x1580] =	vst v63  }
0x68: {  	_ = 	snop  }
0x69: {  	[spmem:s2] =	stream.indirect.scatter.add.f32 [tilespmem:s10], [sflag:$0x1], $0x1, s22, s9, $0xb8;
	[tilespmem:$0x1580] =	vst v63  }
0x6a: {  	_ = 	snop  }
0x6b: {  	[spmem:s2] =	stream.indirect.scatter.add.f32 [tilespmem:s10], [sflag:$0x1], $0x1, s23, s9, $0xb8;
	[tilespmem:$0x1580] =	vst v63  }
0x6c: {  	_ = 	snop  }
0x6d: {  	[spmem:s2] =	stream.indirect.scatter.add.f32 [tilespmem:s10], [sflag:$0x1], $0x1, s24, s9, $0xb8;
	[tilespmem:$0x1580] =	vst v63  }
0x6e: {  	_ = 	snop  }
0x6f: {  	[spmem:s2] =	stream.indirect.scatter.add.f32 [tilespmem:s10], [sflag:$0x1], $0x1, s25, s9, $0xb8;
	[tilespmem:$0x1580] =	vst v63  }
0x70: {  	_ = 	snop  }
0x71: {  	[spmem:s2] =	stream.indirect.scatter.add.f32 [tilespmem:s10], [sflag:$0x1], $0x1, s26, s9, $0xb8;
	[tilespmem:$0x1580] =	vst v63  }
0x72: {  	_ = 	snop  }
0x73: {  	[spmem:s2] =	stream.indirect.scatter.add.f32 [tilespmem:s10], [sflag:$0x1], $0x1, s28, s9, $0xb8;
	[tilespmem:$0x1580] =	vst v63  }
0x74: {  	_ = 	snop  }
0x75: {  	[spmem:s2] =	stream.indirect.scatter.add.f32 [tilespmem:s10], [sflag:$0x1], $0x1, s29, s9, $0xb8;
	[tilespmem:$0x1580] =	vst v63  }
0x76: {  	_ = 	snop  }
0x77: {  	[spmem:s2] =	stream.indirect.scatter.add.f32 [tilespmem:s10], [sflag:$0x1], $0x1, s30, s9, $0xb8;
	[tilespmem:$0x1580] =	vst v63  }
0x78: {  	_ = 	snop  }
0x79: {  	[spmem:s2] =	stream.indirect.scatter.add.f32 [tilespmem:s10], [sflag:$0x1], $0x1, s31, s9, $0xb8;
	[tilespmem:$0x1580] =	vst v63  }
0x7a: {  	_ = 	snop  }
0x7b: {  	[spmem:s2] =	stream.indirect.scatter.add.f32 [tilespmem:s10], [sflag:$0x1], $0x1, s1, s9, $0xb8;
	[tilespmem:$0x1580] =	vst v63  }
0x7c: {  	_ = 	snop  }
0x7d: {  	[spmem:s2] =	stream.indirect.scatter.add.f32 [tilespmem:s10], [sflag:$0x1], $0x1, s7, s9, $0xb8;
	[tilespmem:$0x1580] =	vst v63  }
0x7e: {  	_ =	swait.ge [sflag:s0], $0x28  }
0x7f: {  	[sflag:s0] =	ssyncset.done $0x0  }
0x80: {  	[sflag:s0] =	ssyncadd.s32 $0xFFFFFFD8  }
0x81: {  	_ =	swait.ge [sflag:s0], $0x28  }
0x82: {  	[sflag:s0] =	ssyncset.done $0x0  }
0x83: {  	[sflag:s0] =	ssyncadd.s32 $0xFFFFFFD8  }
0x84: {  	_ =	swait.ge [sflag:s0], $0x28  }
0x85: {  	[sflag:s0] =	ssyncset.done $0x0  }
0x86: {  	[sflag:s0] =	ssyncadd.s32 $0xFFFFFFD8  }
0x87: {  	_ =	swait.ge [sflag:s0], $0x28  }
0x88: {  	[sflag:s0] =	ssyncset.done $0x0  }
0x89: {  	[sflag:s0] =	ssyncadd.s32 $0xFFFFFFD8  }
0x8a: {  	_ =	swait.ge [sflag:s0], $0x28  }
0x8b: {  	[sflag:s0] =	ssyncset.done $0x0  }
0x8c: {  	[sflag:s0] =	ssyncadd.s32 $0xFFFFFFD8  }
0x8d: {  	_ =	swait.ge [sflag:s0], $0x28  }
0x8e: {  	[sflag:s0] =	ssyncset.done $0x0  }
0x8f: {  	[sflag:s0] =	ssyncadd.s32 $0xFFFFFFD8  }
0x90: {  	_ =	swait.ge [sflag:s0], $0x28  }
0x91: {  	[sflag:s0] =	ssyncset.done $0x0  }
0x92: {  	[sflag:s0] =	ssyncadd.s32 $0xFFFFFFD8  }
0x93: {  	_ =	swait.ge [sflag:s0], $0x28  }
0x94: {  	[sflag:s0] =	ssyncset.done $0x0  }
0x95: {  	[sflag:s0] =	ssyncadd.s32 $0xFFFFFFD8  }
0x96: {  	_ =	swait.ge [sflag:s0], $0x28  }
0x97: {  	[sflag:s0] =	ssyncset.done $0x0  }
0x98: {  	[sflag:s0] =	ssyncadd.s32 $0xFFFFFFD8  }
0x99: {  	_ =	swait.ge [sflag:s0], $0x28  }
0x9a: {  	[sflag:s0] =	ssyncset.done $0x0  }
0x9b: {  	[sflag:s0] =	ssyncadd.s32 $0xFFFFFFD8  }
0x9c: {  	_ =	swait.ge [sflag:s0], $0x28  }
0x9d: {  	[sflag:s0] =	ssyncset.done $0x0  }
0x9e: {  	[sflag:s0] =	ssyncadd.s32 $0xFFFFFFD8  }
0x9f: {  	_ =	swait.ge [sflag:s0], $0x28  }
0xa0: {  	[sflag:s0] =	ssyncset.done $0x0  }
0xa1: {  	[sflag:s0] =	ssyncadd.s32 $0xFFFFFFD8  }
0xa2: {  	_ =	swait.ge [sflag:s0], $0x28  }
0xa3: {  	[sflag:s0] =	ssyncset.done $0x0  }
0xa4: {  	[sflag:s0] =	ssyncadd.s32 $0xFFFFFFD8  }
0xa5: {  	_ =	swait.ge [sflag:s0], $0x28  }
0xa6: {  	[sflag:s0] =	ssyncset.done $0x0  }
0xa7: {  	[sflag:s0] =	ssyncadd.s32 $0xFFFFFFD8  }
0xa8: {  	_ =	swait.ge [sflag:s0], $0x28  }
0xa9: {  	[sflag:s0] =	ssyncset.done $0x0  }
0xaa: {  	[sflag:s0] =	ssyncadd.s32 $0xFFFFFFD8  }
0xab: {  	_ =	swait.ge [sflag:s0], $0x28  }
0xac: {  	[sflag:s0] =	ssyncset.done $0x0  }
0xad: {  	[sflag:s0] =	ssyncadd.s32 $0xFFFFFFD8  }
0xae: {  	_ =	swait.ge [sflag:s0], $0x28  }
0xaf: {  	[sflag:s0] =	ssyncset.done $0x0  }
0xb0: {  	[sflag:s0] =	ssyncadd.s32 $0xFFFFFFD8  }
0xb1: {  	_ =	swait.ge [sflag:s0], $0x28  }
0xb2: {  	[sflag:s0] =	ssyncset.done $0x0  }
0xb3: {  	[sflag:s0] =	ssyncadd.s32 $0xFFFFFFD8  }
0xb4: {  	_ =	swait.ge [sflag:s0], $0x28  }
0xb5: {  	[sflag:s0] =	ssyncset.done $0x0  }
0xb6: {  	[sflag:s0] =	ssyncadd.s32 $0xFFFFFFD8  }
0xb7: {  	_ =	swait.ge [sflag:s0], $0x28  }
0xb8: {  	[sflag:s0] =	ssyncset.done $0x0  }
0xb9: {  	[sflag:s0] =	ssyncadd.s32 $0xFFFFFFD8  }
0xba: {  	_ =	swait.ge [sflag:s0], $0x28  }
0xbb: {  	[sflag:s0] =	ssyncset.done $0x0  }
0xbc: {  	[sflag:s0] =	ssyncadd.s32 $0xFFFFFFD8  }
0xbd: {  	_ =	swait.ge [sflag:s0], $0x28  }
0xbe: {  	[sflag:s0] =	ssyncset.done $0x0  }
0xbf: {  	[sflag:s0] =	ssyncadd.s32 $0xFFFFFFD8  }
0xc0: {  	_ =	swait.ge [sflag:s0], $0x28  }
0xc1: {  	[sflag:s0] =	ssyncset.done $0x0  }
0xc2: {  	[sflag:s0] =	ssyncadd.s32 $0xFFFFFFD8  }
0xc3: {  	_ =	swait.ge [sflag:s0], $0x28  }
0xc4: {  	[sflag:s0] =	ssyncset.done $0x0  }
0xc5: {  	[sflag:s0] =	ssyncadd.s32 $0xFFFFFFD8  }
0xc6: {  	s4 =	simm.s32 $0x400;
	_ =	swait.ge [sflag:s0], $0x28  }
0xc7: {  	s6 =	simm.s32 $0x200;
	s5 =	rddreg [dreg:$0x4];
	[sflag:s0] =	ssyncset.done $0x0  }
.LBB2_2:
0xc8: {  	[sflag:s0] =	ssyncadd.s32 $0xFFFFFFD8;
	s5 =	sadd.s32 s6, s5  }
0xc9: {  	[tilespmem:s3], [sflag:$0x2] =	stream.linear.gather [hbm4b:s5+s3], $0xC80, $0x38;
	[tilespmem:$0x1580] =	vst v63  }
0xca: {  	_ =	swait.ge [sflag:s8], $0xC80  }
0xcb: {  	[sflag:s8] =	ssyncset.done $0x0  }
0xcc: {  	[sflag:s8] =	ssyncadd.s32 $0xFFFFF380  }
0xcd: {  	[spmem:s2] =	stream.indirect.scatter.add.f32 [tilespmem:s10], [sflag:$0x1], $0x1, s3, s9, $0xb8;
	[tilespmem:$0x1580] =	vst v63  }
0xce: {  	s11 =	smov.u32 s4;
	s5 =	rddreg [dreg:$0x5]  }
0xcf: {  	[spmem:s2] =	stream.indirect.scatter.add.f32 [tilespmem:s10], [sflag:$0x1], $0x1, s5, s9, $0xb8;
	[tilespmem:$0x1580] =	vst v63  }
0xd0: {  	s6 =	smov.u32 s11;
	s11 =	rddreg [dreg:$0x6]  }
0xd1: {  	[spmem:s2] =	stream.indirect.scatter.add.f32 [tilespmem:s10], [sflag:$0x1], $0x1, s11, s9, $0xb8;
	[tilespmem:$0x1580] =	vst v63  }
0xd2: {  	s11 =	simm.s32 $0x180  }
0xd3: {  	[spmem:s2] =	stream.indirect.scatter.add.f32 [tilespmem:s10], [sflag:$0x1], $0x1, s11, s9, $0xb8;
	[tilespmem:$0x1580] =	vst v63  }
0xd4: {  	_ = 	snop  }
0xd5: {  	[spmem:s2] =	stream.indirect.scatter.add.f32 [tilespmem:s10], [sflag:$0x1], $0x1, s12, s9, $0xb8;
	[tilespmem:$0x1580] =	vst v63  }
0xd6: {  	_ = 	snop  }
0xd7: {  	[spmem:s2] =	stream.indirect.scatter.add.f32 [tilespmem:s10], [sflag:$0x1], $0x1, s13, s9, $0xb8;
	[tilespmem:$0x1580] =	vst v63  }
0xd8: {  	_ = 	snop  }
0xd9: {  	[spmem:s2] =	stream.indirect.scatter.add.f32 [tilespmem:s10], [sflag:$0x1], $0x1, s14, s9, $0xb8;
	[tilespmem:$0x1580] =	vst v63  }
0xda: {  	_ = 	snop  }
0xdb: {  	[spmem:s2] =	stream.indirect.scatter.add.f32 [tilespmem:s10], [sflag:$0x1], $0x1, s15, s9, $0xb8;
	[tilespmem:$0x1580] =	vst v63  }
0xdc: {  	_ = 	snop  }
0xdd: {  	[spmem:s2] =	stream.indirect.scatter.add.f32 [tilespmem:s10], [sflag:$0x1], $0x1, s16, s9, $0xb8;
	[tilespmem:$0x1580] =	vst v63  }
0xde: {  	_ = 	snop  }
0xdf: {  	[spmem:s2] =	stream.indirect.scatter.add.f32 [tilespmem:s10], [sflag:$0x1], $0x1, s17, s9, $0xb8;
	[tilespmem:$0x1580] =	vst v63  }
0xe0: {  	_ = 	snop  }
0xe1: {  	[spmem:s2] =	stream.indirect.scatter.add.f32 [tilespmem:s10], [sflag:$0x1], $0x1, s18, s9, $0xb8;
	[tilespmem:$0x1580] =	vst v63  }
0xe2: {  	_ = 	snop  }
0xe3: {  	[spmem:s2] =	stream.indirect.scatter.add.f32 [tilespmem:s10], [sflag:$0x1], $0x1, s19, s9, $0xb8;
	[tilespmem:$0x1580] =	vst v63  }
0xe4: {  	_ = 	snop  }
0xe5: {  	[spmem:s2] =	stream.indirect.scatter.add.f32 [tilespmem:s10], [sflag:$0x1], $0x1, s20, s9, $0xb8;
	[tilespmem:$0x1580] =	vst v63  }
0xe6: {  	_ = 	snop  }
0xe7: {  	[spmem:s2] =	stream.indirect.scatter.add.f32 [tilespmem:s10], [sflag:$0x1], $0x1, s21, s9, $0xb8;
	[tilespmem:$0x1580] =	vst v63  }
0xe8: {  	_ = 	snop  }
0xe9: {  	[spmem:s2] =	stream.indirect.scatter.add.f32 [tilespmem:s10], [sflag:$0x1], $0x1, s22, s9, $0xb8;
	[tilespmem:$0x1580] =	vst v63  }
0xea: {  	_ = 	snop  }
0xeb: {  	[spmem:s2] =	stream.indirect.scatter.add.f32 [tilespmem:s10], [sflag:$0x1], $0x1, s23, s9, $0xb8;
	[tilespmem:$0x1580] =	vst v63  }
0xec: {  	_ = 	snop  }
0xed: {  	[spmem:s2] =	stream.indirect.scatter.add.f32 [tilespmem:s10], [sflag:$0x1], $0x1, s24, s9, $0xb8;
	[tilespmem:$0x1580] =	vst v63  }
0xee: {  	_ = 	snop  }
0xef: {  	[spmem:s2] =	stream.indirect.scatter.add.f32 [tilespmem:s10], [sflag:$0x1], $0x1, s25, s9, $0xb8;
	[tilespmem:$0x1580] =	vst v63  }
0xf0: {  	_ = 	snop  }
0xf1: {  	[spmem:s2] =	stream.indirect.scatter.add.f32 [tilespmem:s10], [sflag:$0x1], $0x1, s26, s9, $0xb8;
	[tilespmem:$0x1580] =	vst v63  }
0xf2: {  	_ = 	snop  }
0xf3: {  	[spmem:s2] =	stream.indirect.scatter.add.f32 [tilespmem:s10], [sflag:$0x1], $0x1, s28, s9, $0xb8;
	[tilespmem:$0x1580] =	vst v63  }
0xf4: {  	_ = 	snop  }
0xf5: {  	[spmem:s2] =	stream.indirect.scatter.add.f32 [tilespmem:s10], [sflag:$0x1], $0x1, s29, s9, $0xb8;
	[tilespmem:$0x1580] =	vst v63  }
0xf6: {  	_ = 	snop  }
0xf7: {  	[spmem:s2] =	stream.indirect.scatter.add.f32 [tilespmem:s10], [sflag:$0x1], $0x1, s30, s9, $0xb8;
	[tilespmem:$0x1580] =	vst v63  }
0xf8: {  	_ = 	snop  }
0xf9: {  	[spmem:s2] =	stream.indirect.scatter.add.f32 [tilespmem:s10], [sflag:$0x1], $0x1, s31, s9, $0xb8;
	[tilespmem:$0x1580] =	vst v63  }
0xfa: {  	_ = 	snop  }
0xfb: {  	[spmem:s2] =	stream.indirect.scatter.add.f32 [tilespmem:s10], [sflag:$0x1], $0x1, s1, s9, $0xb8;
	[tilespmem:$0x1580] =	vst v63  }
0xfc: {  	_ = 	snop  }
0xfd: {  	[spmem:s2] =	stream.indirect.scatter.add.f32 [tilespmem:s10], [sflag:$0x1], $0x1, s7, s9, $0xb8;
	[tilespmem:$0x1580] =	vst v63  }
0xfe: {  	_ =	swait.ge [sflag:s0], $0x28  }
0xff: {  	[sflag:s0] =	ssyncset.done $0x0  }
0x100: {  	[sflag:s0] =	ssyncadd.s32 $0xFFFFFFD8  }
0x101: {  	_ =	swait.ge [sflag:s0], $0x28  }
0x102: {  	[sflag:s0] =	ssyncset.done $0x0  }
0x103: {  	[sflag:s0] =	ssyncadd.s32 $0xFFFFFFD8  }
0x104: {  	_ =	swait.ge [sflag:s0], $0x28  }
0x105: {  	[sflag:s0] =	ssyncset.done $0x0  }
0x106: {  	[sflag:s0] =	ssyncadd.s32 $0xFFFFFFD8  }
0x107: {  	_ =	swait.ge [sflag:s0], $0x28  }
0x108: {  	[sflag:s0] =	ssyncset.done $0x0  }
0x109: {  	[sflag:s0] =	ssyncadd.s32 $0xFFFFFFD8  }
0x10a: {  	_ =	swait.ge [sflag:s0], $0x28  }
0x10b: {  	[sflag:s0] =	ssyncset.done $0x0  }
0x10c: {  	[sflag:s0] =	ssyncadd.s32 $0xFFFFFFD8  }
0x10d: {  	_ =	swait.ge [sflag:s0], $0x28  }
0x10e: {  	[sflag:s0] =	ssyncset.done $0x0  }
0x10f: {  	[sflag:s0] =	ssyncadd.s32 $0xFFFFFFD8  }
0x110: {  	_ =	swait.ge [sflag:s0], $0x28  }
0x111: {  	[sflag:s0] =	ssyncset.done $0x0  }
0x112: {  	[sflag:s0] =	ssyncadd.s32 $0xFFFFFFD8  }
0x113: {  	_ =	swait.ge [sflag:s0], $0x28  }
0x114: {  	[sflag:s0] =	ssyncset.done $0x0  }
0x115: {  	[sflag:s0] =	ssyncadd.s32 $0xFFFFFFD8  }
0x116: {  	_ =	swait.ge [sflag:s0], $0x28  }
0x117: {  	[sflag:s0] =	ssyncset.done $0x0  }
0x118: {  	[sflag:s0] =	ssyncadd.s32 $0xFFFFFFD8  }
0x119: {  	_ =	swait.ge [sflag:s0], $0x28  }
0x11a: {  	[sflag:s0] =	ssyncset.done $0x0  }
0x11b: {  	[sflag:s0] =	ssyncadd.s32 $0xFFFFFFD8  }
0x11c: {  	_ =	swait.ge [sflag:s0], $0x28  }
0x11d: {  	[sflag:s0] =	ssyncset.done $0x0  }
0x11e: {  	[sflag:s0] =	ssyncadd.s32 $0xFFFFFFD8  }
0x11f: {  	_ =	swait.ge [sflag:s0], $0x28  }
0x120: {  	[sflag:s0] =	ssyncset.done $0x0  }
0x121: {  	[sflag:s0] =	ssyncadd.s32 $0xFFFFFFD8  }
0x122: {  	_ =	swait.ge [sflag:s0], $0x28  }
0x123: {  	[sflag:s0] =	ssyncset.done $0x0  }
0x124: {  	[sflag:s0] =	ssyncadd.s32 $0xFFFFFFD8  }
0x125: {  	_ =	swait.ge [sflag:s0], $0x28  }
0x126: {  	[sflag:s0] =	ssyncset.done $0x0  }
0x127: {  	[sflag:s0] =	ssyncadd.s32 $0xFFFFFFD8  }
0x128: {  	_ =	swait.ge [sflag:s0], $0x28  }
0x129: {  	[sflag:s0] =	ssyncset.done $0x0  }
0x12a: {  	[sflag:s0] =	ssyncadd.s32 $0xFFFFFFD8  }
0x12b: {  	_ =	swait.ge [sflag:s0], $0x28  }
0x12c: {  	[sflag:s0] =	ssyncset.done $0x0  }
0x12d: {  	[sflag:s0] =	ssyncadd.s32 $0xFFFFFFD8  }
0x12e: {  	_ =	swait.ge [sflag:s0], $0x28  }
0x12f: {  	[sflag:s0] =	ssyncset.done $0x0  }
0x130: {  	[sflag:s0] =	ssyncadd.s32 $0xFFFFFFD8  }
0x131: {  	_ =	swait.ge [sflag:s0], $0x28  }
0x132: {  	[sflag:s0] =	ssyncset.done $0x0  }
0x133: {  	[sflag:s0] =	ssyncadd.s32 $0xFFFFFFD8  }
0x134: {  	_ =	swait.ge [sflag:s0], $0x28  }
0x135: {  	[sflag:s0] =	ssyncset.done $0x0  }
0x136: {  	[sflag:s0] =	ssyncadd.s32 $0xFFFFFFD8  }
0x137: {  	_ =	swait.ge [sflag:s0], $0x28  }
0x138: {  	[sflag:s0] =	ssyncset.done $0x0  }
0x139: {  	[sflag:s0] =	ssyncadd.s32 $0xFFFFFFD8  }
0x13a: {  	_ =	swait.ge [sflag:s0], $0x28  }
0x13b: {  	[sflag:s0] =	ssyncset.done $0x0  }
0x13c: {  	[sflag:s0] =	ssyncadd.s32 $0xFFFFFFD8  }
0x13d: {  	_ =	swait.ge [sflag:s0], $0x28  }
0x13e: {  	[sflag:s0] =	ssyncset.done $0x0  }
0x13f: {  	[sflag:s0] =	ssyncadd.s32 $0xFFFFFFD8  }
0x140: {  	_ =	swait.ge [sflag:s0], $0x28  }
0x141: {  	[sflag:s0] =	ssyncset.done $0x0  }
0x142: {  	p0 =	sne.s32 s4, $0x1200;
	[sflag:s0] =	ssyncadd.s32 $0xFFFFFFD8  }
.Ltmp0:
0x143: {  	_ =	swait.ge [sflag:s0], $0x28;
	(pc) =	sbr.rel @p0 .LBB2_2-.Ltmp0, $4  }
0x144: {  	[sflag:s0] =	ssyncset.done $0x0  }
0x145: {  	[sflag:s0] =	ssyncadd.s32 $0xFFFFFFD8  }
0x146: {  	_ =	swait.ge [sflag:s0], $0x28  }
0x147: {  	s4 =	sadd.s32 $0x200, s4;
	s5 =	rddreg [dreg:$0x4];
	[sflag:s0] =	ssyncset.done $0x0  }
0x148: {  	[sflag:s0] =	ssyncadd.s32 $0xFFFFFFD8;
	s4 =	sadd.s32 s6, s5  }
0x149: {  	[tilespmem:s3], [sflag:$0x2] =	stream.linear.gather [hbm4b:s4+s3], $0xC80, $0x38;
	[tilespmem:$0x1580] =	vst v63  }
0x14a: {  	_ =	swait.ge [sflag:s8], $0xC80  }
0x14b: {  	[sflag:s8] =	ssyncset.done $0x0  }
0x14c: {  	[sflag:s8] =	ssyncadd.s32 $0xFFFFF380  }
0x14d: {  	[spmem:s2] =	stream.indirect.scatter.add.f32 [tilespmem:s10], [sflag:$0x1], $0x1, s3, s9, $0xb8;
	[tilespmem:$0x1580] =	vst v63  }
0x14e: {  	s6 =	rddreg [dreg:$0x5]  }
0x14f: {  	[spmem:s2] =	stream.indirect.scatter.add.f32 [tilespmem:s10], [sflag:$0x1], $0x1, s6, s9, $0xb8;
	[tilespmem:$0x1580] =	vst v63  }
0x150: {  	s11 =	rddreg [dreg:$0x6]  }
0x151: {  	[spmem:s2] =	stream.indirect.scatter.add.f32 [tilespmem:s10], [sflag:$0x1], $0x1, s11, s9, $0xb8;
	[tilespmem:$0x1580] =	vst v63  }
0x152: {  	s6 =	simm.s32 $0x180  }
0x153: {  	[spmem:s2] =	stream.indirect.scatter.add.f32 [tilespmem:s10], [sflag:$0x1], $0x1, s6, s9, $0xb8;
	[tilespmem:$0x1580] =	vst v63  }
0x154: {  	_ = 	snop  }
0x155: {  	[spmem:s2] =	stream.indirect.scatter.add.f32 [tilespmem:s10], [sflag:$0x1], $0x1, s12, s9, $0xb8;
	[tilespmem:$0x1580] =	vst v63  }
0x156: {  	_ = 	snop  }
0x157: {  	[spmem:s2] =	stream.indirect.scatter.add.f32 [tilespmem:s10], [sflag:$0x1], $0x1, s13, s9, $0xb8;
	[tilespmem:$0x1580] =	vst v63  }
0x158: {  	_ = 	snop  }
0x159: {  	[spmem:s2] =	stream.indirect.scatter.add.f32 [tilespmem:s10], [sflag:$0x1], $0x1, s14, s9, $0xb8;
	[tilespmem:$0x1580] =	vst v63  }
0x15a: {  	_ = 	snop  }
0x15b: {  	[spmem:s2] =	stream.indirect.scatter.add.f32 [tilespmem:s10], [sflag:$0x1], $0x1, s15, s9, $0xb8;
	[tilespmem:$0x1580] =	vst v63  }
0x15c: {  	_ = 	snop  }
0x15d: {  	[spmem:s2] =	stream.indirect.scatter.add.f32 [tilespmem:s10], [sflag:$0x1], $0x1, s16, s9, $0xb8;
	[tilespmem:$0x1580] =	vst v63  }
0x15e: {  	_ = 	snop  }
0x15f: {  	[spmem:s2] =	stream.indirect.scatter.add.f32 [tilespmem:s10], [sflag:$0x1], $0x1, s17, s9, $0xb8;
	[tilespmem:$0x1580] =	vst v63  }
0x160: {  	_ = 	snop  }
0x161: {  	[spmem:s2] =	stream.indirect.scatter.add.f32 [tilespmem:s10], [sflag:$0x1], $0x1, s18, s9, $0xb8;
	[tilespmem:$0x1580] =	vst v63  }
0x162: {  	_ = 	snop  }
0x163: {  	[spmem:s2] =	stream.indirect.scatter.add.f32 [tilespmem:s10], [sflag:$0x1], $0x1, s19, s9, $0xb8;
	[tilespmem:$0x1580] =	vst v63  }
0x164: {  	_ = 	snop  }
0x165: {  	[spmem:s2] =	stream.indirect.scatter.add.f32 [tilespmem:s10], [sflag:$0x1], $0x1, s20, s9, $0xb8;
	[tilespmem:$0x1580] =	vst v63  }
0x166: {  	_ = 	snop  }
0x167: {  	[spmem:s2] =	stream.indirect.scatter.add.f32 [tilespmem:s10], [sflag:$0x1], $0x1, s21, s9, $0xb8;
	[tilespmem:$0x1580] =	vst v63  }
0x168: {  	_ = 	snop  }
0x169: {  	[spmem:s2] =	stream.indirect.scatter.add.f32 [tilespmem:s10], [sflag:$0x1], $0x1, s22, s9, $0xb8;
	[tilespmem:$0x1580] =	vst v63  }
0x16a: {  	_ = 	snop  }
0x16b: {  	[spmem:s2] =	stream.indirect.scatter.add.f32 [tilespmem:s10], [sflag:$0x1], $0x1, s23, s9, $0xb8;
	[tilespmem:$0x1580] =	vst v63  }
0x16c: {  	_ = 	snop  }
0x16d: {  	[spmem:s2] =	stream.indirect.scatter.add.f32 [tilespmem:s10], [sflag:$0x1], $0x1, s24, s9, $0xb8;
	[tilespmem:$0x1580] =	vst v63  }
0x16e: {  	_ = 	snop  }
0x16f: {  	[spmem:s2] =	stream.indirect.scatter.add.f32 [tilespmem:s10], [sflag:$0x1], $0x1, s25, s9, $0xb8;
	[tilespmem:$0x1580] =	vst v63  }
0x170: {  	_ = 	snop  }
0x171: {  	[spmem:s2] =	stream.indirect.scatter.add.f32 [tilespmem:s10], [sflag:$0x1], $0x1, s26, s9, $0xb8;
	[tilespmem:$0x1580] =	vst v63  }
0x172: {  	_ = 	snop  }
0x173: {  	[spmem:s2] =	stream.indirect.scatter.add.f32 [tilespmem:s10], [sflag:$0x1], $0x1, s28, s9, $0xb8;
	[tilespmem:$0x1580] =	vst v63  }
0x174: {  	_ = 	snop  }
0x175: {  	[spmem:s2] =	stream.indirect.scatter.add.f32 [tilespmem:s10], [sflag:$0x1], $0x1, s29, s9, $0xb8;
	[tilespmem:$0x1580] =	vst v63  }
0x176: {  	_ = 	snop  }
0x177: {  	[spmem:s2] =	stream.indirect.scatter.add.f32 [tilespmem:s10], [sflag:$0x1], $0x1, s30, s9, $0xb8;
	[tilespmem:$0x1580] =	vst v63  }
0x178: {  	_ = 	snop  }
0x179: {  	[spmem:s2] =	stream.indirect.scatter.add.f32 [tilespmem:s10], [sflag:$0x1], $0x1, s31, s9, $0xb8;
	[tilespmem:$0x1580] =	vst v63  }
0x17a: {  	_ = 	snop  }
0x17b: {  	[spmem:s2] =	stream.indirect.scatter.add.f32 [tilespmem:s10], [sflag:$0x1], $0x1, s1, s9, $0xb8;
	[tilespmem:$0x1580] =	vst v63  }
0x17c: {  	_ = 	snop  }
0x17d: {  	[spmem:s2] =	stream.indirect.scatter.add.f32 [tilespmem:s10], [sflag:$0x1], $0x1, s7, s9, $0xb8;
	[tilespmem:$0x1580] =	vst v63  }
0x17e: {  	_ =	swait.ge [sflag:s0], $0x28  }
0x17f: {  	[sflag:s0] =	ssyncset.done $0x0  }
0x180: {  	[sflag:s0] =	ssyncadd.s32 $0xFFFFFFD8  }
0x181: {  	_ =	swait.ge [sflag:s0], $0x28  }
0x182: {  	[sflag:s0] =	ssyncset.done $0x0  }
0x183: {  	[sflag:s0] =	ssyncadd.s32 $0xFFFFFFD8  }
0x184: {  	_ =	swait.ge [sflag:s0], $0x28  }
0x185: {  	[sflag:s0] =	ssyncset.done $0x0  }
0x186: {  	[sflag:s0] =	ssyncadd.s32 $0xFFFFFFD8  }
0x187: {  	_ =	swait.ge [sflag:s0], $0x28  }
0x188: {  	[sflag:s0] =	ssyncset.done $0x0  }
0x189: {  	[sflag:s0] =	ssyncadd.s32 $0xFFFFFFD8  }
0x18a: {  	_ =	swait.ge [sflag:s0], $0x28  }
0x18b: {  	[sflag:s0] =	ssyncset.done $0x0  }
0x18c: {  	[sflag:s0] =	ssyncadd.s32 $0xFFFFFFD8  }
0x18d: {  	_ =	swait.ge [sflag:s0], $0x28  }
0x18e: {  	[sflag:s0] =	ssyncset.done $0x0  }
0x18f: {  	[sflag:s0] =	ssyncadd.s32 $0xFFFFFFD8  }
0x190: {  	_ =	swait.ge [sflag:s0], $0x28  }
0x191: {  	[sflag:s0] =	ssyncset.done $0x0  }
0x192: {  	[sflag:s0] =	ssyncadd.s32 $0xFFFFFFD8  }
0x193: {  	_ =	swait.ge [sflag:s0], $0x28  }
0x194: {  	[sflag:s0] =	ssyncset.done $0x0  }
0x195: {  	[sflag:s0] =	ssyncadd.s32 $0xFFFFFFD8  }
0x196: {  	_ =	swait.ge [sflag:s0], $0x28  }
0x197: {  	[sflag:s0] =	ssyncset.done $0x0  }
0x198: {  	[sflag:s0] =	ssyncadd.s32 $0xFFFFFFD8  }
0x199: {  	_ =	swait.ge [sflag:s0], $0x28  }
0x19a: {  	[sflag:s0] =	ssyncset.done $0x0  }
0x19b: {  	[sflag:s0] =	ssyncadd.s32 $0xFFFFFFD8  }
0x19c: {  	_ =	swait.ge [sflag:s0], $0x28  }
0x19d: {  	[sflag:s0] =	ssyncset.done $0x0  }
0x19e: {  	[sflag:s0] =	ssyncadd.s32 $0xFFFFFFD8  }
0x19f: {  	_ =	swait.ge [sflag:s0], $0x28  }
0x1a0: {  	[sflag:s0] =	ssyncset.done $0x0  }
0x1a1: {  	[sflag:s0] =	ssyncadd.s32 $0xFFFFFFD8  }
0x1a2: {  	_ =	swait.ge [sflag:s0], $0x28  }
0x1a3: {  	[sflag:s0] =	ssyncset.done $0x0  }
0x1a4: {  	[sflag:s0] =	ssyncadd.s32 $0xFFFFFFD8  }
0x1a5: {  	_ =	swait.ge [sflag:s0], $0x28  }
0x1a6: {  	[sflag:s0] =	ssyncset.done $0x0  }
0x1a7: {  	[sflag:s0] =	ssyncadd.s32 $0xFFFFFFD8  }
0x1a8: {  	_ =	swait.ge [sflag:s0], $0x28  }
0x1a9: {  	[sflag:s0] =	ssyncset.done $0x0  }
0x1aa: {  	[sflag:s0] =	ssyncadd.s32 $0xFFFFFFD8  }
0x1ab: {  	_ =	swait.ge [sflag:s0], $0x28  }
0x1ac: {  	[sflag:s0] =	ssyncset.done $0x0  }
0x1ad: {  	[sflag:s0] =	ssyncadd.s32 $0xFFFFFFD8  }
0x1ae: {  	_ =	swait.ge [sflag:s0], $0x28  }
0x1af: {  	[sflag:s0] =	ssyncset.done $0x0  }
0x1b0: {  	[sflag:s0] =	ssyncadd.s32 $0xFFFFFFD8  }
0x1b1: {  	_ =	swait.ge [sflag:s0], $0x28  }
0x1b2: {  	[sflag:s0] =	ssyncset.done $0x0  }
0x1b3: {  	[sflag:s0] =	ssyncadd.s32 $0xFFFFFFD8  }
0x1b4: {  	_ =	swait.ge [sflag:s0], $0x28  }
0x1b5: {  	[sflag:s0] =	ssyncset.done $0x0  }
0x1b6: {  	[sflag:s0] =	ssyncadd.s32 $0xFFFFFFD8  }
0x1b7: {  	_ =	swait.ge [sflag:s0], $0x28  }
0x1b8: {  	[sflag:s0] =	ssyncset.done $0x0  }
0x1b9: {  	[sflag:s0] =	ssyncadd.s32 $0xFFFFFFD8  }
0x1ba: {  	_ =	swait.ge [sflag:s0], $0x28  }
0x1bb: {  	[sflag:s0] =	ssyncset.done $0x0  }
0x1bc: {  	[sflag:s0] =	ssyncadd.s32 $0xFFFFFFD8  }
0x1bd: {  	_ =	swait.ge [sflag:s0], $0x28  }
0x1be: {  	[sflag:s0] =	ssyncset.done $0x0  }
0x1bf: {  	[sflag:s0] =	ssyncadd.s32 $0xFFFFFFD8  }
0x1c0: {  	_ =	swait.ge [sflag:s0], $0x28  }
0x1c1: {  	[sflag:s0] =	ssyncset.done $0x0  }
0x1c2: {  	[sflag:s0] =	ssyncadd.s32 $0xFFFFFFD8  }
0x1c3: {  	_ =	swait.ge [sflag:s0], $0x28  }
0x1c4: {  	[sflag:s0] =	ssyncset.done $0x0  }
0x1c5: {  	[sflag:s0] =	ssyncadd.s32 $0xFFFFFFD8  }
0x1c6: {  	_ =	swait.ge [sflag:s0], $0x28  }
0x1c7: {  	s11 =	stileid.u32;
	[sflag:s0] =	ssyncset.done $0x0  }
0x1c8: {  	s4 =	sshll.u32 s11, $0x6;
	[sflag:s0] =	ssyncadd.s32 $0xFFFFFFD8  }
0x1c9: {  	s4 =	sor.u32 $0x1C02, s4;
	[bflag:$0x0] =	sbarrier.arrive $0xFFFF  }
0x1ca: {  	[dreg:$0xb] =	wrdreg s4  }
0x1cb: {  	s12 =	rddreg [dreg:$0x7]  }
0x1cc: {  	s6 =	simm.s32 $0x20;
	s11 =	rddreg [dreg:$0x8]  }
0x1cd: {  	s4 =	simm.s32 $0x10;
	s5 =	sshrl.u32 s12, $0x3;
	s12 =	rddreg [dreg:$0xb]  }
0x1ce: {  	[hbm:s11@s6], [sflag:s12] =	dma.strided [spmem:s5@s4], $0x50, s0, $0x10   }
0x1cf: {  	s6 =	rddreg [dreg:$0x7];
	_ =	swait.ge [sflag:s8], $0x50  }
0x1d0: {  	s4 =	rddreg [dreg:$0xa]  }
0x1d1: {  	s11 =	rddreg [dreg:$0x9];
	s5 =	sadd.s32 $0x1, s4  }
0x1d2: {  	p0 =	sne.s32 s5, s11  }
.Ltmp1:
0x1d3: {  	_ = 	snop;
	(pc) =	sbr.rel @p0 .LBB2_1-.Ltmp1, $3  }
0x1d4: {  	_ =	sdelay $0x1  }
0x1d5: {  	[sflag:s8] =	ssyncset.done $0x0  }
0x1d6: {  	s12 =	simm.s32 $0x200;
	[sflag:s8] =	ssyncadd.s32 $0xFFFFFFB0  }
0x1d7: {  	_ =	sfence.sel $0x180000  }
0x1d8: {  	[bflag:$0x0] =	sbarrier.arrive $0xFFFF  }
0x1d9: {  	_ =	strace $0x90000047  }
0x1da: {  	s0 =	stileid.u32;
	[bflag:$0x2] =	sbarrier.arrive $0xFFFF  }
0x1db: {  	p0 =	sne.s32 s0, $0x0;
	s0 =	rddreg [dreg:$0x3]  }
0x1dc: {  	s0 =	sadd.s32 @!p0 $0x100000, s0  }
0x1dd: {  	[sflag:s0] =	ssyncadd.tile.s32 @!p0 $0x1;
	_ =	shalt  }
.Lfunc_end2:
_tile_overlayer_lowered:
.L_overlay_start_2:
0x1de: {  	(tag) =	ssettag $0x2  }
0x1df: {  	s0 =	rddreg [dreg:$0x0];
	s2 =	stileid.u32  }
0x1e0: {  	s1 =	rddreg [dreg:$0x1];
	p0 =	sne.s32 s2, $0x0  }
0x1e1: {  	s3 =	rddreg [dreg:$0x2];
	[bflag:$0x3] =	sbarrier.arrive $0xFFFF;
	s2 =	simm.s32 @!p0 $0x1C02  }
0x1e2: {  	[timem:s3], [sflag:s2] =	dma.local @!p0 [hbm:s0], s1  }
0x1e3: {  	s0 =	simm.s32 @!p0 $0x2  }
0x1e4: {  	_ =	swait.ge @!p0 [sflag:s0], s1  }
0x1e5: {  	s1 =	ssub.s32 @!p0 $0x0, s1;
	[sflag:s0] =	ssyncset.done @!p0 $0x0  }
0x1e6: {  	[sflag:s0] =	ssyncadd.s32 @!p0 s1  }
0x1e7: {  	[bflag:$0x3] =	sbarrier.arrive $0xFFFF  }
0x1e8: {  	_ =	shalt  }

</sc_bundles>
